<compile_context>
chip_gen: v7x
topology: tpu7x:2x2x1
jax: 0.10.2.dev20260603
libtpu: 0.0.44.dev20260713+nightly
codegen_flags: <defaults>
</compile_context>

<pallas_src>
import functools

import jax
import jax.numpy as jnp
from jax import lax
from jax.experimental import pallas as pl
from jax.experimental.pallas import tpu as pltpu
from jax.experimental.pallas import tpu_sc as plsc

_NW = 32
_CHUNK = 128
_M = 4
_TCOLS = 16384
_SEG = 8192


@functools.lru_cache(maxsize=None)
def _build_gather(total_rows: int, embed: int):
    rows_per_w = total_rows // _NW
    n_chunks = rows_per_w // _CHUNK
    n_groups = n_chunks // _M
    rpk = 128 // embed
    sub = _SEG // rpk
    cps = sub // _CHUNK
    assert n_chunks % _M == 0 and n_groups >= 4 and (n_groups - 2) % 2 == 0

    mesh = plsc.VectorSubcoreMesh(core_axis_name="c", subcore_axis_name="s")

    @functools.partial(
        pl.kernel,
        out_type=jax.ShapeDtypeStruct((total_rows // rpk, 128), jnp.float32),
        mesh=mesh,
        scratch_types=[
            pltpu.VMEM((n_chunks, _CHUNK), jnp.int32),
            pltpu.VMEM((_M, _CHUNK, embed), jnp.float32),
            pltpu.VMEM((_M, _CHUNK, embed), jnp.float32),
            pltpu.SemaphoreType.DMA,
            pltpu.SemaphoreType.DMA,
        ],
        compiler_params=pltpu.CompilerParams(
            use_tc_tiling_on_sc=False, needs_layout_passes=False
        ),
    )
    def gather_kernel(table, idx, out, idx_v, buf_a, buf_b, sem_g, sem_s):
        wid = lax.axis_index("s") * 2 + lax.axis_index("c")
        chunk0 = wid * n_chunks

        pltpu.sync_copy(idx.at[pl.ds(chunk0, n_chunks)], idx_v)

        sets = (buf_a, buf_b)

        def out_slab(c):
            ch = chunk0 + c
            seg = ch // (rpk * cps)
            r = ch % (rpk * cps)
            a = r // cps
            m0 = seg * sub + (r % cps) * _CHUNK
            return out.at[pl.ds(m0, _CHUNK), pl.ds(a * embed, embed)]

        def fire_gathers(g, dst):
            for j in range(_M):
                pltpu.async_copy(table.at[idx_v.at[g * _M + j]], dst.at[j], sem_g)

        def wait_gathers(g, dst):
            for j in range(_M):
                pltpu.make_async_copy(
                    table.at[idx_v.at[g * _M + j]], dst.at[j], sem_g
                ).wait()

        def fire_outs(g, src):
            for j in range(_M):
                pltpu.async_copy(src.at[j], out_slab(g * _M + j), sem_s)

        def wait_outs(g, src):
            for j in range(_M):
                pltpu.make_async_copy(
                    src.at[j], out_slab(g * _M + j), sem_s
                ).wait()

        fire_gathers(0, sets[0])
        wait_gathers(0, sets[0])
        fire_outs(0, sets[0])
        fire_gathers(1, sets[1])

        @pl.loop(0, (n_groups - 2) // 2)
        def _pair(hh):
            g0 = 2 * hh + 1
            for p, g in ((1, g0), (0, g0 + 1)):
                wait_gathers(g, sets[p])
                fire_outs(g, sets[p])
                wait_outs(g - 1, sets[1 - p])
                fire_gathers(g + 1, sets[1 - p])

        g_last = n_groups - 1
        wait_gathers(g_last, sets[1])
        fire_outs(g_last, sets[1])
        wait_outs(g_last - 1, sets[0])
        wait_outs(g_last, sets[1])

    return gather_kernel


@functools.lru_cache(maxsize=None)
def _build_transpose(vocab: int, embed: int):
    rpk = 128 // embed
    okr = _TCOLS // rpk
    n_blocks = pl.cdiv(vocab, _TCOLS)

    def body(i_ref, o_ref):
        t = i_ref[...].T
        for a in range(rpk):
            o_ref[:, a * embed:(a + 1) * embed] = t[a * okr:(a + 1) * okr, :]

    return pl.pallas_call(
        body,
        grid=(n_blocks,),
        in_specs=[pl.BlockSpec((embed, _TCOLS), lambda i: (0, i))],
        out_specs=pl.BlockSpec((okr, 128), lambda i: (i, 0)),
        out_shape=jax.ShapeDtypeStruct((n_blocks * okr, 128), jnp.float32),
    )


def _remap_indices(idx, embed):
    rpk = 128 // embed
    okr = _TCOLS // rpk
    blk = idx // _TCOLS
    m = idx % _TCOLS
    return (blk * okr + m % okr) * rpk + m // okr


@functools.lru_cache(maxsize=None)
def _build_out_transpose(batch: int, hist: int, embed: int):
    rpk = 128 // embed
    seg_rows = _SEG // rpk
    sub = _SEG // rpk
    n_seg = batch // _SEG

    def body(i_ref, o_ref):
        x = i_ref[...]
        for a in range(rpk):
            o_ref[0, :, a * sub:(a + 1) * sub] = x[:, a * embed:(a + 1) * embed].T

    return pl.pallas_call(
        body,
        grid=(hist, n_seg),
        in_specs=[
            pl.BlockSpec((seg_rows, 128), lambda h, j: (h * n_seg + j, 0))
        ],
        out_specs=pl.BlockSpec((1, embed, _SEG), lambda h, j: (h, 0, j)),
        out_shape=jax.ShapeDtypeStruct((hist, embed, batch), jnp.float32),
    )


def kernel(emb_mat, indices):
    vocab, embed = emb_mat.shape
    batch, hist = indices.shape
    total = indices.size
    idx = _remap_indices(indices.T.reshape(total).astype(jnp.int32), embed)
    idx2d = idx.reshape(total // _CHUNK, _CHUNK)
    table_r = _build_transpose(vocab, embed)(emb_mat.T)
    table_flat = table_r.reshape(table_r.size // embed, embed)
    g2d = _build_gather(total, embed)(table_flat, idx2d)
    p = _build_out_transpose(batch, hist, embed)(g2d)
    return p.transpose(2, 0, 1)

# --- scband reference (transcript-rebuilt; emitter-appended) ---
"""Pipeline reference for scband-embedding-model-46935402611258 (READ-ONLY COPY).

The authoritative reference and input builder live on the scoring server;
editing this copy changes nothing except your own understanding.
"""

import jax, jax.numpy as jnp
import numpy as np

VOCAB = 1000000
EMBED = 32
BATCH = 16384
HIST = 50

def setup_inputs(seed: int = 0) -> dict:
    key = jax.random.key(seed)
    k_emb, k_idx = jax.random.split(key)
    emb_mat = jax.random.normal(k_emb, (VOCAB, EMBED), dtype=jnp.float32)
    indices = jax.random.randint(k_idx, (BATCH, HIST), 0, VOCAB, dtype=jnp.int64 if jax.config.jax_enable_x64 else jnp.int32)
    return {"emb_mat": emb_mat, "indices": indices}

def reference(emb_mat, indices):
    # Faithful translation of Embedding_model.call: embedding lookup
    return jnp.take(emb_mat, indices, axis=0)

if __name__ == "__main__":
    import jax
    _d = setup_inputs()
    print(jax.jit(kernel)(*tuple(_d.values())))

</pallas_src>

<mosaic_0001>
#map = affine_map<(d0, d1) -> (0, 0)>
module attributes {stable_mosaic.version = 14 : i64} {
  func.func @gather_kernel(%arg0: i32, %arg1: i32, %arg2: memref<1015808x32xf32, #tpu.memory_space<hbm>>, %arg3: memref<6400x128xi32, #tpu.memory_space<hbm>>, %arg4: memref<204800x128xf32, #tpu.memory_space<hbm>>, %arg5: memref<200x128xi32, #tpu.memory_space<vmem>>, %arg6: memref<4x128x32xf32, #tpu.memory_space<vmem>>, %arg7: memref<4x128x32xf32, #tpu.memory_space<vmem>>, %arg8: memref<!tpu.dma_semaphore, #tpu.memory_space<semaphore_mem>>, %arg9: memref<!tpu.dma_semaphore, #tpu.memory_space<semaphore_mem>>) attributes {dimension_semantics = [#tpu.dimension_semantics<core_parallel>, #tpu.dimension_semantics<subcore_parallel>], iteration_bounds = array<i64: 2, 16>, scalar_prefetch = 0 : i64, scratch_operands = 5 : i64, tpu.core_type = #tpu.core_type<sc_vector_subcore>, window_params = [{transform_indices = #map}, {transform_indices = #map}, {transform_indices = #map}]} {
    %mul3A = arith.constant 2 : i32
    %mul3A_0 = arith.muli %arg1, %mul3A : i32
    %add3A = arith.addi %mul3A_0, %arg0 : i32
    %mul3A_1 = arith.constant 200 : i32
    %mul3A_2 = arith.muli %add3A, %mul3A_1 : i32
    "tpu.region"() ({
      %run_scoped3A = tpu.sem_alloc : memref<!tpu.dma_semaphore, #tpu.memory_space<semaphore_mem>>
      %dma_start3A_1787 = arith.constant 0 : i32
      %dma_start3A_1788 = tpu.memref_slice %arg3[%mul3A_2, %dma_start3A_1787] : memref<6400x128xi32, #tpu.memory_space<hbm>> -> memref<200x128xi32, #tpu.memory_space<hbm>>
      %dma_start3A_1789 = arith.constant 0 : i32
      %dma_start3A_1790 = tpu.memref_slice %arg3[%mul3A_2, %dma_start3A_1789] : memref<6400x128xi32, #tpu.memory_space<hbm>> -> memref<200x128xi32, #tpu.memory_space<hbm>>
      tpu.enqueue_dma source(%dma_start3A_1790 : memref<200x128xi32, #tpu.memory_space<hbm>>) target(%arg5 : memref<200x128xi32, #tpu.memory_space<vmem>>) target_semaphore(%run_scoped3A : memref<!tpu.dma_semaphore, #tpu.memory_space<semaphore_mem>>)
      %dma_wait3A_1791 = arith.constant 0 : i32
      %dma_wait3A_1792 = tpu.memref_slice %arg3[%mul3A_2, %dma_wait3A_1791] : memref<6400x128xi32, #tpu.memory_space<hbm>> -> memref<200x128xi32, #tpu.memory_space<hbm>>
      %dma_wait3A_1793 = arith.constant 0 : i32
      %dma_wait3A_1794 = tpu.memref_slice %arg3[%mul3A_2, %dma_wait3A_1793] : memref<6400x128xi32, #tpu.memory_space<hbm>> -> memref<200x128xi32, #tpu.memory_space<hbm>>
      tpu.wait_dma2 semaphore(%run_scoped3A : memref<!tpu.dma_semaphore, #tpu.memory_space<semaphore_mem>>) src(%dma_wait3A_1794 : memref<200x128xi32, #tpu.memory_space<hbm>>) dst(%arg5 : memref<200x128xi32, #tpu.memory_space<vmem>>)
      tpu.yield
    }) : () -> ()
    %dma_start3A = arith.constant 0 : i32
    %dma_start3A_3 = arith.constant 0 : i32
    %dma_start3A_4 = arith.constant 0 : i32
    %dma_start3A_5 = arith.constant 0 : i32
    %dma_start3A_6 = tpu.memref_slice %arg6[%dma_start3A_3, %dma_start3A_4, %dma_start3A_5] : memref<4x128x32xf32, #tpu.memory_space<vmem>> -> memref<1x128x32xf32, #tpu.memory_space<vmem>>
    %dma_start3A_7 = tpu.memref_squeeze %dma_start3A_6 : memref<1x128x32xf32, #tpu.memory_space<vmem>> -> memref<128x32xf32, #tpu.memory_space<vmem>>
    %dma_start3A_8 = arith.constant 0 : i32
    %dma_start3A_9 = tpu.memref_slice %arg5[%dma_start3A, %dma_start3A_8] : memref<200x128xi32, #tpu.memory_space<vmem>> -> memref<1x128xi32, #tpu.memory_space<vmem>>
    %dma_start3A_10 = tpu.memref_squeeze %dma_start3A_9 : memref<1x128xi32, #tpu.memory_space<vmem>> -> memref<128xi32, #tpu.memory_space<vmem>>
    %dma_start3A_11 = arith.constant 0 : i32
    %dma_start3A_12 = arith.constant 0 : i32
    %dma_start3A_13 = tpu.memref_slice %arg2[%dma_start3A_11, %dma_start3A_12] : memref<1015808x32xf32, #tpu.memory_space<hbm>> -> memref<1015808x32xf32, #tpu.memory_space<hbm>>
    tpu.enqueue_indirect_dma source(%dma_start3A_13 : memref<1015808x32xf32, #tpu.memory_space<hbm>>) target(%dma_start3A_7 : memref<128x32xf32, #tpu.memory_space<vmem>>) offsets(%dma_start3A_10 : memref<128xi32, #tpu.memory_space<vmem>>) semaphore(%arg8 : memref<!tpu.dma_semaphore, #tpu.memory_space<semaphore_mem>>)
    %dma_start3A_14 = arith.constant 1 : i32
    %dma_start3A_15 = arith.constant 1 : i32
    %dma_start3A_16 = arith.constant 0 : i32
    %dma_start3A_17 = arith.constant 0 : i32
    %dma_start3A_18 = tpu.memref_slice %arg6[%dma_start3A_15, %dma_start3A_16, %dma_start3A_17] : memref<4x128x32xf32, #tpu.memory_space<vmem>> -> memref<1x128x32xf32, #tpu.memory_space<vmem>>
    %dma_start3A_19 = tpu.memref_squeeze %dma_start3A_18 : memref<1x128x32xf32, #tpu.memory_space<vmem>> -> memref<128x32xf32, #tpu.memory_space<vmem>>
    %dma_start3A_20 = arith.constant 0 : i32
    %dma_start3A_21 = tpu.memref_slice %arg5[%dma_start3A_14, %dma_start3A_20] : memref<200x128xi32, #tpu.memory_space<vmem>> -> memref<1x128xi32, #tpu.memory_space<vmem>>
    %dma_start3A_22 = tpu.memref_squeeze %dma_start3A_21 : memref<1x128xi32, #tpu.memory_space<vmem>> -> memref<128xi32, #tpu.memory_space<vmem>>
    %dma_start3A_23 = arith.constant 0 : i32
    %dma_start3A_24 = arith.constant 0 : i32
    %dma_start3A_25 = tpu.memref_slice %arg2[%dma_start3A_23, %dma_start3A_24] : memref<1015808x32xf32, #tpu.memory_space<hbm>> -> memref<1015808x32xf32, #tpu.memory_space<hbm>>
    tpu.enqueue_indirect_dma source(%dma_start3A_25 : memref<1015808x32xf32, #tpu.memory_space<hbm>>) target(%dma_start3A_19 : memref<128x32xf32, #tpu.memory_space<vmem>>) offsets(%dma_start3A_22 : memref<128xi32, #tpu.memory_space<vmem>>) semaphore(%arg8 : memref<!tpu.dma_semaphore, #tpu.memory_space<semaphore_mem>>)
    %dma_start3A_26 = arith.constant 2 : i32
    %dma_start3A_27 = arith.constant 2 : i32
    %dma_start3A_28 = arith.constant 0 : i32
    %dma_start3A_29 = arith.constant 0 : i32
    %dma_start3A_30 = tpu.memref_slice %arg6[%dma_start3A_27, %dma_start3A_28, %dma_start3A_29] : memref<4x128x32xf32, #tpu.memory_space<vmem>> -> memref<1x128x32xf32, #tpu.memory_space<vmem>>
    %dma_start3A_31 = tpu.memref_squeeze %dma_start3A_30 : memref<1x128x32xf32, #tpu.memory_space<vmem>> -> memref<128x32xf32, #tpu.memory_space<vmem>>
    %dma_start3A_32 = arith.constant 0 : i32
    %dma_start3A_33 = tpu.memref_slice %arg5[%dma_start3A_26, %dma_start3A_32] : memref<200x128xi32, #tpu.memory_space<vmem>> -> memref<1x128xi32, #tpu.memory_space<vmem>>
    %dma_start3A_34 = tpu.memref_squeeze %dma_start3A_33 : memref<1x128xi32, #tpu.memory_space<vmem>> -> memref<128xi32, #tpu.memory_space<vmem>>
    %dma_start3A_35 = arith.constant 0 : i32
    %dma_start3A_36 = arith.constant 0 : i32
    %dma_start3A_37 = tpu.memref_slice %arg2[%dma_start3A_35, %dma_start3A_36] : memref<1015808x32xf32, #tpu.memory_space<hbm>> -> memref<1015808x32xf32, #tpu.memory_space<hbm>>
    tpu.enqueue_indirect_dma source(%dma_start3A_37 : memref<1015808x32xf32, #tpu.memory_space<hbm>>) target(%dma_start3A_31 : memref<128x32xf32, #tpu.memory_space<vmem>>) offsets(%dma_start3A_34 : memref<128xi32, #tpu.memory_space<vmem>>) semaphore(%arg8 : memref<!tpu.dma_semaphore, #tpu.memory_space<semaphore_mem>>)
    %dma_start3A_38 = arith.constant 3 : i32
    %dma_start3A_39 = arith.constant 3 : i32
    %dma_start3A_40 = arith.constant 0 : i32
    %dma_start3A_41 = arith.constant 0 : i32
    %dma_start3A_42 = tpu.memref_slice %arg6[%dma_start3A_39, %dma_start3A_40, %dma_start3A_41] : memref<4x128x32xf32, #tpu.memory_space<vmem>> -> memref<1x128x32xf32, #tpu.memory_space<vmem>>
    %dma_start3A_43 = tpu.memref_squeeze %dma_start3A_42 : memref<1x128x32xf32, #tpu.memory_space<vmem>> -> memref<128x32xf32, #tpu.memory_space<vmem>>
    %dma_start3A_44 = arith.constant 0 : i32
    %dma_start3A_45 = tpu.memref_slice %arg5[%dma_start3A_38, %dma_start3A_44] : memref<200x128xi32, #tpu.memory_space<vmem>> -> memref<1x128xi32, #tpu.memory_space<vmem>>
    %dma_start3A_46 = tpu.memref_squeeze %dma_start3A_45 : memref<1x128xi32, #tpu.memory_space<vmem>> -> memref<128xi32, #tpu.memory_space<vmem>>
    %dma_start3A_47 = arith.constant 0 : i32
    %dma_start3A_48 = arith.constant 0 : i32
    %dma_start3A_49 = tpu.memref_slice %arg2[%dma_start3A_47, %dma_start3A_48] : memref<1015808x32xf32, #tpu.memory_space<hbm>> -> memref<1015808x32xf32, #tpu.memory_space<hbm>>
    tpu.enqueue_indirect_dma source(%dma_start3A_49 : memref<1015808x32xf32, #tpu.memory_space<hbm>>) target(%dma_start3A_43 : memref<128x32xf32, #tpu.memory_space<vmem>>) offsets(%dma_start3A_46 : memref<128xi32, #tpu.memory_space<vmem>>) semaphore(%arg8 : memref<!tpu.dma_semaphore, #tpu.memory_space<semaphore_mem>>)
    %dma_wait3A = arith.constant 0 : i32
    %dma_wait3A_50 = arith.constant 0 : i32
    %dma_wait3A_51 = arith.constant 0 : i32
    %dma_wait3A_52 = arith.constant 0 : i32
    %dma_wait3A_53 = tpu.memref_slice %arg6[%dma_wait3A_50, %dma_wait3A_51, %dma_wait3A_52] : memref<4x128x32xf32, #tpu.memory_space<vmem>> -> memref<1x128x32xf32, #tpu.memory_space<vmem>>
    %dma_wait3A_54 = tpu.memref_squeeze %dma_wait3A_53 : memref<1x128x32xf32, #tpu.memory_space<vmem>> -> memref<128x32xf32, #tpu.memory_space<vmem>>
    %dma_wait3A_55 = arith.constant 0 : i32
    %dma_wait3A_56 = tpu.memref_slice %arg5[%dma_wait3A, %dma_wait3A_55] : memref<200x128xi32, #tpu.memory_space<vmem>> -> memref<1x128xi32, #tpu.memory_space<vmem>>
    %dma_wait3A_57 = tpu.memref_squeeze %dma_wait3A_56 : memref<1x128xi32, #tpu.memory_space<vmem>> -> memref<128xi32, #tpu.memory_space<vmem>>
    %dma_wait3A_58 = arith.constant 0 : i32
    %dma_wait3A_59 = arith.constant 0 : i32
    %dma_wait3A_60 = tpu.memref_slice %arg2[%dma_wait3A_58, %dma_wait3A_59] : memref<1015808x32xf32, #tpu.memory_space<hbm>> -> memref<1015808x32xf32, #tpu.memory_space<hbm>>
    tpu.wait_indirect_dma semaphore(%arg8 : memref<!tpu.dma_semaphore, #tpu.memory_space<semaphore_mem>>) src(%dma_wait3A_60 : memref<1015808x32xf32, #tpu.memory_space<hbm>>) dst(%dma_wait3A_54 : memref<128x32xf32, #tpu.memory_space<vmem>>)
    %dma_wait3A_61 = arith.constant 1 : i32
    %dma_wait3A_62 = arith.constant 1 : i32
    %dma_wait3A_63 = arith.constant 0 : i32
    %dma_wait3A_64 = arith.constant 0 : i32
    %dma_wait3A_65 = tpu.memref_slice %arg6[%dma_wait3A_62, %dma_wait3A_63, %dma_wait3A_64] : memref<4x128x32xf32, #tpu.memory_space<vmem>> -> memref<1x128x32xf32, #tpu.memory_space<vmem>>
    %dma_wait3A_66 = tpu.memref_squeeze %dma_wait3A_65 : memref<1x128x32xf32, #tpu.memory_space<vmem>> -> memref<128x32xf32, #tpu.memory_space<vmem>>
    %dma_wait3A_67 = arith.constant 0 : i32
    %dma_wait3A_68 = tpu.memref_slice %arg5[%dma_wait3A_61, %dma_wait3A_67] : memref<200x128xi32, #tpu.memory_space<vmem>> -> memref<1x128xi32, #tpu.memory_space<vmem>>
    %dma_wait3A_69 = tpu.memref_squeeze %dma_wait3A_68 : memref<1x128xi32, #tpu.memory_space<vmem>> -> memref<128xi32, #tpu.memory_space<vmem>>
    %dma_wait3A_70 = arith.constant 0 : i32
    %dma_wait3A_71 = arith.constant 0 : i32
    %dma_wait3A_72 = tpu.memref_slice %arg2[%dma_wait3A_70, %dma_wait3A_71] : memref<1015808x32xf32, #tpu.memory_space<hbm>> -> memref<1015808x32xf32, #tpu.memory_space<hbm>>
    tpu.wait_indirect_dma semaphore(%arg8 : memref<!tpu.dma_semaphore, #tpu.memory_space<semaphore_mem>>) src(%dma_wait3A_72 : memref<1015808x32xf32, #tpu.memory_space<hbm>>) dst(%dma_wait3A_66 : memref<128x32xf32, #tpu.memory_space<vmem>>)
    %dma_wait3A_73 = arith.constant 2 : i32
    %dma_wait3A_74 = arith.constant 2 : i32
    %dma_wait3A_75 = arith.constant 0 : i32
    %dma_wait3A_76 = arith.constant 0 : i32
    %dma_wait3A_77 = tpu.memref_slice %arg6[%dma_wait3A_74, %dma_wait3A_75, %dma_wait3A_76] : memref<4x128x32xf32, #tpu.memory_space<vmem>> -> memref<1x128x32xf32, #tpu.memory_space<vmem>>
    %dma_wait3A_78 = tpu.memref_squeeze %dma_wait3A_77 : memref<1x128x32xf32, #tpu.memory_space<vmem>> -> memref<128x32xf32, #tpu.memory_space<vmem>>
    %dma_wait3A_79 = arith.constant 0 : i32
    %dma_wait3A_80 = tpu.memref_slice %arg5[%dma_wait3A_73, %dma_wait3A_79] : memref<200x128xi32, #tpu.memory_space<vmem>> -> memref<1x128xi32, #tpu.memory_space<vmem>>
    %dma_wait3A_81 = tpu.memref_squeeze %dma_wait3A_80 : memref<1x128xi32, #tpu.memory_space<vmem>> -> memref<128xi32, #tpu.memory_space<vmem>>
    %dma_wait3A_82 = arith.constant 0 : i32
    %dma_wait3A_83 = arith.constant 0 : i32
    %dma_wait3A_84 = tpu.memref_slice %arg2[%dma_wait3A_82, %dma_wait3A_83] : memref<1015808x32xf32, #tpu.memory_space<hbm>> -> memref<1015808x32xf32, #tpu.memory_space<hbm>>
    tpu.wait_indirect_dma semaphore(%arg8 : memref<!tpu.dma_semaphore, #tpu.memory_space<semaphore_mem>>) src(%dma_wait3A_84 : memref<1015808x32xf32, #tpu.memory_space<hbm>>) dst(%dma_wait3A_78 : memref<128x32xf32, #tpu.memory_space<vmem>>)
    %dma_wait3A_85 = arith.constant 3 : i32
    %dma_wait3A_86 = arith.constant 3 : i32
    %dma_wait3A_87 = arith.constant 0 : i32
    %dma_wait3A_88 = arith.constant 0 : i32
    %dma_wait3A_89 = tpu.memref_slice %arg6[%dma_wait3A_86, %dma_wait3A_87, %dma_wait3A_88] : memref<4x128x32xf32, #tpu.memory_space<vmem>> -> memref<1x128x32xf32, #tpu.memory_space<vmem>>
    %dma_wait3A_90 = tpu.memref_squeeze %dma_wait3A_89 : memref<1x128x32xf32, #tpu.memory_space<vmem>> -> memref<128x32xf32, #tpu.memory_space<vmem>>
    %dma_wait3A_91 = arith.constant 0 : i32
    %dma_wait3A_92 = tpu.memref_slice %arg5[%dma_wait3A_85, %dma_wait3A_91] : memref<200x128xi32, #tpu.memory_space<vmem>> -> memref<1x128xi32, #tpu.memory_space<vmem>>
    %dma_wait3A_93 = tpu.memref_squeeze %dma_wait3A_92 : memref<1x128xi32, #tpu.memory_space<vmem>> -> memref<128xi32, #tpu.memory_space<vmem>>
    %dma_wait3A_94 = arith.constant 0 : i32
    %dma_wait3A_95 = arith.constant 0 : i32
    %dma_wait3A_96 = tpu.memref_slice %arg2[%dma_wait3A_94, %dma_wait3A_95] : memref<1015808x32xf32, #tpu.memory_space<hbm>> -> memref<1015808x32xf32, #tpu.memory_space<hbm>>
    tpu.wait_indirect_dma semaphore(%arg8 : memref<!tpu.dma_semaphore, #tpu.memory_space<semaphore_mem>>) src(%dma_wait3A_96 : memref<1015808x32xf32, #tpu.memory_space<hbm>>) dst(%dma_wait3A_90 : memref<128x32xf32, #tpu.memory_space<vmem>>)
    %add3A_97 = arith.constant 0 : i32
    %add3A_98 = arith.addi %mul3A_2, %add3A_97 : i32
    %jit3A = arith.constant 64 : i32
    %div3A = arith.divsi %add3A_98, %jit3A : i32
    %sign3A = arith.constant 0 : i32
    %sign3A_99 = arith.cmpi sgt, %add3A_98, %sign3A : i32
    %sign3A_100 = arith.extui %sign3A_99 : i1 to i32
    %sign3A_101 = arith.constant 0 : i32
    %sign3A_102 = arith.cmpi slt, %add3A_98, %sign3A_101 : i32
    %sign3A_103 = arith.extui %sign3A_102 : i1 to i32
    %sign3A_104 = arith.subi %sign3A_100, %sign3A_103 : i32
    %sign3A_105 = arith.constant 0 : i32
    %sign3A_106 = arith.cmpi sgt, %jit3A, %sign3A_105 : i32
    %sign3A_107 = arith.extui %sign3A_106 : i1 to i32
    %sign3A_108 = arith.constant 0 : i32
    %sign3A_109 = arith.cmpi slt, %jit3A, %sign3A_108 : i32
    %sign3A_110 = arith.extui %sign3A_109 : i1 to i32
    %sign3A_111 = arith.subi %sign3A_107, %sign3A_110 : i32
    %ne3A = arith.cmpi ne, %sign3A_104, %sign3A_111 : i32
    %rem3A = arith.remsi %add3A_98, %jit3A : i32
    %ne3A_112 = arith.constant 0 : i32
    %ne3A_113 = arith.cmpi ne, %rem3A, %ne3A_112 : i32
    %and3A = arith.andi %ne3A, %ne3A_113 : i1
    %sub3A = arith.constant 1 : i32
    %sub3A_114 = arith.subi %div3A, %sub3A : i32
    %select_n3A = arith.select %and3A, %sub3A_114, %div3A : i32
    %jit3A_115 = arith.constant 64 : i32
    %eq3A = arith.constant 0 : i32
    %eq3A_116 = arith.cmpi eq, %jit3A_115, %eq3A : i32
    %jit3A_117 = arith.constant 1 : i32
    %select_n3A_118 = arith.select %eq3A_116, %jit3A_117, %jit3A_115 : i32
    %rem3A_119 = arith.remsi %add3A_98, %select_n3A_118 : i32
    %ne3A_120 = arith.constant 0 : i32
    %ne3A_121 = arith.cmpi ne, %rem3A_119, %ne3A_120 : i32
    %lt3A = arith.constant 0 : i32
    %lt3A_122 = arith.cmpi slt, %rem3A_119, %lt3A : i32
    %lt3A_123 = arith.constant 0 : i32
    %lt3A_124 = arith.cmpi slt, %select_n3A_118, %lt3A_123 : i32
    %ne3A_125 = arith.xori %lt3A_122, %lt3A_124 : i1
    %and3A_126 = arith.andi %ne3A_125, %ne3A_121 : i1
    %add3A_127 = arith.addi %rem3A_119, %select_n3A_118 : i32
    %select_n3A_128 = arith.select %and3A_126, %add3A_127, %rem3A_119 : i32
    %jit3A_129 = arith.constant 16 : i32
    %div3A_130 = arith.divsi %select_n3A_128, %jit3A_129 : i32
    %sign3A_131 = arith.constant 0 : i32
    %sign3A_132 = arith.cmpi sgt, %select_n3A_128, %sign3A_131 : i32
    %sign3A_133 = arith.extui %sign3A_132 : i1 to i32
    %sign3A_134 = arith.constant 0 : i32
    %sign3A_135 = arith.cmpi slt, %select_n3A_128, %sign3A_134 : i32
    %sign3A_136 = arith.extui %sign3A_135 : i1 to i32
    %sign3A_137 = arith.subi %sign3A_133, %sign3A_136 : i32
    %sign3A_138 = arith.constant 0 : i32
    %sign3A_139 = arith.cmpi sgt, %jit3A_129, %sign3A_138 : i32
    %sign3A_140 = arith.extui %sign3A_139 : i1 to i32
    %sign3A_141 = arith.constant 0 : i32
    %sign3A_142 = arith.cmpi slt, %jit3A_129, %sign3A_141 : i32
    %sign3A_143 = arith.extui %sign3A_142 : i1 to i32
    %sign3A_144 = arith.subi %sign3A_140, %sign3A_143 : i32
    %ne3A_145 = arith.cmpi ne, %sign3A_137, %sign3A_144 : i32
    %rem3A_146 = arith.remsi %select_n3A_128, %jit3A_129 : i32
    %ne3A_147 = arith.constant 0 : i32
    %ne3A_148 = arith.cmpi ne, %rem3A_146, %ne3A_147 : i32
    %and3A_149 = arith.andi %ne3A_145, %ne3A_148 : i1
    %sub3A_150 = arith.constant 1 : i32
    %sub3A_151 = arith.subi %div3A_130, %sub3A_150 : i32
    %select_n3A_152 = arith.select %and3A_149, %sub3A_151, %div3A_130 : i32
    %mul3A_153 = arith.constant 2048 : i32
    %mul3A_154 = arith.muli %select_n3A, %mul3A_153 : i32
    %jit3A_155 = arith.constant 16 : i32
    %eq3A_156 = arith.constant 0 : i32
    %eq3A_157 = arith.cmpi eq, %jit3A_155, %eq3A_156 : i32
    %jit3A_158 = arith.constant 1 : i32
    %select_n3A_159 = arith.select %eq3A_157, %jit3A_158, %jit3A_155 : i32
    %rem3A_160 = arith.remsi %select_n3A_128, %select_n3A_159 : i32
    %ne3A_161 = arith.constant 0 : i32
    %ne3A_162 = arith.cmpi ne, %rem3A_160, %ne3A_161 : i32
    %lt3A_163 = arith.constant 0 : i32
    %lt3A_164 = arith.cmpi slt, %rem3A_160, %lt3A_163 : i32
    %lt3A_165 = arith.constant 0 : i32
    %lt3A_166 = arith.cmpi slt, %select_n3A_159, %lt3A_165 : i32
    %ne3A_167 = arith.xori %lt3A_164, %lt3A_166 : i1
    %and3A_168 = arith.andi %ne3A_167, %ne3A_162 : i1
    %add3A_169 = arith.addi %rem3A_160, %select_n3A_159 : i32
    %select_n3A_170 = arith.select %and3A_168, %add3A_169, %rem3A_160 : i32
    %mul3A_171 = arith.constant 128 : i32
    %mul3A_172 = arith.muli %select_n3A_170, %mul3A_171 : i32
    %add3A_173 = arith.addi %mul3A_154, %mul3A_172 : i32
    %mul3A_174 = arith.constant 32 : i32
    %mul3A_175 = arith.muli %select_n3A_152, %mul3A_174 : i32
    %dma_start3A_176 = arith.constant 0 : i32
    %dma_start3A_177 = arith.constant 0 : i32
    %dma_start3A_178 = arith.constant 0 : i32
    %dma_start3A_179 = tpu.memref_slice %arg6[%dma_start3A_176, %dma_start3A_177, %dma_start3A_178] : memref<4x128x32xf32, #tpu.memory_space<vmem>> -> memref<1x128x32xf32, #tpu.memory_space<vmem>>
    %dma_start3A_180 = tpu.memref_squeeze %dma_start3A_179 : memref<1x128x32xf32, #tpu.memory_space<vmem>> -> memref<128x32xf32, #tpu.memory_space<vmem>>
    %dma_start3A_181 = tpu.memref_slice %arg4[%add3A_173, %mul3A_175] : memref<204800x128xf32, #tpu.memory_space<hbm>> -> memref<128x32xf32, #tpu.memory_space<hbm>>
    %dma_start3A_182 = tpu.memref_slice %arg4[%add3A_173, %mul3A_175] : memref<204800x128xf32, #tpu.memory_space<hbm>> -> memref<128x32xf32, #tpu.memory_space<hbm>>
    %dma_start3A_183 = arith.constant 0 : i32
    %dma_start3A_184 = arith.constant 0 : i32
    %dma_start3A_185 = tpu.memref_slice %arg6[%dma_start3A_176, %dma_start3A_183, %dma_start3A_184] : memref<4x128x32xf32, #tpu.memory_space<vmem>> -> memref<1x128x32xf32, #tpu.memory_space<vmem>>
    %dma_start3A_186 = tpu.memref_squeeze %dma_start3A_185 : memref<1x128x32xf32, #tpu.memory_space<vmem>> -> memref<128x32xf32, #tpu.memory_space<vmem>>
    tpu.enqueue_dma source(%dma_start3A_186 : memref<128x32xf32, #tpu.memory_space<vmem>>) target(%dma_start3A_182 : memref<128x32xf32, #tpu.memory_space<hbm>>) target_semaphore(%arg9 : memref<!tpu.dma_semaphore, #tpu.memory_space<semaphore_mem>>)
    %add3A_187 = arith.constant 1 : i32
    %add3A_188 = arith.addi %mul3A_2, %add3A_187 : i32
    %jit3A_189 = arith.constant 64 : i32
    %div3A_190 = arith.divsi %add3A_188, %jit3A_189 : i32
    %sign3A_191 = arith.constant 0 : i32
    %sign3A_192 = arith.cmpi sgt, %add3A_188, %sign3A_191 : i32
    %sign3A_193 = arith.extui %sign3A_192 : i1 to i32
    %sign3A_194 = arith.constant 0 : i32
    %sign3A_195 = arith.cmpi slt, %add3A_188, %sign3A_194 : i32
    %sign3A_196 = arith.extui %sign3A_195 : i1 to i32
    %sign3A_197 = arith.subi %sign3A_193, %sign3A_196 : i32
    %sign3A_198 = arith.constant 0 : i32
    %sign3A_199 = arith.cmpi sgt, %jit3A_189, %sign3A_198 : i32
    %sign3A_200 = arith.extui %sign3A_199 : i1 to i32
    %sign3A_201 = arith.constant 0 : i32
    %sign3A_202 = arith.cmpi slt, %jit3A_189, %sign3A_201 : i32
    %sign3A_203 = arith.extui %sign3A_202 : i1 to i32
    %sign3A_204 = arith.subi %sign3A_200, %sign3A_203 : i32
    %ne3A_205 = arith.cmpi ne, %sign3A_197, %sign3A_204 : i32
    %rem3A_206 = arith.remsi %add3A_188, %jit3A_189 : i32
    %ne3A_207 = arith.constant 0 : i32
    %ne3A_208 = arith.cmpi ne, %rem3A_206, %ne3A_207 : i32
    %and3A_209 = arith.andi %ne3A_205, %ne3A_208 : i1
    %sub3A_210 = arith.constant 1 : i32
    %sub3A_211 = arith.subi %div3A_190, %sub3A_210 : i32
    %select_n3A_212 = arith.select %and3A_209, %sub3A_211, %div3A_190 : i32
    %jit3A_213 = arith.constant 64 : i32
    %eq3A_214 = arith.constant 0 : i32
    %eq3A_215 = arith.cmpi eq, %jit3A_213, %eq3A_214 : i32
    %jit3A_216 = arith.constant 1 : i32
    %select_n3A_217 = arith.select %eq3A_215, %jit3A_216, %jit3A_213 : i32
    %rem3A_218 = arith.remsi %add3A_188, %select_n3A_217 : i32
    %ne3A_219 = arith.constant 0 : i32
    %ne3A_220 = arith.cmpi ne, %rem3A_218, %ne3A_219 : i32
    %lt3A_221 = arith.constant 0 : i32
    %lt3A_222 = arith.cmpi slt, %rem3A_218, %lt3A_221 : i32
    %lt3A_223 = arith.constant 0 : i32
    %lt3A_224 = arith.cmpi slt, %select_n3A_217, %lt3A_223 : i32
    %ne3A_225 = arith.xori %lt3A_222, %lt3A_224 : i1
    %and3A_226 = arith.andi %ne3A_225, %ne3A_220 : i1
    %add3A_227 = arith.addi %rem3A_218, %select_n3A_217 : i32
    %select_n3A_228 = arith.select %and3A_226, %add3A_227, %rem3A_218 : i32
    %jit3A_229 = arith.constant 16 : i32
    %div3A_230 = arith.divsi %select_n3A_228, %jit3A_229 : i32
    %sign3A_231 = arith.constant 0 : i32
    %sign3A_232 = arith.cmpi sgt, %select_n3A_228, %sign3A_231 : i32
    %sign3A_233 = arith.extui %sign3A_232 : i1 to i32
    %sign3A_234 = arith.constant 0 : i32
    %sign3A_235 = arith.cmpi slt, %select_n3A_228, %sign3A_234 : i32
    %sign3A_236 = arith.extui %sign3A_235 : i1 to i32
    %sign3A_237 = arith.subi %sign3A_233, %sign3A_236 : i32
    %sign3A_238 = arith.constant 0 : i32
    %sign3A_239 = arith.cmpi sgt, %jit3A_229, %sign3A_238 : i32
    %sign3A_240 = arith.extui %sign3A_239 : i1 to i32
    %sign3A_241 = arith.constant 0 : i32
    %sign3A_242 = arith.cmpi slt, %jit3A_229, %sign3A_241 : i32
    %sign3A_243 = arith.extui %sign3A_242 : i1 to i32
    %sign3A_244 = arith.subi %sign3A_240, %sign3A_243 : i32
    %ne3A_245 = arith.cmpi ne, %sign3A_237, %sign3A_244 : i32
    %rem3A_246 = arith.remsi %select_n3A_228, %jit3A_229 : i32
    %ne3A_247 = arith.constant 0 : i32
    %ne3A_248 = arith.cmpi ne, %rem3A_246, %ne3A_247 : i32
    %and3A_249 = arith.andi %ne3A_245, %ne3A_248 : i1
    %sub3A_250 = arith.constant 1 : i32
    %sub3A_251 = arith.subi %div3A_230, %sub3A_250 : i32
    %select_n3A_252 = arith.select %and3A_249, %sub3A_251, %div3A_230 : i32
    %mul3A_253 = arith.constant 2048 : i32
    %mul3A_254 = arith.muli %select_n3A_212, %mul3A_253 : i32
    %jit3A_255 = arith.constant 16 : i32
    %eq3A_256 = arith.constant 0 : i32
    %eq3A_257 = arith.cmpi eq, %jit3A_255, %eq3A_256 : i32
    %jit3A_258 = arith.constant 1 : i32
    %select_n3A_259 = arith.select %eq3A_257, %jit3A_258, %jit3A_255 : i32
    %rem3A_260 = arith.remsi %select_n3A_228, %select_n3A_259 : i32
    %ne3A_261 = arith.constant 0 : i32
    %ne3A_262 = arith.cmpi ne, %rem3A_260, %ne3A_261 : i32
    %lt3A_263 = arith.constant 0 : i32
    %lt3A_264 = arith.cmpi slt, %rem3A_260, %lt3A_263 : i32
    %lt3A_265 = arith.constant 0 : i32
    %lt3A_266 = arith.cmpi slt, %select_n3A_259, %lt3A_265 : i32
    %ne3A_267 = arith.xori %lt3A_264, %lt3A_266 : i1
    %and3A_268 = arith.andi %ne3A_267, %ne3A_262 : i1
    %add3A_269 = arith.addi %rem3A_260, %select_n3A_259 : i32
    %select_n3A_270 = arith.select %and3A_268, %add3A_269, %rem3A_260 : i32
    %mul3A_271 = arith.constant 128 : i32
    %mul3A_272 = arith.muli %select_n3A_270, %mul3A_271 : i32
    %add3A_273 = arith.addi %mul3A_254, %mul3A_272 : i32
    %mul3A_274 = arith.constant 32 : i32
    %mul3A_275 = arith.muli %select_n3A_252, %mul3A_274 : i32
    %dma_start3A_276 = arith.constant 1 : i32
    %dma_start3A_277 = arith.constant 0 : i32
    %dma_start3A_278 = arith.constant 0 : i32
    %dma_start3A_279 = tpu.memref_slice %arg6[%dma_start3A_276, %dma_start3A_277, %dma_start3A_278] : memref<4x128x32xf32, #tpu.memory_space<vmem>> -> memref<1x128x32xf32, #tpu.memory_space<vmem>>
    %dma_start3A_280 = tpu.memref_squeeze %dma_start3A_279 : memref<1x128x32xf32, #tpu.memory_space<vmem>> -> memref<128x32xf32, #tpu.memory_space<vmem>>
    %dma_start3A_281 = tpu.memref_slice %arg4[%add3A_273, %mul3A_275] : memref<204800x128xf32, #tpu.memory_space<hbm>> -> memref<128x32xf32, #tpu.memory_space<hbm>>
    %dma_start3A_282 = tpu.memref_slice %arg4[%add3A_273, %mul3A_275] : memref<204800x128xf32, #tpu.memory_space<hbm>> -> memref<128x32xf32, #tpu.memory_space<hbm>>
    %dma_start3A_283 = arith.constant 0 : i32
    %dma_start3A_284 = arith.constant 0 : i32
    %dma_start3A_285 = tpu.memref_slice %arg6[%dma_start3A_276, %dma_start3A_283, %dma_start3A_284] : memref<4x128x32xf32, #tpu.memory_space<vmem>> -> memref<1x128x32xf32, #tpu.memory_space<vmem>>
    %dma_start3A_286 = tpu.memref_squeeze %dma_start3A_285 : memref<1x128x32xf32, #tpu.memory_space<vmem>> -> memref<128x32xf32, #tpu.memory_space<vmem>>
    tpu.enqueue_dma source(%dma_start3A_286 : memref<128x32xf32, #tpu.memory_space<vmem>>) target(%dma_start3A_282 : memref<128x32xf32, #tpu.memory_space<hbm>>) target_semaphore(%arg9 : memref<!tpu.dma_semaphore, #tpu.memory_space<semaphore_mem>>)
    %add3A_287 = arith.constant 2 : i32
    %add3A_288 = arith.addi %mul3A_2, %add3A_287 : i32
    %jit3A_289 = arith.constant 64 : i32
    %div3A_290 = arith.divsi %add3A_288, %jit3A_289 : i32
    %sign3A_291 = arith.constant 0 : i32
    %sign3A_292 = arith.cmpi sgt, %add3A_288, %sign3A_291 : i32
    %sign3A_293 = arith.extui %sign3A_292 : i1 to i32
    %sign3A_294 = arith.constant 0 : i32
    %sign3A_295 = arith.cmpi slt, %add3A_288, %sign3A_294 : i32
    %sign3A_296 = arith.extui %sign3A_295 : i1 to i32
    %sign3A_297 = arith.subi %sign3A_293, %sign3A_296 : i32
    %sign3A_298 = arith.constant 0 : i32
    %sign3A_299 = arith.cmpi sgt, %jit3A_289, %sign3A_298 : i32
    %sign3A_300 = arith.extui %sign3A_299 : i1 to i32
    %sign3A_301 = arith.constant 0 : i32
    %sign3A_302 = arith.cmpi slt, %jit3A_289, %sign3A_301 : i32
    %sign3A_303 = arith.extui %sign3A_302 : i1 to i32
    %sign3A_304 = arith.subi %sign3A_300, %sign3A_303 : i32
    %ne3A_305 = arith.cmpi ne, %sign3A_297, %sign3A_304 : i32
    %rem3A_306 = arith.remsi %add3A_288, %jit3A_289 : i32
    %ne3A_307 = arith.constant 0 : i32
    %ne3A_308 = arith.cmpi ne, %rem3A_306, %ne3A_307 : i32
    %and3A_309 = arith.andi %ne3A_305, %ne3A_308 : i1
    %sub3A_310 = arith.constant 1 : i32
    %sub3A_311 = arith.subi %div3A_290, %sub3A_310 : i32
    %select_n3A_312 = arith.select %and3A_309, %sub3A_311, %div3A_290 : i32
    %jit3A_313 = arith.constant 64 : i32
    %eq3A_314 = arith.constant 0 : i32
    %eq3A_315 = arith.cmpi eq, %jit3A_313, %eq3A_314 : i32
    %jit3A_316 = arith.constant 1 : i32
    %select_n3A_317 = arith.select %eq3A_315, %jit3A_316, %jit3A_313 : i32
    %rem3A_318 = arith.remsi %add3A_288, %select_n3A_317 : i32
    %ne3A_319 = arith.constant 0 : i32
    %ne3A_320 = arith.cmpi ne, %rem3A_318, %ne3A_319 : i32
    %lt3A_321 = arith.constant 0 : i32
    %lt3A_322 = arith.cmpi slt, %rem3A_318, %lt3A_321 : i32
    %lt3A_323 = arith.constant 0 : i32
    %lt3A_324 = arith.cmpi slt, %select_n3A_317, %lt3A_323 : i32
    %ne3A_325 = arith.xori %lt3A_322, %lt3A_324 : i1
    %and3A_326 = arith.andi %ne3A_325, %ne3A_320 : i1
    %add3A_327 = arith.addi %rem3A_318, %select_n3A_317 : i32
    %select_n3A_328 = arith.select %and3A_326, %add3A_327, %rem3A_318 : i32
    %jit3A_329 = arith.constant 16 : i32
    %div3A_330 = arith.divsi %select_n3A_328, %jit3A_329 : i32
    %sign3A_331 = arith.constant 0 : i32
    %sign3A_332 = arith.cmpi sgt, %select_n3A_328, %sign3A_331 : i32
    %sign3A_333 = arith.extui %sign3A_332 : i1 to i32
    %sign3A_334 = arith.constant 0 : i32
    %sign3A_335 = arith.cmpi slt, %select_n3A_328, %sign3A_334 : i32
    %sign3A_336 = arith.extui %sign3A_335 : i1 to i32
    %sign3A_337 = arith.subi %sign3A_333, %sign3A_336 : i32
    %sign3A_338 = arith.constant 0 : i32
    %sign3A_339 = arith.cmpi sgt, %jit3A_329, %sign3A_338 : i32
    %sign3A_340 = arith.extui %sign3A_339 : i1 to i32
    %sign3A_341 = arith.constant 0 : i32
    %sign3A_342 = arith.cmpi slt, %jit3A_329, %sign3A_341 : i32
    %sign3A_343 = arith.extui %sign3A_342 : i1 to i32
    %sign3A_344 = arith.subi %sign3A_340, %sign3A_343 : i32
    %ne3A_345 = arith.cmpi ne, %sign3A_337, %sign3A_344 : i32
    %rem3A_346 = arith.remsi %select_n3A_328, %jit3A_329 : i32
    %ne3A_347 = arith.constant 0 : i32
    %ne3A_348 = arith.cmpi ne, %rem3A_346, %ne3A_347 : i32
    %and3A_349 = arith.andi %ne3A_345, %ne3A_348 : i1
    %sub3A_350 = arith.constant 1 : i32
    %sub3A_351 = arith.subi %div3A_330, %sub3A_350 : i32
    %select_n3A_352 = arith.select %and3A_349, %sub3A_351, %div3A_330 : i32
    %mul3A_353 = arith.constant 2048 : i32
    %mul3A_354 = arith.muli %select_n3A_312, %mul3A_353 : i32
    %jit3A_355 = arith.constant 16 : i32
    %eq3A_356 = arith.constant 0 : i32
    %eq3A_357 = arith.cmpi eq, %jit3A_355, %eq3A_356 : i32
    %jit3A_358 = arith.constant 1 : i32
    %select_n3A_359 = arith.select %eq3A_357, %jit3A_358, %jit3A_355 : i32
    %rem3A_360 = arith.remsi %select_n3A_328, %select_n3A_359 : i32
    %ne3A_361 = arith.constant 0 : i32
    %ne3A_362 = arith.cmpi ne, %rem3A_360, %ne3A_361 : i32
    %lt3A_363 = arith.constant 0 : i32
    %lt3A_364 = arith.cmpi slt, %rem3A_360, %lt3A_363 : i32
    %lt3A_365 = arith.constant 0 : i32
    %lt3A_366 = arith.cmpi slt, %select_n3A_359, %lt3A_365 : i32
    %ne3A_367 = arith.xori %lt3A_364, %lt3A_366 : i1
    %and3A_368 = arith.andi %ne3A_367, %ne3A_362 : i1
    %add3A_369 = arith.addi %rem3A_360, %select_n3A_359 : i32
    %select_n3A_370 = arith.select %and3A_368, %add3A_369, %rem3A_360 : i32
    %mul3A_371 = arith.constant 128 : i32
    %mul3A_372 = arith.muli %select_n3A_370, %mul3A_371 : i32
    %add3A_373 = arith.addi %mul3A_354, %mul3A_372 : i32
    %mul3A_374 = arith.constant 32 : i32
    %mul3A_375 = arith.muli %select_n3A_352, %mul3A_374 : i32
    %dma_start3A_376 = arith.constant 2 : i32
    %dma_start3A_377 = arith.constant 0 : i32
    %dma_start3A_378 = arith.constant 0 : i32
    %dma_start3A_379 = tpu.memref_slice %arg6[%dma_start3A_376, %dma_start3A_377, %dma_start3A_378] : memref<4x128x32xf32, #tpu.memory_space<vmem>> -> memref<1x128x32xf32, #tpu.memory_space<vmem>>
    %dma_start3A_380 = tpu.memref_squeeze %dma_start3A_379 : memref<1x128x32xf32, #tpu.memory_space<vmem>> -> memref<128x32xf32, #tpu.memory_space<vmem>>
    %dma_start3A_381 = tpu.memref_slice %arg4[%add3A_373, %mul3A_375] : memref<204800x128xf32, #tpu.memory_space<hbm>> -> memref<128x32xf32, #tpu.memory_space<hbm>>
    %dma_start3A_382 = tpu.memref_slice %arg4[%add3A_373, %mul3A_375] : memref<204800x128xf32, #tpu.memory_space<hbm>> -> memref<128x32xf32, #tpu.memory_space<hbm>>
    %dma_start3A_383 = arith.constant 0 : i32
    %dma_start3A_384 = arith.constant 0 : i32
    %dma_start3A_385 = tpu.memref_slice %arg6[%dma_start3A_376, %dma_start3A_383, %dma_start3A_384] : memref<4x128x32xf32, #tpu.memory_space<vmem>> -> memref<1x128x32xf32, #tpu.memory_space<vmem>>
    %dma_start3A_386 = tpu.memref_squeeze %dma_start3A_385 : memref<1x128x32xf32, #tpu.memory_space<vmem>> -> memref<128x32xf32, #tpu.memory_space<vmem>>
    tpu.enqueue_dma source(%dma_start3A_386 : memref<128x32xf32, #tpu.memory_space<vmem>>) target(%dma_start3A_382 : memref<128x32xf32, #tpu.memory_space<hbm>>) target_semaphore(%arg9 : memref<!tpu.dma_semaphore, #tpu.memory_space<semaphore_mem>>)
    %add3A_387 = arith.constant 3 : i32
    %add3A_388 = arith.addi %mul3A_2, %add3A_387 : i32
    %jit3A_389 = arith.constant 64 : i32
    %div3A_390 = arith.divsi %add3A_388, %jit3A_389 : i32
    %sign3A_391 = arith.constant 0 : i32
    %sign3A_392 = arith.cmpi sgt, %add3A_388, %sign3A_391 : i32
    %sign3A_393 = arith.extui %sign3A_392 : i1 to i32
    %sign3A_394 = arith.constant 0 : i32
    %sign3A_395 = arith.cmpi slt, %add3A_388, %sign3A_394 : i32
    %sign3A_396 = arith.extui %sign3A_395 : i1 to i32
    %sign3A_397 = arith.subi %sign3A_393, %sign3A_396 : i32
    %sign3A_398 = arith.constant 0 : i32
    %sign3A_399 = arith.cmpi sgt, %jit3A_389, %sign3A_398 : i32
    %sign3A_400 = arith.extui %sign3A_399 : i1 to i32
    %sign3A_401 = arith.constant 0 : i32
    %sign3A_402 = arith.cmpi slt, %jit3A_389, %sign3A_401 : i32
    %sign3A_403 = arith.extui %sign3A_402 : i1 to i32
    %sign3A_404 = arith.subi %sign3A_400, %sign3A_403 : i32
    %ne3A_405 = arith.cmpi ne, %sign3A_397, %sign3A_404 : i32
    %rem3A_406 = arith.remsi %add3A_388, %jit3A_389 : i32
    %ne3A_407 = arith.constant 0 : i32
    %ne3A_408 = arith.cmpi ne, %rem3A_406, %ne3A_407 : i32
    %and3A_409 = arith.andi %ne3A_405, %ne3A_408 : i1
    %sub3A_410 = arith.constant 1 : i32
    %sub3A_411 = arith.subi %div3A_390, %sub3A_410 : i32
    %select_n3A_412 = arith.select %and3A_409, %sub3A_411, %div3A_390 : i32
    %jit3A_413 = arith.constant 64 : i32
    %eq3A_414 = arith.constant 0 : i32
    %eq3A_415 = arith.cmpi eq, %jit3A_413, %eq3A_414 : i32
    %jit3A_416 = arith.constant 1 : i32
    %select_n3A_417 = arith.select %eq3A_415, %jit3A_416, %jit3A_413 : i32
    %rem3A_418 = arith.remsi %add3A_388, %select_n3A_417 : i32
    %ne3A_419 = arith.constant 0 : i32
    %ne3A_420 = arith.cmpi ne, %rem3A_418, %ne3A_419 : i32
    %lt3A_421 = arith.constant 0 : i32
    %lt3A_422 = arith.cmpi slt, %rem3A_418, %lt3A_421 : i32
    %lt3A_423 = arith.constant 0 : i32
    %lt3A_424 = arith.cmpi slt, %select_n3A_417, %lt3A_423 : i32
    %ne3A_425 = arith.xori %lt3A_422, %lt3A_424 : i1
    %and3A_426 = arith.andi %ne3A_425, %ne3A_420 : i1
    %add3A_427 = arith.addi %rem3A_418, %select_n3A_417 : i32
    %select_n3A_428 = arith.select %and3A_426, %add3A_427, %rem3A_418 : i32
    %jit3A_429 = arith.constant 16 : i32
    %div3A_430 = arith.divsi %select_n3A_428, %jit3A_429 : i32
    %sign3A_431 = arith.constant 0 : i32
    %sign3A_432 = arith.cmpi sgt, %select_n3A_428, %sign3A_431 : i32
    %sign3A_433 = arith.extui %sign3A_432 : i1 to i32
    %sign3A_434 = arith.constant 0 : i32
    %sign3A_435 = arith.cmpi slt, %select_n3A_428, %sign3A_434 : i32
    %sign3A_436 = arith.extui %sign3A_435 : i1 to i32
    %sign3A_437 = arith.subi %sign3A_433, %sign3A_436 : i32
    %sign3A_438 = arith.constant 0 : i32
    %sign3A_439 = arith.cmpi sgt, %jit3A_429, %sign3A_438 : i32
    %sign3A_440 = arith.extui %sign3A_439 : i1 to i32
    %sign3A_441 = arith.constant 0 : i32
    %sign3A_442 = arith.cmpi slt, %jit3A_429, %sign3A_441 : i32
    %sign3A_443 = arith.extui %sign3A_442 : i1 to i32
    %sign3A_444 = arith.subi %sign3A_440, %sign3A_443 : i32
    %ne3A_445 = arith.cmpi ne, %sign3A_437, %sign3A_444 : i32
    %rem3A_446 = arith.remsi %select_n3A_428, %jit3A_429 : i32
    %ne3A_447 = arith.constant 0 : i32
    %ne3A_448 = arith.cmpi ne, %rem3A_446, %ne3A_447 : i32
    %and3A_449 = arith.andi %ne3A_445, %ne3A_448 : i1
    %sub3A_450 = arith.constant 1 : i32
    %sub3A_451 = arith.subi %div3A_430, %sub3A_450 : i32
    %select_n3A_452 = arith.select %and3A_449, %sub3A_451, %div3A_430 : i32
    %mul3A_453 = arith.constant 2048 : i32
    %mul3A_454 = arith.muli %select_n3A_412, %mul3A_453 : i32
    %jit3A_455 = arith.constant 16 : i32
    %eq3A_456 = arith.constant 0 : i32
    %eq3A_457 = arith.cmpi eq, %jit3A_455, %eq3A_456 : i32
    %jit3A_458 = arith.constant 1 : i32
    %select_n3A_459 = arith.select %eq3A_457, %jit3A_458, %jit3A_455 : i32
    %rem3A_460 = arith.remsi %select_n3A_428, %select_n3A_459 : i32
    %ne3A_461 = arith.constant 0 : i32
    %ne3A_462 = arith.cmpi ne, %rem3A_460, %ne3A_461 : i32
    %lt3A_463 = arith.constant 0 : i32
    %lt3A_464 = arith.cmpi slt, %rem3A_460, %lt3A_463 : i32
    %lt3A_465 = arith.constant 0 : i32
    %lt3A_466 = arith.cmpi slt, %select_n3A_459, %lt3A_465 : i32
    %ne3A_467 = arith.xori %lt3A_464, %lt3A_466 : i1
    %and3A_468 = arith.andi %ne3A_467, %ne3A_462 : i1
    %add3A_469 = arith.addi %rem3A_460, %select_n3A_459 : i32
    %select_n3A_470 = arith.select %and3A_468, %add3A_469, %rem3A_460 : i32
    %mul3A_471 = arith.constant 128 : i32
    %mul3A_472 = arith.muli %select_n3A_470, %mul3A_471 : i32
    %add3A_473 = arith.addi %mul3A_454, %mul3A_472 : i32
    %mul3A_474 = arith.constant 32 : i32
    %mul3A_475 = arith.muli %select_n3A_452, %mul3A_474 : i32
    %dma_start3A_476 = arith.constant 3 : i32
    %dma_start3A_477 = arith.constant 0 : i32
    %dma_start3A_478 = arith.constant 0 : i32
    %dma_start3A_479 = tpu.memref_slice %arg6[%dma_start3A_476, %dma_start3A_477, %dma_start3A_478] : memref<4x128x32xf32, #tpu.memory_space<vmem>> -> memref<1x128x32xf32, #tpu.memory_space<vmem>>
    %dma_start3A_480 = tpu.memref_squeeze %dma_start3A_479 : memref<1x128x32xf32, #tpu.memory_space<vmem>> -> memref<128x32xf32, #tpu.memory_space<vmem>>
    %dma_start3A_481 = tpu.memref_slice %arg4[%add3A_473, %mul3A_475] : memref<204800x128xf32, #tpu.memory_space<hbm>> -> memref<128x32xf32, #tpu.memory_space<hbm>>
    %dma_start3A_482 = tpu.memref_slice %arg4[%add3A_473, %mul3A_475] : memref<204800x128xf32, #tpu.memory_space<hbm>> -> memref<128x32xf32, #tpu.memory_space<hbm>>
    %dma_start3A_483 = arith.constant 0 : i32
    %dma_start3A_484 = arith.constant 0 : i32
    %dma_start3A_485 = tpu.memref_slice %arg6[%dma_start3A_476, %dma_start3A_483, %dma_start3A_484] : memref<4x128x32xf32, #tpu.memory_space<vmem>> -> memref<1x128x32xf32, #tpu.memory_space<vmem>>
    %dma_start3A_486 = tpu.memref_squeeze %dma_start3A_485 : memref<1x128x32xf32, #tpu.memory_space<vmem>> -> memref<128x32xf32, #tpu.memory_space<vmem>>
    tpu.enqueue_dma source(%dma_start3A_486 : memref<128x32xf32, #tpu.memory_space<vmem>>) target(%dma_start3A_482 : memref<128x32xf32, #tpu.memory_space<hbm>>) target_semaphore(%arg9 : memref<!tpu.dma_semaphore, #tpu.memory_space<semaphore_mem>>)
    %dma_start3A_487 = arith.constant 4 : i32
    %dma_start3A_488 = arith.constant 0 : i32
    %dma_start3A_489 = arith.constant 0 : i32
    %dma_start3A_490 = arith.constant 0 : i32
    %dma_start3A_491 = tpu.memref_slice %arg7[%dma_start3A_488, %dma_start3A_489, %dma_start3A_490] : memref<4x128x32xf32, #tpu.memory_space<vmem>> -> memref<1x128x32xf32, #tpu.memory_space<vmem>>
    %dma_start3A_492 = tpu.memref_squeeze %dma_start3A_491 : memref<1x128x32xf32, #tpu.memory_space<vmem>> -> memref<128x32xf32, #tpu.memory_space<vmem>>
    %dma_start3A_493 = arith.constant 0 : i32
    %dma_start3A_494 = tpu.memref_slice %arg5[%dma_start3A_487, %dma_start3A_493] : memref<200x128xi32, #tpu.memory_space<vmem>> -> memref<1x128xi32, #tpu.memory_space<vmem>>
    %dma_start3A_495 = tpu.memref_squeeze %dma_start3A_494 : memref<1x128xi32, #tpu.memory_space<vmem>> -> memref<128xi32, #tpu.memory_space<vmem>>
    %dma_start3A_496 = arith.constant 0 : i32
    %dma_start3A_497 = arith.constant 0 : i32
    %dma_start3A_498 = tpu.memref_slice %arg2[%dma_start3A_496, %dma_start3A_497] : memref<1015808x32xf32, #tpu.memory_space<hbm>> -> memref<1015808x32xf32, #tpu.memory_space<hbm>>
    tpu.enqueue_indirect_dma source(%dma_start3A_498 : memref<1015808x32xf32, #tpu.memory_space<hbm>>) target(%dma_start3A_492 : memref<128x32xf32, #tpu.memory_space<vmem>>) offsets(%dma_start3A_495 : memref<128xi32, #tpu.memory_space<vmem>>) semaphore(%arg8 : memref<!tpu.dma_semaphore, #tpu.memory_space<semaphore_mem>>)
    %dma_start3A_499 = arith.constant 5 : i32
    %dma_start3A_500 = arith.constant 1 : i32
    %dma_start3A_501 = arith.constant 0 : i32
    %dma_start3A_502 = arith.constant 0 : i32
    %dma_start3A_503 = tpu.memref_slice %arg7[%dma_start3A_500, %dma_start3A_501, %dma_start3A_502] : memref<4x128x32xf32, #tpu.memory_space<vmem>> -> memref<1x128x32xf32, #tpu.memory_space<vmem>>
    %dma_start3A_504 = tpu.memref_squeeze %dma_start3A_503 : memref<1x128x32xf32, #tpu.memory_space<vmem>> -> memref<128x32xf32, #tpu.memory_space<vmem>>
    %dma_start3A_505 = arith.constant 0 : i32
    %dma_start3A_506 = tpu.memref_slice %arg5[%dma_start3A_499, %dma_start3A_505] : memref<200x128xi32, #tpu.memory_space<vmem>> -> memref<1x128xi32, #tpu.memory_space<vmem>>
    %dma_start3A_507 = tpu.memref_squeeze %dma_start3A_506 : memref<1x128xi32, #tpu.memory_space<vmem>> -> memref<128xi32, #tpu.memory_space<vmem>>
    %dma_start3A_508 = arith.constant 0 : i32
    %dma_start3A_509 = arith.constant 0 : i32
    %dma_start3A_510 = tpu.memref_slice %arg2[%dma_start3A_508, %dma_start3A_509] : memref<1015808x32xf32, #tpu.memory_space<hbm>> -> memref<1015808x32xf32, #tpu.memory_space<hbm>>
    tpu.enqueue_indirect_dma source(%dma_start3A_510 : memref<1015808x32xf32, #tpu.memory_space<hbm>>) target(%dma_start3A_504 : memref<128x32xf32, #tpu.memory_space<vmem>>) offsets(%dma_start3A_507 : memref<128xi32, #tpu.memory_space<vmem>>) semaphore(%arg8 : memref<!tpu.dma_semaphore, #tpu.memory_space<semaphore_mem>>)
    %dma_start3A_511 = arith.constant 6 : i32
    %dma_start3A_512 = arith.constant 2 : i32
    %dma_start3A_513 = arith.constant 0 : i32
    %dma_start3A_514 = arith.constant 0 : i32
    %dma_start3A_515 = tpu.memref_slice %arg7[%dma_start3A_512, %dma_start3A_513, %dma_start3A_514] : memref<4x128x32xf32, #tpu.memory_space<vmem>> -> memref<1x128x32xf32, #tpu.memory_space<vmem>>
    %dma_start3A_516 = tpu.memref_squeeze %dma_start3A_515 : memref<1x128x32xf32, #tpu.memory_space<vmem>> -> memref<128x32xf32, #tpu.memory_space<vmem>>
    %dma_start3A_517 = arith.constant 0 : i32
    %dma_start3A_518 = tpu.memref_slice %arg5[%dma_start3A_511, %dma_start3A_517] : memref<200x128xi32, #tpu.memory_space<vmem>> -> memref<1x128xi32, #tpu.memory_space<vmem>>
    %dma_start3A_519 = tpu.memref_squeeze %dma_start3A_518 : memref<1x128xi32, #tpu.memory_space<vmem>> -> memref<128xi32, #tpu.memory_space<vmem>>
    %dma_start3A_520 = arith.constant 0 : i32
    %dma_start3A_521 = arith.constant 0 : i32
    %dma_start3A_522 = tpu.memref_slice %arg2[%dma_start3A_520, %dma_start3A_521] : memref<1015808x32xf32, #tpu.memory_space<hbm>> -> memref<1015808x32xf32, #tpu.memory_space<hbm>>
    tpu.enqueue_indirect_dma source(%dma_start3A_522 : memref<1015808x32xf32, #tpu.memory_space<hbm>>) target(%dma_start3A_516 : memref<128x32xf32, #tpu.memory_space<vmem>>) offsets(%dma_start3A_519 : memref<128xi32, #tpu.memory_space<vmem>>) semaphore(%arg8 : memref<!tpu.dma_semaphore, #tpu.memory_space<semaphore_mem>>)
    %dma_start3A_523 = arith.constant 7 : i32
    %dma_start3A_524 = arith.constant 3 : i32
    %dma_start3A_525 = arith.constant 0 : i32
    %dma_start3A_526 = arith.constant 0 : i32
    %dma_start3A_527 = tpu.memref_slice %arg7[%dma_start3A_524, %dma_start3A_525, %dma_start3A_526] : memref<4x128x32xf32, #tpu.memory_space<vmem>> -> memref<1x128x32xf32, #tpu.memory_space<vmem>>
    %dma_start3A_528 = tpu.memref_squeeze %dma_start3A_527 : memref<1x128x32xf32, #tpu.memory_space<vmem>> -> memref<128x32xf32, #tpu.memory_space<vmem>>
    %dma_start3A_529 = arith.constant 0 : i32
    %dma_start3A_530 = tpu.memref_slice %arg5[%dma_start3A_523, %dma_start3A_529] : memref<200x128xi32, #tpu.memory_space<vmem>> -> memref<1x128xi32, #tpu.memory_space<vmem>>
    %dma_start3A_531 = tpu.memref_squeeze %dma_start3A_530 : memref<1x128xi32, #tpu.memory_space<vmem>> -> memref<128xi32, #tpu.memory_space<vmem>>
    %dma_start3A_532 = arith.constant 0 : i32
    %dma_start3A_533 = arith.constant 0 : i32
    %dma_start3A_534 = tpu.memref_slice %arg2[%dma_start3A_532, %dma_start3A_533] : memref<1015808x32xf32, #tpu.memory_space<hbm>> -> memref<1015808x32xf32, #tpu.memory_space<hbm>>
    tpu.enqueue_indirect_dma source(%dma_start3A_534 : memref<1015808x32xf32, #tpu.memory_space<hbm>>) target(%dma_start3A_528 : memref<128x32xf32, #tpu.memory_space<vmem>>) offsets(%dma_start3A_531 : memref<128xi32, #tpu.memory_space<vmem>>) semaphore(%arg8 : memref<!tpu.dma_semaphore, #tpu.memory_space<semaphore_mem>>)
    %scan3A = arith.constant 0 : i32
    %scan3A_535 = arith.constant 24 : i32
    %scan3A_536 = arith.addi %scan3A, %scan3A_535 : i32
    %scan3A_537 = arith.constant 1 : i32
    scf.for %scan3A_1787 = %scan3A to %scan3A_536 step %scan3A_537  : i32 {
      %mul3A_1788 = arith.constant 1 : i32
      %mul3A_1789 = arith.muli %scan3A_1787, %mul3A_1788 : i32
      %add3A_1790 = arith.constant 0 : i32
      %add3A_1791 = arith.addi %add3A_1790, %mul3A_1789 : i32
      %mul3A_1792 = arith.constant 2 : i32
      %mul3A_1793 = arith.muli %mul3A_1792, %add3A_1791 : i32
      %add3A_1794 = arith.constant 1 : i32
      %add3A_1795 = arith.addi %mul3A_1793, %add3A_1794 : i32
      %add3A_1796 = arith.constant 1 : i32
      %add3A_1797 = arith.addi %add3A_1795, %add3A_1796 : i32
      %mul3A_1798 = arith.constant 4 : i32
      %mul3A_1799 = arith.muli %add3A_1795, %mul3A_1798 : i32
      %add3A_1800 = arith.constant 0 : i32
      %add3A_1801 = arith.addi %mul3A_1799, %add3A_1800 : i32
      %dma_wait3A_1802 = arith.constant 0 : i32
      %dma_wait3A_1803 = arith.constant 0 : i32
      %dma_wait3A_1804 = arith.constant 0 : i32
      %dma_wait3A_1805 = tpu.memref_slice %arg7[%dma_wait3A_1802, %dma_wait3A_1803, %dma_wait3A_1804] : memref<4x128x32xf32, #tpu.memory_space<vmem>> -> memref<1x128x32xf32, #tpu.memory_space<vmem>>
      %dma_wait3A_1806 = tpu.memref_squeeze %dma_wait3A_1805 : memref<1x128x32xf32, #tpu.memory_space<vmem>> -> memref<128x32xf32, #tpu.memory_space<vmem>>
      %dma_wait3A_1807 = arith.constant 0 : i32
      %dma_wait3A_1808 = tpu.memref_slice %arg5[%add3A_1801, %dma_wait3A_1807] : memref<200x128xi32, #tpu.memory_space<vmem>> -> memref<1x128xi32, #tpu.memory_space<vmem>>
      %dma_wait3A_1809 = tpu.memref_squeeze %dma_wait3A_1808 : memref<1x128xi32, #tpu.memory_space<vmem>> -> memref<128xi32, #tpu.memory_space<vmem>>
      %dma_wait3A_1810 = arith.constant 0 : i32
      %dma_wait3A_1811 = arith.constant 0 : i32
      %dma_wait3A_1812 = tpu.memref_slice %arg2[%dma_wait3A_1810, %dma_wait3A_1811] : memref<1015808x32xf32, #tpu.memory_space<hbm>> -> memref<1015808x32xf32, #tpu.memory_space<hbm>>
      tpu.wait_indirect_dma semaphore(%arg8 : memref<!tpu.dma_semaphore, #tpu.memory_space<semaphore_mem>>) src(%dma_wait3A_1812 : memref<1015808x32xf32, #tpu.memory_space<hbm>>) dst(%dma_wait3A_1806 : memref<128x32xf32, #tpu.memory_space<vmem>>)
      %mul3A_1813 = arith.constant 4 : i32
      %mul3A_1814 = arith.muli %add3A_1795, %mul3A_1813 : i32
      %add3A_1815 = arith.constant 1 : i32
      %add3A_1816 = arith.addi %mul3A_1814, %add3A_1815 : i32
      %dma_wait3A_1817 = arith.constant 1 : i32
      %dma_wait3A_1818 = arith.constant 0 : i32
      %dma_wait3A_1819 = arith.constant 0 : i32
      %dma_wait3A_1820 = tpu.memref_slice %arg7[%dma_wait3A_1817, %dma_wait3A_1818, %dma_wait3A_1819] : memref<4x128x32xf32, #tpu.memory_space<vmem>> -> memref<1x128x32xf32, #tpu.memory_space<vmem>>
      %dma_wait3A_1821 = tpu.memref_squeeze %dma_wait3A_1820 : memref<1x128x32xf32, #tpu.memory_space<vmem>> -> memref<128x32xf32, #tpu.memory_space<vmem>>
      %dma_wait3A_1822 = arith.constant 0 : i32
      %dma_wait3A_1823 = tpu.memref_slice %arg5[%add3A_1816, %dma_wait3A_1822] : memref<200x128xi32, #tpu.memory_space<vmem>> -> memref<1x128xi32, #tpu.memory_space<vmem>>
      %dma_wait3A_1824 = tpu.memref_squeeze %dma_wait3A_1823 : memref<1x128xi32, #tpu.memory_space<vmem>> -> memref<128xi32, #tpu.memory_space<vmem>>
      %dma_wait3A_1825 = arith.constant 0 : i32
      %dma_wait3A_1826 = arith.constant 0 : i32
      %dma_wait3A_1827 = tpu.memref_slice %arg2[%dma_wait3A_1825, %dma_wait3A_1826] : memref<1015808x32xf32, #tpu.memory_space<hbm>> -> memref<1015808x32xf32, #tpu.memory_space<hbm>>
      tpu.wait_indirect_dma semaphore(%arg8 : memref<!tpu.dma_semaphore, #tpu.memory_space<semaphore_mem>>) src(%dma_wait3A_1827 : memref<1015808x32xf32, #tpu.memory_space<hbm>>) dst(%dma_wait3A_1821 : memref<128x32xf32, #tpu.memory_space<vmem>>)
      %mul3A_1828 = arith.constant 4 : i32
      %mul3A_1829 = arith.muli %add3A_1795, %mul3A_1828 : i32
      %add3A_1830 = arith.constant 2 : i32
      %add3A_1831 = arith.addi %mul3A_1829, %add3A_1830 : i32
      %dma_wait3A_1832 = arith.constant 2 : i32
      %dma_wait3A_1833 = arith.constant 0 : i32
      %dma_wait3A_1834 = arith.constant 0 : i32
      %dma_wait3A_1835 = tpu.memref_slice %arg7[%dma_wait3A_1832, %dma_wait3A_1833, %dma_wait3A_1834] : memref<4x128x32xf32, #tpu.memory_space<vmem>> -> memref<1x128x32xf32, #tpu.memory_space<vmem>>
      %dma_wait3A_1836 = tpu.memref_squeeze %dma_wait3A_1835 : memref<1x128x32xf32, #tpu.memory_space<vmem>> -> memref<128x32xf32, #tpu.memory_space<vmem>>
      %dma_wait3A_1837 = arith.constant 0 : i32
      %dma_wait3A_1838 = tpu.memref_slice %arg5[%add3A_1831, %dma_wait3A_1837] : memref<200x128xi32, #tpu.memory_space<vmem>> -> memref<1x128xi32, #tpu.memory_space<vmem>>
      %dma_wait3A_1839 = tpu.memref_squeeze %dma_wait3A_1838 : memref<1x128xi32, #tpu.memory_space<vmem>> -> memref<128xi32, #tpu.memory_space<vmem>>
      %dma_wait3A_1840 = arith.constant 0 : i32
      %dma_wait3A_1841 = arith.constant 0 : i32
      %dma_wait3A_1842 = tpu.memref_slice %arg2[%dma_wait3A_1840, %dma_wait3A_1841] : memref<1015808x32xf32, #tpu.memory_space<hbm>> -> memref<1015808x32xf32, #tpu.memory_space<hbm>>
      tpu.wait_indirect_dma semaphore(%arg8 : memref<!tpu.dma_semaphore, #tpu.memory_space<semaphore_mem>>) src(%dma_wait3A_1842 : memref<1015808x32xf32, #tpu.memory_space<hbm>>) dst(%dma_wait3A_1836 : memref<128x32xf32, #tpu.memory_space<vmem>>)
      %mul3A_1843 = arith.constant 4 : i32
      %mul3A_1844 = arith.muli %add3A_1795, %mul3A_1843 : i32
      %add3A_1845 = arith.constant 3 : i32
      %add3A_1846 = arith.addi %mul3A_1844, %add3A_1845 : i32
      %dma_wait3A_1847 = arith.constant 3 : i32
      %dma_wait3A_1848 = arith.constant 0 : i32
      %dma_wait3A_1849 = arith.constant 0 : i32
      %dma_wait3A_1850 = tpu.memref_slice %arg7[%dma_wait3A_1847, %dma_wait3A_1848, %dma_wait3A_1849] : memref<4x128x32xf32, #tpu.memory_space<vmem>> -> memref<1x128x32xf32, #tpu.memory_space<vmem>>
      %dma_wait3A_1851 = tpu.memref_squeeze %dma_wait3A_1850 : memref<1x128x32xf32, #tpu.memory_space<vmem>> -> memref<128x32xf32, #tpu.memory_space<vmem>>
      %dma_wait3A_1852 = arith.constant 0 : i32
      %dma_wait3A_1853 = tpu.memref_slice %arg5[%add3A_1846, %dma_wait3A_1852] : memref<200x128xi32, #tpu.memory_space<vmem>> -> memref<1x128xi32, #tpu.memory_space<vmem>>
      %dma_wait3A_1854 = tpu.memref_squeeze %dma_wait3A_1853 : memref<1x128xi32, #tpu.memory_space<vmem>> -> memref<128xi32, #tpu.memory_space<vmem>>
      %dma_wait3A_1855 = arith.constant 0 : i32
      %dma_wait3A_1856 = arith.constant 0 : i32
      %dma_wait3A_1857 = tpu.memref_slice %arg2[%dma_wait3A_1855, %dma_wait3A_1856] : memref<1015808x32xf32, #tpu.memory_space<hbm>> -> memref<1015808x32xf32, #tpu.memory_space<hbm>>
      tpu.wait_indirect_dma semaphore(%arg8 : memref<!tpu.dma_semaphore, #tpu.memory_space<semaphore_mem>>) src(%dma_wait3A_1857 : memref<1015808x32xf32, #tpu.memory_space<hbm>>) dst(%dma_wait3A_1851 : memref<128x32xf32, #tpu.memory_space<vmem>>)
      %mul3A_1858 = arith.constant 4 : i32
      %mul3A_1859 = arith.muli %add3A_1795, %mul3A_1858 : i32
      %add3A_1860 = arith.constant 0 : i32
      %add3A_1861 = arith.addi %mul3A_1859, %add3A_1860 : i32
      %add3A_1862 = arith.addi %mul3A_2, %add3A_1861 : i32
      %jit3A_1863 = arith.constant 64 : i32
      %div3A_1864 = arith.divsi %add3A_1862, %jit3A_1863 : i32
      %sign3A_1865 = arith.constant 0 : i32
      %sign3A_1866 = arith.cmpi sgt, %add3A_1862, %sign3A_1865 : i32
      %sign3A_1867 = arith.extui %sign3A_1866 : i1 to i32
      %sign3A_1868 = arith.constant 0 : i32
      %sign3A_1869 = arith.cmpi slt, %add3A_1862, %sign3A_1868 : i32
      %sign3A_1870 = arith.extui %sign3A_1869 : i1 to i32
      %sign3A_1871 = arith.subi %sign3A_1867, %sign3A_1870 : i32
      %sign3A_1872 = arith.constant 0 : i32
      %sign3A_1873 = arith.cmpi sgt, %jit3A_1863, %sign3A_1872 : i32
      %sign3A_1874 = arith.extui %sign3A_1873 : i1 to i32
      %sign3A_1875 = arith.constant 0 : i32
      %sign3A_1876 = arith.cmpi slt, %jit3A_1863, %sign3A_1875 : i32
      %sign3A_1877 = arith.extui %sign3A_1876 : i1 to i32
      %sign3A_1878 = arith.subi %sign3A_1874, %sign3A_1877 : i32
      %ne3A_1879 = arith.cmpi ne, %sign3A_1871, %sign3A_1878 : i32
      %rem3A_1880 = arith.remsi %add3A_1862, %jit3A_1863 : i32
      %ne3A_1881 = arith.constant 0 : i32
      %ne3A_1882 = arith.cmpi ne, %rem3A_1880, %ne3A_1881 : i32
      %and3A_1883 = arith.andi %ne3A_1879, %ne3A_1882 : i1
      %sub3A_1884 = arith.constant 1 : i32
      %sub3A_1885 = arith.subi %div3A_1864, %sub3A_1884 : i32
      %select_n3A_1886 = arith.select %and3A_1883, %sub3A_1885, %div3A_1864 : i32
      %jit3A_1887 = arith.constant 64 : i32
      %eq3A_1888 = arith.constant 0 : i32
      %eq3A_1889 = arith.cmpi eq, %jit3A_1887, %eq3A_1888 : i32
      %jit3A_1890 = arith.constant 1 : i32
      %select_n3A_1891 = arith.select %eq3A_1889, %jit3A_1890, %jit3A_1887 : i32
      %rem3A_1892 = arith.remsi %add3A_1862, %select_n3A_1891 : i32
      %ne3A_1893 = arith.constant 0 : i32
      %ne3A_1894 = arith.cmpi ne, %rem3A_1892, %ne3A_1893 : i32
      %lt3A_1895 = arith.constant 0 : i32
      %lt3A_1896 = arith.cmpi slt, %rem3A_1892, %lt3A_1895 : i32
      %lt3A_1897 = arith.constant 0 : i32
      %lt3A_1898 = arith.cmpi slt, %select_n3A_1891, %lt3A_1897 : i32
      %ne3A_1899 = arith.xori %lt3A_1896, %lt3A_1898 : i1
      %and3A_1900 = arith.andi %ne3A_1899, %ne3A_1894 : i1
      %add3A_1901 = arith.addi %rem3A_1892, %select_n3A_1891 : i32
      %select_n3A_1902 = arith.select %and3A_1900, %add3A_1901, %rem3A_1892 : i32
      %jit3A_1903 = arith.constant 16 : i32
      %div3A_1904 = arith.divsi %select_n3A_1902, %jit3A_1903 : i32
      %sign3A_1905 = arith.constant 0 : i32
      %sign3A_1906 = arith.cmpi sgt, %select_n3A_1902, %sign3A_1905 : i32
      %sign3A_1907 = arith.extui %sign3A_1906 : i1 to i32
      %sign3A_1908 = arith.constant 0 : i32
      %sign3A_1909 = arith.cmpi slt, %select_n3A_1902, %sign3A_1908 : i32
      %sign3A_1910 = arith.extui %sign3A_1909 : i1 to i32
      %sign3A_1911 = arith.subi %sign3A_1907, %sign3A_1910 : i32
      %sign3A_1912 = arith.constant 0 : i32
      %sign3A_1913 = arith.cmpi sgt, %jit3A_1903, %sign3A_1912 : i32
      %sign3A_1914 = arith.extui %sign3A_1913 : i1 to i32
      %sign3A_1915 = arith.constant 0 : i32
      %sign3A_1916 = arith.cmpi slt, %jit3A_1903, %sign3A_1915 : i32
      %sign3A_1917 = arith.extui %sign3A_1916 : i1 to i32
      %sign3A_1918 = arith.subi %sign3A_1914, %sign3A_1917 : i32
      %ne3A_1919 = arith.cmpi ne, %sign3A_1911, %sign3A_1918 : i32
      %rem3A_1920 = arith.remsi %select_n3A_1902, %jit3A_1903 : i32
      %ne3A_1921 = arith.constant 0 : i32
      %ne3A_1922 = arith.cmpi ne, %rem3A_1920, %ne3A_1921 : i32
      %and3A_1923 = arith.andi %ne3A_1919, %ne3A_1922 : i1
      %sub3A_1924 = arith.constant 1 : i32
      %sub3A_1925 = arith.subi %div3A_1904, %sub3A_1924 : i32
      %select_n3A_1926 = arith.select %and3A_1923, %sub3A_1925, %div3A_1904 : i32
      %mul3A_1927 = arith.constant 2048 : i32
      %mul3A_1928 = arith.muli %select_n3A_1886, %mul3A_1927 : i32
      %jit3A_1929 = arith.constant 16 : i32
      %eq3A_1930 = arith.constant 0 : i32
      %eq3A_1931 = arith.cmpi eq, %jit3A_1929, %eq3A_1930 : i32
      %jit3A_1932 = arith.constant 1 : i32
      %select_n3A_1933 = arith.select %eq3A_1931, %jit3A_1932, %jit3A_1929 : i32
      %rem3A_1934 = arith.remsi %select_n3A_1902, %select_n3A_1933 : i32
      %ne3A_1935 = arith.constant 0 : i32
      %ne3A_1936 = arith.cmpi ne, %rem3A_1934, %ne3A_1935 : i32
      %lt3A_1937 = arith.constant 0 : i32
      %lt3A_1938 = arith.cmpi slt, %rem3A_1934, %lt3A_1937 : i32
      %lt3A_1939 = arith.constant 0 : i32
      %lt3A_1940 = arith.cmpi slt, %select_n3A_1933, %lt3A_1939 : i32
      %ne3A_1941 = arith.xori %lt3A_1938, %lt3A_1940 : i1
      %and3A_1942 = arith.andi %ne3A_1941, %ne3A_1936 : i1
      %add3A_1943 = arith.addi %rem3A_1934, %select_n3A_1933 : i32
      %select_n3A_1944 = arith.select %and3A_1942, %add3A_1943, %rem3A_1934 : i32
      %mul3A_1945 = arith.constant 128 : i32
      %mul3A_1946 = arith.muli %select_n3A_1944, %mul3A_1945 : i32
      %add3A_1947 = arith.addi %mul3A_1928, %mul3A_1946 : i32
      %mul3A_1948 = arith.constant 32 : i32
      %mul3A_1949 = arith.muli %select_n3A_1926, %mul3A_1948 : i32
      %dma_start3A_1950 = arith.constant 0 : i32
      %dma_start3A_1951 = arith.constant 0 : i32
      %dma_start3A_1952 = arith.constant 0 : i32
      %dma_start3A_1953 = tpu.memref_slice %arg7[%dma_start3A_1950, %dma_start3A_1951, %dma_start3A_1952] : memref<4x128x32xf32, #tpu.memory_space<vmem>> -> memref<1x128x32xf32, #tpu.memory_space<vmem>>
      %dma_start3A_1954 = tpu.memref_squeeze %dma_start3A_1953 : memref<1x128x32xf32, #tpu.memory_space<vmem>> -> memref<128x32xf32, #tpu.memory_space<vmem>>
      %dma_start3A_1955 = tpu.memref_slice %arg4[%add3A_1947, %mul3A_1949] : memref<204800x128xf32, #tpu.memory_space<hbm>> -> memref<128x32xf32, #tpu.memory_space<hbm>>
      %dma_start3A_1956 = tpu.memref_slice %arg4[%add3A_1947, %mul3A_1949] : memref<204800x128xf32, #tpu.memory_space<hbm>> -> memref<128x32xf32, #tpu.memory_space<hbm>>
      %dma_start3A_1957 = arith.constant 0 : i32
      %dma_start3A_1958 = arith.constant 0 : i32
      %dma_start3A_1959 = tpu.memref_slice %arg7[%dma_start3A_1950, %dma_start3A_1957, %dma_start3A_1958] : memref<4x128x32xf32, #tpu.memory_space<vmem>> -> memref<1x128x32xf32, #tpu.memory_space<vmem>>
      %dma_start3A_1960 = tpu.memref_squeeze %dma_start3A_1959 : memref<1x128x32xf32, #tpu.memory_space<vmem>> -> memref<128x32xf32, #tpu.memory_space<vmem>>
      tpu.enqueue_dma source(%dma_start3A_1960 : memref<128x32xf32, #tpu.memory_space<vmem>>) target(%dma_start3A_1956 : memref<128x32xf32, #tpu.memory_space<hbm>>) target_semaphore(%arg9 : memref<!tpu.dma_semaphore, #tpu.memory_space<semaphore_mem>>)
      %mul3A_1961 = arith.constant 4 : i32
      %mul3A_1962 = arith.muli %add3A_1795, %mul3A_1961 : i32
      %add3A_1963 = arith.constant 1 : i32
      %add3A_1964 = arith.addi %mul3A_1962, %add3A_1963 : i32
      %add3A_1965 = arith.addi %mul3A_2, %add3A_1964 : i32
      %jit3A_1966 = arith.constant 64 : i32
      %div3A_1967 = arith.divsi %add3A_1965, %jit3A_1966 : i32
      %sign3A_1968 = arith.constant 0 : i32
      %sign3A_1969 = arith.cmpi sgt, %add3A_1965, %sign3A_1968 : i32
      %sign3A_1970 = arith.extui %sign3A_1969 : i1 to i32
      %sign3A_1971 = arith.constant 0 : i32
      %sign3A_1972 = arith.cmpi slt, %add3A_1965, %sign3A_1971 : i32
      %sign3A_1973 = arith.extui %sign3A_1972 : i1 to i32
      %sign3A_1974 = arith.subi %sign3A_1970, %sign3A_1973 : i32
      %sign3A_1975 = arith.constant 0 : i32
      %sign3A_1976 = arith.cmpi sgt, %jit3A_1966, %sign3A_1975 : i32
      %sign3A_1977 = arith.extui %sign3A_1976 : i1 to i32
      %sign3A_1978 = arith.constant 0 : i32
      %sign3A_1979 = arith.cmpi slt, %jit3A_1966, %sign3A_1978 : i32
      %sign3A_1980 = arith.extui %sign3A_1979 : i1 to i32
      %sign3A_1981 = arith.subi %sign3A_1977, %sign3A_1980 : i32
      %ne3A_1982 = arith.cmpi ne, %sign3A_1974, %sign3A_1981 : i32
      %rem3A_1983 = arith.remsi %add3A_1965, %jit3A_1966 : i32
      %ne3A_1984 = arith.constant 0 : i32
      %ne3A_1985 = arith.cmpi ne, %rem3A_1983, %ne3A_1984 : i32
      %and3A_1986 = arith.andi %ne3A_1982, %ne3A_1985 : i1
      %sub3A_1987 = arith.constant 1 : i32
      %sub3A_1988 = arith.subi %div3A_1967, %sub3A_1987 : i32
      %select_n3A_1989 = arith.select %and3A_1986, %sub3A_1988, %div3A_1967 : i32
      %jit3A_1990 = arith.constant 64 : i32
      %eq3A_1991 = arith.constant 0 : i32
      %eq3A_1992 = arith.cmpi eq, %jit3A_1990, %eq3A_1991 : i32
      %jit3A_1993 = arith.constant 1 : i32
      %select_n3A_1994 = arith.select %eq3A_1992, %jit3A_1993, %jit3A_1990 : i32
      %rem3A_1995 = arith.remsi %add3A_1965, %select_n3A_1994 : i32
      %ne3A_1996 = arith.constant 0 : i32
      %ne3A_1997 = arith.cmpi ne, %rem3A_1995, %ne3A_1996 : i32
      %lt3A_1998 = arith.constant 0 : i32
      %lt3A_1999 = arith.cmpi slt, %rem3A_1995, %lt3A_1998 : i32
      %lt3A_2000 = arith.constant 0 : i32
      %lt3A_2001 = arith.cmpi slt, %select_n3A_1994, %lt3A_2000 : i32
      %ne3A_2002 = arith.xori %lt3A_1999, %lt3A_2001 : i1
      %and3A_2003 = arith.andi %ne3A_2002, %ne3A_1997 : i1
      %add3A_2004 = arith.addi %rem3A_1995, %select_n3A_1994 : i32
      %select_n3A_2005 = arith.select %and3A_2003, %add3A_2004, %rem3A_1995 : i32
      %jit3A_2006 = arith.constant 16 : i32
      %div3A_2007 = arith.divsi %select_n3A_2005, %jit3A_2006 : i32
      %sign3A_2008 = arith.constant 0 : i32
      %sign3A_2009 = arith.cmpi sgt, %select_n3A_2005, %sign3A_2008 : i32
      %sign3A_2010 = arith.extui %sign3A_2009 : i1 to i32
      %sign3A_2011 = arith.constant 0 : i32
      %sign3A_2012 = arith.cmpi slt, %select_n3A_2005, %sign3A_2011 : i32
      %sign3A_2013 = arith.extui %sign3A_2012 : i1 to i32
      %sign3A_2014 = arith.subi %sign3A_2010, %sign3A_2013 : i32
      %sign3A_2015 = arith.constant 0 : i32
      %sign3A_2016 = arith.cmpi sgt, %jit3A_2006, %sign3A_2015 : i32
      %sign3A_2017 = arith.extui %sign3A_2016 : i1 to i32
      %sign3A_2018 = arith.constant 0 : i32
      %sign3A_2019 = arith.cmpi slt, %jit3A_2006, %sign3A_2018 : i32
      %sign3A_2020 = arith.extui %sign3A_2019 : i1 to i32
      %sign3A_2021 = arith.subi %sign3A_2017, %sign3A_2020 : i32
      %ne3A_2022 = arith.cmpi ne, %sign3A_2014, %sign3A_2021 : i32
      %rem3A_2023 = arith.remsi %select_n3A_2005, %jit3A_2006 : i32
      %ne3A_2024 = arith.constant 0 : i32
      %ne3A_2025 = arith.cmpi ne, %rem3A_2023, %ne3A_2024 : i32
      %and3A_2026 = arith.andi %ne3A_2022, %ne3A_2025 : i1
      %sub3A_2027 = arith.constant 1 : i32
      %sub3A_2028 = arith.subi %div3A_2007, %sub3A_2027 : i32
      %select_n3A_2029 = arith.select %and3A_2026, %sub3A_2028, %div3A_2007 : i32
      %mul3A_2030 = arith.constant 2048 : i32
      %mul3A_2031 = arith.muli %select_n3A_1989, %mul3A_2030 : i32
      %jit3A_2032 = arith.constant 16 : i32
      %eq3A_2033 = arith.constant 0 : i32
      %eq3A_2034 = arith.cmpi eq, %jit3A_2032, %eq3A_2033 : i32
      %jit3A_2035 = arith.constant 1 : i32
      %select_n3A_2036 = arith.select %eq3A_2034, %jit3A_2035, %jit3A_2032 : i32
      %rem3A_2037 = arith.remsi %select_n3A_2005, %select_n3A_2036 : i32
      %ne3A_2038 = arith.constant 0 : i32
      %ne3A_2039 = arith.cmpi ne, %rem3A_2037, %ne3A_2038 : i32
      %lt3A_2040 = arith.constant 0 : i32
      %lt3A_2041 = arith.cmpi slt, %rem3A_2037, %lt3A_2040 : i32
      %lt3A_2042 = arith.constant 0 : i32
      %lt3A_2043 = arith.cmpi slt, %select_n3A_2036, %lt3A_2042 : i32
      %ne3A_2044 = arith.xori %lt3A_2041, %lt3A_2043 : i1
      %and3A_2045 = arith.andi %ne3A_2044, %ne3A_2039 : i1
      %add3A_2046 = arith.addi %rem3A_2037, %select_n3A_2036 : i32
      %select_n3A_2047 = arith.select %and3A_2045, %add3A_2046, %rem3A_2037 : i32
      %mul3A_2048 = arith.constant 128 : i32
      %mul3A_2049 = arith.muli %select_n3A_2047, %mul3A_2048 : i32
      %add3A_2050 = arith.addi %mul3A_2031, %mul3A_2049 : i32
      %mul3A_2051 = arith.constant 32 : i32
      %mul3A_2052 = arith.muli %select_n3A_2029, %mul3A_2051 : i32
      %dma_start3A_2053 = arith.constant 1 : i32
      %dma_start3A_2054 = arith.constant 0 : i32
      %dma_start3A_2055 = arith.constant 0 : i32
      %dma_start3A_2056 = tpu.memref_slice %arg7[%dma_start3A_2053, %dma_start3A_2054, %dma_start3A_2055] : memref<4x128x32xf32, #tpu.memory_space<vmem>> -> memref<1x128x32xf32, #tpu.memory_space<vmem>>
      %dma_start3A_2057 = tpu.memref_squeeze %dma_start3A_2056 : memref<1x128x32xf32, #tpu.memory_space<vmem>> -> memref<128x32xf32, #tpu.memory_space<vmem>>
      %dma_start3A_2058 = tpu.memref_slice %arg4[%add3A_2050, %mul3A_2052] : memref<204800x128xf32, #tpu.memory_space<hbm>> -> memref<128x32xf32, #tpu.memory_space<hbm>>
      %dma_start3A_2059 = tpu.memref_slice %arg4[%add3A_2050, %mul3A_2052] : memref<204800x128xf32, #tpu.memory_space<hbm>> -> memref<128x32xf32, #tpu.memory_space<hbm>>
      %dma_start3A_2060 = arith.constant 0 : i32
      %dma_start3A_2061 = arith.constant 0 : i32
      %dma_start3A_2062 = tpu.memref_slice %arg7[%dma_start3A_2053, %dma_start3A_2060, %dma_start3A_2061] : memref<4x128x32xf32, #tpu.memory_space<vmem>> -> memref<1x128x32xf32, #tpu.memory_space<vmem>>
      %dma_start3A_2063 = tpu.memref_squeeze %dma_start3A_2062 : memref<1x128x32xf32, #tpu.memory_space<vmem>> -> memref<128x32xf32, #tpu.memory_space<vmem>>
      tpu.enqueue_dma source(%dma_start3A_2063 : memref<128x32xf32, #tpu.memory_space<vmem>>) target(%dma_start3A_2059 : memref<128x32xf32, #tpu.memory_space<hbm>>) target_semaphore(%arg9 : memref<!tpu.dma_semaphore, #tpu.memory_space<semaphore_mem>>)
      %mul3A_2064 = arith.constant 4 : i32
      %mul3A_2065 = arith.muli %add3A_1795, %mul3A_2064 : i32
      %add3A_2066 = arith.constant 2 : i32
      %add3A_2067 = arith.addi %mul3A_2065, %add3A_2066 : i32
      %add3A_2068 = arith.addi %mul3A_2, %add3A_2067 : i32
      %jit3A_2069 = arith.constant 64 : i32
      %div3A_2070 = arith.divsi %add3A_2068, %jit3A_2069 : i32
      %sign3A_2071 = arith.constant 0 : i32
      %sign3A_2072 = arith.cmpi sgt, %add3A_2068, %sign3A_2071 : i32
      %sign3A_2073 = arith.extui %sign3A_2072 : i1 to i32
      %sign3A_2074 = arith.constant 0 : i32
      %sign3A_2075 = arith.cmpi slt, %add3A_2068, %sign3A_2074 : i32
      %sign3A_2076 = arith.extui %sign3A_2075 : i1 to i32
      %sign3A_2077 = arith.subi %sign3A_2073, %sign3A_2076 : i32
      %sign3A_2078 = arith.constant 0 : i32
      %sign3A_2079 = arith.cmpi sgt, %jit3A_2069, %sign3A_2078 : i32
      %sign3A_2080 = arith.extui %sign3A_2079 : i1 to i32
      %sign3A_2081 = arith.constant 0 : i32
      %sign3A_2082 = arith.cmpi slt, %jit3A_2069, %sign3A_2081 : i32
      %sign3A_2083 = arith.extui %sign3A_2082 : i1 to i32
      %sign3A_2084 = arith.subi %sign3A_2080, %sign3A_2083 : i32
      %ne3A_2085 = arith.cmpi ne, %sign3A_2077, %sign3A_2084 : i32
      %rem3A_2086 = arith.remsi %add3A_2068, %jit3A_2069 : i32
      %ne3A_2087 = arith.constant 0 : i32
      %ne3A_2088 = arith.cmpi ne, %rem3A_2086, %ne3A_2087 : i32
      %and3A_2089 = arith.andi %ne3A_2085, %ne3A_2088 : i1
      %sub3A_2090 = arith.constant 1 : i32
      %sub3A_2091 = arith.subi %div3A_2070, %sub3A_2090 : i32
      %select_n3A_2092 = arith.select %and3A_2089, %sub3A_2091, %div3A_2070 : i32
      %jit3A_2093 = arith.constant 64 : i32
      %eq3A_2094 = arith.constant 0 : i32
      %eq3A_2095 = arith.cmpi eq, %jit3A_2093, %eq3A_2094 : i32
      %jit3A_2096 = arith.constant 1 : i32
      %select_n3A_2097 = arith.select %eq3A_2095, %jit3A_2096, %jit3A_2093 : i32
      %rem3A_2098 = arith.remsi %add3A_2068, %select_n3A_2097 : i32
      %ne3A_2099 = arith.constant 0 : i32
      %ne3A_2100 = arith.cmpi ne, %rem3A_2098, %ne3A_2099 : i32
      %lt3A_2101 = arith.constant 0 : i32
      %lt3A_2102 = arith.cmpi slt, %rem3A_2098, %lt3A_2101 : i32
      %lt3A_2103 = arith.constant 0 : i32
      %lt3A_2104 = arith.cmpi slt, %select_n3A_2097, %lt3A_2103 : i32
      %ne3A_2105 = arith.xori %lt3A_2102, %lt3A_2104 : i1
      %and3A_2106 = arith.andi %ne3A_2105, %ne3A_2100 : i1
      %add3A_2107 = arith.addi %rem3A_2098, %select_n3A_2097 : i32
      %select_n3A_2108 = arith.select %and3A_2106, %add3A_2107, %rem3A_2098 : i32
      %jit3A_2109 = arith.constant 16 : i32
      %div3A_2110 = arith.divsi %select_n3A_2108, %jit3A_2109 : i32
      %sign3A_2111 = arith.constant 0 : i32
      %sign3A_2112 = arith.cmpi sgt, %select_n3A_2108, %sign3A_2111 : i32
      %sign3A_2113 = arith.extui %sign3A_2112 : i1 to i32
      %sign3A_2114 = arith.constant 0 : i32
      %sign3A_2115 = arith.cmpi slt, %select_n3A_2108, %sign3A_2114 : i32
      %sign3A_2116 = arith.extui %sign3A_2115 : i1 to i32
      %sign3A_2117 = arith.subi %sign3A_2113, %sign3A_2116 : i32
      %sign3A_2118 = arith.constant 0 : i32
      %sign3A_2119 = arith.cmpi sgt, %jit3A_2109, %sign3A_2118 : i32
      %sign3A_2120 = arith.extui %sign3A_2119 : i1 to i32
      %sign3A_2121 = arith.constant 0 : i32
      %sign3A_2122 = arith.cmpi slt, %jit3A_2109, %sign3A_2121 : i32
      %sign3A_2123 = arith.extui %sign3A_2122 : i1 to i32
      %sign3A_2124 = arith.subi %sign3A_2120, %sign3A_2123 : i32
      %ne3A_2125 = arith.cmpi ne, %sign3A_2117, %sign3A_2124 : i32
      %rem3A_2126 = arith.remsi %select_n3A_2108, %jit3A_2109 : i32
      %ne3A_2127 = arith.constant 0 : i32
      %ne3A_2128 = arith.cmpi ne, %rem3A_2126, %ne3A_2127 : i32
      %and3A_2129 = arith.andi %ne3A_2125, %ne3A_2128 : i1
      %sub3A_2130 = arith.constant 1 : i32
      %sub3A_2131 = arith.subi %div3A_2110, %sub3A_2130 : i32
      %select_n3A_2132 = arith.select %and3A_2129, %sub3A_2131, %div3A_2110 : i32
      %mul3A_2133 = arith.constant 2048 : i32
      %mul3A_2134 = arith.muli %select_n3A_2092, %mul3A_2133 : i32
      %jit3A_2135 = arith.constant 16 : i32
      %eq3A_2136 = arith.constant 0 : i32
      %eq3A_2137 = arith.cmpi eq, %jit3A_2135, %eq3A_2136 : i32
      %jit3A_2138 = arith.constant 1 : i32
      %select_n3A_2139 = arith.select %eq3A_2137, %jit3A_2138, %jit3A_2135 : i32
      %rem3A_2140 = arith.remsi %select_n3A_2108, %select_n3A_2139 : i32
      %ne3A_2141 = arith.constant 0 : i32
      %ne3A_2142 = arith.cmpi ne, %rem3A_2140, %ne3A_2141 : i32
      %lt3A_2143 = arith.constant 0 : i32
      %lt3A_2144 = arith.cmpi slt, %rem3A_2140, %lt3A_2143 : i32
      %lt3A_2145 = arith.constant 0 : i32
      %lt3A_2146 = arith.cmpi slt, %select_n3A_2139, %lt3A_2145 : i32
      %ne3A_2147 = arith.xori %lt3A_2144, %lt3A_2146 : i1
      %and3A_2148 = arith.andi %ne3A_2147, %ne3A_2142 : i1
      %add3A_2149 = arith.addi %rem3A_2140, %select_n3A_2139 : i32
      %select_n3A_2150 = arith.select %and3A_2148, %add3A_2149, %rem3A_2140 : i32
      %mul3A_2151 = arith.constant 128 : i32
      %mul3A_2152 = arith.muli %select_n3A_2150, %mul3A_2151 : i32
      %add3A_2153 = arith.addi %mul3A_2134, %mul3A_2152 : i32
      %mul3A_2154 = arith.constant 32 : i32
      %mul3A_2155 = arith.muli %select_n3A_2132, %mul3A_2154 : i32
      %dma_start3A_2156 = arith.constant 2 : i32
      %dma_start3A_2157 = arith.constant 0 : i32
      %dma_start3A_2158 = arith.constant 0 : i32
      %dma_start3A_2159 = tpu.memref_slice %arg7[%dma_start3A_2156, %dma_start3A_2157, %dma_start3A_2158] : memref<4x128x32xf32, #tpu.memory_space<vmem>> -> memref<1x128x32xf32, #tpu.memory_space<vmem>>
      %dma_start3A_2160 = tpu.memref_squeeze %dma_start3A_2159 : memref<1x128x32xf32, #tpu.memory_space<vmem>> -> memref<128x32xf32, #tpu.memory_space<vmem>>
      %dma_start3A_2161 = tpu.memref_slice %arg4[%add3A_2153, %mul3A_2155] : memref<204800x128xf32, #tpu.memory_space<hbm>> -> memref<128x32xf32, #tpu.memory_space<hbm>>
      %dma_start3A_2162 = tpu.memref_slice %arg4[%add3A_2153, %mul3A_2155] : memref<204800x128xf32, #tpu.memory_space<hbm>> -> memref<128x32xf32, #tpu.memory_space<hbm>>
      %dma_start3A_2163 = arith.constant 0 : i32
      %dma_start3A_2164 = arith.constant 0 : i32
      %dma_start3A_2165 = tpu.memref_slice %arg7[%dma_start3A_2156, %dma_start3A_2163, %dma_start3A_2164] : memref<4x128x32xf32, #tpu.memory_space<vmem>> -> memref<1x128x32xf32, #tpu.memory_space<vmem>>
      %dma_start3A_2166 = tpu.memref_squeeze %dma_start3A_2165 : memref<1x128x32xf32, #tpu.memory_space<vmem>> -> memref<128x32xf32, #tpu.memory_space<vmem>>
      tpu.enqueue_dma source(%dma_start3A_2166 : memref<128x32xf32, #tpu.memory_space<vmem>>) target(%dma_start3A_2162 : memref<128x32xf32, #tpu.memory_space<hbm>>) target_semaphore(%arg9 : memref<!tpu.dma_semaphore, #tpu.memory_space<semaphore_mem>>)
      %mul3A_2167 = arith.constant 4 : i32
      %mul3A_2168 = arith.muli %add3A_1795, %mul3A_2167 : i32
      %add3A_2169 = arith.constant 3 : i32
      %add3A_2170 = arith.addi %mul3A_2168, %add3A_2169 : i32
      %add3A_2171 = arith.addi %mul3A_2, %add3A_2170 : i32
      %jit3A_2172 = arith.constant 64 : i32
      %div3A_2173 = arith.divsi %add3A_2171, %jit3A_2172 : i32
      %sign3A_2174 = arith.constant 0 : i32
      %sign3A_2175 = arith.cmpi sgt, %add3A_2171, %sign3A_2174 : i32
      %sign3A_2176 = arith.extui %sign3A_2175 : i1 to i32
      %sign3A_2177 = arith.constant 0 : i32
      %sign3A_2178 = arith.cmpi slt, %add3A_2171, %sign3A_2177 : i32
      %sign3A_2179 = arith.extui %sign3A_2178 : i1 to i32
      %sign3A_2180 = arith.subi %sign3A_2176, %sign3A_2179 : i32
      %sign3A_2181 = arith.constant 0 : i32
      %sign3A_2182 = arith.cmpi sgt, %jit3A_2172, %sign3A_2181 : i32
      %sign3A_2183 = arith.extui %sign3A_2182 : i1 to i32
      %sign3A_2184 = arith.constant 0 : i32
      %sign3A_2185 = arith.cmpi slt, %jit3A_2172, %sign3A_2184 : i32
      %sign3A_2186 = arith.extui %sign3A_2185 : i1 to i32
      %sign3A_2187 = arith.subi %sign3A_2183, %sign3A_2186 : i32
      %ne3A_2188 = arith.cmpi ne, %sign3A_2180, %sign3A_2187 : i32
      %rem3A_2189 = arith.remsi %add3A_2171, %jit3A_2172 : i32
      %ne3A_2190 = arith.constant 0 : i32
      %ne3A_2191 = arith.cmpi ne, %rem3A_2189, %ne3A_2190 : i32
      %and3A_2192 = arith.andi %ne3A_2188, %ne3A_2191 : i1
      %sub3A_2193 = arith.constant 1 : i32
      %sub3A_2194 = arith.subi %div3A_2173, %sub3A_2193 : i32
      %select_n3A_2195 = arith.select %and3A_2192, %sub3A_2194, %div3A_2173 : i32
      %jit3A_2196 = arith.constant 64 : i32
      %eq3A_2197 = arith.constant 0 : i32
      %eq3A_2198 = arith.cmpi eq, %jit3A_2196, %eq3A_2197 : i32
      %jit3A_2199 = arith.constant 1 : i32
      %select_n3A_2200 = arith.select %eq3A_2198, %jit3A_2199, %jit3A_2196 : i32
      %rem3A_2201 = arith.remsi %add3A_2171, %select_n3A_2200 : i32
      %ne3A_2202 = arith.constant 0 : i32
      %ne3A_2203 = arith.cmpi ne, %rem3A_2201, %ne3A_2202 : i32
      %lt3A_2204 = arith.constant 0 : i32
      %lt3A_2205 = arith.cmpi slt, %rem3A_2201, %lt3A_2204 : i32
      %lt3A_2206 = arith.constant 0 : i32
      %lt3A_2207 = arith.cmpi slt, %select_n3A_2200, %lt3A_2206 : i32
      %ne3A_2208 = arith.xori %lt3A_2205, %lt3A_2207 : i1
      %and3A_2209 = arith.andi %ne3A_2208, %ne3A_2203 : i1
      %add3A_2210 = arith.addi %rem3A_2201, %select_n3A_2200 : i32
      %select_n3A_2211 = arith.select %and3A_2209, %add3A_2210, %rem3A_2201 : i32
      %jit3A_2212 = arith.constant 16 : i32
      %div3A_2213 = arith.divsi %select_n3A_2211, %jit3A_2212 : i32
      %sign3A_2214 = arith.constant 0 : i32
      %sign3A_2215 = arith.cmpi sgt, %select_n3A_2211, %sign3A_2214 : i32
      %sign3A_2216 = arith.extui %sign3A_2215 : i1 to i32
      %sign3A_2217 = arith.constant 0 : i32
      %sign3A_2218 = arith.cmpi slt, %select_n3A_2211, %sign3A_2217 : i32
      %sign3A_2219 = arith.extui %sign3A_2218 : i1 to i32
      %sign3A_2220 = arith.subi %sign3A_2216, %sign3A_2219 : i32
      %sign3A_2221 = arith.constant 0 : i32
      %sign3A_2222 = arith.cmpi sgt, %jit3A_2212, %sign3A_2221 : i32
      %sign3A_2223 = arith.extui %sign3A_2222 : i1 to i32
      %sign3A_2224 = arith.constant 0 : i32
      %sign3A_2225 = arith.cmpi slt, %jit3A_2212, %sign3A_2224 : i32
      %sign3A_2226 = arith.extui %sign3A_2225 : i1 to i32
      %sign3A_2227 = arith.subi %sign3A_2223, %sign3A_2226 : i32
      %ne3A_2228 = arith.cmpi ne, %sign3A_2220, %sign3A_2227 : i32
      %rem3A_2229 = arith.remsi %select_n3A_2211, %jit3A_2212 : i32
      %ne3A_2230 = arith.constant 0 : i32
      %ne3A_2231 = arith.cmpi ne, %rem3A_2229, %ne3A_2230 : i32
      %and3A_2232 = arith.andi %ne3A_2228, %ne3A_2231 : i1
      %sub3A_2233 = arith.constant 1 : i32
      %sub3A_2234 = arith.subi %div3A_2213, %sub3A_2233 : i32
      %select_n3A_2235 = arith.select %and3A_2232, %sub3A_2234, %div3A_2213 : i32
      %mul3A_2236 = arith.constant 2048 : i32
      %mul3A_2237 = arith.muli %select_n3A_2195, %mul3A_2236 : i32
      %jit3A_2238 = arith.constant 16 : i32
      %eq3A_2239 = arith.constant 0 : i32
      %eq3A_2240 = arith.cmpi eq, %jit3A_2238, %eq3A_2239 : i32
      %jit3A_2241 = arith.constant 1 : i32
      %select_n3A_2242 = arith.select %eq3A_2240, %jit3A_2241, %jit3A_2238 : i32
      %rem3A_2243 = arith.remsi %select_n3A_2211, %select_n3A_2242 : i32
      %ne3A_2244 = arith.constant 0 : i32
      %ne3A_2245 = arith.cmpi ne, %rem3A_2243, %ne3A_2244 : i32
      %lt3A_2246 = arith.constant 0 : i32
      %lt3A_2247 = arith.cmpi slt, %rem3A_2243, %lt3A_2246 : i32
      %lt3A_2248 = arith.constant 0 : i32
      %lt3A_2249 = arith.cmpi slt, %select_n3A_2242, %lt3A_2248 : i32
      %ne3A_2250 = arith.xori %lt3A_2247, %lt3A_2249 : i1
      %and3A_2251 = arith.andi %ne3A_2250, %ne3A_2245 : i1
      %add3A_2252 = arith.addi %rem3A_2243, %select_n3A_2242 : i32
      %select_n3A_2253 = arith.select %and3A_2251, %add3A_2252, %rem3A_2243 : i32
      %mul3A_2254 = arith.constant 128 : i32
      %mul3A_2255 = arith.muli %select_n3A_2253, %mul3A_2254 : i32
      %add3A_2256 = arith.addi %mul3A_2237, %mul3A_2255 : i32
      %mul3A_2257 = arith.constant 32 : i32
      %mul3A_2258 = arith.muli %select_n3A_2235, %mul3A_2257 : i32
      %dma_start3A_2259 = arith.constant 3 : i32
      %dma_start3A_2260 = arith.constant 0 : i32
      %dma_start3A_2261 = arith.constant 0 : i32
      %dma_start3A_2262 = tpu.memref_slice %arg7[%dma_start3A_2259, %dma_start3A_2260, %dma_start3A_2261] : memref<4x128x32xf32, #tpu.memory_space<vmem>> -> memref<1x128x32xf32, #tpu.memory_space<vmem>>
      %dma_start3A_2263 = tpu.memref_squeeze %dma_start3A_2262 : memref<1x128x32xf32, #tpu.memory_space<vmem>> -> memref<128x32xf32, #tpu.memory_space<vmem>>
      %dma_start3A_2264 = tpu.memref_slice %arg4[%add3A_2256, %mul3A_2258] : memref<204800x128xf32, #tpu.memory_space<hbm>> -> memref<128x32xf32, #tpu.memory_space<hbm>>
      %dma_start3A_2265 = tpu.memref_slice %arg4[%add3A_2256, %mul3A_2258] : memref<204800x128xf32, #tpu.memory_space<hbm>> -> memref<128x32xf32, #tpu.memory_space<hbm>>
      %dma_start3A_2266 = arith.constant 0 : i32
      %dma_start3A_2267 = arith.constant 0 : i32
      %dma_start3A_2268 = tpu.memref_slice %arg7[%dma_start3A_2259, %dma_start3A_2266, %dma_start3A_2267] : memref<4x128x32xf32, #tpu.memory_space<vmem>> -> memref<1x128x32xf32, #tpu.memory_space<vmem>>
      %dma_start3A_2269 = tpu.memref_squeeze %dma_start3A_2268 : memref<1x128x32xf32, #tpu.memory_space<vmem>> -> memref<128x32xf32, #tpu.memory_space<vmem>>
      tpu.enqueue_dma source(%dma_start3A_2269 : memref<128x32xf32, #tpu.memory_space<vmem>>) target(%dma_start3A_2265 : memref<128x32xf32, #tpu.memory_space<hbm>>) target_semaphore(%arg9 : memref<!tpu.dma_semaphore, #tpu.memory_space<semaphore_mem>>)
      %sub3A_2270 = arith.constant 1 : i32
      %sub3A_2271 = arith.subi %add3A_1795, %sub3A_2270 : i32
      %mul3A_2272 = arith.constant 4 : i32
      %mul3A_2273 = arith.muli %sub3A_2271, %mul3A_2272 : i32
      %add3A_2274 = arith.constant 0 : i32
      %add3A_2275 = arith.addi %mul3A_2273, %add3A_2274 : i32
      %add3A_2276 = arith.addi %mul3A_2, %add3A_2275 : i32
      %jit3A_2277 = arith.constant 64 : i32
      %div3A_2278 = arith.divsi %add3A_2276, %jit3A_2277 : i32
      %sign3A_2279 = arith.constant 0 : i32
      %sign3A_2280 = arith.cmpi sgt, %add3A_2276, %sign3A_2279 : i32
      %sign3A_2281 = arith.extui %sign3A_2280 : i1 to i32
      %sign3A_2282 = arith.constant 0 : i32
      %sign3A_2283 = arith.cmpi slt, %add3A_2276, %sign3A_2282 : i32
      %sign3A_2284 = arith.extui %sign3A_2283 : i1 to i32
      %sign3A_2285 = arith.subi %sign3A_2281, %sign3A_2284 : i32
      %sign3A_2286 = arith.constant 0 : i32
      %sign3A_2287 = arith.cmpi sgt, %jit3A_2277, %sign3A_2286 : i32
      %sign3A_2288 = arith.extui %sign3A_2287 : i1 to i32
      %sign3A_2289 = arith.constant 0 : i32
      %sign3A_2290 = arith.cmpi slt, %jit3A_2277, %sign3A_2289 : i32
      %sign3A_2291 = arith.extui %sign3A_2290 : i1 to i32
      %sign3A_2292 = arith.subi %sign3A_2288, %sign3A_2291 : i32
      %ne3A_2293 = arith.cmpi ne, %sign3A_2285, %sign3A_2292 : i32
      %rem3A_2294 = arith.remsi %add3A_2276, %jit3A_2277 : i32
      %ne3A_2295 = arith.constant 0 : i32
      %ne3A_2296 = arith.cmpi ne, %rem3A_2294, %ne3A_2295 : i32
      %and3A_2297 = arith.andi %ne3A_2293, %ne3A_2296 : i1
      %sub3A_2298 = arith.constant 1 : i32
      %sub3A_2299 = arith.subi %div3A_2278, %sub3A_2298 : i32
      %select_n3A_2300 = arith.select %and3A_2297, %sub3A_2299, %div3A_2278 : i32
      %jit3A_2301 = arith.constant 64 : i32
      %eq3A_2302 = arith.constant 0 : i32
      %eq3A_2303 = arith.cmpi eq, %jit3A_2301, %eq3A_2302 : i32
      %jit3A_2304 = arith.constant 1 : i32
      %select_n3A_2305 = arith.select %eq3A_2303, %jit3A_2304, %jit3A_2301 : i32
      %rem3A_2306 = arith.remsi %add3A_2276, %select_n3A_2305 : i32
      %ne3A_2307 = arith.constant 0 : i32
      %ne3A_2308 = arith.cmpi ne, %rem3A_2306, %ne3A_2307 : i32
      %lt3A_2309 = arith.constant 0 : i32
      %lt3A_2310 = arith.cmpi slt, %rem3A_2306, %lt3A_2309 : i32
      %lt3A_2311 = arith.constant 0 : i32
      %lt3A_2312 = arith.cmpi slt, %select_n3A_2305, %lt3A_2311 : i32
      %ne3A_2313 = arith.xori %lt3A_2310, %lt3A_2312 : i1
      %and3A_2314 = arith.andi %ne3A_2313, %ne3A_2308 : i1
      %add3A_2315 = arith.addi %rem3A_2306, %select_n3A_2305 : i32
      %select_n3A_2316 = arith.select %and3A_2314, %add3A_2315, %rem3A_2306 : i32
      %jit3A_2317 = arith.constant 16 : i32
      %div3A_2318 = arith.divsi %select_n3A_2316, %jit3A_2317 : i32
      %sign3A_2319 = arith.constant 0 : i32
      %sign3A_2320 = arith.cmpi sgt, %select_n3A_2316, %sign3A_2319 : i32
      %sign3A_2321 = arith.extui %sign3A_2320 : i1 to i32
      %sign3A_2322 = arith.constant 0 : i32
      %sign3A_2323 = arith.cmpi slt, %select_n3A_2316, %sign3A_2322 : i32
      %sign3A_2324 = arith.extui %sign3A_2323 : i1 to i32
      %sign3A_2325 = arith.subi %sign3A_2321, %sign3A_2324 : i32
      %sign3A_2326 = arith.constant 0 : i32
      %sign3A_2327 = arith.cmpi sgt, %jit3A_2317, %sign3A_2326 : i32
      %sign3A_2328 = arith.extui %sign3A_2327 : i1 to i32
      %sign3A_2329 = arith.constant 0 : i32
      %sign3A_2330 = arith.cmpi slt, %jit3A_2317, %sign3A_2329 : i32
      %sign3A_2331 = arith.extui %sign3A_2330 : i1 to i32
      %sign3A_2332 = arith.subi %sign3A_2328, %sign3A_2331 : i32
      %ne3A_2333 = arith.cmpi ne, %sign3A_2325, %sign3A_2332 : i32
      %rem3A_2334 = arith.remsi %select_n3A_2316, %jit3A_2317 : i32
      %ne3A_2335 = arith.constant 0 : i32
      %ne3A_2336 = arith.cmpi ne, %rem3A_2334, %ne3A_2335 : i32
      %and3A_2337 = arith.andi %ne3A_2333, %ne3A_2336 : i1
      %sub3A_2338 = arith.constant 1 : i32
      %sub3A_2339 = arith.subi %div3A_2318, %sub3A_2338 : i32
      %select_n3A_2340 = arith.select %and3A_2337, %sub3A_2339, %div3A_2318 : i32
      %mul3A_2341 = arith.constant 2048 : i32
      %mul3A_2342 = arith.muli %select_n3A_2300, %mul3A_2341 : i32
      %jit3A_2343 = arith.constant 16 : i32
      %eq3A_2344 = arith.constant 0 : i32
      %eq3A_2345 = arith.cmpi eq, %jit3A_2343, %eq3A_2344 : i32
      %jit3A_2346 = arith.constant 1 : i32
      %select_n3A_2347 = arith.select %eq3A_2345, %jit3A_2346, %jit3A_2343 : i32
      %rem3A_2348 = arith.remsi %select_n3A_2316, %select_n3A_2347 : i32
      %ne3A_2349 = arith.constant 0 : i32
      %ne3A_2350 = arith.cmpi ne, %rem3A_2348, %ne3A_2349 : i32
      %lt3A_2351 = arith.constant 0 : i32
      %lt3A_2352 = arith.cmpi slt, %rem3A_2348, %lt3A_2351 : i32
      %lt3A_2353 = arith.constant 0 : i32
      %lt3A_2354 = arith.cmpi slt, %select_n3A_2347, %lt3A_2353 : i32
      %ne3A_2355 = arith.xori %lt3A_2352, %lt3A_2354 : i1
      %and3A_2356 = arith.andi %ne3A_2355, %ne3A_2350 : i1
      %add3A_2357 = arith.addi %rem3A_2348, %select_n3A_2347 : i32
      %select_n3A_2358 = arith.select %and3A_2356, %add3A_2357, %rem3A_2348 : i32
      %mul3A_2359 = arith.constant 128 : i32
      %mul3A_2360 = arith.muli %select_n3A_2358, %mul3A_2359 : i32
      %add3A_2361 = arith.addi %mul3A_2342, %mul3A_2360 : i32
      %mul3A_2362 = arith.constant 32 : i32
      %mul3A_2363 = arith.muli %select_n3A_2340, %mul3A_2362 : i32
      %dma_wait3A_2364 = arith.constant 0 : i32
      %dma_wait3A_2365 = arith.constant 0 : i32
      %dma_wait3A_2366 = arith.constant 0 : i32
      %dma_wait3A_2367 = tpu.memref_slice %arg6[%dma_wait3A_2364, %dma_wait3A_2365, %dma_wait3A_2366] : memref<4x128x32xf32, #tpu.memory_space<vmem>> -> memref<1x128x32xf32, #tpu.memory_space<vmem>>
      %dma_wait3A_2368 = tpu.memref_squeeze %dma_wait3A_2367 : memref<1x128x32xf32, #tpu.memory_space<vmem>> -> memref<128x32xf32, #tpu.memory_space<vmem>>
      %dma_wait3A_2369 = tpu.memref_slice %arg4[%add3A_2361, %mul3A_2363] : memref<204800x128xf32, #tpu.memory_space<hbm>> -> memref<128x32xf32, #tpu.memory_space<hbm>>
      %dma_wait3A_2370 = tpu.memref_slice %arg4[%add3A_2361, %mul3A_2363] : memref<204800x128xf32, #tpu.memory_space<hbm>> -> memref<128x32xf32, #tpu.memory_space<hbm>>
      %dma_wait3A_2371 = arith.constant 0 : i32
      %dma_wait3A_2372 = arith.constant 0 : i32
      %dma_wait3A_2373 = tpu.memref_slice %arg6[%dma_wait3A_2364, %dma_wait3A_2371, %dma_wait3A_2372] : memref<4x128x32xf32, #tpu.memory_space<vmem>> -> memref<1x128x32xf32, #tpu.memory_space<vmem>>
      %dma_wait3A_2374 = tpu.memref_squeeze %dma_wait3A_2373 : memref<1x128x32xf32, #tpu.memory_space<vmem>> -> memref<128x32xf32, #tpu.memory_space<vmem>>
      tpu.wait_dma2 semaphore(%arg9 : memref<!tpu.dma_semaphore, #tpu.memory_space<semaphore_mem>>) src(%dma_wait3A_2374 : memref<128x32xf32, #tpu.memory_space<vmem>>) dst(%dma_wait3A_2370 : memref<128x32xf32, #tpu.memory_space<hbm>>)
      %mul3A_2375 = arith.constant 4 : i32
      %mul3A_2376 = arith.muli %sub3A_2271, %mul3A_2375 : i32
      %add3A_2377 = arith.constant 1 : i32
      %add3A_2378 = arith.addi %mul3A_2376, %add3A_2377 : i32
      %add3A_2379 = arith.addi %mul3A_2, %add3A_2378 : i32
      %jit3A_2380 = arith.constant 64 : i32
      %div3A_2381 = arith.divsi %add3A_2379, %jit3A_2380 : i32
      %sign3A_2382 = arith.constant 0 : i32
      %sign3A_2383 = arith.cmpi sgt, %add3A_2379, %sign3A_2382 : i32
      %sign3A_2384 = arith.extui %sign3A_2383 : i1 to i32
      %sign3A_2385 = arith.constant 0 : i32
      %sign3A_2386 = arith.cmpi slt, %add3A_2379, %sign3A_2385 : i32
      %sign3A_2387 = arith.extui %sign3A_2386 : i1 to i32
      %sign3A_2388 = arith.subi %sign3A_2384, %sign3A_2387 : i32
      %sign3A_2389 = arith.constant 0 : i32
      %sign3A_2390 = arith.cmpi sgt, %jit3A_2380, %sign3A_2389 : i32
      %sign3A_2391 = arith.extui %sign3A_2390 : i1 to i32
      %sign3A_2392 = arith.constant 0 : i32
      %sign3A_2393 = arith.cmpi slt, %jit3A_2380, %sign3A_2392 : i32
      %sign3A_2394 = arith.extui %sign3A_2393 : i1 to i32
      %sign3A_2395 = arith.subi %sign3A_2391, %sign3A_2394 : i32
      %ne3A_2396 = arith.cmpi ne, %sign3A_2388, %sign3A_2395 : i32
      %rem3A_2397 = arith.remsi %add3A_2379, %jit3A_2380 : i32
      %ne3A_2398 = arith.constant 0 : i32
      %ne3A_2399 = arith.cmpi ne, %rem3A_2397, %ne3A_2398 : i32
      %and3A_2400 = arith.andi %ne3A_2396, %ne3A_2399 : i1
      %sub3A_2401 = arith.constant 1 : i32
      %sub3A_2402 = arith.subi %div3A_2381, %sub3A_2401 : i32
      %select_n3A_2403 = arith.select %and3A_2400, %sub3A_2402, %div3A_2381 : i32
      %jit3A_2404 = arith.constant 64 : i32
      %eq3A_2405 = arith.constant 0 : i32
      %eq3A_2406 = arith.cmpi eq, %jit3A_2404, %eq3A_2405 : i32
      %jit3A_2407 = arith.constant 1 : i32
      %select_n3A_2408 = arith.select %eq3A_2406, %jit3A_2407, %jit3A_2404 : i32
      %rem3A_2409 = arith.remsi %add3A_2379, %select_n3A_2408 : i32
      %ne3A_2410 = arith.constant 0 : i32
      %ne3A_2411 = arith.cmpi ne, %rem3A_2409, %ne3A_2410 : i32
      %lt3A_2412 = arith.constant 0 : i32
      %lt3A_2413 = arith.cmpi slt, %rem3A_2409, %lt3A_2412 : i32
      %lt3A_2414 = arith.constant 0 : i32
      %lt3A_2415 = arith.cmpi slt, %select_n3A_2408, %lt3A_2414 : i32
      %ne3A_2416 = arith.xori %lt3A_2413, %lt3A_2415 : i1
      %and3A_2417 = arith.andi %ne3A_2416, %ne3A_2411 : i1
      %add3A_2418 = arith.addi %rem3A_2409, %select_n3A_2408 : i32
      %select_n3A_2419 = arith.select %and3A_2417, %add3A_2418, %rem3A_2409 : i32
      %jit3A_2420 = arith.constant 16 : i32
      %div3A_2421 = arith.divsi %select_n3A_2419, %jit3A_2420 : i32
      %sign3A_2422 = arith.constant 0 : i32
      %sign3A_2423 = arith.cmpi sgt, %select_n3A_2419, %sign3A_2422 : i32
      %sign3A_2424 = arith.extui %sign3A_2423 : i1 to i32
      %sign3A_2425 = arith.constant 0 : i32
      %sign3A_2426 = arith.cmpi slt, %select_n3A_2419, %sign3A_2425 : i32
      %sign3A_2427 = arith.extui %sign3A_2426 : i1 to i32
      %sign3A_2428 = arith.subi %sign3A_2424, %sign3A_2427 : i32
      %sign3A_2429 = arith.constant 0 : i32
      %sign3A_2430 = arith.cmpi sgt, %jit3A_2420, %sign3A_2429 : i32
      %sign3A_2431 = arith.extui %sign3A_2430 : i1 to i32
      %sign3A_2432 = arith.constant 0 : i32
      %sign3A_2433 = arith.cmpi slt, %jit3A_2420, %sign3A_2432 : i32
      %sign3A_2434 = arith.extui %sign3A_2433 : i1 to i32
      %sign3A_2435 = arith.subi %sign3A_2431, %sign3A_2434 : i32
      %ne3A_2436 = arith.cmpi ne, %sign3A_2428, %sign3A_2435 : i32
      %rem3A_2437 = arith.remsi %select_n3A_2419, %jit3A_2420 : i32
      %ne3A_2438 = arith.constant 0 : i32
      %ne3A_2439 = arith.cmpi ne, %rem3A_2437, %ne3A_2438 : i32
      %and3A_2440 = arith.andi %ne3A_2436, %ne3A_2439 : i1
      %sub3A_2441 = arith.constant 1 : i32
      %sub3A_2442 = arith.subi %div3A_2421, %sub3A_2441 : i32
      %select_n3A_2443 = arith.select %and3A_2440, %sub3A_2442, %div3A_2421 : i32
      %mul3A_2444 = arith.constant 2048 : i32
      %mul3A_2445 = arith.muli %select_n3A_2403, %mul3A_2444 : i32
      %jit3A_2446 = arith.constant 16 : i32
      %eq3A_2447 = arith.constant 0 : i32
      %eq3A_2448 = arith.cmpi eq, %jit3A_2446, %eq3A_2447 : i32
      %jit3A_2449 = arith.constant 1 : i32
      %select_n3A_2450 = arith.select %eq3A_2448, %jit3A_2449, %jit3A_2446 : i32
      %rem3A_2451 = arith.remsi %select_n3A_2419, %select_n3A_2450 : i32
      %ne3A_2452 = arith.constant 0 : i32
      %ne3A_2453 = arith.cmpi ne, %rem3A_2451, %ne3A_2452 : i32
      %lt3A_2454 = arith.constant 0 : i32
      %lt3A_2455 = arith.cmpi slt, %rem3A_2451, %lt3A_2454 : i32
      %lt3A_2456 = arith.constant 0 : i32
      %lt3A_2457 = arith.cmpi slt, %select_n3A_2450, %lt3A_2456 : i32
      %ne3A_2458 = arith.xori %lt3A_2455, %lt3A_2457 : i1
      %and3A_2459 = arith.andi %ne3A_2458, %ne3A_2453 : i1
      %add3A_2460 = arith.addi %rem3A_2451, %select_n3A_2450 : i32
      %select_n3A_2461 = arith.select %and3A_2459, %add3A_2460, %rem3A_2451 : i32
      %mul3A_2462 = arith.constant 128 : i32
      %mul3A_2463 = arith.muli %select_n3A_2461, %mul3A_2462 : i32
      %add3A_2464 = arith.addi %mul3A_2445, %mul3A_2463 : i32
      %mul3A_2465 = arith.constant 32 : i32
      %mul3A_2466 = arith.muli %select_n3A_2443, %mul3A_2465 : i32
      %dma_wait3A_2467 = arith.constant 1 : i32
      %dma_wait3A_2468 = arith.constant 0 : i32
      %dma_wait3A_2469 = arith.constant 0 : i32
      %dma_wait3A_2470 = tpu.memref_slice %arg6[%dma_wait3A_2467, %dma_wait3A_2468, %dma_wait3A_2469] : memref<4x128x32xf32, #tpu.memory_space<vmem>> -> memref<1x128x32xf32, #tpu.memory_space<vmem>>
      %dma_wait3A_2471 = tpu.memref_squeeze %dma_wait3A_2470 : memref<1x128x32xf32, #tpu.memory_space<vmem>> -> memref<128x32xf32, #tpu.memory_space<vmem>>
      %dma_wait3A_2472 = tpu.memref_slice %arg4[%add3A_2464, %mul3A_2466] : memref<204800x128xf32, #tpu.memory_space<hbm>> -> memref<128x32xf32, #tpu.memory_space<hbm>>
      %dma_wait3A_2473 = tpu.memref_slice %arg4[%add3A_2464, %mul3A_2466] : memref<204800x128xf32, #tpu.memory_space<hbm>> -> memref<128x32xf32, #tpu.memory_space<hbm>>
      %dma_wait3A_2474 = arith.constant 0 : i32
      %dma_wait3A_2475 = arith.constant 0 : i32
      %dma_wait3A_2476 = tpu.memref_slice %arg6[%dma_wait3A_2467, %dma_wait3A_2474, %dma_wait3A_2475] : memref<4x128x32xf32, #tpu.memory_space<vmem>> -> memref<1x128x32xf32, #tpu.memory_space<vmem>>
      %dma_wait3A_2477 = tpu.memref_squeeze %dma_wait3A_2476 : memref<1x128x32xf32, #tpu.memory_space<vmem>> -> memref<128x32xf32, #tpu.memory_space<vmem>>
      tpu.wait_dma2 semaphore(%arg9 : memref<!tpu.dma_semaphore, #tpu.memory_space<semaphore_mem>>) src(%dma_wait3A_2477 : memref<128x32xf32, #tpu.memory_space<vmem>>) dst(%dma_wait3A_2473 : memref<128x32xf32, #tpu.memory_space<hbm>>)
      %mul3A_2478 = arith.constant 4 : i32
      %mul3A_2479 = arith.muli %sub3A_2271, %mul3A_2478 : i32
      %add3A_2480 = arith.constant 2 : i32
      %add3A_2481 = arith.addi %mul3A_2479, %add3A_2480 : i32
      %add3A_2482 = arith.addi %mul3A_2, %add3A_2481 : i32
      %jit3A_2483 = arith.constant 64 : i32
      %div3A_2484 = arith.divsi %add3A_2482, %jit3A_2483 : i32
      %sign3A_2485 = arith.constant 0 : i32
      %sign3A_2486 = arith.cmpi sgt, %add3A_2482, %sign3A_2485 : i32
      %sign3A_2487 = arith.extui %sign3A_2486 : i1 to i32
      %sign3A_2488 = arith.constant 0 : i32
      %sign3A_2489 = arith.cmpi slt, %add3A_2482, %sign3A_2488 : i32
      %sign3A_2490 = arith.extui %sign3A_2489 : i1 to i32
      %sign3A_2491 = arith.subi %sign3A_2487, %sign3A_2490 : i32
      %sign3A_2492 = arith.constant 0 : i32
      %sign3A_2493 = arith.cmpi sgt, %jit3A_2483, %sign3A_2492 : i32
      %sign3A_2494 = arith.extui %sign3A_2493 : i1 to i32
      %sign3A_2495 = arith.constant 0 : i32
      %sign3A_2496 = arith.cmpi slt, %jit3A_2483, %sign3A_2495 : i32
      %sign3A_2497 = arith.extui %sign3A_2496 : i1 to i32
      %sign3A_2498 = arith.subi %sign3A_2494, %sign3A_2497 : i32
      %ne3A_2499 = arith.cmpi ne, %sign3A_2491, %sign3A_2498 : i32
      %rem3A_2500 = arith.remsi %add3A_2482, %jit3A_2483 : i32
      %ne3A_2501 = arith.constant 0 : i32
      %ne3A_2502 = arith.cmpi ne, %rem3A_2500, %ne3A_2501 : i32
      %and3A_2503 = arith.andi %ne3A_2499, %ne3A_2502 : i1
      %sub3A_2504 = arith.constant 1 : i32
      %sub3A_2505 = arith.subi %div3A_2484, %sub3A_2504 : i32
      %select_n3A_2506 = arith.select %and3A_2503, %sub3A_2505, %div3A_2484 : i32
      %jit3A_2507 = arith.constant 64 : i32
      %eq3A_2508 = arith.constant 0 : i32
      %eq3A_2509 = arith.cmpi eq, %jit3A_2507, %eq3A_2508 : i32
      %jit3A_2510 = arith.constant 1 : i32
      %select_n3A_2511 = arith.select %eq3A_2509, %jit3A_2510, %jit3A_2507 : i32
      %rem3A_2512 = arith.remsi %add3A_2482, %select_n3A_2511 : i32
      %ne3A_2513 = arith.constant 0 : i32
      %ne3A_2514 = arith.cmpi ne, %rem3A_2512, %ne3A_2513 : i32
      %lt3A_2515 = arith.constant 0 : i32
      %lt3A_2516 = arith.cmpi slt, %rem3A_2512, %lt3A_2515 : i32
      %lt3A_2517 = arith.constant 0 : i32
      %lt3A_2518 = arith.cmpi slt, %select_n3A_2511, %lt3A_2517 : i32
      %ne3A_2519 = arith.xori %lt3A_2516, %lt3A_2518 : i1
      %and3A_2520 = arith.andi %ne3A_2519, %ne3A_2514 : i1
      %add3A_2521 = arith.addi %rem3A_2512, %select_n3A_2511 : i32
      %select_n3A_2522 = arith.select %and3A_2520, %add3A_2521, %rem3A_2512 : i32
      %jit3A_2523 = arith.constant 16 : i32
      %div3A_2524 = arith.divsi %select_n3A_2522, %jit3A_2523 : i32
      %sign3A_2525 = arith.constant 0 : i32
      %sign3A_2526 = arith.cmpi sgt, %select_n3A_2522, %sign3A_2525 : i32
      %sign3A_2527 = arith.extui %sign3A_2526 : i1 to i32
      %sign3A_2528 = arith.constant 0 : i32
      %sign3A_2529 = arith.cmpi slt, %select_n3A_2522, %sign3A_2528 : i32
      %sign3A_2530 = arith.extui %sign3A_2529 : i1 to i32
      %sign3A_2531 = arith.subi %sign3A_2527, %sign3A_2530 : i32
      %sign3A_2532 = arith.constant 0 : i32
      %sign3A_2533 = arith.cmpi sgt, %jit3A_2523, %sign3A_2532 : i32
      %sign3A_2534 = arith.extui %sign3A_2533 : i1 to i32
      %sign3A_2535 = arith.constant 0 : i32
      %sign3A_2536 = arith.cmpi slt, %jit3A_2523, %sign3A_2535 : i32
      %sign3A_2537 = arith.extui %sign3A_2536 : i1 to i32
      %sign3A_2538 = arith.subi %sign3A_2534, %sign3A_2537 : i32
      %ne3A_2539 = arith.cmpi ne, %sign3A_2531, %sign3A_2538 : i32
      %rem3A_2540 = arith.remsi %select_n3A_2522, %jit3A_2523 : i32
      %ne3A_2541 = arith.constant 0 : i32
      %ne3A_2542 = arith.cmpi ne, %rem3A_2540, %ne3A_2541 : i32
      %and3A_2543 = arith.andi %ne3A_2539, %ne3A_2542 : i1
      %sub3A_2544 = arith.constant 1 : i32
      %sub3A_2545 = arith.subi %div3A_2524, %sub3A_2544 : i32
      %select_n3A_2546 = arith.select %and3A_2543, %sub3A_2545, %div3A_2524 : i32
      %mul3A_2547 = arith.constant 2048 : i32
      %mul3A_2548 = arith.muli %select_n3A_2506, %mul3A_2547 : i32
      %jit3A_2549 = arith.constant 16 : i32
      %eq3A_2550 = arith.constant 0 : i32
      %eq3A_2551 = arith.cmpi eq, %jit3A_2549, %eq3A_2550 : i32
      %jit3A_2552 = arith.constant 1 : i32
      %select_n3A_2553 = arith.select %eq3A_2551, %jit3A_2552, %jit3A_2549 : i32
      %rem3A_2554 = arith.remsi %select_n3A_2522, %select_n3A_2553 : i32
      %ne3A_2555 = arith.constant 0 : i32
      %ne3A_2556 = arith.cmpi ne, %rem3A_2554, %ne3A_2555 : i32
      %lt3A_2557 = arith.constant 0 : i32
      %lt3A_2558 = arith.cmpi slt, %rem3A_2554, %lt3A_2557 : i32
      %lt3A_2559 = arith.constant 0 : i32
      %lt3A_2560 = arith.cmpi slt, %select_n3A_2553, %lt3A_2559 : i32
      %ne3A_2561 = arith.xori %lt3A_2558, %lt3A_2560 : i1
      %and3A_2562 = arith.andi %ne3A_2561, %ne3A_2556 : i1
      %add3A_2563 = arith.addi %rem3A_2554, %select_n3A_2553 : i32
      %select_n3A_2564 = arith.select %and3A_2562, %add3A_2563, %rem3A_2554 : i32
      %mul3A_2565 = arith.constant 128 : i32
      %mul3A_2566 = arith.muli %select_n3A_2564, %mul3A_2565 : i32
      %add3A_2567 = arith.addi %mul3A_2548, %mul3A_2566 : i32
      %mul3A_2568 = arith.constant 32 : i32
      %mul3A_2569 = arith.muli %select_n3A_2546, %mul3A_2568 : i32
      %dma_wait3A_2570 = arith.constant 2 : i32
      %dma_wait3A_2571 = arith.constant 0 : i32
      %dma_wait3A_2572 = arith.constant 0 : i32
      %dma_wait3A_2573 = tpu.memref_slice %arg6[%dma_wait3A_2570, %dma_wait3A_2571, %dma_wait3A_2572] : memref<4x128x32xf32, #tpu.memory_space<vmem>> -> memref<1x128x32xf32, #tpu.memory_space<vmem>>
      %dma_wait3A_2574 = tpu.memref_squeeze %dma_wait3A_2573 : memref<1x128x32xf32, #tpu.memory_space<vmem>> -> memref<128x32xf32, #tpu.memory_space<vmem>>
      %dma_wait3A_2575 = tpu.memref_slice %arg4[%add3A_2567, %mul3A_2569] : memref<204800x128xf32, #tpu.memory_space<hbm>> -> memref<128x32xf32, #tpu.memory_space<hbm>>
      %dma_wait3A_2576 = tpu.memref_slice %arg4[%add3A_2567, %mul3A_2569] : memref<204800x128xf32, #tpu.memory_space<hbm>> -> memref<128x32xf32, #tpu.memory_space<hbm>>
      %dma_wait3A_2577 = arith.constant 0 : i32
      %dma_wait3A_2578 = arith.constant 0 : i32
      %dma_wait3A_2579 = tpu.memref_slice %arg6[%dma_wait3A_2570, %dma_wait3A_2577, %dma_wait3A_2578] : memref<4x128x32xf32, #tpu.memory_space<vmem>> -> memref<1x128x32xf32, #tpu.memory_space<vmem>>
      %dma_wait3A_2580 = tpu.memref_squeeze %dma_wait3A_2579 : memref<1x128x32xf32, #tpu.memory_space<vmem>> -> memref<128x32xf32, #tpu.memory_space<vmem>>
      tpu.wait_dma2 semaphore(%arg9 : memref<!tpu.dma_semaphore, #tpu.memory_space<semaphore_mem>>) src(%dma_wait3A_2580 : memref<128x32xf32, #tpu.memory_space<vmem>>) dst(%dma_wait3A_2576 : memref<128x32xf32, #tpu.memory_space<hbm>>)
      %mul3A_2581 = arith.constant 4 : i32
      %mul3A_2582 = arith.muli %sub3A_2271, %mul3A_2581 : i32
      %add3A_2583 = arith.constant 3 : i32
      %add3A_2584 = arith.addi %mul3A_2582, %add3A_2583 : i32
      %add3A_2585 = arith.addi %mul3A_2, %add3A_2584 : i32
      %jit3A_2586 = arith.constant 64 : i32
      %div3A_2587 = arith.divsi %add3A_2585, %jit3A_2586 : i32
      %sign3A_2588 = arith.constant 0 : i32
      %sign3A_2589 = arith.cmpi sgt, %add3A_2585, %sign3A_2588 : i32
      %sign3A_2590 = arith.extui %sign3A_2589 : i1 to i32
      %sign3A_2591 = arith.constant 0 : i32
      %sign3A_2592 = arith.cmpi slt, %add3A_2585, %sign3A_2591 : i32
      %sign3A_2593 = arith.extui %sign3A_2592 : i1 to i32
      %sign3A_2594 = arith.subi %sign3A_2590, %sign3A_2593 : i32
      %sign3A_2595 = arith.constant 0 : i32
      %sign3A_2596 = arith.cmpi sgt, %jit3A_2586, %sign3A_2595 : i32
      %sign3A_2597 = arith.extui %sign3A_2596 : i1 to i32
      %sign3A_2598 = arith.constant 0 : i32
      %sign3A_2599 = arith.cmpi slt, %jit3A_2586, %sign3A_2598 : i32
      %sign3A_2600 = arith.extui %sign3A_2599 : i1 to i32
      %sign3A_2601 = arith.subi %sign3A_2597, %sign3A_2600 : i32
      %ne3A_2602 = arith.cmpi ne, %sign3A_2594, %sign3A_2601 : i32
      %rem3A_2603 = arith.remsi %add3A_2585, %jit3A_2586 : i32
      %ne3A_2604 = arith.constant 0 : i32
      %ne3A_2605 = arith.cmpi ne, %rem3A_2603, %ne3A_2604 : i32
      %and3A_2606 = arith.andi %ne3A_2602, %ne3A_2605 : i1
      %sub3A_2607 = arith.constant 1 : i32
      %sub3A_2608 = arith.subi %div3A_2587, %sub3A_2607 : i32
      %select_n3A_2609 = arith.select %and3A_2606, %sub3A_2608, %div3A_2587 : i32
      %jit3A_2610 = arith.constant 64 : i32
      %eq3A_2611 = arith.constant 0 : i32
      %eq3A_2612 = arith.cmpi eq, %jit3A_2610, %eq3A_2611 : i32
      %jit3A_2613 = arith.constant 1 : i32
      %select_n3A_2614 = arith.select %eq3A_2612, %jit3A_2613, %jit3A_2610 : i32
      %rem3A_2615 = arith.remsi %add3A_2585, %select_n3A_2614 : i32
      %ne3A_2616 = arith.constant 0 : i32
      %ne3A_2617 = arith.cmpi ne, %rem3A_2615, %ne3A_2616 : i32
      %lt3A_2618 = arith.constant 0 : i32
      %lt3A_2619 = arith.cmpi slt, %rem3A_2615, %lt3A_2618 : i32
      %lt3A_2620 = arith.constant 0 : i32
      %lt3A_2621 = arith.cmpi slt, %select_n3A_2614, %lt3A_2620 : i32
      %ne3A_2622 = arith.xori %lt3A_2619, %lt3A_2621 : i1
      %and3A_2623 = arith.andi %ne3A_2622, %ne3A_2617 : i1
      %add3A_2624 = arith.addi %rem3A_2615, %select_n3A_2614 : i32
      %select_n3A_2625 = arith.select %and3A_2623, %add3A_2624, %rem3A_2615 : i32
      %jit3A_2626 = arith.constant 16 : i32
      %div3A_2627 = arith.divsi %select_n3A_2625, %jit3A_2626 : i32
      %sign3A_2628 = arith.constant 0 : i32
      %sign3A_2629 = arith.cmpi sgt, %select_n3A_2625, %sign3A_2628 : i32
      %sign3A_2630 = arith.extui %sign3A_2629 : i1 to i32
      %sign3A_2631 = arith.constant 0 : i32
      %sign3A_2632 = arith.cmpi slt, %select_n3A_2625, %sign3A_2631 : i32
      %sign3A_2633 = arith.extui %sign3A_2632 : i1 to i32
      %sign3A_2634 = arith.subi %sign3A_2630, %sign3A_2633 : i32
      %sign3A_2635 = arith.constant 0 : i32
      %sign3A_2636 = arith.cmpi sgt, %jit3A_2626, %sign3A_2635 : i32
      %sign3A_2637 = arith.extui %sign3A_2636 : i1 to i32
      %sign3A_2638 = arith.constant 0 : i32
      %sign3A_2639 = arith.cmpi slt, %jit3A_2626, %sign3A_2638 : i32
      %sign3A_2640 = arith.extui %sign3A_2639 : i1 to i32
      %sign3A_2641 = arith.subi %sign3A_2637, %sign3A_2640 : i32
      %ne3A_2642 = arith.cmpi ne, %sign3A_2634, %sign3A_2641 : i32
      %rem3A_2643 = arith.remsi %select_n3A_2625, %jit3A_2626 : i32
      %ne3A_2644 = arith.constant 0 : i32
      %ne3A_2645 = arith.cmpi ne, %rem3A_2643, %ne3A_2644 : i32
      %and3A_2646 = arith.andi %ne3A_2642, %ne3A_2645 : i1
      %sub3A_2647 = arith.constant 1 : i32
      %sub3A_2648 = arith.subi %div3A_2627, %sub3A_2647 : i32
      %select_n3A_2649 = arith.select %and3A_2646, %sub3A_2648, %div3A_2627 : i32
      %mul3A_2650 = arith.constant 2048 : i32
      %mul3A_2651 = arith.muli %select_n3A_2609, %mul3A_2650 : i32
      %jit3A_2652 = arith.constant 16 : i32
      %eq3A_2653 = arith.constant 0 : i32
      %eq3A_2654 = arith.cmpi eq, %jit3A_2652, %eq3A_2653 : i32
      %jit3A_2655 = arith.constant 1 : i32
      %select_n3A_2656 = arith.select %eq3A_2654, %jit3A_2655, %jit3A_2652 : i32
      %rem3A_2657 = arith.remsi %select_n3A_2625, %select_n3A_2656 : i32
      %ne3A_2658 = arith.constant 0 : i32
      %ne3A_2659 = arith.cmpi ne, %rem3A_2657, %ne3A_2658 : i32
      %lt3A_2660 = arith.constant 0 : i32
      %lt3A_2661 = arith.cmpi slt, %rem3A_2657, %lt3A_2660 : i32
      %lt3A_2662 = arith.constant 0 : i32
      %lt3A_2663 = arith.cmpi slt, %select_n3A_2656, %lt3A_2662 : i32
      %ne3A_2664 = arith.xori %lt3A_2661, %lt3A_2663 : i1
      %and3A_2665 = arith.andi %ne3A_2664, %ne3A_2659 : i1
      %add3A_2666 = arith.addi %rem3A_2657, %select_n3A_2656 : i32
      %select_n3A_2667 = arith.select %and3A_2665, %add3A_2666, %rem3A_2657 : i32
      %mul3A_2668 = arith.constant 128 : i32
      %mul3A_2669 = arith.muli %select_n3A_2667, %mul3A_2668 : i32
      %add3A_2670 = arith.addi %mul3A_2651, %mul3A_2669 : i32
      %mul3A_2671 = arith.constant 32 : i32
      %mul3A_2672 = arith.muli %select_n3A_2649, %mul3A_2671 : i32
      %dma_wait3A_2673 = arith.constant 3 : i32
      %dma_wait3A_2674 = arith.constant 0 : i32
      %dma_wait3A_2675 = arith.constant 0 : i32
      %dma_wait3A_2676 = tpu.memref_slice %arg6[%dma_wait3A_2673, %dma_wait3A_2674, %dma_wait3A_2675] : memref<4x128x32xf32, #tpu.memory_space<vmem>> -> memref<1x128x32xf32, #tpu.memory_space<vmem>>
      %dma_wait3A_2677 = tpu.memref_squeeze %dma_wait3A_2676 : memref<1x128x32xf32, #tpu.memory_space<vmem>> -> memref<128x32xf32, #tpu.memory_space<vmem>>
      %dma_wait3A_2678 = tpu.memref_slice %arg4[%add3A_2670, %mul3A_2672] : memref<204800x128xf32, #tpu.memory_space<hbm>> -> memref<128x32xf32, #tpu.memory_space<hbm>>
      %dma_wait3A_2679 = tpu.memref_slice %arg4[%add3A_2670, %mul3A_2672] : memref<204800x128xf32, #tpu.memory_space<hbm>> -> memref<128x32xf32, #tpu.memory_space<hbm>>
      %dma_wait3A_2680 = arith.constant 0 : i32
      %dma_wait3A_2681 = arith.constant 0 : i32
      %dma_wait3A_2682 = tpu.memref_slice %arg6[%dma_wait3A_2673, %dma_wait3A_2680, %dma_wait3A_2681] : memref<4x128x32xf32, #tpu.memory_space<vmem>> -> memref<1x128x32xf32, #tpu.memory_space<vmem>>
      %dma_wait3A_2683 = tpu.memref_squeeze %dma_wait3A_2682 : memref<1x128x32xf32, #tpu.memory_space<vmem>> -> memref<128x32xf32, #tpu.memory_space<vmem>>
      tpu.wait_dma2 semaphore(%arg9 : memref<!tpu.dma_semaphore, #tpu.memory_space<semaphore_mem>>) src(%dma_wait3A_2683 : memref<128x32xf32, #tpu.memory_space<vmem>>) dst(%dma_wait3A_2679 : memref<128x32xf32, #tpu.memory_space<hbm>>)
      %add3A_2684 = arith.constant 1 : i32
      %add3A_2685 = arith.addi %add3A_1795, %add3A_2684 : i32
      %mul3A_2686 = arith.constant 4 : i32
      %mul3A_2687 = arith.muli %add3A_2685, %mul3A_2686 : i32
      %add3A_2688 = arith.constant 0 : i32
      %add3A_2689 = arith.addi %mul3A_2687, %add3A_2688 : i32
      %dma_start3A_2690 = arith.constant 0 : i32
      %dma_start3A_2691 = arith.constant 0 : i32
      %dma_start3A_2692 = arith.constant 0 : i32
      %dma_start3A_2693 = tpu.memref_slice %arg6[%dma_start3A_2690, %dma_start3A_2691, %dma_start3A_2692] : memref<4x128x32xf32, #tpu.memory_space<vmem>> -> memref<1x128x32xf32, #tpu.memory_space<vmem>>
      %dma_start3A_2694 = tpu.memref_squeeze %dma_start3A_2693 : memref<1x128x32xf32, #tpu.memory_space<vmem>> -> memref<128x32xf32, #tpu.memory_space<vmem>>
      %dma_start3A_2695 = arith.constant 0 : i32
      %dma_start3A_2696 = tpu.memref_slice %arg5[%add3A_2689, %dma_start3A_2695] : memref<200x128xi32, #tpu.memory_space<vmem>> -> memref<1x128xi32, #tpu.memory_space<vmem>>
      %dma_start3A_2697 = tpu.memref_squeeze %dma_start3A_2696 : memref<1x128xi32, #tpu.memory_space<vmem>> -> memref<128xi32, #tpu.memory_space<vmem>>
      %dma_start3A_2698 = arith.constant 0 : i32
      %dma_start3A_2699 = arith.constant 0 : i32
      %dma_start3A_2700 = tpu.memref_slice %arg2[%dma_start3A_2698, %dma_start3A_2699] : memref<1015808x32xf32, #tpu.memory_space<hbm>> -> memref<1015808x32xf32, #tpu.memory_space<hbm>>
      tpu.enqueue_indirect_dma source(%dma_start3A_2700 : memref<1015808x32xf32, #tpu.memory_space<hbm>>) target(%dma_start3A_2694 : memref<128x32xf32, #tpu.memory_space<vmem>>) offsets(%dma_start3A_2697 : memref<128xi32, #tpu.memory_space<vmem>>) semaphore(%arg8 : memref<!tpu.dma_semaphore, #tpu.memory_space<semaphore_mem>>)
      %mul3A_2701 = arith.constant 4 : i32
      %mul3A_2702 = arith.muli %add3A_2685, %mul3A_2701 : i32
      %add3A_2703 = arith.constant 1 : i32
      %add3A_2704 = arith.addi %mul3A_2702, %add3A_2703 : i32
      %dma_start3A_2705 = arith.constant 1 : i32
      %dma_start3A_2706 = arith.constant 0 : i32
      %dma_start3A_2707 = arith.constant 0 : i32
      %dma_start3A_2708 = tpu.memref_slice %arg6[%dma_start3A_2705, %dma_start3A_2706, %dma_start3A_2707] : memref<4x128x32xf32, #tpu.memory_space<vmem>> -> memref<1x128x32xf32, #tpu.memory_space<vmem>>
      %dma_start3A_2709 = tpu.memref_squeeze %dma_start3A_2708 : memref<1x128x32xf32, #tpu.memory_space<vmem>> -> memref<128x32xf32, #tpu.memory_space<vmem>>
      %dma_start3A_2710 = arith.constant 0 : i32
      %dma_start3A_2711 = tpu.memref_slice %arg5[%add3A_2704, %dma_start3A_2710] : memref<200x128xi32, #tpu.memory_space<vmem>> -> memref<1x128xi32, #tpu.memory_space<vmem>>
      %dma_start3A_2712 = tpu.memref_squeeze %dma_start3A_2711 : memref<1x128xi32, #tpu.memory_space<vmem>> -> memref<128xi32, #tpu.memory_space<vmem>>
      %dma_start3A_2713 = arith.constant 0 : i32
      %dma_start3A_2714 = arith.constant 0 : i32
      %dma_start3A_2715 = tpu.memref_slice %arg2[%dma_start3A_2713, %dma_start3A_2714] : memref<1015808x32xf32, #tpu.memory_space<hbm>> -> memref<1015808x32xf32, #tpu.memory_space<hbm>>
      tpu.enqueue_indirect_dma source(%dma_start3A_2715 : memref<1015808x32xf32, #tpu.memory_space<hbm>>) target(%dma_start3A_2709 : memref<128x32xf32, #tpu.memory_space<vmem>>) offsets(%dma_start3A_2712 : memref<128xi32, #tpu.memory_space<vmem>>) semaphore(%arg8 : memref<!tpu.dma_semaphore, #tpu.memory_space<semaphore_mem>>)
      %mul3A_2716 = arith.constant 4 : i32
      %mul3A_2717 = arith.muli %add3A_2685, %mul3A_2716 : i32
      %add3A_2718 = arith.constant 2 : i32
      %add3A_2719 = arith.addi %mul3A_2717, %add3A_2718 : i32
      %dma_start3A_2720 = arith.constant 2 : i32
      %dma_start3A_2721 = arith.constant 0 : i32
      %dma_start3A_2722 = arith.constant 0 : i32
      %dma_start3A_2723 = tpu.memref_slice %arg6[%dma_start3A_2720, %dma_start3A_2721, %dma_start3A_2722] : memref<4x128x32xf32, #tpu.memory_space<vmem>> -> memref<1x128x32xf32, #tpu.memory_space<vmem>>
      %dma_start3A_2724 = tpu.memref_squeeze %dma_start3A_2723 : memref<1x128x32xf32, #tpu.memory_space<vmem>> -> memref<128x32xf32, #tpu.memory_space<vmem>>
      %dma_start3A_2725 = arith.constant 0 : i32
      %dma_start3A_2726 = tpu.memref_slice %arg5[%add3A_2719, %dma_start3A_2725] : memref<200x128xi32, #tpu.memory_space<vmem>> -> memref<1x128xi32, #tpu.memory_space<vmem>>
      %dma_start3A_2727 = tpu.memref_squeeze %dma_start3A_2726 : memref<1x128xi32, #tpu.memory_space<vmem>> -> memref<128xi32, #tpu.memory_space<vmem>>
      %dma_start3A_2728 = arith.constant 0 : i32
      %dma_start3A_2729 = arith.constant 0 : i32
      %dma_start3A_2730 = tpu.memref_slice %arg2[%dma_start3A_2728, %dma_start3A_2729] : memref<1015808x32xf32, #tpu.memory_space<hbm>> -> memref<1015808x32xf32, #tpu.memory_space<hbm>>
      tpu.enqueue_indirect_dma source(%dma_start3A_2730 : memref<1015808x32xf32, #tpu.memory_space<hbm>>) target(%dma_start3A_2724 : memref<128x32xf32, #tpu.memory_space<vmem>>) offsets(%dma_start3A_2727 : memref<128xi32, #tpu.memory_space<vmem>>) semaphore(%arg8 : memref<!tpu.dma_semaphore, #tpu.memory_space<semaphore_mem>>)
      %mul3A_2731 = arith.constant 4 : i32
      %mul3A_2732 = arith.muli %add3A_2685, %mul3A_2731 : i32
      %add3A_2733 = arith.constant 3 : i32
      %add3A_2734 = arith.addi %mul3A_2732, %add3A_2733 : i32
      %dma_start3A_2735 = arith.constant 3 : i32
      %dma_start3A_2736 = arith.constant 0 : i32
      %dma_start3A_2737 = arith.constant 0 : i32
      %dma_start3A_2738 = tpu.memref_slice %arg6[%dma_start3A_2735, %dma_start3A_2736, %dma_start3A_2737] : memref<4x128x32xf32, #tpu.memory_space<vmem>> -> memref<1x128x32xf32, #tpu.memory_space<vmem>>
      %dma_start3A_2739 = tpu.memref_squeeze %dma_start3A_2738 : memref<1x128x32xf32, #tpu.memory_space<vmem>> -> memref<128x32xf32, #tpu.memory_space<vmem>>
      %dma_start3A_2740 = arith.constant 0 : i32
      %dma_start3A_2741 = tpu.memref_slice %arg5[%add3A_2734, %dma_start3A_2740] : memref<200x128xi32, #tpu.memory_space<vmem>> -> memref<1x128xi32, #tpu.memory_space<vmem>>
      %dma_start3A_2742 = tpu.memref_squeeze %dma_start3A_2741 : memref<1x128xi32, #tpu.memory_space<vmem>> -> memref<128xi32, #tpu.memory_space<vmem>>
      %dma_start3A_2743 = arith.constant 0 : i32
      %dma_start3A_2744 = arith.constant 0 : i32
      %dma_start3A_2745 = tpu.memref_slice %arg2[%dma_start3A_2743, %dma_start3A_2744] : memref<1015808x32xf32, #tpu.memory_space<hbm>> -> memref<1015808x32xf32, #tpu.memory_space<hbm>>
      tpu.enqueue_indirect_dma source(%dma_start3A_2745 : memref<1015808x32xf32, #tpu.memory_space<hbm>>) target(%dma_start3A_2739 : memref<128x32xf32, #tpu.memory_space<vmem>>) offsets(%dma_start3A_2742 : memref<128xi32, #tpu.memory_space<vmem>>) semaphore(%arg8 : memref<!tpu.dma_semaphore, #tpu.memory_space<semaphore_mem>>)
      %mul3A_2746 = arith.constant 4 : i32
      %mul3A_2747 = arith.muli %add3A_1797, %mul3A_2746 : i32
      %add3A_2748 = arith.constant 0 : i32
      %add3A_2749 = arith.addi %mul3A_2747, %add3A_2748 : i32
      %dma_wait3A_2750 = arith.constant 0 : i32
      %dma_wait3A_2751 = arith.constant 0 : i32
      %dma_wait3A_2752 = arith.constant 0 : i32
      %dma_wait3A_2753 = tpu.memref_slice %arg6[%dma_wait3A_2750, %dma_wait3A_2751, %dma_wait3A_2752] : memref<4x128x32xf32, #tpu.memory_space<vmem>> -> memref<1x128x32xf32, #tpu.memory_space<vmem>>
      %dma_wait3A_2754 = tpu.memref_squeeze %dma_wait3A_2753 : memref<1x128x32xf32, #tpu.memory_space<vmem>> -> memref<128x32xf32, #tpu.memory_space<vmem>>
      %dma_wait3A_2755 = arith.constant 0 : i32
      %dma_wait3A_2756 = tpu.memref_slice %arg5[%add3A_2749, %dma_wait3A_2755] : memref<200x128xi32, #tpu.memory_space<vmem>> -> memref<1x128xi32, #tpu.memory_space<vmem>>
      %dma_wait3A_2757 = tpu.memref_squeeze %dma_wait3A_2756 : memref<1x128xi32, #tpu.memory_space<vmem>> -> memref<128xi32, #tpu.memory_space<vmem>>
      %dma_wait3A_2758 = arith.constant 0 : i32
      %dma_wait3A_2759 = arith.constant 0 : i32
      %dma_wait3A_2760 = tpu.memref_slice %arg2[%dma_wait3A_2758, %dma_wait3A_2759] : memref<1015808x32xf32, #tpu.memory_space<hbm>> -> memref<1015808x32xf32, #tpu.memory_space<hbm>>
      tpu.wait_indirect_dma semaphore(%arg8 : memref<!tpu.dma_semaphore, #tpu.memory_space<semaphore_mem>>) src(%dma_wait3A_2760 : memref<1015808x32xf32, #tpu.memory_space<hbm>>) dst(%dma_wait3A_2754 : memref<128x32xf32, #tpu.memory_space<vmem>>)
      %mul3A_2761 = arith.constant 4 : i32
      %mul3A_2762 = arith.muli %add3A_1797, %mul3A_2761 : i32
      %add3A_2763 = arith.constant 1 : i32
      %add3A_2764 = arith.addi %mul3A_2762, %add3A_2763 : i32
      %dma_wait3A_2765 = arith.constant 1 : i32
      %dma_wait3A_2766 = arith.constant 0 : i32
      %dma_wait3A_2767 = arith.constant 0 : i32
      %dma_wait3A_2768 = tpu.memref_slice %arg6[%dma_wait3A_2765, %dma_wait3A_2766, %dma_wait3A_2767] : memref<4x128x32xf32, #tpu.memory_space<vmem>> -> memref<1x128x32xf32, #tpu.memory_space<vmem>>
      %dma_wait3A_2769 = tpu.memref_squeeze %dma_wait3A_2768 : memref<1x128x32xf32, #tpu.memory_space<vmem>> -> memref<128x32xf32, #tpu.memory_space<vmem>>
      %dma_wait3A_2770 = arith.constant 0 : i32
      %dma_wait3A_2771 = tpu.memref_slice %arg5[%add3A_2764, %dma_wait3A_2770] : memref<200x128xi32, #tpu.memory_space<vmem>> -> memref<1x128xi32, #tpu.memory_space<vmem>>
      %dma_wait3A_2772 = tpu.memref_squeeze %dma_wait3A_2771 : memref<1x128xi32, #tpu.memory_space<vmem>> -> memref<128xi32, #tpu.memory_space<vmem>>
      %dma_wait3A_2773 = arith.constant 0 : i32
      %dma_wait3A_2774 = arith.constant 0 : i32
      %dma_wait3A_2775 = tpu.memref_slice %arg2[%dma_wait3A_2773, %dma_wait3A_2774] : memref<1015808x32xf32, #tpu.memory_space<hbm>> -> memref<1015808x32xf32, #tpu.memory_space<hbm>>
      tpu.wait_indirect_dma semaphore(%arg8 : memref<!tpu.dma_semaphore, #tpu.memory_space<semaphore_mem>>) src(%dma_wait3A_2775 : memref<1015808x32xf32, #tpu.memory_space<hbm>>) dst(%dma_wait3A_2769 : memref<128x32xf32, #tpu.memory_space<vmem>>)
      %mul3A_2776 = arith.constant 4 : i32
      %mul3A_2777 = arith.muli %add3A_1797, %mul3A_2776 : i32
      %add3A_2778 = arith.constant 2 : i32
      %add3A_2779 = arith.addi %mul3A_2777, %add3A_2778 : i32
      %dma_wait3A_2780 = arith.constant 2 : i32
      %dma_wait3A_2781 = arith.constant 0 : i32
      %dma_wait3A_2782 = arith.constant 0 : i32
      %dma_wait3A_2783 = tpu.memref_slice %arg6[%dma_wait3A_2780, %dma_wait3A_2781, %dma_wait3A_2782] : memref<4x128x32xf32, #tpu.memory_space<vmem>> -> memref<1x128x32xf32, #tpu.memory_space<vmem>>
      %dma_wait3A_2784 = tpu.memref_squeeze %dma_wait3A_2783 : memref<1x128x32xf32, #tpu.memory_space<vmem>> -> memref<128x32xf32, #tpu.memory_space<vmem>>
      %dma_wait3A_2785 = arith.constant 0 : i32
      %dma_wait3A_2786 = tpu.memref_slice %arg5[%add3A_2779, %dma_wait3A_2785] : memref<200x128xi32, #tpu.memory_space<vmem>> -> memref<1x128xi32, #tpu.memory_space<vmem>>
      %dma_wait3A_2787 = tpu.memref_squeeze %dma_wait3A_2786 : memref<1x128xi32, #tpu.memory_space<vmem>> -> memref<128xi32, #tpu.memory_space<vmem>>
      %dma_wait3A_2788 = arith.constant 0 : i32
      %dma_wait3A_2789 = arith.constant 0 : i32
      %dma_wait3A_2790 = tpu.memref_slice %arg2[%dma_wait3A_2788, %dma_wait3A_2789] : memref<1015808x32xf32, #tpu.memory_space<hbm>> -> memref<1015808x32xf32, #tpu.memory_space<hbm>>
      tpu.wait_indirect_dma semaphore(%arg8 : memref<!tpu.dma_semaphore, #tpu.memory_space<semaphore_mem>>) src(%dma_wait3A_2790 : memref<1015808x32xf32, #tpu.memory_space<hbm>>) dst(%dma_wait3A_2784 : memref<128x32xf32, #tpu.memory_space<vmem>>)
      %mul3A_2791 = arith.constant 4 : i32
      %mul3A_2792 = arith.muli %add3A_1797, %mul3A_2791 : i32
      %add3A_2793 = arith.constant 3 : i32
      %add3A_2794 = arith.addi %mul3A_2792, %add3A_2793 : i32
      %dma_wait3A_2795 = arith.constant 3 : i32
      %dma_wait3A_2796 = arith.constant 0 : i32
      %dma_wait3A_2797 = arith.constant 0 : i32
      %dma_wait3A_2798 = tpu.memref_slice %arg6[%dma_wait3A_2795, %dma_wait3A_2796, %dma_wait3A_2797] : memref<4x128x32xf32, #tpu.memory_space<vmem>> -> memref<1x128x32xf32, #tpu.memory_space<vmem>>
      %dma_wait3A_2799 = tpu.memref_squeeze %dma_wait3A_2798 : memref<1x128x32xf32, #tpu.memory_space<vmem>> -> memref<128x32xf32, #tpu.memory_space<vmem>>
      %dma_wait3A_2800 = arith.constant 0 : i32
      %dma_wait3A_2801 = tpu.memref_slice %arg5[%add3A_2794, %dma_wait3A_2800] : memref<200x128xi32, #tpu.memory_space<vmem>> -> memref<1x128xi32, #tpu.memory_space<vmem>>
      %dma_wait3A_2802 = tpu.memref_squeeze %dma_wait3A_2801 : memref<1x128xi32, #tpu.memory_space<vmem>> -> memref<128xi32, #tpu.memory_space<vmem>>
      %dma_wait3A_2803 = arith.constant 0 : i32
      %dma_wait3A_2804 = arith.constant 0 : i32
      %dma_wait3A_2805 = tpu.memref_slice %arg2[%dma_wait3A_2803, %dma_wait3A_2804] : memref<1015808x32xf32, #tpu.memory_space<hbm>> -> memref<1015808x32xf32, #tpu.memory_space<hbm>>
      tpu.wait_indirect_dma semaphore(%arg8 : memref<!tpu.dma_semaphore, #tpu.memory_space<semaphore_mem>>) src(%dma_wait3A_2805 : memref<1015808x32xf32, #tpu.memory_space<hbm>>) dst(%dma_wait3A_2799 : memref<128x32xf32, #tpu.memory_space<vmem>>)
      %mul3A_2806 = arith.constant 4 : i32
      %mul3A_2807 = arith.muli %add3A_1797, %mul3A_2806 : i32
      %add3A_2808 = arith.constant 0 : i32
      %add3A_2809 = arith.addi %mul3A_2807, %add3A_2808 : i32
      %add3A_2810 = arith.addi %mul3A_2, %add3A_2809 : i32
      %jit3A_2811 = arith.constant 64 : i32
      %div3A_2812 = arith.divsi %add3A_2810, %jit3A_2811 : i32
      %sign3A_2813 = arith.constant 0 : i32
      %sign3A_2814 = arith.cmpi sgt, %add3A_2810, %sign3A_2813 : i32
      %sign3A_2815 = arith.extui %sign3A_2814 : i1 to i32
      %sign3A_2816 = arith.constant 0 : i32
      %sign3A_2817 = arith.cmpi slt, %add3A_2810, %sign3A_2816 : i32
      %sign3A_2818 = arith.extui %sign3A_2817 : i1 to i32
      %sign3A_2819 = arith.subi %sign3A_2815, %sign3A_2818 : i32
      %sign3A_2820 = arith.constant 0 : i32
      %sign3A_2821 = arith.cmpi sgt, %jit3A_2811, %sign3A_2820 : i32
      %sign3A_2822 = arith.extui %sign3A_2821 : i1 to i32
      %sign3A_2823 = arith.constant 0 : i32
      %sign3A_2824 = arith.cmpi slt, %jit3A_2811, %sign3A_2823 : i32
      %sign3A_2825 = arith.extui %sign3A_2824 : i1 to i32
      %sign3A_2826 = arith.subi %sign3A_2822, %sign3A_2825 : i32
      %ne3A_2827 = arith.cmpi ne, %sign3A_2819, %sign3A_2826 : i32
      %rem3A_2828 = arith.remsi %add3A_2810, %jit3A_2811 : i32
      %ne3A_2829 = arith.constant 0 : i32
      %ne3A_2830 = arith.cmpi ne, %rem3A_2828, %ne3A_2829 : i32
      %and3A_2831 = arith.andi %ne3A_2827, %ne3A_2830 : i1
      %sub3A_2832 = arith.constant 1 : i32
      %sub3A_2833 = arith.subi %div3A_2812, %sub3A_2832 : i32
      %select_n3A_2834 = arith.select %and3A_2831, %sub3A_2833, %div3A_2812 : i32
      %jit3A_2835 = arith.constant 64 : i32
      %eq3A_2836 = arith.constant 0 : i32
      %eq3A_2837 = arith.cmpi eq, %jit3A_2835, %eq3A_2836 : i32
      %jit3A_2838 = arith.constant 1 : i32
      %select_n3A_2839 = arith.select %eq3A_2837, %jit3A_2838, %jit3A_2835 : i32
      %rem3A_2840 = arith.remsi %add3A_2810, %select_n3A_2839 : i32
      %ne3A_2841 = arith.constant 0 : i32
      %ne3A_2842 = arith.cmpi ne, %rem3A_2840, %ne3A_2841 : i32
      %lt3A_2843 = arith.constant 0 : i32
      %lt3A_2844 = arith.cmpi slt, %rem3A_2840, %lt3A_2843 : i32
      %lt3A_2845 = arith.constant 0 : i32
      %lt3A_2846 = arith.cmpi slt, %select_n3A_2839, %lt3A_2845 : i32
      %ne3A_2847 = arith.xori %lt3A_2844, %lt3A_2846 : i1
      %and3A_2848 = arith.andi %ne3A_2847, %ne3A_2842 : i1
      %add3A_2849 = arith.addi %rem3A_2840, %select_n3A_2839 : i32
      %select_n3A_2850 = arith.select %and3A_2848, %add3A_2849, %rem3A_2840 : i32
      %jit3A_2851 = arith.constant 16 : i32
      %div3A_2852 = arith.divsi %select_n3A_2850, %jit3A_2851 : i32
      %sign3A_2853 = arith.constant 0 : i32
      %sign3A_2854 = arith.cmpi sgt, %select_n3A_2850, %sign3A_2853 : i32
      %sign3A_2855 = arith.extui %sign3A_2854 : i1 to i32
      %sign3A_2856 = arith.constant 0 : i32
      %sign3A_2857 = arith.cmpi slt, %select_n3A_2850, %sign3A_2856 : i32
      %sign3A_2858 = arith.extui %sign3A_2857 : i1 to i32
      %sign3A_2859 = arith.subi %sign3A_2855, %sign3A_2858 : i32
      %sign3A_2860 = arith.constant 0 : i32
      %sign3A_2861 = arith.cmpi sgt, %jit3A_2851, %sign3A_2860 : i32
      %sign3A_2862 = arith.extui %sign3A_2861 : i1 to i32
      %sign3A_2863 = arith.constant 0 : i32
      %sign3A_2864 = arith.cmpi slt, %jit3A_2851, %sign3A_2863 : i32
      %sign3A_2865 = arith.extui %sign3A_2864 : i1 to i32
      %sign3A_2866 = arith.subi %sign3A_2862, %sign3A_2865 : i32
      %ne3A_2867 = arith.cmpi ne, %sign3A_2859, %sign3A_2866 : i32
      %rem3A_2868 = arith.remsi %select_n3A_2850, %jit3A_2851 : i32
      %ne3A_2869 = arith.constant 0 : i32
      %ne3A_2870 = arith.cmpi ne, %rem3A_2868, %ne3A_2869 : i32
      %and3A_2871 = arith.andi %ne3A_2867, %ne3A_2870 : i1
      %sub3A_2872 = arith.constant 1 : i32
      %sub3A_2873 = arith.subi %div3A_2852, %sub3A_2872 : i32
      %select_n3A_2874 = arith.select %and3A_2871, %sub3A_2873, %div3A_2852 : i32
      %mul3A_2875 = arith.constant 2048 : i32
      %mul3A_2876 = arith.muli %select_n3A_2834, %mul3A_2875 : i32
      %jit3A_2877 = arith.constant 16 : i32
      %eq3A_2878 = arith.constant 0 : i32
      %eq3A_2879 = arith.cmpi eq, %jit3A_2877, %eq3A_2878 : i32
      %jit3A_2880 = arith.constant 1 : i32
      %select_n3A_2881 = arith.select %eq3A_2879, %jit3A_2880, %jit3A_2877 : i32
      %rem3A_2882 = arith.remsi %select_n3A_2850, %select_n3A_2881 : i32
      %ne3A_2883 = arith.constant 0 : i32
      %ne3A_2884 = arith.cmpi ne, %rem3A_2882, %ne3A_2883 : i32
      %lt3A_2885 = arith.constant 0 : i32
      %lt3A_2886 = arith.cmpi slt, %rem3A_2882, %lt3A_2885 : i32
      %lt3A_2887 = arith.constant 0 : i32
      %lt3A_2888 = arith.cmpi slt, %select_n3A_2881, %lt3A_2887 : i32
      %ne3A_2889 = arith.xori %lt3A_2886, %lt3A_2888 : i1
      %and3A_2890 = arith.andi %ne3A_2889, %ne3A_2884 : i1
      %add3A_2891 = arith.addi %rem3A_2882, %select_n3A_2881 : i32
      %select_n3A_2892 = arith.select %and3A_2890, %add3A_2891, %rem3A_2882 : i32
      %mul3A_2893 = arith.constant 128 : i32
      %mul3A_2894 = arith.muli %select_n3A_2892, %mul3A_2893 : i32
      %add3A_2895 = arith.addi %mul3A_2876, %mul3A_2894 : i32
      %mul3A_2896 = arith.constant 32 : i32
      %mul3A_2897 = arith.muli %select_n3A_2874, %mul3A_2896 : i32
      %dma_start3A_2898 = arith.constant 0 : i32
      %dma_start3A_2899 = arith.constant 0 : i32
      %dma_start3A_2900 = arith.constant 0 : i32
      %dma_start3A_2901 = tpu.memref_slice %arg6[%dma_start3A_2898, %dma_start3A_2899, %dma_start3A_2900] : memref<4x128x32xf32, #tpu.memory_space<vmem>> -> memref<1x128x32xf32, #tpu.memory_space<vmem>>
      %dma_start3A_2902 = tpu.memref_squeeze %dma_start3A_2901 : memref<1x128x32xf32, #tpu.memory_space<vmem>> -> memref<128x32xf32, #tpu.memory_space<vmem>>
      %dma_start3A_2903 = tpu.memref_slice %arg4[%add3A_2895, %mul3A_2897] : memref<204800x128xf32, #tpu.memory_space<hbm>> -> memref<128x32xf32, #tpu.memory_space<hbm>>
      %dma_start3A_2904 = tpu.memref_slice %arg4[%add3A_2895, %mul3A_2897] : memref<204800x128xf32, #tpu.memory_space<hbm>> -> memref<128x32xf32, #tpu.memory_space<hbm>>
      %dma_start3A_2905 = arith.constant 0 : i32
      %dma_start3A_2906 = arith.constant 0 : i32
      %dma_start3A_2907 = tpu.memref_slice %arg6[%dma_start3A_2898, %dma_start3A_2905, %dma_start3A_2906] : memref<4x128x32xf32, #tpu.memory_space<vmem>> -> memref<1x128x32xf32, #tpu.memory_space<vmem>>
      %dma_start3A_2908 = tpu.memref_squeeze %dma_start3A_2907 : memref<1x128x32xf32, #tpu.memory_space<vmem>> -> memref<128x32xf32, #tpu.memory_space<vmem>>
      tpu.enqueue_dma source(%dma_start3A_2908 : memref<128x32xf32, #tpu.memory_space<vmem>>) target(%dma_start3A_2904 : memref<128x32xf32, #tpu.memory_space<hbm>>) target_semaphore(%arg9 : memref<!tpu.dma_semaphore, #tpu.memory_space<semaphore_mem>>)
      %mul3A_2909 = arith.constant 4 : i32
      %mul3A_2910 = arith.muli %add3A_1797, %mul3A_2909 : i32
      %add3A_2911 = arith.constant 1 : i32
      %add3A_2912 = arith.addi %mul3A_2910, %add3A_2911 : i32
      %add3A_2913 = arith.addi %mul3A_2, %add3A_2912 : i32
      %jit3A_2914 = arith.constant 64 : i32
      %div3A_2915 = arith.divsi %add3A_2913, %jit3A_2914 : i32
      %sign3A_2916 = arith.constant 0 : i32
      %sign3A_2917 = arith.cmpi sgt, %add3A_2913, %sign3A_2916 : i32
      %sign3A_2918 = arith.extui %sign3A_2917 : i1 to i32
      %sign3A_2919 = arith.constant 0 : i32
      %sign3A_2920 = arith.cmpi slt, %add3A_2913, %sign3A_2919 : i32
      %sign3A_2921 = arith.extui %sign3A_2920 : i1 to i32
      %sign3A_2922 = arith.subi %sign3A_2918, %sign3A_2921 : i32
      %sign3A_2923 = arith.constant 0 : i32
      %sign3A_2924 = arith.cmpi sgt, %jit3A_2914, %sign3A_2923 : i32
      %sign3A_2925 = arith.extui %sign3A_2924 : i1 to i32
      %sign3A_2926 = arith.constant 0 : i32
      %sign3A_2927 = arith.cmpi slt, %jit3A_2914, %sign3A_2926 : i32
      %sign3A_2928 = arith.extui %sign3A_2927 : i1 to i32
      %sign3A_2929 = arith.subi %sign3A_2925, %sign3A_2928 : i32
      %ne3A_2930 = arith.cmpi ne, %sign3A_2922, %sign3A_2929 : i32
      %rem3A_2931 = arith.remsi %add3A_2913, %jit3A_2914 : i32
      %ne3A_2932 = arith.constant 0 : i32
      %ne3A_2933 = arith.cmpi ne, %rem3A_2931, %ne3A_2932 : i32
      %and3A_2934 = arith.andi %ne3A_2930, %ne3A_2933 : i1
      %sub3A_2935 = arith.constant 1 : i32
      %sub3A_2936 = arith.subi %div3A_2915, %sub3A_2935 : i32
      %select_n3A_2937 = arith.select %and3A_2934, %sub3A_2936, %div3A_2915 : i32
      %jit3A_2938 = arith.constant 64 : i32
      %eq3A_2939 = arith.constant 0 : i32
      %eq3A_2940 = arith.cmpi eq, %jit3A_2938, %eq3A_2939 : i32
      %jit3A_2941 = arith.constant 1 : i32
      %select_n3A_2942 = arith.select %eq3A_2940, %jit3A_2941, %jit3A_2938 : i32
      %rem3A_2943 = arith.remsi %add3A_2913, %select_n3A_2942 : i32
      %ne3A_2944 = arith.constant 0 : i32
      %ne3A_2945 = arith.cmpi ne, %rem3A_2943, %ne3A_2944 : i32
      %lt3A_2946 = arith.constant 0 : i32
      %lt3A_2947 = arith.cmpi slt, %rem3A_2943, %lt3A_2946 : i32
      %lt3A_2948 = arith.constant 0 : i32
      %lt3A_2949 = arith.cmpi slt, %select_n3A_2942, %lt3A_2948 : i32
      %ne3A_2950 = arith.xori %lt3A_2947, %lt3A_2949 : i1
      %and3A_2951 = arith.andi %ne3A_2950, %ne3A_2945 : i1
      %add3A_2952 = arith.addi %rem3A_2943, %select_n3A_2942 : i32
      %select_n3A_2953 = arith.select %and3A_2951, %add3A_2952, %rem3A_2943 : i32
      %jit3A_2954 = arith.constant 16 : i32
      %div3A_2955 = arith.divsi %select_n3A_2953, %jit3A_2954 : i32
      %sign3A_2956 = arith.constant 0 : i32
      %sign3A_2957 = arith.cmpi sgt, %select_n3A_2953, %sign3A_2956 : i32
      %sign3A_2958 = arith.extui %sign3A_2957 : i1 to i32
      %sign3A_2959 = arith.constant 0 : i32
      %sign3A_2960 = arith.cmpi slt, %select_n3A_2953, %sign3A_2959 : i32
      %sign3A_2961 = arith.extui %sign3A_2960 : i1 to i32
      %sign3A_2962 = arith.subi %sign3A_2958, %sign3A_2961 : i32
      %sign3A_2963 = arith.constant 0 : i32
      %sign3A_2964 = arith.cmpi sgt, %jit3A_2954, %sign3A_2963 : i32
      %sign3A_2965 = arith.extui %sign3A_2964 : i1 to i32
      %sign3A_2966 = arith.constant 0 : i32
      %sign3A_2967 = arith.cmpi slt, %jit3A_2954, %sign3A_2966 : i32
      %sign3A_2968 = arith.extui %sign3A_2967 : i1 to i32
      %sign3A_2969 = arith.subi %sign3A_2965, %sign3A_2968 : i32
      %ne3A_2970 = arith.cmpi ne, %sign3A_2962, %sign3A_2969 : i32
      %rem3A_2971 = arith.remsi %select_n3A_2953, %jit3A_2954 : i32
      %ne3A_2972 = arith.constant 0 : i32
      %ne3A_2973 = arith.cmpi ne, %rem3A_2971, %ne3A_2972 : i32
      %and3A_2974 = arith.andi %ne3A_2970, %ne3A_2973 : i1
      %sub3A_2975 = arith.constant 1 : i32
      %sub3A_2976 = arith.subi %div3A_2955, %sub3A_2975 : i32
      %select_n3A_2977 = arith.select %and3A_2974, %sub3A_2976, %div3A_2955 : i32
      %mul3A_2978 = arith.constant 2048 : i32
      %mul3A_2979 = arith.muli %select_n3A_2937, %mul3A_2978 : i32
      %jit3A_2980 = arith.constant 16 : i32
      %eq3A_2981 = arith.constant 0 : i32
      %eq3A_2982 = arith.cmpi eq, %jit3A_2980, %eq3A_2981 : i32
      %jit3A_2983 = arith.constant 1 : i32
      %select_n3A_2984 = arith.select %eq3A_2982, %jit3A_2983, %jit3A_2980 : i32
      %rem3A_2985 = arith.remsi %select_n3A_2953, %select_n3A_2984 : i32
      %ne3A_2986 = arith.constant 0 : i32
      %ne3A_2987 = arith.cmpi ne, %rem3A_2985, %ne3A_2986 : i32
      %lt3A_2988 = arith.constant 0 : i32
      %lt3A_2989 = arith.cmpi slt, %rem3A_2985, %lt3A_2988 : i32
      %lt3A_2990 = arith.constant 0 : i32
      %lt3A_2991 = arith.cmpi slt, %select_n3A_2984, %lt3A_2990 : i32
      %ne3A_2992 = arith.xori %lt3A_2989, %lt3A_2991 : i1
      %and3A_2993 = arith.andi %ne3A_2992, %ne3A_2987 : i1
      %add3A_2994 = arith.addi %rem3A_2985, %select_n3A_2984 : i32
      %select_n3A_2995 = arith.select %and3A_2993, %add3A_2994, %rem3A_2985 : i32
      %mul3A_2996 = arith.constant 128 : i32
      %mul3A_2997 = arith.muli %select_n3A_2995, %mul3A_2996 : i32
      %add3A_2998 = arith.addi %mul3A_2979, %mul3A_2997 : i32
      %mul3A_2999 = arith.constant 32 : i32
      %mul3A_3000 = arith.muli %select_n3A_2977, %mul3A_2999 : i32
      %dma_start3A_3001 = arith.constant 1 : i32
      %dma_start3A_3002 = arith.constant 0 : i32
      %dma_start3A_3003 = arith.constant 0 : i32
      %dma_start3A_3004 = tpu.memref_slice %arg6[%dma_start3A_3001, %dma_start3A_3002, %dma_start3A_3003] : memref<4x128x32xf32, #tpu.memory_space<vmem>> -> memref<1x128x32xf32, #tpu.memory_space<vmem>>
      %dma_start3A_3005 = tpu.memref_squeeze %dma_start3A_3004 : memref<1x128x32xf32, #tpu.memory_space<vmem>> -> memref<128x32xf32, #tpu.memory_space<vmem>>
      %dma_start3A_3006 = tpu.memref_slice %arg4[%add3A_2998, %mul3A_3000] : memref<204800x128xf32, #tpu.memory_space<hbm>> -> memref<128x32xf32, #tpu.memory_space<hbm>>
      %dma_start3A_3007 = tpu.memref_slice %arg4[%add3A_2998, %mul3A_3000] : memref<204800x128xf32, #tpu.memory_space<hbm>> -> memref<128x32xf32, #tpu.memory_space<hbm>>
      %dma_start3A_3008 = arith.constant 0 : i32
      %dma_start3A_3009 = arith.constant 0 : i32
      %dma_start3A_3010 = tpu.memref_slice %arg6[%dma_start3A_3001, %dma_start3A_3008, %dma_start3A_3009] : memref<4x128x32xf32, #tpu.memory_space<vmem>> -> memref<1x128x32xf32, #tpu.memory_space<vmem>>
      %dma_start3A_3011 = tpu.memref_squeeze %dma_start3A_3010 : memref<1x128x32xf32, #tpu.memory_space<vmem>> -> memref<128x32xf32, #tpu.memory_space<vmem>>
      tpu.enqueue_dma source(%dma_start3A_3011 : memref<128x32xf32, #tpu.memory_space<vmem>>) target(%dma_start3A_3007 : memref<128x32xf32, #tpu.memory_space<hbm>>) target_semaphore(%arg9 : memref<!tpu.dma_semaphore, #tpu.memory_space<semaphore_mem>>)
      %mul3A_3012 = arith.constant 4 : i32
      %mul3A_3013 = arith.muli %add3A_1797, %mul3A_3012 : i32
      %add3A_3014 = arith.constant 2 : i32
      %add3A_3015 = arith.addi %mul3A_3013, %add3A_3014 : i32
      %add3A_3016 = arith.addi %mul3A_2, %add3A_3015 : i32
      %jit3A_3017 = arith.constant 64 : i32
      %div3A_3018 = arith.divsi %add3A_3016, %jit3A_3017 : i32
      %sign3A_3019 = arith.constant 0 : i32
      %sign3A_3020 = arith.cmpi sgt, %add3A_3016, %sign3A_3019 : i32
      %sign3A_3021 = arith.extui %sign3A_3020 : i1 to i32
      %sign3A_3022 = arith.constant 0 : i32
      %sign3A_3023 = arith.cmpi slt, %add3A_3016, %sign3A_3022 : i32
      %sign3A_3024 = arith.extui %sign3A_3023 : i1 to i32
      %sign3A_3025 = arith.subi %sign3A_3021, %sign3A_3024 : i32
      %sign3A_3026 = arith.constant 0 : i32
      %sign3A_3027 = arith.cmpi sgt, %jit3A_3017, %sign3A_3026 : i32
      %sign3A_3028 = arith.extui %sign3A_3027 : i1 to i32
      %sign3A_3029 = arith.constant 0 : i32
      %sign3A_3030 = arith.cmpi slt, %jit3A_3017, %sign3A_3029 : i32
      %sign3A_3031 = arith.extui %sign3A_3030 : i1 to i32
      %sign3A_3032 = arith.subi %sign3A_3028, %sign3A_3031 : i32
      %ne3A_3033 = arith.cmpi ne, %sign3A_3025, %sign3A_3032 : i32
      %rem3A_3034 = arith.remsi %add3A_3016, %jit3A_3017 : i32
      %ne3A_3035 = arith.constant 0 : i32
      %ne3A_3036 = arith.cmpi ne, %rem3A_3034, %ne3A_3035 : i32
      %and3A_3037 = arith.andi %ne3A_3033, %ne3A_3036 : i1
      %sub3A_3038 = arith.constant 1 : i32
      %sub3A_3039 = arith.subi %div3A_3018, %sub3A_3038 : i32
      %select_n3A_3040 = arith.select %and3A_3037, %sub3A_3039, %div3A_3018 : i32
      %jit3A_3041 = arith.constant 64 : i32
      %eq3A_3042 = arith.constant 0 : i32
      %eq3A_3043 = arith.cmpi eq, %jit3A_3041, %eq3A_3042 : i32
      %jit3A_3044 = arith.constant 1 : i32
      %select_n3A_3045 = arith.select %eq3A_3043, %jit3A_3044, %jit3A_3041 : i32
      %rem3A_3046 = arith.remsi %add3A_3016, %select_n3A_3045 : i32
      %ne3A_3047 = arith.constant 0 : i32
      %ne3A_3048 = arith.cmpi ne, %rem3A_3046, %ne3A_3047 : i32
      %lt3A_3049 = arith.constant 0 : i32
      %lt3A_3050 = arith.cmpi slt, %rem3A_3046, %lt3A_3049 : i32
      %lt3A_3051 = arith.constant 0 : i32
      %lt3A_3052 = arith.cmpi slt, %select_n3A_3045, %lt3A_3051 : i32
      %ne3A_3053 = arith.xori %lt3A_3050, %lt3A_3052 : i1
      %and3A_3054 = arith.andi %ne3A_3053, %ne3A_3048 : i1
      %add3A_3055 = arith.addi %rem3A_3046, %select_n3A_3045 : i32
      %select_n3A_3056 = arith.select %and3A_3054, %add3A_3055, %rem3A_3046 : i32
      %jit3A_3057 = arith.constant 16 : i32
      %div3A_3058 = arith.divsi %select_n3A_3056, %jit3A_3057 : i32
      %sign3A_3059 = arith.constant 0 : i32
      %sign3A_3060 = arith.cmpi sgt, %select_n3A_3056, %sign3A_3059 : i32
      %sign3A_3061 = arith.extui %sign3A_3060 : i1 to i32
      %sign3A_3062 = arith.constant 0 : i32
      %sign3A_3063 = arith.cmpi slt, %select_n3A_3056, %sign3A_3062 : i32
      %sign3A_3064 = arith.extui %sign3A_3063 : i1 to i32
      %sign3A_3065 = arith.subi %sign3A_3061, %sign3A_3064 : i32
      %sign3A_3066 = arith.constant 0 : i32
      %sign3A_3067 = arith.cmpi sgt, %jit3A_3057, %sign3A_3066 : i32
      %sign3A_3068 = arith.extui %sign3A_3067 : i1 to i32
      %sign3A_3069 = arith.constant 0 : i32
      %sign3A_3070 = arith.cmpi slt, %jit3A_3057, %sign3A_3069 : i32
      %sign3A_3071 = arith.extui %sign3A_3070 : i1 to i32
      %sign3A_3072 = arith.subi %sign3A_3068, %sign3A_3071 : i32
      %ne3A_3073 = arith.cmpi ne, %sign3A_3065, %sign3A_3072 : i32
      %rem3A_3074 = arith.remsi %select_n3A_3056, %jit3A_3057 : i32
      %ne3A_3075 = arith.constant 0 : i32
      %ne3A_3076 = arith.cmpi ne, %rem3A_3074, %ne3A_3075 : i32
      %and3A_3077 = arith.andi %ne3A_3073, %ne3A_3076 : i1
      %sub3A_3078 = arith.constant 1 : i32
      %sub3A_3079 = arith.subi %div3A_3058, %sub3A_3078 : i32
      %select_n3A_3080 = arith.select %and3A_3077, %sub3A_3079, %div3A_3058 : i32
      %mul3A_3081 = arith.constant 2048 : i32
      %mul3A_3082 = arith.muli %select_n3A_3040, %mul3A_3081 : i32
      %jit3A_3083 = arith.constant 16 : i32
      %eq3A_3084 = arith.constant 0 : i32
      %eq3A_3085 = arith.cmpi eq, %jit3A_3083, %eq3A_3084 : i32
      %jit3A_3086 = arith.constant 1 : i32
      %select_n3A_3087 = arith.select %eq3A_3085, %jit3A_3086, %jit3A_3083 : i32
      %rem3A_3088 = arith.remsi %select_n3A_3056, %select_n3A_3087 : i32
      %ne3A_3089 = arith.constant 0 : i32
      %ne3A_3090 = arith.cmpi ne, %rem3A_3088, %ne3A_3089 : i32
      %lt3A_3091 = arith.constant 0 : i32
      %lt3A_3092 = arith.cmpi slt, %rem3A_3088, %lt3A_3091 : i32
      %lt3A_3093 = arith.constant 0 : i32
      %lt3A_3094 = arith.cmpi slt, %select_n3A_3087, %lt3A_3093 : i32
      %ne3A_3095 = arith.xori %lt3A_3092, %lt3A_3094 : i1
      %and3A_3096 = arith.andi %ne3A_3095, %ne3A_3090 : i1
      %add3A_3097 = arith.addi %rem3A_3088, %select_n3A_3087 : i32
      %select_n3A_3098 = arith.select %and3A_3096, %add3A_3097, %rem3A_3088 : i32
      %mul3A_3099 = arith.constant 128 : i32
      %mul3A_3100 = arith.muli %select_n3A_3098, %mul3A_3099 : i32
      %add3A_3101 = arith.addi %mul3A_3082, %mul3A_3100 : i32
      %mul3A_3102 = arith.constant 32 : i32
      %mul3A_3103 = arith.muli %select_n3A_3080, %mul3A_3102 : i32
      %dma_start3A_3104 = arith.constant 2 : i32
      %dma_start3A_3105 = arith.constant 0 : i32
      %dma_start3A_3106 = arith.constant 0 : i32
      %dma_start3A_3107 = tpu.memref_slice %arg6[%dma_start3A_3104, %dma_start3A_3105, %dma_start3A_3106] : memref<4x128x32xf32, #tpu.memory_space<vmem>> -> memref<1x128x32xf32, #tpu.memory_space<vmem>>
      %dma_start3A_3108 = tpu.memref_squeeze %dma_start3A_3107 : memref<1x128x32xf32, #tpu.memory_space<vmem>> -> memref<128x32xf32, #tpu.memory_space<vmem>>
      %dma_start3A_3109 = tpu.memref_slice %arg4[%add3A_3101, %mul3A_3103] : memref<204800x128xf32, #tpu.memory_space<hbm>> -> memref<128x32xf32, #tpu.memory_space<hbm>>
      %dma_start3A_3110 = tpu.memref_slice %arg4[%add3A_3101, %mul3A_3103] : memref<204800x128xf32, #tpu.memory_space<hbm>> -> memref<128x32xf32, #tpu.memory_space<hbm>>
      %dma_start3A_3111 = arith.constant 0 : i32
      %dma_start3A_3112 = arith.constant 0 : i32
      %dma_start3A_3113 = tpu.memref_slice %arg6[%dma_start3A_3104, %dma_start3A_3111, %dma_start3A_3112] : memref<4x128x32xf32, #tpu.memory_space<vmem>> -> memref<1x128x32xf32, #tpu.memory_space<vmem>>
      %dma_start3A_3114 = tpu.memref_squeeze %dma_start3A_3113 : memref<1x128x32xf32, #tpu.memory_space<vmem>> -> memref<128x32xf32, #tpu.memory_space<vmem>>
      tpu.enqueue_dma source(%dma_start3A_3114 : memref<128x32xf32, #tpu.memory_space<vmem>>) target(%dma_start3A_3110 : memref<128x32xf32, #tpu.memory_space<hbm>>) target_semaphore(%arg9 : memref<!tpu.dma_semaphore, #tpu.memory_space<semaphore_mem>>)
      %mul3A_3115 = arith.constant 4 : i32
      %mul3A_3116 = arith.muli %add3A_1797, %mul3A_3115 : i32
      %add3A_3117 = arith.constant 3 : i32
      %add3A_3118 = arith.addi %mul3A_3116, %add3A_3117 : i32
      %add3A_3119 = arith.addi %mul3A_2, %add3A_3118 : i32
      %jit3A_3120 = arith.constant 64 : i32
      %div3A_3121 = arith.divsi %add3A_3119, %jit3A_3120 : i32
      %sign3A_3122 = arith.constant 0 : i32
      %sign3A_3123 = arith.cmpi sgt, %add3A_3119, %sign3A_3122 : i32
      %sign3A_3124 = arith.extui %sign3A_3123 : i1 to i32
      %sign3A_3125 = arith.constant 0 : i32
      %sign3A_3126 = arith.cmpi slt, %add3A_3119, %sign3A_3125 : i32
      %sign3A_3127 = arith.extui %sign3A_3126 : i1 to i32
      %sign3A_3128 = arith.subi %sign3A_3124, %sign3A_3127 : i32
      %sign3A_3129 = arith.constant 0 : i32
      %sign3A_3130 = arith.cmpi sgt, %jit3A_3120, %sign3A_3129 : i32
      %sign3A_3131 = arith.extui %sign3A_3130 : i1 to i32
      %sign3A_3132 = arith.constant 0 : i32
      %sign3A_3133 = arith.cmpi slt, %jit3A_3120, %sign3A_3132 : i32
      %sign3A_3134 = arith.extui %sign3A_3133 : i1 to i32
      %sign3A_3135 = arith.subi %sign3A_3131, %sign3A_3134 : i32
      %ne3A_3136 = arith.cmpi ne, %sign3A_3128, %sign3A_3135 : i32
      %rem3A_3137 = arith.remsi %add3A_3119, %jit3A_3120 : i32
      %ne3A_3138 = arith.constant 0 : i32
      %ne3A_3139 = arith.cmpi ne, %rem3A_3137, %ne3A_3138 : i32
      %and3A_3140 = arith.andi %ne3A_3136, %ne3A_3139 : i1
      %sub3A_3141 = arith.constant 1 : i32
      %sub3A_3142 = arith.subi %div3A_3121, %sub3A_3141 : i32
      %select_n3A_3143 = arith.select %and3A_3140, %sub3A_3142, %div3A_3121 : i32
      %jit3A_3144 = arith.constant 64 : i32
      %eq3A_3145 = arith.constant 0 : i32
      %eq3A_3146 = arith.cmpi eq, %jit3A_3144, %eq3A_3145 : i32
      %jit3A_3147 = arith.constant 1 : i32
      %select_n3A_3148 = arith.select %eq3A_3146, %jit3A_3147, %jit3A_3144 : i32
      %rem3A_3149 = arith.remsi %add3A_3119, %select_n3A_3148 : i32
      %ne3A_3150 = arith.constant 0 : i32
      %ne3A_3151 = arith.cmpi ne, %rem3A_3149, %ne3A_3150 : i32
      %lt3A_3152 = arith.constant 0 : i32
      %lt3A_3153 = arith.cmpi slt, %rem3A_3149, %lt3A_3152 : i32
      %lt3A_3154 = arith.constant 0 : i32
      %lt3A_3155 = arith.cmpi slt, %select_n3A_3148, %lt3A_3154 : i32
      %ne3A_3156 = arith.xori %lt3A_3153, %lt3A_3155 : i1
      %and3A_3157 = arith.andi %ne3A_3156, %ne3A_3151 : i1
      %add3A_3158 = arith.addi %rem3A_3149, %select_n3A_3148 : i32
      %select_n3A_3159 = arith.select %and3A_3157, %add3A_3158, %rem3A_3149 : i32
      %jit3A_3160 = arith.constant 16 : i32
      %div3A_3161 = arith.divsi %select_n3A_3159, %jit3A_3160 : i32
      %sign3A_3162 = arith.constant 0 : i32
      %sign3A_3163 = arith.cmpi sgt, %select_n3A_3159, %sign3A_3162 : i32
      %sign3A_3164 = arith.extui %sign3A_3163 : i1 to i32
      %sign3A_3165 = arith.constant 0 : i32
      %sign3A_3166 = arith.cmpi slt, %select_n3A_3159, %sign3A_3165 : i32
      %sign3A_3167 = arith.extui %sign3A_3166 : i1 to i32
      %sign3A_3168 = arith.subi %sign3A_3164, %sign3A_3167 : i32
      %sign3A_3169 = arith.constant 0 : i32
      %sign3A_3170 = arith.cmpi sgt, %jit3A_3160, %sign3A_3169 : i32
      %sign3A_3171 = arith.extui %sign3A_3170 : i1 to i32
      %sign3A_3172 = arith.constant 0 : i32
      %sign3A_3173 = arith.cmpi slt, %jit3A_3160, %sign3A_3172 : i32
      %sign3A_3174 = arith.extui %sign3A_3173 : i1 to i32
      %sign3A_3175 = arith.subi %sign3A_3171, %sign3A_3174 : i32
      %ne3A_3176 = arith.cmpi ne, %sign3A_3168, %sign3A_3175 : i32
      %rem3A_3177 = arith.remsi %select_n3A_3159, %jit3A_3160 : i32
      %ne3A_3178 = arith.constant 0 : i32
      %ne3A_3179 = arith.cmpi ne, %rem3A_3177, %ne3A_3178 : i32
      %and3A_3180 = arith.andi %ne3A_3176, %ne3A_3179 : i1
      %sub3A_3181 = arith.constant 1 : i32
      %sub3A_3182 = arith.subi %div3A_3161, %sub3A_3181 : i32
      %select_n3A_3183 = arith.select %and3A_3180, %sub3A_3182, %div3A_3161 : i32
      %mul3A_3184 = arith.constant 2048 : i32
      %mul3A_3185 = arith.muli %select_n3A_3143, %mul3A_3184 : i32
      %jit3A_3186 = arith.constant 16 : i32
      %eq3A_3187 = arith.constant 0 : i32
      %eq3A_3188 = arith.cmpi eq, %jit3A_3186, %eq3A_3187 : i32
      %jit3A_3189 = arith.constant 1 : i32
      %select_n3A_3190 = arith.select %eq3A_3188, %jit3A_3189, %jit3A_3186 : i32
      %rem3A_3191 = arith.remsi %select_n3A_3159, %select_n3A_3190 : i32
      %ne3A_3192 = arith.constant 0 : i32
      %ne3A_3193 = arith.cmpi ne, %rem3A_3191, %ne3A_3192 : i32
      %lt3A_3194 = arith.constant 0 : i32
      %lt3A_3195 = arith.cmpi slt, %rem3A_3191, %lt3A_3194 : i32
      %lt3A_3196 = arith.constant 0 : i32
      %lt3A_3197 = arith.cmpi slt, %select_n3A_3190, %lt3A_3196 : i32
      %ne3A_3198 = arith.xori %lt3A_3195, %lt3A_3197 : i1
      %and3A_3199 = arith.andi %ne3A_3198, %ne3A_3193 : i1
      %add3A_3200 = arith.addi %rem3A_3191, %select_n3A_3190 : i32
      %select_n3A_3201 = arith.select %and3A_3199, %add3A_3200, %rem3A_3191 : i32
      %mul3A_3202 = arith.constant 128 : i32
      %mul3A_3203 = arith.muli %select_n3A_3201, %mul3A_3202 : i32
      %add3A_3204 = arith.addi %mul3A_3185, %mul3A_3203 : i32
      %mul3A_3205 = arith.constant 32 : i32
      %mul3A_3206 = arith.muli %select_n3A_3183, %mul3A_3205 : i32
      %dma_start3A_3207 = arith.constant 3 : i32
      %dma_start3A_3208 = arith.constant 0 : i32
      %dma_start3A_3209 = arith.constant 0 : i32
      %dma_start3A_3210 = tpu.memref_slice %arg6[%dma_start3A_3207, %dma_start3A_3208, %dma_start3A_3209] : memref<4x128x32xf32, #tpu.memory_space<vmem>> -> memref<1x128x32xf32, #tpu.memory_space<vmem>>
      %dma_start3A_3211 = tpu.memref_squeeze %dma_start3A_3210 : memref<1x128x32xf32, #tpu.memory_space<vmem>> -> memref<128x32xf32, #tpu.memory_space<vmem>>
      %dma_start3A_3212 = tpu.memref_slice %arg4[%add3A_3204, %mul3A_3206] : memref<204800x128xf32, #tpu.memory_space<hbm>> -> memref<128x32xf32, #tpu.memory_space<hbm>>
      %dma_start3A_3213 = tpu.memref_slice %arg4[%add3A_3204, %mul3A_3206] : memref<204800x128xf32, #tpu.memory_space<hbm>> -> memref<128x32xf32, #tpu.memory_space<hbm>>
      %dma_start3A_3214 = arith.constant 0 : i32
      %dma_start3A_3215 = arith.constant 0 : i32
      %dma_start3A_3216 = tpu.memref_slice %arg6[%dma_start3A_3207, %dma_start3A_3214, %dma_start3A_3215] : memref<4x128x32xf32, #tpu.memory_space<vmem>> -> memref<1x128x32xf32, #tpu.memory_space<vmem>>
      %dma_start3A_3217 = tpu.memref_squeeze %dma_start3A_3216 : memref<1x128x32xf32, #tpu.memory_space<vmem>> -> memref<128x32xf32, #tpu.memory_space<vmem>>
      tpu.enqueue_dma source(%dma_start3A_3217 : memref<128x32xf32, #tpu.memory_space<vmem>>) target(%dma_start3A_3213 : memref<128x32xf32, #tpu.memory_space<hbm>>) target_semaphore(%arg9 : memref<!tpu.dma_semaphore, #tpu.memory_space<semaphore_mem>>)
      %sub3A_3218 = arith.constant 1 : i32
      %sub3A_3219 = arith.subi %add3A_1797, %sub3A_3218 : i32
      %mul3A_3220 = arith.constant 4 : i32
      %mul3A_3221 = arith.muli %sub3A_3219, %mul3A_3220 : i32
      %add3A_3222 = arith.constant 0 : i32
      %add3A_3223 = arith.addi %mul3A_3221, %add3A_3222 : i32
      %add3A_3224 = arith.addi %mul3A_2, %add3A_3223 : i32
      %jit3A_3225 = arith.constant 64 : i32
      %div3A_3226 = arith.divsi %add3A_3224, %jit3A_3225 : i32
      %sign3A_3227 = arith.constant 0 : i32
      %sign3A_3228 = arith.cmpi sgt, %add3A_3224, %sign3A_3227 : i32
      %sign3A_3229 = arith.extui %sign3A_3228 : i1 to i32
      %sign3A_3230 = arith.constant 0 : i32
      %sign3A_3231 = arith.cmpi slt, %add3A_3224, %sign3A_3230 : i32
      %sign3A_3232 = arith.extui %sign3A_3231 : i1 to i32
      %sign3A_3233 = arith.subi %sign3A_3229, %sign3A_3232 : i32
      %sign3A_3234 = arith.constant 0 : i32
      %sign3A_3235 = arith.cmpi sgt, %jit3A_3225, %sign3A_3234 : i32
      %sign3A_3236 = arith.extui %sign3A_3235 : i1 to i32
      %sign3A_3237 = arith.constant 0 : i32
      %sign3A_3238 = arith.cmpi slt, %jit3A_3225, %sign3A_3237 : i32
      %sign3A_3239 = arith.extui %sign3A_3238 : i1 to i32
      %sign3A_3240 = arith.subi %sign3A_3236, %sign3A_3239 : i32
      %ne3A_3241 = arith.cmpi ne, %sign3A_3233, %sign3A_3240 : i32
      %rem3A_3242 = arith.remsi %add3A_3224, %jit3A_3225 : i32
      %ne3A_3243 = arith.constant 0 : i32
      %ne3A_3244 = arith.cmpi ne, %rem3A_3242, %ne3A_3243 : i32
      %and3A_3245 = arith.andi %ne3A_3241, %ne3A_3244 : i1
      %sub3A_3246 = arith.constant 1 : i32
      %sub3A_3247 = arith.subi %div3A_3226, %sub3A_3246 : i32
      %select_n3A_3248 = arith.select %and3A_3245, %sub3A_3247, %div3A_3226 : i32
      %jit3A_3249 = arith.constant 64 : i32
      %eq3A_3250 = arith.constant 0 : i32
      %eq3A_3251 = arith.cmpi eq, %jit3A_3249, %eq3A_3250 : i32
      %jit3A_3252 = arith.constant 1 : i32
      %select_n3A_3253 = arith.select %eq3A_3251, %jit3A_3252, %jit3A_3249 : i32
      %rem3A_3254 = arith.remsi %add3A_3224, %select_n3A_3253 : i32
      %ne3A_3255 = arith.constant 0 : i32
      %ne3A_3256 = arith.cmpi ne, %rem3A_3254, %ne3A_3255 : i32
      %lt3A_3257 = arith.constant 0 : i32
      %lt3A_3258 = arith.cmpi slt, %rem3A_3254, %lt3A_3257 : i32
      %lt3A_3259 = arith.constant 0 : i32
      %lt3A_3260 = arith.cmpi slt, %select_n3A_3253, %lt3A_3259 : i32
      %ne3A_3261 = arith.xori %lt3A_3258, %lt3A_3260 : i1
      %and3A_3262 = arith.andi %ne3A_3261, %ne3A_3256 : i1
      %add3A_3263 = arith.addi %rem3A_3254, %select_n3A_3253 : i32
      %select_n3A_3264 = arith.select %and3A_3262, %add3A_3263, %rem3A_3254 : i32
      %jit3A_3265 = arith.constant 16 : i32
      %div3A_3266 = arith.divsi %select_n3A_3264, %jit3A_3265 : i32
      %sign3A_3267 = arith.constant 0 : i32
      %sign3A_3268 = arith.cmpi sgt, %select_n3A_3264, %sign3A_3267 : i32
      %sign3A_3269 = arith.extui %sign3A_3268 : i1 to i32
      %sign3A_3270 = arith.constant 0 : i32
      %sign3A_3271 = arith.cmpi slt, %select_n3A_3264, %sign3A_3270 : i32
      %sign3A_3272 = arith.extui %sign3A_3271 : i1 to i32
      %sign3A_3273 = arith.subi %sign3A_3269, %sign3A_3272 : i32
      %sign3A_3274 = arith.constant 0 : i32
      %sign3A_3275 = arith.cmpi sgt, %jit3A_3265, %sign3A_3274 : i32
      %sign3A_3276 = arith.extui %sign3A_3275 : i1 to i32
      %sign3A_3277 = arith.constant 0 : i32
      %sign3A_3278 = arith.cmpi slt, %jit3A_3265, %sign3A_3277 : i32
      %sign3A_3279 = arith.extui %sign3A_3278 : i1 to i32
      %sign3A_3280 = arith.subi %sign3A_3276, %sign3A_3279 : i32
      %ne3A_3281 = arith.cmpi ne, %sign3A_3273, %sign3A_3280 : i32
      %rem3A_3282 = arith.remsi %select_n3A_3264, %jit3A_3265 : i32
      %ne3A_3283 = arith.constant 0 : i32
      %ne3A_3284 = arith.cmpi ne, %rem3A_3282, %ne3A_3283 : i32
      %and3A_3285 = arith.andi %ne3A_3281, %ne3A_3284 : i1
      %sub3A_3286 = arith.constant 1 : i32
      %sub3A_3287 = arith.subi %div3A_3266, %sub3A_3286 : i32
      %select_n3A_3288 = arith.select %and3A_3285, %sub3A_3287, %div3A_3266 : i32
      %mul3A_3289 = arith.constant 2048 : i32
      %mul3A_3290 = arith.muli %select_n3A_3248, %mul3A_3289 : i32
      %jit3A_3291 = arith.constant 16 : i32
      %eq3A_3292 = arith.constant 0 : i32
      %eq3A_3293 = arith.cmpi eq, %jit3A_3291, %eq3A_3292 : i32
      %jit3A_3294 = arith.constant 1 : i32
      %select_n3A_3295 = arith.select %eq3A_3293, %jit3A_3294, %jit3A_3291 : i32
      %rem3A_3296 = arith.remsi %select_n3A_3264, %select_n3A_3295 : i32
      %ne3A_3297 = arith.constant 0 : i32
      %ne3A_3298 = arith.cmpi ne, %rem3A_3296, %ne3A_3297 : i32
      %lt3A_3299 = arith.constant 0 : i32
      %lt3A_3300 = arith.cmpi slt, %rem3A_3296, %lt3A_3299 : i32
      %lt3A_3301 = arith.constant 0 : i32
      %lt3A_3302 = arith.cmpi slt, %select_n3A_3295, %lt3A_3301 : i32
      %ne3A_3303 = arith.xori %lt3A_3300, %lt3A_3302 : i1
      %and3A_3304 = arith.andi %ne3A_3303, %ne3A_3298 : i1
      %add3A_3305 = arith.addi %rem3A_3296, %select_n3A_3295 : i32
      %select_n3A_3306 = arith.select %and3A_3304, %add3A_3305, %rem3A_3296 : i32
      %mul3A_3307 = arith.constant 128 : i32
      %mul3A_3308 = arith.muli %select_n3A_3306, %mul3A_3307 : i32
      %add3A_3309 = arith.addi %mul3A_3290, %mul3A_3308 : i32
      %mul3A_3310 = arith.constant 32 : i32
      %mul3A_3311 = arith.muli %select_n3A_3288, %mul3A_3310 : i32
      %dma_wait3A_3312 = arith.constant 0 : i32
      %dma_wait3A_3313 = arith.constant 0 : i32
      %dma_wait3A_3314 = arith.constant 0 : i32
      %dma_wait3A_3315 = tpu.memref_slice %arg7[%dma_wait3A_3312, %dma_wait3A_3313, %dma_wait3A_3314] : memref<4x128x32xf32, #tpu.memory_space<vmem>> -> memref<1x128x32xf32, #tpu.memory_space<vmem>>
      %dma_wait3A_3316 = tpu.memref_squeeze %dma_wait3A_3315 : memref<1x128x32xf32, #tpu.memory_space<vmem>> -> memref<128x32xf32, #tpu.memory_space<vmem>>
      %dma_wait3A_3317 = tpu.memref_slice %arg4[%add3A_3309, %mul3A_3311] : memref<204800x128xf32, #tpu.memory_space<hbm>> -> memref<128x32xf32, #tpu.memory_space<hbm>>
      %dma_wait3A_3318 = tpu.memref_slice %arg4[%add3A_3309, %mul3A_3311] : memref<204800x128xf32, #tpu.memory_space<hbm>> -> memref<128x32xf32, #tpu.memory_space<hbm>>
      %dma_wait3A_3319 = arith.constant 0 : i32
      %dma_wait3A_3320 = arith.constant 0 : i32
      %dma_wait3A_3321 = tpu.memref_slice %arg7[%dma_wait3A_3312, %dma_wait3A_3319, %dma_wait3A_3320] : memref<4x128x32xf32, #tpu.memory_space<vmem>> -> memref<1x128x32xf32, #tpu.memory_space<vmem>>
      %dma_wait3A_3322 = tpu.memref_squeeze %dma_wait3A_3321 : memref<1x128x32xf32, #tpu.memory_space<vmem>> -> memref<128x32xf32, #tpu.memory_space<vmem>>
      tpu.wait_dma2 semaphore(%arg9 : memref<!tpu.dma_semaphore, #tpu.memory_space<semaphore_mem>>) src(%dma_wait3A_3322 : memref<128x32xf32, #tpu.memory_space<vmem>>) dst(%dma_wait3A_3318 : memref<128x32xf32, #tpu.memory_space<hbm>>)
      %mul3A_3323 = arith.constant 4 : i32
      %mul3A_3324 = arith.muli %sub3A_3219, %mul3A_3323 : i32
      %add3A_3325 = arith.constant 1 : i32
      %add3A_3326 = arith.addi %mul3A_3324, %add3A_3325 : i32
      %add3A_3327 = arith.addi %mul3A_2, %add3A_3326 : i32
      %jit3A_3328 = arith.constant 64 : i32
      %div3A_3329 = arith.divsi %add3A_3327, %jit3A_3328 : i32
      %sign3A_3330 = arith.constant 0 : i32
      %sign3A_3331 = arith.cmpi sgt, %add3A_3327, %sign3A_3330 : i32
      %sign3A_3332 = arith.extui %sign3A_3331 : i1 to i32
      %sign3A_3333 = arith.constant 0 : i32
      %sign3A_3334 = arith.cmpi slt, %add3A_3327, %sign3A_3333 : i32
      %sign3A_3335 = arith.extui %sign3A_3334 : i1 to i32
      %sign3A_3336 = arith.subi %sign3A_3332, %sign3A_3335 : i32
      %sign3A_3337 = arith.constant 0 : i32
      %sign3A_3338 = arith.cmpi sgt, %jit3A_3328, %sign3A_3337 : i32
      %sign3A_3339 = arith.extui %sign3A_3338 : i1 to i32
      %sign3A_3340 = arith.constant 0 : i32
      %sign3A_3341 = arith.cmpi slt, %jit3A_3328, %sign3A_3340 : i32
      %sign3A_3342 = arith.extui %sign3A_3341 : i1 to i32
      %sign3A_3343 = arith.subi %sign3A_3339, %sign3A_3342 : i32
      %ne3A_3344 = arith.cmpi ne, %sign3A_3336, %sign3A_3343 : i32
      %rem3A_3345 = arith.remsi %add3A_3327, %jit3A_3328 : i32
      %ne3A_3346 = arith.constant 0 : i32
      %ne3A_3347 = arith.cmpi ne, %rem3A_3345, %ne3A_3346 : i32
      %and3A_3348 = arith.andi %ne3A_3344, %ne3A_3347 : i1
      %sub3A_3349 = arith.constant 1 : i32
      %sub3A_3350 = arith.subi %div3A_3329, %sub3A_3349 : i32
      %select_n3A_3351 = arith.select %and3A_3348, %sub3A_3350, %div3A_3329 : i32
      %jit3A_3352 = arith.constant 64 : i32
      %eq3A_3353 = arith.constant 0 : i32
      %eq3A_3354 = arith.cmpi eq, %jit3A_3352, %eq3A_3353 : i32
      %jit3A_3355 = arith.constant 1 : i32
      %select_n3A_3356 = arith.select %eq3A_3354, %jit3A_3355, %jit3A_3352 : i32
      %rem3A_3357 = arith.remsi %add3A_3327, %select_n3A_3356 : i32
      %ne3A_3358 = arith.constant 0 : i32
      %ne3A_3359 = arith.cmpi ne, %rem3A_3357, %ne3A_3358 : i32
      %lt3A_3360 = arith.constant 0 : i32
      %lt3A_3361 = arith.cmpi slt, %rem3A_3357, %lt3A_3360 : i32
      %lt3A_3362 = arith.constant 0 : i32
      %lt3A_3363 = arith.cmpi slt, %select_n3A_3356, %lt3A_3362 : i32
      %ne3A_3364 = arith.xori %lt3A_3361, %lt3A_3363 : i1
      %and3A_3365 = arith.andi %ne3A_3364, %ne3A_3359 : i1
      %add3A_3366 = arith.addi %rem3A_3357, %select_n3A_3356 : i32
      %select_n3A_3367 = arith.select %and3A_3365, %add3A_3366, %rem3A_3357 : i32
      %jit3A_3368 = arith.constant 16 : i32
      %div3A_3369 = arith.divsi %select_n3A_3367, %jit3A_3368 : i32
      %sign3A_3370 = arith.constant 0 : i32
      %sign3A_3371 = arith.cmpi sgt, %select_n3A_3367, %sign3A_3370 : i32
      %sign3A_3372 = arith.extui %sign3A_3371 : i1 to i32
      %sign3A_3373 = arith.constant 0 : i32
      %sign3A_3374 = arith.cmpi slt, %select_n3A_3367, %sign3A_3373 : i32
      %sign3A_3375 = arith.extui %sign3A_3374 : i1 to i32
      %sign3A_3376 = arith.subi %sign3A_3372, %sign3A_3375 : i32
      %sign3A_3377 = arith.constant 0 : i32
      %sign3A_3378 = arith.cmpi sgt, %jit3A_3368, %sign3A_3377 : i32
      %sign3A_3379 = arith.extui %sign3A_3378 : i1 to i32
      %sign3A_3380 = arith.constant 0 : i32
      %sign3A_3381 = arith.cmpi slt, %jit3A_3368, %sign3A_3380 : i32
      %sign3A_3382 = arith.extui %sign3A_3381 : i1 to i32
      %sign3A_3383 = arith.subi %sign3A_3379, %sign3A_3382 : i32
      %ne3A_3384 = arith.cmpi ne, %sign3A_3376, %sign3A_3383 : i32
      %rem3A_3385 = arith.remsi %select_n3A_3367, %jit3A_3368 : i32
      %ne3A_3386 = arith.constant 0 : i32
      %ne3A_3387 = arith.cmpi ne, %rem3A_3385, %ne3A_3386 : i32
      %and3A_3388 = arith.andi %ne3A_3384, %ne3A_3387 : i1
      %sub3A_3389 = arith.constant 1 : i32
      %sub3A_3390 = arith.subi %div3A_3369, %sub3A_3389 : i32
      %select_n3A_3391 = arith.select %and3A_3388, %sub3A_3390, %div3A_3369 : i32
      %mul3A_3392 = arith.constant 2048 : i32
      %mul3A_3393 = arith.muli %select_n3A_3351, %mul3A_3392 : i32
      %jit3A_3394 = arith.constant 16 : i32
      %eq3A_3395 = arith.constant 0 : i32
      %eq3A_3396 = arith.cmpi eq, %jit3A_3394, %eq3A_3395 : i32
      %jit3A_3397 = arith.constant 1 : i32
      %select_n3A_3398 = arith.select %eq3A_3396, %jit3A_3397, %jit3A_3394 : i32
      %rem3A_3399 = arith.remsi %select_n3A_3367, %select_n3A_3398 : i32
      %ne3A_3400 = arith.constant 0 : i32
      %ne3A_3401 = arith.cmpi ne, %rem3A_3399, %ne3A_3400 : i32
      %lt3A_3402 = arith.constant 0 : i32
      %lt3A_3403 = arith.cmpi slt, %rem3A_3399, %lt3A_3402 : i32
      %lt3A_3404 = arith.constant 0 : i32
      %lt3A_3405 = arith.cmpi slt, %select_n3A_3398, %lt3A_3404 : i32
      %ne3A_3406 = arith.xori %lt3A_3403, %lt3A_3405 : i1
      %and3A_3407 = arith.andi %ne3A_3406, %ne3A_3401 : i1
      %add3A_3408 = arith.addi %rem3A_3399, %select_n3A_3398 : i32
      %select_n3A_3409 = arith.select %and3A_3407, %add3A_3408, %rem3A_3399 : i32
      %mul3A_3410 = arith.constant 128 : i32
      %mul3A_3411 = arith.muli %select_n3A_3409, %mul3A_3410 : i32
      %add3A_3412 = arith.addi %mul3A_3393, %mul3A_3411 : i32
      %mul3A_3413 = arith.constant 32 : i32
      %mul3A_3414 = arith.muli %select_n3A_3391, %mul3A_3413 : i32
      %dma_wait3A_3415 = arith.constant 1 : i32
      %dma_wait3A_3416 = arith.constant 0 : i32
      %dma_wait3A_3417 = arith.constant 0 : i32
      %dma_wait3A_3418 = tpu.memref_slice %arg7[%dma_wait3A_3415, %dma_wait3A_3416, %dma_wait3A_3417] : memref<4x128x32xf32, #tpu.memory_space<vmem>> -> memref<1x128x32xf32, #tpu.memory_space<vmem>>
      %dma_wait3A_3419 = tpu.memref_squeeze %dma_wait3A_3418 : memref<1x128x32xf32, #tpu.memory_space<vmem>> -> memref<128x32xf32, #tpu.memory_space<vmem>>
      %dma_wait3A_3420 = tpu.memref_slice %arg4[%add3A_3412, %mul3A_3414] : memref<204800x128xf32, #tpu.memory_space<hbm>> -> memref<128x32xf32, #tpu.memory_space<hbm>>
      %dma_wait3A_3421 = tpu.memref_slice %arg4[%add3A_3412, %mul3A_3414] : memref<204800x128xf32, #tpu.memory_space<hbm>> -> memref<128x32xf32, #tpu.memory_space<hbm>>
      %dma_wait3A_3422 = arith.constant 0 : i32
      %dma_wait3A_3423 = arith.constant 0 : i32
      %dma_wait3A_3424 = tpu.memref_slice %arg7[%dma_wait3A_3415, %dma_wait3A_3422, %dma_wait3A_3423] : memref<4x128x32xf32, #tpu.memory_space<vmem>> -> memref<1x128x32xf32, #tpu.memory_space<vmem>>
      %dma_wait3A_3425 = tpu.memref_squeeze %dma_wait3A_3424 : memref<1x128x32xf32, #tpu.memory_space<vmem>> -> memref<128x32xf32, #tpu.memory_space<vmem>>
      tpu.wait_dma2 semaphore(%arg9 : memref<!tpu.dma_semaphore, #tpu.memory_space<semaphore_mem>>) src(%dma_wait3A_3425 : memref<128x32xf32, #tpu.memory_space<vmem>>) dst(%dma_wait3A_3421 : memref<128x32xf32, #tpu.memory_space<hbm>>)
      %mul3A_3426 = arith.constant 4 : i32
      %mul3A_3427 = arith.muli %sub3A_3219, %mul3A_3426 : i32
      %add3A_3428 = arith.constant 2 : i32
      %add3A_3429 = arith.addi %mul3A_3427, %add3A_3428 : i32
      %add3A_3430 = arith.addi %mul3A_2, %add3A_3429 : i32
      %jit3A_3431 = arith.constant 64 : i32
      %div3A_3432 = arith.divsi %add3A_3430, %jit3A_3431 : i32
      %sign3A_3433 = arith.constant 0 : i32
      %sign3A_3434 = arith.cmpi sgt, %add3A_3430, %sign3A_3433 : i32
      %sign3A_3435 = arith.extui %sign3A_3434 : i1 to i32
      %sign3A_3436 = arith.constant 0 : i32
      %sign3A_3437 = arith.cmpi slt, %add3A_3430, %sign3A_3436 : i32
      %sign3A_3438 = arith.extui %sign3A_3437 : i1 to i32
      %sign3A_3439 = arith.subi %sign3A_3435, %sign3A_3438 : i32
      %sign3A_3440 = arith.constant 0 : i32
      %sign3A_3441 = arith.cmpi sgt, %jit3A_3431, %sign3A_3440 : i32
      %sign3A_3442 = arith.extui %sign3A_3441 : i1 to i32
      %sign3A_3443 = arith.constant 0 : i32
      %sign3A_3444 = arith.cmpi slt, %jit3A_3431, %sign3A_3443 : i32
      %sign3A_3445 = arith.extui %sign3A_3444 : i1 to i32
      %sign3A_3446 = arith.subi %sign3A_3442, %sign3A_3445 : i32
      %ne3A_3447 = arith.cmpi ne, %sign3A_3439, %sign3A_3446 : i32
      %rem3A_3448 = arith.remsi %add3A_3430, %jit3A_3431 : i32
      %ne3A_3449 = arith.constant 0 : i32
      %ne3A_3450 = arith.cmpi ne, %rem3A_3448, %ne3A_3449 : i32
      %and3A_3451 = arith.andi %ne3A_3447, %ne3A_3450 : i1
      %sub3A_3452 = arith.constant 1 : i32
      %sub3A_3453 = arith.subi %div3A_3432, %sub3A_3452 : i32
      %select_n3A_3454 = arith.select %and3A_3451, %sub3A_3453, %div3A_3432 : i32
      %jit3A_3455 = arith.constant 64 : i32
      %eq3A_3456 = arith.constant 0 : i32
      %eq3A_3457 = arith.cmpi eq, %jit3A_3455, %eq3A_3456 : i32
      %jit3A_3458 = arith.constant 1 : i32
      %select_n3A_3459 = arith.select %eq3A_3457, %jit3A_3458, %jit3A_3455 : i32
      %rem3A_3460 = arith.remsi %add3A_3430, %select_n3A_3459 : i32
      %ne3A_3461 = arith.constant 0 : i32
      %ne3A_3462 = arith.cmpi ne, %rem3A_3460, %ne3A_3461 : i32
      %lt3A_3463 = arith.constant 0 : i32
      %lt3A_3464 = arith.cmpi slt, %rem3A_3460, %lt3A_3463 : i32
      %lt3A_3465 = arith.constant 0 : i32
      %lt3A_3466 = arith.cmpi slt, %select_n3A_3459, %lt3A_3465 : i32
      %ne3A_3467 = arith.xori %lt3A_3464, %lt3A_3466 : i1
      %and3A_3468 = arith.andi %ne3A_3467, %ne3A_3462 : i1
      %add3A_3469 = arith.addi %rem3A_3460, %select_n3A_3459 : i32
      %select_n3A_3470 = arith.select %and3A_3468, %add3A_3469, %rem3A_3460 : i32
      %jit3A_3471 = arith.constant 16 : i32
      %div3A_3472 = arith.divsi %select_n3A_3470, %jit3A_3471 : i32
      %sign3A_3473 = arith.constant 0 : i32
      %sign3A_3474 = arith.cmpi sgt, %select_n3A_3470, %sign3A_3473 : i32
      %sign3A_3475 = arith.extui %sign3A_3474 : i1 to i32
      %sign3A_3476 = arith.constant 0 : i32
      %sign3A_3477 = arith.cmpi slt, %select_n3A_3470, %sign3A_3476 : i32
      %sign3A_3478 = arith.extui %sign3A_3477 : i1 to i32
      %sign3A_3479 = arith.subi %sign3A_3475, %sign3A_3478 : i32
      %sign3A_3480 = arith.constant 0 : i32
      %sign3A_3481 = arith.cmpi sgt, %jit3A_3471, %sign3A_3480 : i32
      %sign3A_3482 = arith.extui %sign3A_3481 : i1 to i32
      %sign3A_3483 = arith.constant 0 : i32
      %sign3A_3484 = arith.cmpi slt, %jit3A_3471, %sign3A_3483 : i32
      %sign3A_3485 = arith.extui %sign3A_3484 : i1 to i32
      %sign3A_3486 = arith.subi %sign3A_3482, %sign3A_3485 : i32
      %ne3A_3487 = arith.cmpi ne, %sign3A_3479, %sign3A_3486 : i32
      %rem3A_3488 = arith.remsi %select_n3A_3470, %jit3A_3471 : i32
      %ne3A_3489 = arith.constant 0 : i32
      %ne3A_3490 = arith.cmpi ne, %rem3A_3488, %ne3A_3489 : i32
      %and3A_3491 = arith.andi %ne3A_3487, %ne3A_3490 : i1
      %sub3A_3492 = arith.constant 1 : i32
      %sub3A_3493 = arith.subi %div3A_3472, %sub3A_3492 : i32
      %select_n3A_3494 = arith.select %and3A_3491, %sub3A_3493, %div3A_3472 : i32
      %mul3A_3495 = arith.constant 2048 : i32
      %mul3A_3496 = arith.muli %select_n3A_3454, %mul3A_3495 : i32
      %jit3A_3497 = arith.constant 16 : i32
      %eq3A_3498 = arith.constant 0 : i32
      %eq3A_3499 = arith.cmpi eq, %jit3A_3497, %eq3A_3498 : i32
      %jit3A_3500 = arith.constant 1 : i32
      %select_n3A_3501 = arith.select %eq3A_3499, %jit3A_3500, %jit3A_3497 : i32
      %rem3A_3502 = arith.remsi %select_n3A_3470, %select_n3A_3501 : i32
      %ne3A_3503 = arith.constant 0 : i32
      %ne3A_3504 = arith.cmpi ne, %rem3A_3502, %ne3A_3503 : i32
      %lt3A_3505 = arith.constant 0 : i32
      %lt3A_3506 = arith.cmpi slt, %rem3A_3502, %lt3A_3505 : i32
      %lt3A_3507 = arith.constant 0 : i32
      %lt3A_3508 = arith.cmpi slt, %select_n3A_3501, %lt3A_3507 : i32
      %ne3A_3509 = arith.xori %lt3A_3506, %lt3A_3508 : i1
      %and3A_3510 = arith.andi %ne3A_3509, %ne3A_3504 : i1
      %add3A_3511 = arith.addi %rem3A_3502, %select_n3A_3501 : i32
      %select_n3A_3512 = arith.select %and3A_3510, %add3A_3511, %rem3A_3502 : i32
      %mul3A_3513 = arith.constant 128 : i32
      %mul3A_3514 = arith.muli %select_n3A_3512, %mul3A_3513 : i32
      %add3A_3515 = arith.addi %mul3A_3496, %mul3A_3514 : i32
      %mul3A_3516 = arith.constant 32 : i32
      %mul3A_3517 = arith.muli %select_n3A_3494, %mul3A_3516 : i32
      %dma_wait3A_3518 = arith.constant 2 : i32
      %dma_wait3A_3519 = arith.constant 0 : i32
      %dma_wait3A_3520 = arith.constant 0 : i32
      %dma_wait3A_3521 = tpu.memref_slice %arg7[%dma_wait3A_3518, %dma_wait3A_3519, %dma_wait3A_3520] : memref<4x128x32xf32, #tpu.memory_space<vmem>> -> memref<1x128x32xf32, #tpu.memory_space<vmem>>
      %dma_wait3A_3522 = tpu.memref_squeeze %dma_wait3A_3521 : memref<1x128x32xf32, #tpu.memory_space<vmem>> -> memref<128x32xf32, #tpu.memory_space<vmem>>
      %dma_wait3A_3523 = tpu.memref_slice %arg4[%add3A_3515, %mul3A_3517] : memref<204800x128xf32, #tpu.memory_space<hbm>> -> memref<128x32xf32, #tpu.memory_space<hbm>>
      %dma_wait3A_3524 = tpu.memref_slice %arg4[%add3A_3515, %mul3A_3517] : memref<204800x128xf32, #tpu.memory_space<hbm>> -> memref<128x32xf32, #tpu.memory_space<hbm>>
      %dma_wait3A_3525 = arith.constant 0 : i32
      %dma_wait3A_3526 = arith.constant 0 : i32
      %dma_wait3A_3527 = tpu.memref_slice %arg7[%dma_wait3A_3518, %dma_wait3A_3525, %dma_wait3A_3526] : memref<4x128x32xf32, #tpu.memory_space<vmem>> -> memref<1x128x32xf32, #tpu.memory_space<vmem>>
      %dma_wait3A_3528 = tpu.memref_squeeze %dma_wait3A_3527 : memref<1x128x32xf32, #tpu.memory_space<vmem>> -> memref<128x32xf32, #tpu.memory_space<vmem>>
      tpu.wait_dma2 semaphore(%arg9 : memref<!tpu.dma_semaphore, #tpu.memory_space<semaphore_mem>>) src(%dma_wait3A_3528 : memref<128x32xf32, #tpu.memory_space<vmem>>) dst(%dma_wait3A_3524 : memref<128x32xf32, #tpu.memory_space<hbm>>)
      %mul3A_3529 = arith.constant 4 : i32
      %mul3A_3530 = arith.muli %sub3A_3219, %mul3A_3529 : i32
      %add3A_3531 = arith.constant 3 : i32
      %add3A_3532 = arith.addi %mul3A_3530, %add3A_3531 : i32
      %add3A_3533 = arith.addi %mul3A_2, %add3A_3532 : i32
      %jit3A_3534 = arith.constant 64 : i32
      %div3A_3535 = arith.divsi %add3A_3533, %jit3A_3534 : i32
      %sign3A_3536 = arith.constant 0 : i32
      %sign3A_3537 = arith.cmpi sgt, %add3A_3533, %sign3A_3536 : i32
      %sign3A_3538 = arith.extui %sign3A_3537 : i1 to i32
      %sign3A_3539 = arith.constant 0 : i32
      %sign3A_3540 = arith.cmpi slt, %add3A_3533, %sign3A_3539 : i32
      %sign3A_3541 = arith.extui %sign3A_3540 : i1 to i32
      %sign3A_3542 = arith.subi %sign3A_3538, %sign3A_3541 : i32
      %sign3A_3543 = arith.constant 0 : i32
      %sign3A_3544 = arith.cmpi sgt, %jit3A_3534, %sign3A_3543 : i32
      %sign3A_3545 = arith.extui %sign3A_3544 : i1 to i32
      %sign3A_3546 = arith.constant 0 : i32
      %sign3A_3547 = arith.cmpi slt, %jit3A_3534, %sign3A_3546 : i32
      %sign3A_3548 = arith.extui %sign3A_3547 : i1 to i32
      %sign3A_3549 = arith.subi %sign3A_3545, %sign3A_3548 : i32
      %ne3A_3550 = arith.cmpi ne, %sign3A_3542, %sign3A_3549 : i32
      %rem3A_3551 = arith.remsi %add3A_3533, %jit3A_3534 : i32
      %ne3A_3552 = arith.constant 0 : i32
      %ne3A_3553 = arith.cmpi ne, %rem3A_3551, %ne3A_3552 : i32
      %and3A_3554 = arith.andi %ne3A_3550, %ne3A_3553 : i1
      %sub3A_3555 = arith.constant 1 : i32
      %sub3A_3556 = arith.subi %div3A_3535, %sub3A_3555 : i32
      %select_n3A_3557 = arith.select %and3A_3554, %sub3A_3556, %div3A_3535 : i32
      %jit3A_3558 = arith.constant 64 : i32
      %eq3A_3559 = arith.constant 0 : i32
      %eq3A_3560 = arith.cmpi eq, %jit3A_3558, %eq3A_3559 : i32
      %jit3A_3561 = arith.constant 1 : i32
      %select_n3A_3562 = arith.select %eq3A_3560, %jit3A_3561, %jit3A_3558 : i32
      %rem3A_3563 = arith.remsi %add3A_3533, %select_n3A_3562 : i32
      %ne3A_3564 = arith.constant 0 : i32
      %ne3A_3565 = arith.cmpi ne, %rem3A_3563, %ne3A_3564 : i32
      %lt3A_3566 = arith.constant 0 : i32
      %lt3A_3567 = arith.cmpi slt, %rem3A_3563, %lt3A_3566 : i32
      %lt3A_3568 = arith.constant 0 : i32
      %lt3A_3569 = arith.cmpi slt, %select_n3A_3562, %lt3A_3568 : i32
      %ne3A_3570 = arith.xori %lt3A_3567, %lt3A_3569 : i1
      %and3A_3571 = arith.andi %ne3A_3570, %ne3A_3565 : i1
      %add3A_3572 = arith.addi %rem3A_3563, %select_n3A_3562 : i32
      %select_n3A_3573 = arith.select %and3A_3571, %add3A_3572, %rem3A_3563 : i32
      %jit3A_3574 = arith.constant 16 : i32
      %div3A_3575 = arith.divsi %select_n3A_3573, %jit3A_3574 : i32
      %sign3A_3576 = arith.constant 0 : i32
      %sign3A_3577 = arith.cmpi sgt, %select_n3A_3573, %sign3A_3576 : i32
      %sign3A_3578 = arith.extui %sign3A_3577 : i1 to i32
      %sign3A_3579 = arith.constant 0 : i32
      %sign3A_3580 = arith.cmpi slt, %select_n3A_3573, %sign3A_3579 : i32
      %sign3A_3581 = arith.extui %sign3A_3580 : i1 to i32
      %sign3A_3582 = arith.subi %sign3A_3578, %sign3A_3581 : i32
      %sign3A_3583 = arith.constant 0 : i32
      %sign3A_3584 = arith.cmpi sgt, %jit3A_3574, %sign3A_3583 : i32
      %sign3A_3585 = arith.extui %sign3A_3584 : i1 to i32
      %sign3A_3586 = arith.constant 0 : i32
      %sign3A_3587 = arith.cmpi slt, %jit3A_3574, %sign3A_3586 : i32
      %sign3A_3588 = arith.extui %sign3A_3587 : i1 to i32
      %sign3A_3589 = arith.subi %sign3A_3585, %sign3A_3588 : i32
      %ne3A_3590 = arith.cmpi ne, %sign3A_3582, %sign3A_3589 : i32
      %rem3A_3591 = arith.remsi %select_n3A_3573, %jit3A_3574 : i32
      %ne3A_3592 = arith.constant 0 : i32
      %ne3A_3593 = arith.cmpi ne, %rem3A_3591, %ne3A_3592 : i32
      %and3A_3594 = arith.andi %ne3A_3590, %ne3A_3593 : i1
      %sub3A_3595 = arith.constant 1 : i32
      %sub3A_3596 = arith.subi %div3A_3575, %sub3A_3595 : i32
      %select_n3A_3597 = arith.select %and3A_3594, %sub3A_3596, %div3A_3575 : i32
      %mul3A_3598 = arith.constant 2048 : i32
      %mul3A_3599 = arith.muli %select_n3A_3557, %mul3A_3598 : i32
      %jit3A_3600 = arith.constant 16 : i32
      %eq3A_3601 = arith.constant 0 : i32
      %eq3A_3602 = arith.cmpi eq, %jit3A_3600, %eq3A_3601 : i32
      %jit3A_3603 = arith.constant 1 : i32
      %select_n3A_3604 = arith.select %eq3A_3602, %jit3A_3603, %jit3A_3600 : i32
      %rem3A_3605 = arith.remsi %select_n3A_3573, %select_n3A_3604 : i32
      %ne3A_3606 = arith.constant 0 : i32
      %ne3A_3607 = arith.cmpi ne, %rem3A_3605, %ne3A_3606 : i32
      %lt3A_3608 = arith.constant 0 : i32
      %lt3A_3609 = arith.cmpi slt, %rem3A_3605, %lt3A_3608 : i32
      %lt3A_3610 = arith.constant 0 : i32
      %lt3A_3611 = arith.cmpi slt, %select_n3A_3604, %lt3A_3610 : i32
      %ne3A_3612 = arith.xori %lt3A_3609, %lt3A_3611 : i1
      %and3A_3613 = arith.andi %ne3A_3612, %ne3A_3607 : i1
      %add3A_3614 = arith.addi %rem3A_3605, %select_n3A_3604 : i32
      %select_n3A_3615 = arith.select %and3A_3613, %add3A_3614, %rem3A_3605 : i32
      %mul3A_3616 = arith.constant 128 : i32
      %mul3A_3617 = arith.muli %select_n3A_3615, %mul3A_3616 : i32
      %add3A_3618 = arith.addi %mul3A_3599, %mul3A_3617 : i32
      %mul3A_3619 = arith.constant 32 : i32
      %mul3A_3620 = arith.muli %select_n3A_3597, %mul3A_3619 : i32
      %dma_wait3A_3621 = arith.constant 3 : i32
      %dma_wait3A_3622 = arith.constant 0 : i32
      %dma_wait3A_3623 = arith.constant 0 : i32
      %dma_wait3A_3624 = tpu.memref_slice %arg7[%dma_wait3A_3621, %dma_wait3A_3622, %dma_wait3A_3623] : memref<4x128x32xf32, #tpu.memory_space<vmem>> -> memref<1x128x32xf32, #tpu.memory_space<vmem>>
      %dma_wait3A_3625 = tpu.memref_squeeze %dma_wait3A_3624 : memref<1x128x32xf32, #tpu.memory_space<vmem>> -> memref<128x32xf32, #tpu.memory_space<vmem>>
      %dma_wait3A_3626 = tpu.memref_slice %arg4[%add3A_3618, %mul3A_3620] : memref<204800x128xf32, #tpu.memory_space<hbm>> -> memref<128x32xf32, #tpu.memory_space<hbm>>
      %dma_wait3A_3627 = tpu.memref_slice %arg4[%add3A_3618, %mul3A_3620] : memref<204800x128xf32, #tpu.memory_space<hbm>> -> memref<128x32xf32, #tpu.memory_space<hbm>>
      %dma_wait3A_3628 = arith.constant 0 : i32
      %dma_wait3A_3629 = arith.constant 0 : i32
      %dma_wait3A_3630 = tpu.memref_slice %arg7[%dma_wait3A_3621, %dma_wait3A_3628, %dma_wait3A_3629] : memref<4x128x32xf32, #tpu.memory_space<vmem>> -> memref<1x128x32xf32, #tpu.memory_space<vmem>>
      %dma_wait3A_3631 = tpu.memref_squeeze %dma_wait3A_3630 : memref<1x128x32xf32, #tpu.memory_space<vmem>> -> memref<128x32xf32, #tpu.memory_space<vmem>>
      tpu.wait_dma2 semaphore(%arg9 : memref<!tpu.dma_semaphore, #tpu.memory_space<semaphore_mem>>) src(%dma_wait3A_3631 : memref<128x32xf32, #tpu.memory_space<vmem>>) dst(%dma_wait3A_3627 : memref<128x32xf32, #tpu.memory_space<hbm>>)
      %add3A_3632 = arith.constant 1 : i32
      %add3A_3633 = arith.addi %add3A_1797, %add3A_3632 : i32
      %mul3A_3634 = arith.constant 4 : i32
      %mul3A_3635 = arith.muli %add3A_3633, %mul3A_3634 : i32
      %add3A_3636 = arith.constant 0 : i32
      %add3A_3637 = arith.addi %mul3A_3635, %add3A_3636 : i32
      %dma_start3A_3638 = arith.constant 0 : i32
      %dma_start3A_3639 = arith.constant 0 : i32
      %dma_start3A_3640 = arith.constant 0 : i32
      %dma_start3A_3641 = tpu.memref_slice %arg7[%dma_start3A_3638, %dma_start3A_3639, %dma_start3A_3640] : memref<4x128x32xf32, #tpu.memory_space<vmem>> -> memref<1x128x32xf32, #tpu.memory_space<vmem>>
      %dma_start3A_3642 = tpu.memref_squeeze %dma_start3A_3641 : memref<1x128x32xf32, #tpu.memory_space<vmem>> -> memref<128x32xf32, #tpu.memory_space<vmem>>
      %dma_start3A_3643 = arith.constant 0 : i32
      %dma_start3A_3644 = tpu.memref_slice %arg5[%add3A_3637, %dma_start3A_3643] : memref<200x128xi32, #tpu.memory_space<vmem>> -> memref<1x128xi32, #tpu.memory_space<vmem>>
      %dma_start3A_3645 = tpu.memref_squeeze %dma_start3A_3644 : memref<1x128xi32, #tpu.memory_space<vmem>> -> memref<128xi32, #tpu.memory_space<vmem>>
      %dma_start3A_3646 = arith.constant 0 : i32
      %dma_start3A_3647 = arith.constant 0 : i32
      %dma_start3A_3648 = tpu.memref_slice %arg2[%dma_start3A_3646, %dma_start3A_3647] : memref<1015808x32xf32, #tpu.memory_space<hbm>> -> memref<1015808x32xf32, #tpu.memory_space<hbm>>
      tpu.enqueue_indirect_dma source(%dma_start3A_3648 : memref<1015808x32xf32, #tpu.memory_space<hbm>>) target(%dma_start3A_3642 : memref<128x32xf32, #tpu.memory_space<vmem>>) offsets(%dma_start3A_3645 : memref<128xi32, #tpu.memory_space<vmem>>) semaphore(%arg8 : memref<!tpu.dma_semaphore, #tpu.memory_space<semaphore_mem>>)
      %mul3A_3649 = arith.constant 4 : i32
      %mul3A_3650 = arith.muli %add3A_3633, %mul3A_3649 : i32
      %add3A_3651 = arith.constant 1 : i32
      %add3A_3652 = arith.addi %mul3A_3650, %add3A_3651 : i32
      %dma_start3A_3653 = arith.constant 1 : i32
      %dma_start3A_3654 = arith.constant 0 : i32
      %dma_start3A_3655 = arith.constant 0 : i32
      %dma_start3A_3656 = tpu.memref_slice %arg7[%dma_start3A_3653, %dma_start3A_3654, %dma_start3A_3655] : memref<4x128x32xf32, #tpu.memory_space<vmem>> -> memref<1x128x32xf32, #tpu.memory_space<vmem>>
      %dma_start3A_3657 = tpu.memref_squeeze %dma_start3A_3656 : memref<1x128x32xf32, #tpu.memory_space<vmem>> -> memref<128x32xf32, #tpu.memory_space<vmem>>
      %dma_start3A_3658 = arith.constant 0 : i32
      %dma_start3A_3659 = tpu.memref_slice %arg5[%add3A_3652, %dma_start3A_3658] : memref<200x128xi32, #tpu.memory_space<vmem>> -> memref<1x128xi32, #tpu.memory_space<vmem>>
      %dma_start3A_3660 = tpu.memref_squeeze %dma_start3A_3659 : memref<1x128xi32, #tpu.memory_space<vmem>> -> memref<128xi32, #tpu.memory_space<vmem>>
      %dma_start3A_3661 = arith.constant 0 : i32
      %dma_start3A_3662 = arith.constant 0 : i32
      %dma_start3A_3663 = tpu.memref_slice %arg2[%dma_start3A_3661, %dma_start3A_3662] : memref<1015808x32xf32, #tpu.memory_space<hbm>> -> memref<1015808x32xf32, #tpu.memory_space<hbm>>
      tpu.enqueue_indirect_dma source(%dma_start3A_3663 : memref<1015808x32xf32, #tpu.memory_space<hbm>>) target(%dma_start3A_3657 : memref<128x32xf32, #tpu.memory_space<vmem>>) offsets(%dma_start3A_3660 : memref<128xi32, #tpu.memory_space<vmem>>) semaphore(%arg8 : memref<!tpu.dma_semaphore, #tpu.memory_space<semaphore_mem>>)
      %mul3A_3664 = arith.constant 4 : i32
      %mul3A_3665 = arith.muli %add3A_3633, %mul3A_3664 : i32
      %add3A_3666 = arith.constant 2 : i32
      %add3A_3667 = arith.addi %mul3A_3665, %add3A_3666 : i32
      %dma_start3A_3668 = arith.constant 2 : i32
      %dma_start3A_3669 = arith.constant 0 : i32
      %dma_start3A_3670 = arith.constant 0 : i32
      %dma_start3A_3671 = tpu.memref_slice %arg7[%dma_start3A_3668, %dma_start3A_3669, %dma_start3A_3670] : memref<4x128x32xf32, #tpu.memory_space<vmem>> -> memref<1x128x32xf32, #tpu.memory_space<vmem>>
      %dma_start3A_3672 = tpu.memref_squeeze %dma_start3A_3671 : memref<1x128x32xf32, #tpu.memory_space<vmem>> -> memref<128x32xf32, #tpu.memory_space<vmem>>
      %dma_start3A_3673 = arith.constant 0 : i32
      %dma_start3A_3674 = tpu.memref_slice %arg5[%add3A_3667, %dma_start3A_3673] : memref<200x128xi32, #tpu.memory_space<vmem>> -> memref<1x128xi32, #tpu.memory_space<vmem>>
      %dma_start3A_3675 = tpu.memref_squeeze %dma_start3A_3674 : memref<1x128xi32, #tpu.memory_space<vmem>> -> memref<128xi32, #tpu.memory_space<vmem>>
      %dma_start3A_3676 = arith.constant 0 : i32
      %dma_start3A_3677 = arith.constant 0 : i32
      %dma_start3A_3678 = tpu.memref_slice %arg2[%dma_start3A_3676, %dma_start3A_3677] : memref<1015808x32xf32, #tpu.memory_space<hbm>> -> memref<1015808x32xf32, #tpu.memory_space<hbm>>
      tpu.enqueue_indirect_dma source(%dma_start3A_3678 : memref<1015808x32xf32, #tpu.memory_space<hbm>>) target(%dma_start3A_3672 : memref<128x32xf32, #tpu.memory_space<vmem>>) offsets(%dma_start3A_3675 : memref<128xi32, #tpu.memory_space<vmem>>) semaphore(%arg8 : memref<!tpu.dma_semaphore, #tpu.memory_space<semaphore_mem>>)
      %mul3A_3679 = arith.constant 4 : i32
      %mul3A_3680 = arith.muli %add3A_3633, %mul3A_3679 : i32
      %add3A_3681 = arith.constant 3 : i32
      %add3A_3682 = arith.addi %mul3A_3680, %add3A_3681 : i32
      %dma_start3A_3683 = arith.constant 3 : i32
      %dma_start3A_3684 = arith.constant 0 : i32
      %dma_start3A_3685 = arith.constant 0 : i32
      %dma_start3A_3686 = tpu.memref_slice %arg7[%dma_start3A_3683, %dma_start3A_3684, %dma_start3A_3685] : memref<4x128x32xf32, #tpu.memory_space<vmem>> -> memref<1x128x32xf32, #tpu.memory_space<vmem>>
      %dma_start3A_3687 = tpu.memref_squeeze %dma_start3A_3686 : memref<1x128x32xf32, #tpu.memory_space<vmem>> -> memref<128x32xf32, #tpu.memory_space<vmem>>
      %dma_start3A_3688 = arith.constant 0 : i32
      %dma_start3A_3689 = tpu.memref_slice %arg5[%add3A_3682, %dma_start3A_3688] : memref<200x128xi32, #tpu.memory_space<vmem>> -> memref<1x128xi32, #tpu.memory_space<vmem>>
      %dma_start3A_3690 = tpu.memref_squeeze %dma_start3A_3689 : memref<1x128xi32, #tpu.memory_space<vmem>> -> memref<128xi32, #tpu.memory_space<vmem>>
      %dma_start3A_3691 = arith.constant 0 : i32
      %dma_start3A_3692 = arith.constant 0 : i32
      %dma_start3A_3693 = tpu.memref_slice %arg2[%dma_start3A_3691, %dma_start3A_3692] : memref<1015808x32xf32, #tpu.memory_space<hbm>> -> memref<1015808x32xf32, #tpu.memory_space<hbm>>
      tpu.enqueue_indirect_dma source(%dma_start3A_3693 : memref<1015808x32xf32, #tpu.memory_space<hbm>>) target(%dma_start3A_3687 : memref<128x32xf32, #tpu.memory_space<vmem>>) offsets(%dma_start3A_3690 : memref<128xi32, #tpu.memory_space<vmem>>) semaphore(%arg8 : memref<!tpu.dma_semaphore, #tpu.memory_space<semaphore_mem>>)
    }
    %scan3A_538 = arith.constant 24 : i32
    %dma_wait3A_539 = arith.constant 196 : i32
    %dma_wait3A_540 = arith.constant 0 : i32
    %dma_wait3A_541 = arith.constant 0 : i32
    %dma_wait3A_542 = arith.constant 0 : i32
    %dma_wait3A_543 = tpu.memref_slice %arg7[%dma_wait3A_540, %dma_wait3A_541, %dma_wait3A_542] : memref<4x128x32xf32, #tpu.memory_space<vmem>> -> memref<1x128x32xf32, #tpu.memory_space<vmem>>
    %dma_wait3A_544 = tpu.memref_squeeze %dma_wait3A_543 : memref<1x128x32xf32, #tpu.memory_space<vmem>> -> memref<128x32xf32, #tpu.memory_space<vmem>>
    %dma_wait3A_545 = arith.constant 0 : i32
    %dma_wait3A_546 = tpu.memref_slice %arg5[%dma_wait3A_539, %dma_wait3A_545] : memref<200x128xi32, #tpu.memory_space<vmem>> -> memref<1x128xi32, #tpu.memory_space<vmem>>
    %dma_wait3A_547 = tpu.memref_squeeze %dma_wait3A_546 : memref<1x128xi32, #tpu.memory_space<vmem>> -> memref<128xi32, #tpu.memory_space<vmem>>
    %dma_wait3A_548 = arith.constant 0 : i32
    %dma_wait3A_549 = arith.constant 0 : i32
    %dma_wait3A_550 = tpu.memref_slice %arg2[%dma_wait3A_548, %dma_wait3A_549] : memref<1015808x32xf32, #tpu.memory_space<hbm>> -> memref<1015808x32xf32, #tpu.memory_space<hbm>>
    tpu.wait_indirect_dma semaphore(%arg8 : memref<!tpu.dma_semaphore, #tpu.memory_space<semaphore_mem>>) src(%dma_wait3A_550 : memref<1015808x32xf32, #tpu.memory_space<hbm>>) dst(%dma_wait3A_544 : memref<128x32xf32, #tpu.memory_space<vmem>>)
    %dma_wait3A_551 = arith.constant 197 : i32
    %dma_wait3A_552 = arith.constant 1 : i32
    %dma_wait3A_553 = arith.constant 0 : i32
    %dma_wait3A_554 = arith.constant 0 : i32
    %dma_wait3A_555 = tpu.memref_slice %arg7[%dma_wait3A_552, %dma_wait3A_553, %dma_wait3A_554] : memref<4x128x32xf32, #tpu.memory_space<vmem>> -> memref<1x128x32xf32, #tpu.memory_space<vmem>>
    %dma_wait3A_556 = tpu.memref_squeeze %dma_wait3A_555 : memref<1x128x32xf32, #tpu.memory_space<vmem>> -> memref<128x32xf32, #tpu.memory_space<vmem>>
    %dma_wait3A_557 = arith.constant 0 : i32
    %dma_wait3A_558 = tpu.memref_slice %arg5[%dma_wait3A_551, %dma_wait3A_557] : memref<200x128xi32, #tpu.memory_space<vmem>> -> memref<1x128xi32, #tpu.memory_space<vmem>>
    %dma_wait3A_559 = tpu.memref_squeeze %dma_wait3A_558 : memref<1x128xi32, #tpu.memory_space<vmem>> -> memref<128xi32, #tpu.memory_space<vmem>>
    %dma_wait3A_560 = arith.constant 0 : i32
    %dma_wait3A_561 = arith.constant 0 : i32
    %dma_wait3A_562 = tpu.memref_slice %arg2[%dma_wait3A_560, %dma_wait3A_561] : memref<1015808x32xf32, #tpu.memory_space<hbm>> -> memref<1015808x32xf32, #tpu.memory_space<hbm>>
    tpu.wait_indirect_dma semaphore(%arg8 : memref<!tpu.dma_semaphore, #tpu.memory_space<semaphore_mem>>) src(%dma_wait3A_562 : memref<1015808x32xf32, #tpu.memory_space<hbm>>) dst(%dma_wait3A_556 : memref<128x32xf32, #tpu.memory_space<vmem>>)
    %dma_wait3A_563 = arith.constant 198 : i32
    %dma_wait3A_564 = arith.constant 2 : i32
    %dma_wait3A_565 = arith.constant 0 : i32
    %dma_wait3A_566 = arith.constant 0 : i32
    %dma_wait3A_567 = tpu.memref_slice %arg7[%dma_wait3A_564, %dma_wait3A_565, %dma_wait3A_566] : memref<4x128x32xf32, #tpu.memory_space<vmem>> -> memref<1x128x32xf32, #tpu.memory_space<vmem>>
    %dma_wait3A_568 = tpu.memref_squeeze %dma_wait3A_567 : memref<1x128x32xf32, #tpu.memory_space<vmem>> -> memref<128x32xf32, #tpu.memory_space<vmem>>
    %dma_wait3A_569 = arith.constant 0 : i32
    %dma_wait3A_570 = tpu.memref_slice %arg5[%dma_wait3A_563, %dma_wait3A_569] : memref<200x128xi32, #tpu.memory_space<vmem>> -> memref<1x128xi32, #tpu.memory_space<vmem>>
    %dma_wait3A_571 = tpu.memref_squeeze %dma_wait3A_570 : memref<1x128xi32, #tpu.memory_space<vmem>> -> memref<128xi32, #tpu.memory_space<vmem>>
    %dma_wait3A_572 = arith.constant 0 : i32
    %dma_wait3A_573 = arith.constant 0 : i32
    %dma_wait3A_574 = tpu.memref_slice %arg2[%dma_wait3A_572, %dma_wait3A_573] : memref<1015808x32xf32, #tpu.memory_space<hbm>> -> memref<1015808x32xf32, #tpu.memory_space<hbm>>
    tpu.wait_indirect_dma semaphore(%arg8 : memref<!tpu.dma_semaphore, #tpu.memory_space<semaphore_mem>>) src(%dma_wait3A_574 : memref<1015808x32xf32, #tpu.memory_space<hbm>>) dst(%dma_wait3A_568 : memref<128x32xf32, #tpu.memory_space<vmem>>)
    %dma_wait3A_575 = arith.constant 199 : i32
    %dma_wait3A_576 = arith.constant 3 : i32
    %dma_wait3A_577 = arith.constant 0 : i32
    %dma_wait3A_578 = arith.constant 0 : i32
    %dma_wait3A_579 = tpu.memref_slice %arg7[%dma_wait3A_576, %dma_wait3A_577, %dma_wait3A_578] : memref<4x128x32xf32, #tpu.memory_space<vmem>> -> memref<1x128x32xf32, #tpu.memory_space<vmem>>
    %dma_wait3A_580 = tpu.memref_squeeze %dma_wait3A_579 : memref<1x128x32xf32, #tpu.memory_space<vmem>> -> memref<128x32xf32, #tpu.memory_space<vmem>>
    %dma_wait3A_581 = arith.constant 0 : i32
    %dma_wait3A_582 = tpu.memref_slice %arg5[%dma_wait3A_575, %dma_wait3A_581] : memref<200x128xi32, #tpu.memory_space<vmem>> -> memref<1x128xi32, #tpu.memory_space<vmem>>
    %dma_wait3A_583 = tpu.memref_squeeze %dma_wait3A_582 : memref<1x128xi32, #tpu.memory_space<vmem>> -> memref<128xi32, #tpu.memory_space<vmem>>
    %dma_wait3A_584 = arith.constant 0 : i32
    %dma_wait3A_585 = arith.constant 0 : i32
    %dma_wait3A_586 = tpu.memref_slice %arg2[%dma_wait3A_584, %dma_wait3A_585] : memref<1015808x32xf32, #tpu.memory_space<hbm>> -> memref<1015808x32xf32, #tpu.memory_space<hbm>>
    tpu.wait_indirect_dma semaphore(%arg8 : memref<!tpu.dma_semaphore, #tpu.memory_space<semaphore_mem>>) src(%dma_wait3A_586 : memref<1015808x32xf32, #tpu.memory_space<hbm>>) dst(%dma_wait3A_580 : memref<128x32xf32, #tpu.memory_space<vmem>>)
    %add3A_587 = arith.constant 196 : i32
    %add3A_588 = arith.addi %mul3A_2, %add3A_587 : i32
    %jit3A_589 = arith.constant 64 : i32
    %div3A_590 = arith.divsi %add3A_588, %jit3A_589 : i32
    %sign3A_591 = arith.constant 0 : i32
    %sign3A_592 = arith.cmpi sgt, %add3A_588, %sign3A_591 : i32
    %sign3A_593 = arith.extui %sign3A_592 : i1 to i32
    %sign3A_594 = arith.constant 0 : i32
    %sign3A_595 = arith.cmpi slt, %add3A_588, %sign3A_594 : i32
    %sign3A_596 = arith.extui %sign3A_595 : i1 to i32
    %sign3A_597 = arith.subi %sign3A_593, %sign3A_596 : i32
    %sign3A_598 = arith.constant 0 : i32
    %sign3A_599 = arith.cmpi sgt, %jit3A_589, %sign3A_598 : i32
    %sign3A_600 = arith.extui %sign3A_599 : i1 to i32
    %sign3A_601 = arith.constant 0 : i32
    %sign3A_602 = arith.cmpi slt, %jit3A_589, %sign3A_601 : i32
    %sign3A_603 = arith.extui %sign3A_602 : i1 to i32
    %sign3A_604 = arith.subi %sign3A_600, %sign3A_603 : i32
    %ne3A_605 = arith.cmpi ne, %sign3A_597, %sign3A_604 : i32
    %rem3A_606 = arith.remsi %add3A_588, %jit3A_589 : i32
    %ne3A_607 = arith.constant 0 : i32
    %ne3A_608 = arith.cmpi ne, %rem3A_606, %ne3A_607 : i32
    %and3A_609 = arith.andi %ne3A_605, %ne3A_608 : i1
    %sub3A_610 = arith.constant 1 : i32
    %sub3A_611 = arith.subi %div3A_590, %sub3A_610 : i32
    %select_n3A_612 = arith.select %and3A_609, %sub3A_611, %div3A_590 : i32
    %jit3A_613 = arith.constant 64 : i32
    %eq3A_614 = arith.constant 0 : i32
    %eq3A_615 = arith.cmpi eq, %jit3A_613, %eq3A_614 : i32
    %jit3A_616 = arith.constant 1 : i32
    %select_n3A_617 = arith.select %eq3A_615, %jit3A_616, %jit3A_613 : i32
    %rem3A_618 = arith.remsi %add3A_588, %select_n3A_617 : i32
    %ne3A_619 = arith.constant 0 : i32
    %ne3A_620 = arith.cmpi ne, %rem3A_618, %ne3A_619 : i32
    %lt3A_621 = arith.constant 0 : i32
    %lt3A_622 = arith.cmpi slt, %rem3A_618, %lt3A_621 : i32
    %lt3A_623 = arith.constant 0 : i32
    %lt3A_624 = arith.cmpi slt, %select_n3A_617, %lt3A_623 : i32
    %ne3A_625 = arith.xori %lt3A_622, %lt3A_624 : i1
    %and3A_626 = arith.andi %ne3A_625, %ne3A_620 : i1
    %add3A_627 = arith.addi %rem3A_618, %select_n3A_617 : i32
    %select_n3A_628 = arith.select %and3A_626, %add3A_627, %rem3A_618 : i32
    %jit3A_629 = arith.constant 16 : i32
    %div3A_630 = arith.divsi %select_n3A_628, %jit3A_629 : i32
    %sign3A_631 = arith.constant 0 : i32
    %sign3A_632 = arith.cmpi sgt, %select_n3A_628, %sign3A_631 : i32
    %sign3A_633 = arith.extui %sign3A_632 : i1 to i32
    %sign3A_634 = arith.constant 0 : i32
    %sign3A_635 = arith.cmpi slt, %select_n3A_628, %sign3A_634 : i32
    %sign3A_636 = arith.extui %sign3A_635 : i1 to i32
    %sign3A_637 = arith.subi %sign3A_633, %sign3A_636 : i32
    %sign3A_638 = arith.constant 0 : i32
    %sign3A_639 = arith.cmpi sgt, %jit3A_629, %sign3A_638 : i32
    %sign3A_640 = arith.extui %sign3A_639 : i1 to i32
    %sign3A_641 = arith.constant 0 : i32
    %sign3A_642 = arith.cmpi slt, %jit3A_629, %sign3A_641 : i32
    %sign3A_643 = arith.extui %sign3A_642 : i1 to i32
    %sign3A_644 = arith.subi %sign3A_640, %sign3A_643 : i32
    %ne3A_645 = arith.cmpi ne, %sign3A_637, %sign3A_644 : i32
    %rem3A_646 = arith.remsi %select_n3A_628, %jit3A_629 : i32
    %ne3A_647 = arith.constant 0 : i32
    %ne3A_648 = arith.cmpi ne, %rem3A_646, %ne3A_647 : i32
    %and3A_649 = arith.andi %ne3A_645, %ne3A_648 : i1
    %sub3A_650 = arith.constant 1 : i32
    %sub3A_651 = arith.subi %div3A_630, %sub3A_650 : i32
    %select_n3A_652 = arith.select %and3A_649, %sub3A_651, %div3A_630 : i32
    %mul3A_653 = arith.constant 2048 : i32
    %mul3A_654 = arith.muli %select_n3A_612, %mul3A_653 : i32
    %jit3A_655 = arith.constant 16 : i32
    %eq3A_656 = arith.constant 0 : i32
    %eq3A_657 = arith.cmpi eq, %jit3A_655, %eq3A_656 : i32
    %jit3A_658 = arith.constant 1 : i32
    %select_n3A_659 = arith.select %eq3A_657, %jit3A_658, %jit3A_655 : i32
    %rem3A_660 = arith.remsi %select_n3A_628, %select_n3A_659 : i32
    %ne3A_661 = arith.constant 0 : i32
    %ne3A_662 = arith.cmpi ne, %rem3A_660, %ne3A_661 : i32
    %lt3A_663 = arith.constant 0 : i32
    %lt3A_664 = arith.cmpi slt, %rem3A_660, %lt3A_663 : i32
    %lt3A_665 = arith.constant 0 : i32
    %lt3A_666 = arith.cmpi slt, %select_n3A_659, %lt3A_665 : i32
    %ne3A_667 = arith.xori %lt3A_664, %lt3A_666 : i1
    %and3A_668 = arith.andi %ne3A_667, %ne3A_662 : i1
    %add3A_669 = arith.addi %rem3A_660, %select_n3A_659 : i32
    %select_n3A_670 = arith.select %and3A_668, %add3A_669, %rem3A_660 : i32
    %mul3A_671 = arith.constant 128 : i32
    %mul3A_672 = arith.muli %select_n3A_670, %mul3A_671 : i32
    %add3A_673 = arith.addi %mul3A_654, %mul3A_672 : i32
    %mul3A_674 = arith.constant 32 : i32
    %mul3A_675 = arith.muli %select_n3A_652, %mul3A_674 : i32
    %dma_start3A_676 = arith.constant 0 : i32
    %dma_start3A_677 = arith.constant 0 : i32
    %dma_start3A_678 = arith.constant 0 : i32
    %dma_start3A_679 = tpu.memref_slice %arg7[%dma_start3A_676, %dma_start3A_677, %dma_start3A_678] : memref<4x128x32xf32, #tpu.memory_space<vmem>> -> memref<1x128x32xf32, #tpu.memory_space<vmem>>
    %dma_start3A_680 = tpu.memref_squeeze %dma_start3A_679 : memref<1x128x32xf32, #tpu.memory_space<vmem>> -> memref<128x32xf32, #tpu.memory_space<vmem>>
    %dma_start3A_681 = tpu.memref_slice %arg4[%add3A_673, %mul3A_675] : memref<204800x128xf32, #tpu.memory_space<hbm>> -> memref<128x32xf32, #tpu.memory_space<hbm>>
    %dma_start3A_682 = tpu.memref_slice %arg4[%add3A_673, %mul3A_675] : memref<204800x128xf32, #tpu.memory_space<hbm>> -> memref<128x32xf32, #tpu.memory_space<hbm>>
    %dma_start3A_683 = arith.constant 0 : i32
    %dma_start3A_684 = arith.constant 0 : i32
    %dma_start3A_685 = tpu.memref_slice %arg7[%dma_start3A_676, %dma_start3A_683, %dma_start3A_684] : memref<4x128x32xf32, #tpu.memory_space<vmem>> -> memref<1x128x32xf32, #tpu.memory_space<vmem>>
    %dma_start3A_686 = tpu.memref_squeeze %dma_start3A_685 : memref<1x128x32xf32, #tpu.memory_space<vmem>> -> memref<128x32xf32, #tpu.memory_space<vmem>>
    tpu.enqueue_dma source(%dma_start3A_686 : memref<128x32xf32, #tpu.memory_space<vmem>>) target(%dma_start3A_682 : memref<128x32xf32, #tpu.memory_space<hbm>>) target_semaphore(%arg9 : memref<!tpu.dma_semaphore, #tpu.memory_space<semaphore_mem>>)
    %add3A_687 = arith.constant 197 : i32
    %add3A_688 = arith.addi %mul3A_2, %add3A_687 : i32
    %jit3A_689 = arith.constant 64 : i32
    %div3A_690 = arith.divsi %add3A_688, %jit3A_689 : i32
    %sign3A_691 = arith.constant 0 : i32
    %sign3A_692 = arith.cmpi sgt, %add3A_688, %sign3A_691 : i32
    %sign3A_693 = arith.extui %sign3A_692 : i1 to i32
    %sign3A_694 = arith.constant 0 : i32
    %sign3A_695 = arith.cmpi slt, %add3A_688, %sign3A_694 : i32
    %sign3A_696 = arith.extui %sign3A_695 : i1 to i32
    %sign3A_697 = arith.subi %sign3A_693, %sign3A_696 : i32
    %sign3A_698 = arith.constant 0 : i32
    %sign3A_699 = arith.cmpi sgt, %jit3A_689, %sign3A_698 : i32
    %sign3A_700 = arith.extui %sign3A_699 : i1 to i32
    %sign3A_701 = arith.constant 0 : i32
    %sign3A_702 = arith.cmpi slt, %jit3A_689, %sign3A_701 : i32
    %sign3A_703 = arith.extui %sign3A_702 : i1 to i32
    %sign3A_704 = arith.subi %sign3A_700, %sign3A_703 : i32
    %ne3A_705 = arith.cmpi ne, %sign3A_697, %sign3A_704 : i32
    %rem3A_706 = arith.remsi %add3A_688, %jit3A_689 : i32
    %ne3A_707 = arith.constant 0 : i32
    %ne3A_708 = arith.cmpi ne, %rem3A_706, %ne3A_707 : i32
    %and3A_709 = arith.andi %ne3A_705, %ne3A_708 : i1
    %sub3A_710 = arith.constant 1 : i32
    %sub3A_711 = arith.subi %div3A_690, %sub3A_710 : i32
    %select_n3A_712 = arith.select %and3A_709, %sub3A_711, %div3A_690 : i32
    %jit3A_713 = arith.constant 64 : i32
    %eq3A_714 = arith.constant 0 : i32
    %eq3A_715 = arith.cmpi eq, %jit3A_713, %eq3A_714 : i32
    %jit3A_716 = arith.constant 1 : i32
    %select_n3A_717 = arith.select %eq3A_715, %jit3A_716, %jit3A_713 : i32
    %rem3A_718 = arith.remsi %add3A_688, %select_n3A_717 : i32
    %ne3A_719 = arith.constant 0 : i32
    %ne3A_720 = arith.cmpi ne, %rem3A_718, %ne3A_719 : i32
    %lt3A_721 = arith.constant 0 : i32
    %lt3A_722 = arith.cmpi slt, %rem3A_718, %lt3A_721 : i32
    %lt3A_723 = arith.constant 0 : i32
    %lt3A_724 = arith.cmpi slt, %select_n3A_717, %lt3A_723 : i32
    %ne3A_725 = arith.xori %lt3A_722, %lt3A_724 : i1
    %and3A_726 = arith.andi %ne3A_725, %ne3A_720 : i1
    %add3A_727 = arith.addi %rem3A_718, %select_n3A_717 : i32
    %select_n3A_728 = arith.select %and3A_726, %add3A_727, %rem3A_718 : i32
    %jit3A_729 = arith.constant 16 : i32
    %div3A_730 = arith.divsi %select_n3A_728, %jit3A_729 : i32
    %sign3A_731 = arith.constant 0 : i32
    %sign3A_732 = arith.cmpi sgt, %select_n3A_728, %sign3A_731 : i32
    %sign3A_733 = arith.extui %sign3A_732 : i1 to i32
    %sign3A_734 = arith.constant 0 : i32
    %sign3A_735 = arith.cmpi slt, %select_n3A_728, %sign3A_734 : i32
    %sign3A_736 = arith.extui %sign3A_735 : i1 to i32
    %sign3A_737 = arith.subi %sign3A_733, %sign3A_736 : i32
    %sign3A_738 = arith.constant 0 : i32
    %sign3A_739 = arith.cmpi sgt, %jit3A_729, %sign3A_738 : i32
    %sign3A_740 = arith.extui %sign3A_739 : i1 to i32
    %sign3A_741 = arith.constant 0 : i32
    %sign3A_742 = arith.cmpi slt, %jit3A_729, %sign3A_741 : i32
    %sign3A_743 = arith.extui %sign3A_742 : i1 to i32
    %sign3A_744 = arith.subi %sign3A_740, %sign3A_743 : i32
    %ne3A_745 = arith.cmpi ne, %sign3A_737, %sign3A_744 : i32
    %rem3A_746 = arith.remsi %select_n3A_728, %jit3A_729 : i32
    %ne3A_747 = arith.constant 0 : i32
    %ne3A_748 = arith.cmpi ne, %rem3A_746, %ne3A_747 : i32
    %and3A_749 = arith.andi %ne3A_745, %ne3A_748 : i1
    %sub3A_750 = arith.constant 1 : i32
    %sub3A_751 = arith.subi %div3A_730, %sub3A_750 : i32
    %select_n3A_752 = arith.select %and3A_749, %sub3A_751, %div3A_730 : i32
    %mul3A_753 = arith.constant 2048 : i32
    %mul3A_754 = arith.muli %select_n3A_712, %mul3A_753 : i32
    %jit3A_755 = arith.constant 16 : i32
    %eq3A_756 = arith.constant 0 : i32
    %eq3A_757 = arith.cmpi eq, %jit3A_755, %eq3A_756 : i32
    %jit3A_758 = arith.constant 1 : i32
    %select_n3A_759 = arith.select %eq3A_757, %jit3A_758, %jit3A_755 : i32
    %rem3A_760 = arith.remsi %select_n3A_728, %select_n3A_759 : i32
    %ne3A_761 = arith.constant 0 : i32
    %ne3A_762 = arith.cmpi ne, %rem3A_760, %ne3A_761 : i32
    %lt3A_763 = arith.constant 0 : i32
    %lt3A_764 = arith.cmpi slt, %rem3A_760, %lt3A_763 : i32
    %lt3A_765 = arith.constant 0 : i32
    %lt3A_766 = arith.cmpi slt, %select_n3A_759, %lt3A_765 : i32
    %ne3A_767 = arith.xori %lt3A_764, %lt3A_766 : i1
    %and3A_768 = arith.andi %ne3A_767, %ne3A_762 : i1
    %add3A_769 = arith.addi %rem3A_760, %select_n3A_759 : i32
    %select_n3A_770 = arith.select %and3A_768, %add3A_769, %rem3A_760 : i32
    %mul3A_771 = arith.constant 128 : i32
    %mul3A_772 = arith.muli %select_n3A_770, %mul3A_771 : i32
    %add3A_773 = arith.addi %mul3A_754, %mul3A_772 : i32
    %mul3A_774 = arith.constant 32 : i32
    %mul3A_775 = arith.muli %select_n3A_752, %mul3A_774 : i32
    %dma_start3A_776 = arith.constant 1 : i32
    %dma_start3A_777 = arith.constant 0 : i32
    %dma_start3A_778 = arith.constant 0 : i32
    %dma_start3A_779 = tpu.memref_slice %arg7[%dma_start3A_776, %dma_start3A_777, %dma_start3A_778] : memref<4x128x32xf32, #tpu.memory_space<vmem>> -> memref<1x128x32xf32, #tpu.memory_space<vmem>>
    %dma_start3A_780 = tpu.memref_squeeze %dma_start3A_779 : memref<1x128x32xf32, #tpu.memory_space<vmem>> -> memref<128x32xf32, #tpu.memory_space<vmem>>
    %dma_start3A_781 = tpu.memref_slice %arg4[%add3A_773, %mul3A_775] : memref<204800x128xf32, #tpu.memory_space<hbm>> -> memref<128x32xf32, #tpu.memory_space<hbm>>
    %dma_start3A_782 = tpu.memref_slice %arg4[%add3A_773, %mul3A_775] : memref<204800x128xf32, #tpu.memory_space<hbm>> -> memref<128x32xf32, #tpu.memory_space<hbm>>
    %dma_start3A_783 = arith.constant 0 : i32
    %dma_start3A_784 = arith.constant 0 : i32
    %dma_start3A_785 = tpu.memref_slice %arg7[%dma_start3A_776, %dma_start3A_783, %dma_start3A_784] : memref<4x128x32xf32, #tpu.memory_space<vmem>> -> memref<1x128x32xf32, #tpu.memory_space<vmem>>
    %dma_start3A_786 = tpu.memref_squeeze %dma_start3A_785 : memref<1x128x32xf32, #tpu.memory_space<vmem>> -> memref<128x32xf32, #tpu.memory_space<vmem>>
    tpu.enqueue_dma source(%dma_start3A_786 : memref<128x32xf32, #tpu.memory_space<vmem>>) target(%dma_start3A_782 : memref<128x32xf32, #tpu.memory_space<hbm>>) target_semaphore(%arg9 : memref<!tpu.dma_semaphore, #tpu.memory_space<semaphore_mem>>)
    %add3A_787 = arith.constant 198 : i32
    %add3A_788 = arith.addi %mul3A_2, %add3A_787 : i32
    %jit3A_789 = arith.constant 64 : i32
    %div3A_790 = arith.divsi %add3A_788, %jit3A_789 : i32
    %sign3A_791 = arith.constant 0 : i32
    %sign3A_792 = arith.cmpi sgt, %add3A_788, %sign3A_791 : i32
    %sign3A_793 = arith.extui %sign3A_792 : i1 to i32
    %sign3A_794 = arith.constant 0 : i32
    %sign3A_795 = arith.cmpi slt, %add3A_788, %sign3A_794 : i32
    %sign3A_796 = arith.extui %sign3A_795 : i1 to i32
    %sign3A_797 = arith.subi %sign3A_793, %sign3A_796 : i32
    %sign3A_798 = arith.constant 0 : i32
    %sign3A_799 = arith.cmpi sgt, %jit3A_789, %sign3A_798 : i32
    %sign3A_800 = arith.extui %sign3A_799 : i1 to i32
    %sign3A_801 = arith.constant 0 : i32
    %sign3A_802 = arith.cmpi slt, %jit3A_789, %sign3A_801 : i32
    %sign3A_803 = arith.extui %sign3A_802 : i1 to i32
    %sign3A_804 = arith.subi %sign3A_800, %sign3A_803 : i32
    %ne3A_805 = arith.cmpi ne, %sign3A_797, %sign3A_804 : i32
    %rem3A_806 = arith.remsi %add3A_788, %jit3A_789 : i32
    %ne3A_807 = arith.constant 0 : i32
    %ne3A_808 = arith.cmpi ne, %rem3A_806, %ne3A_807 : i32
    %and3A_809 = arith.andi %ne3A_805, %ne3A_808 : i1
    %sub3A_810 = arith.constant 1 : i32
    %sub3A_811 = arith.subi %div3A_790, %sub3A_810 : i32
    %select_n3A_812 = arith.select %and3A_809, %sub3A_811, %div3A_790 : i32
    %jit3A_813 = arith.constant 64 : i32
    %eq3A_814 = arith.constant 0 : i32
    %eq3A_815 = arith.cmpi eq, %jit3A_813, %eq3A_814 : i32
    %jit3A_816 = arith.constant 1 : i32
    %select_n3A_817 = arith.select %eq3A_815, %jit3A_816, %jit3A_813 : i32
    %rem3A_818 = arith.remsi %add3A_788, %select_n3A_817 : i32
    %ne3A_819 = arith.constant 0 : i32
    %ne3A_820 = arith.cmpi ne, %rem3A_818, %ne3A_819 : i32
    %lt3A_821 = arith.constant 0 : i32
    %lt3A_822 = arith.cmpi slt, %rem3A_818, %lt3A_821 : i32
    %lt3A_823 = arith.constant 0 : i32
    %lt3A_824 = arith.cmpi slt, %select_n3A_817, %lt3A_823 : i32
    %ne3A_825 = arith.xori %lt3A_822, %lt3A_824 : i1
    %and3A_826 = arith.andi %ne3A_825, %ne3A_820 : i1
    %add3A_827 = arith.addi %rem3A_818, %select_n3A_817 : i32
    %select_n3A_828 = arith.select %and3A_826, %add3A_827, %rem3A_818 : i32
    %jit3A_829 = arith.constant 16 : i32
    %div3A_830 = arith.divsi %select_n3A_828, %jit3A_829 : i32
    %sign3A_831 = arith.constant 0 : i32
    %sign3A_832 = arith.cmpi sgt, %select_n3A_828, %sign3A_831 : i32
    %sign3A_833 = arith.extui %sign3A_832 : i1 to i32
    %sign3A_834 = arith.constant 0 : i32
    %sign3A_835 = arith.cmpi slt, %select_n3A_828, %sign3A_834 : i32
    %sign3A_836 = arith.extui %sign3A_835 : i1 to i32
    %sign3A_837 = arith.subi %sign3A_833, %sign3A_836 : i32
    %sign3A_838 = arith.constant 0 : i32
    %sign3A_839 = arith.cmpi sgt, %jit3A_829, %sign3A_838 : i32
    %sign3A_840 = arith.extui %sign3A_839 : i1 to i32
    %sign3A_841 = arith.constant 0 : i32
    %sign3A_842 = arith.cmpi slt, %jit3A_829, %sign3A_841 : i32
    %sign3A_843 = arith.extui %sign3A_842 : i1 to i32
    %sign3A_844 = arith.subi %sign3A_840, %sign3A_843 : i32
    %ne3A_845 = arith.cmpi ne, %sign3A_837, %sign3A_844 : i32
    %rem3A_846 = arith.remsi %select_n3A_828, %jit3A_829 : i32
    %ne3A_847 = arith.constant 0 : i32
    %ne3A_848 = arith.cmpi ne, %rem3A_846, %ne3A_847 : i32
    %and3A_849 = arith.andi %ne3A_845, %ne3A_848 : i1
    %sub3A_850 = arith.constant 1 : i32
    %sub3A_851 = arith.subi %div3A_830, %sub3A_850 : i32
    %select_n3A_852 = arith.select %and3A_849, %sub3A_851, %div3A_830 : i32
    %mul3A_853 = arith.constant 2048 : i32
    %mul3A_854 = arith.muli %select_n3A_812, %mul3A_853 : i32
    %jit3A_855 = arith.constant 16 : i32
    %eq3A_856 = arith.constant 0 : i32
    %eq3A_857 = arith.cmpi eq, %jit3A_855, %eq3A_856 : i32
    %jit3A_858 = arith.constant 1 : i32
    %select_n3A_859 = arith.select %eq3A_857, %jit3A_858, %jit3A_855 : i32
    %rem3A_860 = arith.remsi %select_n3A_828, %select_n3A_859 : i32
    %ne3A_861 = arith.constant 0 : i32
    %ne3A_862 = arith.cmpi ne, %rem3A_860, %ne3A_861 : i32
    %lt3A_863 = arith.constant 0 : i32
    %lt3A_864 = arith.cmpi slt, %rem3A_860, %lt3A_863 : i32
    %lt3A_865 = arith.constant 0 : i32
    %lt3A_866 = arith.cmpi slt, %select_n3A_859, %lt3A_865 : i32
    %ne3A_867 = arith.xori %lt3A_864, %lt3A_866 : i1
    %and3A_868 = arith.andi %ne3A_867, %ne3A_862 : i1
    %add3A_869 = arith.addi %rem3A_860, %select_n3A_859 : i32
    %select_n3A_870 = arith.select %and3A_868, %add3A_869, %rem3A_860 : i32
    %mul3A_871 = arith.constant 128 : i32
    %mul3A_872 = arith.muli %select_n3A_870, %mul3A_871 : i32
    %add3A_873 = arith.addi %mul3A_854, %mul3A_872 : i32
    %mul3A_874 = arith.constant 32 : i32
    %mul3A_875 = arith.muli %select_n3A_852, %mul3A_874 : i32
    %dma_start3A_876 = arith.constant 2 : i32
    %dma_start3A_877 = arith.constant 0 : i32
    %dma_start3A_878 = arith.constant 0 : i32
    %dma_start3A_879 = tpu.memref_slice %arg7[%dma_start3A_876, %dma_start3A_877, %dma_start3A_878] : memref<4x128x32xf32, #tpu.memory_space<vmem>> -> memref<1x128x32xf32, #tpu.memory_space<vmem>>
    %dma_start3A_880 = tpu.memref_squeeze %dma_start3A_879 : memref<1x128x32xf32, #tpu.memory_space<vmem>> -> memref<128x32xf32, #tpu.memory_space<vmem>>
    %dma_start3A_881 = tpu.memref_slice %arg4[%add3A_873, %mul3A_875] : memref<204800x128xf32, #tpu.memory_space<hbm>> -> memref<128x32xf32, #tpu.memory_space<hbm>>
    %dma_start3A_882 = tpu.memref_slice %arg4[%add3A_873, %mul3A_875] : memref<204800x128xf32, #tpu.memory_space<hbm>> -> memref<128x32xf32, #tpu.memory_space<hbm>>
    %dma_start3A_883 = arith.constant 0 : i32
    %dma_start3A_884 = arith.constant 0 : i32
    %dma_start3A_885 = tpu.memref_slice %arg7[%dma_start3A_876, %dma_start3A_883, %dma_start3A_884] : memref<4x128x32xf32, #tpu.memory_space<vmem>> -> memref<1x128x32xf32, #tpu.memory_space<vmem>>
    %dma_start3A_886 = tpu.memref_squeeze %dma_start3A_885 : memref<1x128x32xf32, #tpu.memory_space<vmem>> -> memref<128x32xf32, #tpu.memory_space<vmem>>
    tpu.enqueue_dma source(%dma_start3A_886 : memref<128x32xf32, #tpu.memory_space<vmem>>) target(%dma_start3A_882 : memref<128x32xf32, #tpu.memory_space<hbm>>) target_semaphore(%arg9 : memref<!tpu.dma_semaphore, #tpu.memory_space<semaphore_mem>>)
    %add3A_887 = arith.constant 199 : i32
    %add3A_888 = arith.addi %mul3A_2, %add3A_887 : i32
    %jit3A_889 = arith.constant 64 : i32
    %div3A_890 = arith.divsi %add3A_888, %jit3A_889 : i32
    %sign3A_891 = arith.constant 0 : i32
    %sign3A_892 = arith.cmpi sgt, %add3A_888, %sign3A_891 : i32
    %sign3A_893 = arith.extui %sign3A_892 : i1 to i32
    %sign3A_894 = arith.constant 0 : i32
    %sign3A_895 = arith.cmpi slt, %add3A_888, %sign3A_894 : i32
    %sign3A_896 = arith.extui %sign3A_895 : i1 to i32
    %sign3A_897 = arith.subi %sign3A_893, %sign3A_896 : i32
    %sign3A_898 = arith.constant 0 : i32
    %sign3A_899 = arith.cmpi sgt, %jit3A_889, %sign3A_898 : i32
    %sign3A_900 = arith.extui %sign3A_899 : i1 to i32
    %sign3A_901 = arith.constant 0 : i32
    %sign3A_902 = arith.cmpi slt, %jit3A_889, %sign3A_901 : i32
    %sign3A_903 = arith.extui %sign3A_902 : i1 to i32
    %sign3A_904 = arith.subi %sign3A_900, %sign3A_903 : i32
    %ne3A_905 = arith.cmpi ne, %sign3A_897, %sign3A_904 : i32
    %rem3A_906 = arith.remsi %add3A_888, %jit3A_889 : i32
    %ne3A_907 = arith.constant 0 : i32
    %ne3A_908 = arith.cmpi ne, %rem3A_906, %ne3A_907 : i32
    %and3A_909 = arith.andi %ne3A_905, %ne3A_908 : i1
    %sub3A_910 = arith.constant 1 : i32
    %sub3A_911 = arith.subi %div3A_890, %sub3A_910 : i32
    %select_n3A_912 = arith.select %and3A_909, %sub3A_911, %div3A_890 : i32
    %jit3A_913 = arith.constant 64 : i32
    %eq3A_914 = arith.constant 0 : i32
    %eq3A_915 = arith.cmpi eq, %jit3A_913, %eq3A_914 : i32
    %jit3A_916 = arith.constant 1 : i32
    %select_n3A_917 = arith.select %eq3A_915, %jit3A_916, %jit3A_913 : i32
    %rem3A_918 = arith.remsi %add3A_888, %select_n3A_917 : i32
    %ne3A_919 = arith.constant 0 : i32
    %ne3A_920 = arith.cmpi ne, %rem3A_918, %ne3A_919 : i32
    %lt3A_921 = arith.constant 0 : i32
    %lt3A_922 = arith.cmpi slt, %rem3A_918, %lt3A_921 : i32
    %lt3A_923 = arith.constant 0 : i32
    %lt3A_924 = arith.cmpi slt, %select_n3A_917, %lt3A_923 : i32
    %ne3A_925 = arith.xori %lt3A_922, %lt3A_924 : i1
    %and3A_926 = arith.andi %ne3A_925, %ne3A_920 : i1
    %add3A_927 = arith.addi %rem3A_918, %select_n3A_917 : i32
    %select_n3A_928 = arith.select %and3A_926, %add3A_927, %rem3A_918 : i32
    %jit3A_929 = arith.constant 16 : i32
    %div3A_930 = arith.divsi %select_n3A_928, %jit3A_929 : i32
    %sign3A_931 = arith.constant 0 : i32
    %sign3A_932 = arith.cmpi sgt, %select_n3A_928, %sign3A_931 : i32
    %sign3A_933 = arith.extui %sign3A_932 : i1 to i32
    %sign3A_934 = arith.constant 0 : i32
    %sign3A_935 = arith.cmpi slt, %select_n3A_928, %sign3A_934 : i32
    %sign3A_936 = arith.extui %sign3A_935 : i1 to i32
    %sign3A_937 = arith.subi %sign3A_933, %sign3A_936 : i32
    %sign3A_938 = arith.constant 0 : i32
    %sign3A_939 = arith.cmpi sgt, %jit3A_929, %sign3A_938 : i32
    %sign3A_940 = arith.extui %sign3A_939 : i1 to i32
    %sign3A_941 = arith.constant 0 : i32
    %sign3A_942 = arith.cmpi slt, %jit3A_929, %sign3A_941 : i32
    %sign3A_943 = arith.extui %sign3A_942 : i1 to i32
    %sign3A_944 = arith.subi %sign3A_940, %sign3A_943 : i32
    %ne3A_945 = arith.cmpi ne, %sign3A_937, %sign3A_944 : i32
    %rem3A_946 = arith.remsi %select_n3A_928, %jit3A_929 : i32
    %ne3A_947 = arith.constant 0 : i32
    %ne3A_948 = arith.cmpi ne, %rem3A_946, %ne3A_947 : i32
    %and3A_949 = arith.andi %ne3A_945, %ne3A_948 : i1
    %sub3A_950 = arith.constant 1 : i32
    %sub3A_951 = arith.subi %div3A_930, %sub3A_950 : i32
    %select_n3A_952 = arith.select %and3A_949, %sub3A_951, %div3A_930 : i32
    %mul3A_953 = arith.constant 2048 : i32
    %mul3A_954 = arith.muli %select_n3A_912, %mul3A_953 : i32
    %jit3A_955 = arith.constant 16 : i32
    %eq3A_956 = arith.constant 0 : i32
    %eq3A_957 = arith.cmpi eq, %jit3A_955, %eq3A_956 : i32
    %jit3A_958 = arith.constant 1 : i32
    %select_n3A_959 = arith.select %eq3A_957, %jit3A_958, %jit3A_955 : i32
    %rem3A_960 = arith.remsi %select_n3A_928, %select_n3A_959 : i32
    %ne3A_961 = arith.constant 0 : i32
    %ne3A_962 = arith.cmpi ne, %rem3A_960, %ne3A_961 : i32
    %lt3A_963 = arith.constant 0 : i32
    %lt3A_964 = arith.cmpi slt, %rem3A_960, %lt3A_963 : i32
    %lt3A_965 = arith.constant 0 : i32
    %lt3A_966 = arith.cmpi slt, %select_n3A_959, %lt3A_965 : i32
    %ne3A_967 = arith.xori %lt3A_964, %lt3A_966 : i1
    %and3A_968 = arith.andi %ne3A_967, %ne3A_962 : i1
    %add3A_969 = arith.addi %rem3A_960, %select_n3A_959 : i32
    %select_n3A_970 = arith.select %and3A_968, %add3A_969, %rem3A_960 : i32
    %mul3A_971 = arith.constant 128 : i32
    %mul3A_972 = arith.muli %select_n3A_970, %mul3A_971 : i32
    %add3A_973 = arith.addi %mul3A_954, %mul3A_972 : i32
    %mul3A_974 = arith.constant 32 : i32
    %mul3A_975 = arith.muli %select_n3A_952, %mul3A_974 : i32
    %dma_start3A_976 = arith.constant 3 : i32
    %dma_start3A_977 = arith.constant 0 : i32
    %dma_start3A_978 = arith.constant 0 : i32
    %dma_start3A_979 = tpu.memref_slice %arg7[%dma_start3A_976, %dma_start3A_977, %dma_start3A_978] : memref<4x128x32xf32, #tpu.memory_space<vmem>> -> memref<1x128x32xf32, #tpu.memory_space<vmem>>
    %dma_start3A_980 = tpu.memref_squeeze %dma_start3A_979 : memref<1x128x32xf32, #tpu.memory_space<vmem>> -> memref<128x32xf32, #tpu.memory_space<vmem>>
    %dma_start3A_981 = tpu.memref_slice %arg4[%add3A_973, %mul3A_975] : memref<204800x128xf32, #tpu.memory_space<hbm>> -> memref<128x32xf32, #tpu.memory_space<hbm>>
    %dma_start3A_982 = tpu.memref_slice %arg4[%add3A_973, %mul3A_975] : memref<204800x128xf32, #tpu.memory_space<hbm>> -> memref<128x32xf32, #tpu.memory_space<hbm>>
    %dma_start3A_983 = arith.constant 0 : i32
    %dma_start3A_984 = arith.constant 0 : i32
    %dma_start3A_985 = tpu.memref_slice %arg7[%dma_start3A_976, %dma_start3A_983, %dma_start3A_984] : memref<4x128x32xf32, #tpu.memory_space<vmem>> -> memref<1x128x32xf32, #tpu.memory_space<vmem>>
    %dma_start3A_986 = tpu.memref_squeeze %dma_start3A_985 : memref<1x128x32xf32, #tpu.memory_space<vmem>> -> memref<128x32xf32, #tpu.memory_space<vmem>>
    tpu.enqueue_dma source(%dma_start3A_986 : memref<128x32xf32, #tpu.memory_space<vmem>>) target(%dma_start3A_982 : memref<128x32xf32, #tpu.memory_space<hbm>>) target_semaphore(%arg9 : memref<!tpu.dma_semaphore, #tpu.memory_space<semaphore_mem>>)
    %add3A_987 = arith.constant 192 : i32
    %add3A_988 = arith.addi %mul3A_2, %add3A_987 : i32
    %jit3A_989 = arith.constant 64 : i32
    %div3A_990 = arith.divsi %add3A_988, %jit3A_989 : i32
    %sign3A_991 = arith.constant 0 : i32
    %sign3A_992 = arith.cmpi sgt, %add3A_988, %sign3A_991 : i32
    %sign3A_993 = arith.extui %sign3A_992 : i1 to i32
    %sign3A_994 = arith.constant 0 : i32
    %sign3A_995 = arith.cmpi slt, %add3A_988, %sign3A_994 : i32
    %sign3A_996 = arith.extui %sign3A_995 : i1 to i32
    %sign3A_997 = arith.subi %sign3A_993, %sign3A_996 : i32
    %sign3A_998 = arith.constant 0 : i32
    %sign3A_999 = arith.cmpi sgt, %jit3A_989, %sign3A_998 : i32
    %sign3A_1000 = arith.extui %sign3A_999 : i1 to i32
    %sign3A_1001 = arith.constant 0 : i32
    %sign3A_1002 = arith.cmpi slt, %jit3A_989, %sign3A_1001 : i32
    %sign3A_1003 = arith.extui %sign3A_1002 : i1 to i32
    %sign3A_1004 = arith.subi %sign3A_1000, %sign3A_1003 : i32
    %ne3A_1005 = arith.cmpi ne, %sign3A_997, %sign3A_1004 : i32
    %rem3A_1006 = arith.remsi %add3A_988, %jit3A_989 : i32
    %ne3A_1007 = arith.constant 0 : i32
    %ne3A_1008 = arith.cmpi ne, %rem3A_1006, %ne3A_1007 : i32
    %and3A_1009 = arith.andi %ne3A_1005, %ne3A_1008 : i1
    %sub3A_1010 = arith.constant 1 : i32
    %sub3A_1011 = arith.subi %div3A_990, %sub3A_1010 : i32
    %select_n3A_1012 = arith.select %and3A_1009, %sub3A_1011, %div3A_990 : i32
    %jit3A_1013 = arith.constant 64 : i32
    %eq3A_1014 = arith.constant 0 : i32
    %eq3A_1015 = arith.cmpi eq, %jit3A_1013, %eq3A_1014 : i32
    %jit3A_1016 = arith.constant 1 : i32
    %select_n3A_1017 = arith.select %eq3A_1015, %jit3A_1016, %jit3A_1013 : i32
    %rem3A_1018 = arith.remsi %add3A_988, %select_n3A_1017 : i32
    %ne3A_1019 = arith.constant 0 : i32
    %ne3A_1020 = arith.cmpi ne, %rem3A_1018, %ne3A_1019 : i32
    %lt3A_1021 = arith.constant 0 : i32
    %lt3A_1022 = arith.cmpi slt, %rem3A_1018, %lt3A_1021 : i32
    %lt3A_1023 = arith.constant 0 : i32
    %lt3A_1024 = arith.cmpi slt, %select_n3A_1017, %lt3A_1023 : i32
    %ne3A_1025 = arith.xori %lt3A_1022, %lt3A_1024 : i1
    %and3A_1026 = arith.andi %ne3A_1025, %ne3A_1020 : i1
    %add3A_1027 = arith.addi %rem3A_1018, %select_n3A_1017 : i32
    %select_n3A_1028 = arith.select %and3A_1026, %add3A_1027, %rem3A_1018 : i32
    %jit3A_1029 = arith.constant 16 : i32
    %div3A_1030 = arith.divsi %select_n3A_1028, %jit3A_1029 : i32
    %sign3A_1031 = arith.constant 0 : i32
    %sign3A_1032 = arith.cmpi sgt, %select_n3A_1028, %sign3A_1031 : i32
    %sign3A_1033 = arith.extui %sign3A_1032 : i1 to i32
    %sign3A_1034 = arith.constant 0 : i32
    %sign3A_1035 = arith.cmpi slt, %select_n3A_1028, %sign3A_1034 : i32
    %sign3A_1036 = arith.extui %sign3A_1035 : i1 to i32
    %sign3A_1037 = arith.subi %sign3A_1033, %sign3A_1036 : i32
    %sign3A_1038 = arith.constant 0 : i32
    %sign3A_1039 = arith.cmpi sgt, %jit3A_1029, %sign3A_1038 : i32
    %sign3A_1040 = arith.extui %sign3A_1039 : i1 to i32
    %sign3A_1041 = arith.constant 0 : i32
    %sign3A_1042 = arith.cmpi slt, %jit3A_1029, %sign3A_1041 : i32
    %sign3A_1043 = arith.extui %sign3A_1042 : i1 to i32
    %sign3A_1044 = arith.subi %sign3A_1040, %sign3A_1043 : i32
    %ne3A_1045 = arith.cmpi ne, %sign3A_1037, %sign3A_1044 : i32
    %rem3A_1046 = arith.remsi %select_n3A_1028, %jit3A_1029 : i32
    %ne3A_1047 = arith.constant 0 : i32
    %ne3A_1048 = arith.cmpi ne, %rem3A_1046, %ne3A_1047 : i32
    %and3A_1049 = arith.andi %ne3A_1045, %ne3A_1048 : i1
    %sub3A_1050 = arith.constant 1 : i32
    %sub3A_1051 = arith.subi %div3A_1030, %sub3A_1050 : i32
    %select_n3A_1052 = arith.select %and3A_1049, %sub3A_1051, %div3A_1030 : i32
    %mul3A_1053 = arith.constant 2048 : i32
    %mul3A_1054 = arith.muli %select_n3A_1012, %mul3A_1053 : i32
    %jit3A_1055 = arith.constant 16 : i32
    %eq3A_1056 = arith.constant 0 : i32
    %eq3A_1057 = arith.cmpi eq, %jit3A_1055, %eq3A_1056 : i32
    %jit3A_1058 = arith.constant 1 : i32
    %select_n3A_1059 = arith.select %eq3A_1057, %jit3A_1058, %jit3A_1055 : i32
    %rem3A_1060 = arith.remsi %select_n3A_1028, %select_n3A_1059 : i32
    %ne3A_1061 = arith.constant 0 : i32
    %ne3A_1062 = arith.cmpi ne, %rem3A_1060, %ne3A_1061 : i32
    %lt3A_1063 = arith.constant 0 : i32
    %lt3A_1064 = arith.cmpi slt, %rem3A_1060, %lt3A_1063 : i32
    %lt3A_1065 = arith.constant 0 : i32
    %lt3A_1066 = arith.cmpi slt, %select_n3A_1059, %lt3A_1065 : i32
    %ne3A_1067 = arith.xori %lt3A_1064, %lt3A_1066 : i1
    %and3A_1068 = arith.andi %ne3A_1067, %ne3A_1062 : i1
    %add3A_1069 = arith.addi %rem3A_1060, %select_n3A_1059 : i32
    %select_n3A_1070 = arith.select %and3A_1068, %add3A_1069, %rem3A_1060 : i32
    %mul3A_1071 = arith.constant 128 : i32
    %mul3A_1072 = arith.muli %select_n3A_1070, %mul3A_1071 : i32
    %add3A_1073 = arith.addi %mul3A_1054, %mul3A_1072 : i32
    %mul3A_1074 = arith.constant 32 : i32
    %mul3A_1075 = arith.muli %select_n3A_1052, %mul3A_1074 : i32
    %dma_wait3A_1076 = arith.constant 0 : i32
    %dma_wait3A_1077 = arith.constant 0 : i32
    %dma_wait3A_1078 = arith.constant 0 : i32
    %dma_wait3A_1079 = tpu.memref_slice %arg6[%dma_wait3A_1076, %dma_wait3A_1077, %dma_wait3A_1078] : memref<4x128x32xf32, #tpu.memory_space<vmem>> -> memref<1x128x32xf32, #tpu.memory_space<vmem>>
    %dma_wait3A_1080 = tpu.memref_squeeze %dma_wait3A_1079 : memref<1x128x32xf32, #tpu.memory_space<vmem>> -> memref<128x32xf32, #tpu.memory_space<vmem>>
    %dma_wait3A_1081 = tpu.memref_slice %arg4[%add3A_1073, %mul3A_1075] : memref<204800x128xf32, #tpu.memory_space<hbm>> -> memref<128x32xf32, #tpu.memory_space<hbm>>
    %dma_wait3A_1082 = tpu.memref_slice %arg4[%add3A_1073, %mul3A_1075] : memref<204800x128xf32, #tpu.memory_space<hbm>> -> memref<128x32xf32, #tpu.memory_space<hbm>>
    %dma_wait3A_1083 = arith.constant 0 : i32
    %dma_wait3A_1084 = arith.constant 0 : i32
    %dma_wait3A_1085 = tpu.memref_slice %arg6[%dma_wait3A_1076, %dma_wait3A_1083, %dma_wait3A_1084] : memref<4x128x32xf32, #tpu.memory_space<vmem>> -> memref<1x128x32xf32, #tpu.memory_space<vmem>>
    %dma_wait3A_1086 = tpu.memref_squeeze %dma_wait3A_1085 : memref<1x128x32xf32, #tpu.memory_space<vmem>> -> memref<128x32xf32, #tpu.memory_space<vmem>>
    tpu.wait_dma2 semaphore(%arg9 : memref<!tpu.dma_semaphore, #tpu.memory_space<semaphore_mem>>) src(%dma_wait3A_1086 : memref<128x32xf32, #tpu.memory_space<vmem>>) dst(%dma_wait3A_1082 : memref<128x32xf32, #tpu.memory_space<hbm>>)
    %add3A_1087 = arith.constant 193 : i32
    %add3A_1088 = arith.addi %mul3A_2, %add3A_1087 : i32
    %jit3A_1089 = arith.constant 64 : i32
    %div3A_1090 = arith.divsi %add3A_1088, %jit3A_1089 : i32
    %sign3A_1091 = arith.constant 0 : i32
    %sign3A_1092 = arith.cmpi sgt, %add3A_1088, %sign3A_1091 : i32
    %sign3A_1093 = arith.extui %sign3A_1092 : i1 to i32
    %sign3A_1094 = arith.constant 0 : i32
    %sign3A_1095 = arith.cmpi slt, %add3A_1088, %sign3A_1094 : i32
    %sign3A_1096 = arith.extui %sign3A_1095 : i1 to i32
    %sign3A_1097 = arith.subi %sign3A_1093, %sign3A_1096 : i32
    %sign3A_1098 = arith.constant 0 : i32
    %sign3A_1099 = arith.cmpi sgt, %jit3A_1089, %sign3A_1098 : i32
    %sign3A_1100 = arith.extui %sign3A_1099 : i1 to i32
    %sign3A_1101 = arith.constant 0 : i32
    %sign3A_1102 = arith.cmpi slt, %jit3A_1089, %sign3A_1101 : i32
    %sign3A_1103 = arith.extui %sign3A_1102 : i1 to i32
    %sign3A_1104 = arith.subi %sign3A_1100, %sign3A_1103 : i32
    %ne3A_1105 = arith.cmpi ne, %sign3A_1097, %sign3A_1104 : i32
    %rem3A_1106 = arith.remsi %add3A_1088, %jit3A_1089 : i32
    %ne3A_1107 = arith.constant 0 : i32
    %ne3A_1108 = arith.cmpi ne, %rem3A_1106, %ne3A_1107 : i32
    %and3A_1109 = arith.andi %ne3A_1105, %ne3A_1108 : i1
    %sub3A_1110 = arith.constant 1 : i32
    %sub3A_1111 = arith.subi %div3A_1090, %sub3A_1110 : i32
    %select_n3A_1112 = arith.select %and3A_1109, %sub3A_1111, %div3A_1090 : i32
    %jit3A_1113 = arith.constant 64 : i32
    %eq3A_1114 = arith.constant 0 : i32
    %eq3A_1115 = arith.cmpi eq, %jit3A_1113, %eq3A_1114 : i32
    %jit3A_1116 = arith.constant 1 : i32
    %select_n3A_1117 = arith.select %eq3A_1115, %jit3A_1116, %jit3A_1113 : i32
    %rem3A_1118 = arith.remsi %add3A_1088, %select_n3A_1117 : i32
    %ne3A_1119 = arith.constant 0 : i32
    %ne3A_1120 = arith.cmpi ne, %rem3A_1118, %ne3A_1119 : i32
    %lt3A_1121 = arith.constant 0 : i32
    %lt3A_1122 = arith.cmpi slt, %rem3A_1118, %lt3A_1121 : i32
    %lt3A_1123 = arith.constant 0 : i32
    %lt3A_1124 = arith.cmpi slt, %select_n3A_1117, %lt3A_1123 : i32
    %ne3A_1125 = arith.xori %lt3A_1122, %lt3A_1124 : i1
    %and3A_1126 = arith.andi %ne3A_1125, %ne3A_1120 : i1
    %add3A_1127 = arith.addi %rem3A_1118, %select_n3A_1117 : i32
    %select_n3A_1128 = arith.select %and3A_1126, %add3A_1127, %rem3A_1118 : i32
    %jit3A_1129 = arith.constant 16 : i32
    %div3A_1130 = arith.divsi %select_n3A_1128, %jit3A_1129 : i32
    %sign3A_1131 = arith.constant 0 : i32
    %sign3A_1132 = arith.cmpi sgt, %select_n3A_1128, %sign3A_1131 : i32
    %sign3A_1133 = arith.extui %sign3A_1132 : i1 to i32
    %sign3A_1134 = arith.constant 0 : i32
    %sign3A_1135 = arith.cmpi slt, %select_n3A_1128, %sign3A_1134 : i32
    %sign3A_1136 = arith.extui %sign3A_1135 : i1 to i32
    %sign3A_1137 = arith.subi %sign3A_1133, %sign3A_1136 : i32
    %sign3A_1138 = arith.constant 0 : i32
    %sign3A_1139 = arith.cmpi sgt, %jit3A_1129, %sign3A_1138 : i32
    %sign3A_1140 = arith.extui %sign3A_1139 : i1 to i32
    %sign3A_1141 = arith.constant 0 : i32
    %sign3A_1142 = arith.cmpi slt, %jit3A_1129, %sign3A_1141 : i32
    %sign3A_1143 = arith.extui %sign3A_1142 : i1 to i32
    %sign3A_1144 = arith.subi %sign3A_1140, %sign3A_1143 : i32
    %ne3A_1145 = arith.cmpi ne, %sign3A_1137, %sign3A_1144 : i32
    %rem3A_1146 = arith.remsi %select_n3A_1128, %jit3A_1129 : i32
    %ne3A_1147 = arith.constant 0 : i32
    %ne3A_1148 = arith.cmpi ne, %rem3A_1146, %ne3A_1147 : i32
    %and3A_1149 = arith.andi %ne3A_1145, %ne3A_1148 : i1
    %sub3A_1150 = arith.constant 1 : i32
    %sub3A_1151 = arith.subi %div3A_1130, %sub3A_1150 : i32
    %select_n3A_1152 = arith.select %and3A_1149, %sub3A_1151, %div3A_1130 : i32
    %mul3A_1153 = arith.constant 2048 : i32
    %mul3A_1154 = arith.muli %select_n3A_1112, %mul3A_1153 : i32
    %jit3A_1155 = arith.constant 16 : i32
    %eq3A_1156 = arith.constant 0 : i32
    %eq3A_1157 = arith.cmpi eq, %jit3A_1155, %eq3A_1156 : i32
    %jit3A_1158 = arith.constant 1 : i32
    %select_n3A_1159 = arith.select %eq3A_1157, %jit3A_1158, %jit3A_1155 : i32
    %rem3A_1160 = arith.remsi %select_n3A_1128, %select_n3A_1159 : i32
    %ne3A_1161 = arith.constant 0 : i32
    %ne3A_1162 = arith.cmpi ne, %rem3A_1160, %ne3A_1161 : i32
    %lt3A_1163 = arith.constant 0 : i32
    %lt3A_1164 = arith.cmpi slt, %rem3A_1160, %lt3A_1163 : i32
    %lt3A_1165 = arith.constant 0 : i32
    %lt3A_1166 = arith.cmpi slt, %select_n3A_1159, %lt3A_1165 : i32
    %ne3A_1167 = arith.xori %lt3A_1164, %lt3A_1166 : i1
    %and3A_1168 = arith.andi %ne3A_1167, %ne3A_1162 : i1
    %add3A_1169 = arith.addi %rem3A_1160, %select_n3A_1159 : i32
    %select_n3A_1170 = arith.select %and3A_1168, %add3A_1169, %rem3A_1160 : i32
    %mul3A_1171 = arith.constant 128 : i32
    %mul3A_1172 = arith.muli %select_n3A_1170, %mul3A_1171 : i32
    %add3A_1173 = arith.addi %mul3A_1154, %mul3A_1172 : i32
    %mul3A_1174 = arith.constant 32 : i32
    %mul3A_1175 = arith.muli %select_n3A_1152, %mul3A_1174 : i32
    %dma_wait3A_1176 = arith.constant 1 : i32
    %dma_wait3A_1177 = arith.constant 0 : i32
    %dma_wait3A_1178 = arith.constant 0 : i32
    %dma_wait3A_1179 = tpu.memref_slice %arg6[%dma_wait3A_1176, %dma_wait3A_1177, %dma_wait3A_1178] : memref<4x128x32xf32, #tpu.memory_space<vmem>> -> memref<1x128x32xf32, #tpu.memory_space<vmem>>
    %dma_wait3A_1180 = tpu.memref_squeeze %dma_wait3A_1179 : memref<1x128x32xf32, #tpu.memory_space<vmem>> -> memref<128x32xf32, #tpu.memory_space<vmem>>
    %dma_wait3A_1181 = tpu.memref_slice %arg4[%add3A_1173, %mul3A_1175] : memref<204800x128xf32, #tpu.memory_space<hbm>> -> memref<128x32xf32, #tpu.memory_space<hbm>>
    %dma_wait3A_1182 = tpu.memref_slice %arg4[%add3A_1173, %mul3A_1175] : memref<204800x128xf32, #tpu.memory_space<hbm>> -> memref<128x32xf32, #tpu.memory_space<hbm>>
    %dma_wait3A_1183 = arith.constant 0 : i32
    %dma_wait3A_1184 = arith.constant 0 : i32
    %dma_wait3A_1185 = tpu.memref_slice %arg6[%dma_wait3A_1176, %dma_wait3A_1183, %dma_wait3A_1184] : memref<4x128x32xf32, #tpu.memory_space<vmem>> -> memref<1x128x32xf32, #tpu.memory_space<vmem>>
    %dma_wait3A_1186 = tpu.memref_squeeze %dma_wait3A_1185 : memref<1x128x32xf32, #tpu.memory_space<vmem>> -> memref<128x32xf32, #tpu.memory_space<vmem>>
    tpu.wait_dma2 semaphore(%arg9 : memref<!tpu.dma_semaphore, #tpu.memory_space<semaphore_mem>>) src(%dma_wait3A_1186 : memref<128x32xf32, #tpu.memory_space<vmem>>) dst(%dma_wait3A_1182 : memref<128x32xf32, #tpu.memory_space<hbm>>)
    %add3A_1187 = arith.constant 194 : i32
    %add3A_1188 = arith.addi %mul3A_2, %add3A_1187 : i32
    %jit3A_1189 = arith.constant 64 : i32
    %div3A_1190 = arith.divsi %add3A_1188, %jit3A_1189 : i32
    %sign3A_1191 = arith.constant 0 : i32
    %sign3A_1192 = arith.cmpi sgt, %add3A_1188, %sign3A_1191 : i32
    %sign3A_1193 = arith.extui %sign3A_1192 : i1 to i32
    %sign3A_1194 = arith.constant 0 : i32
    %sign3A_1195 = arith.cmpi slt, %add3A_1188, %sign3A_1194 : i32
    %sign3A_1196 = arith.extui %sign3A_1195 : i1 to i32
    %sign3A_1197 = arith.subi %sign3A_1193, %sign3A_1196 : i32
    %sign3A_1198 = arith.constant 0 : i32
    %sign3A_1199 = arith.cmpi sgt, %jit3A_1189, %sign3A_1198 : i32
    %sign3A_1200 = arith.extui %sign3A_1199 : i1 to i32
    %sign3A_1201 = arith.constant 0 : i32
    %sign3A_1202 = arith.cmpi slt, %jit3A_1189, %sign3A_1201 : i32
    %sign3A_1203 = arith.extui %sign3A_1202 : i1 to i32
    %sign3A_1204 = arith.subi %sign3A_1200, %sign3A_1203 : i32
    %ne3A_1205 = arith.cmpi ne, %sign3A_1197, %sign3A_1204 : i32
    %rem3A_1206 = arith.remsi %add3A_1188, %jit3A_1189 : i32
    %ne3A_1207 = arith.constant 0 : i32
    %ne3A_1208 = arith.cmpi ne, %rem3A_1206, %ne3A_1207 : i32
    %and3A_1209 = arith.andi %ne3A_1205, %ne3A_1208 : i1
    %sub3A_1210 = arith.constant 1 : i32
    %sub3A_1211 = arith.subi %div3A_1190, %sub3A_1210 : i32
    %select_n3A_1212 = arith.select %and3A_1209, %sub3A_1211, %div3A_1190 : i32
    %jit3A_1213 = arith.constant 64 : i32
    %eq3A_1214 = arith.constant 0 : i32
    %eq3A_1215 = arith.cmpi eq, %jit3A_1213, %eq3A_1214 : i32
    %jit3A_1216 = arith.constant 1 : i32
    %select_n3A_1217 = arith.select %eq3A_1215, %jit3A_1216, %jit3A_1213 : i32
    %rem3A_1218 = arith.remsi %add3A_1188, %select_n3A_1217 : i32
    %ne3A_1219 = arith.constant 0 : i32
    %ne3A_1220 = arith.cmpi ne, %rem3A_1218, %ne3A_1219 : i32
    %lt3A_1221 = arith.constant 0 : i32
    %lt3A_1222 = arith.cmpi slt, %rem3A_1218, %lt3A_1221 : i32
    %lt3A_1223 = arith.constant 0 : i32
    %lt3A_1224 = arith.cmpi slt, %select_n3A_1217, %lt3A_1223 : i32
    %ne3A_1225 = arith.xori %lt3A_1222, %lt3A_1224 : i1
    %and3A_1226 = arith.andi %ne3A_1225, %ne3A_1220 : i1
    %add3A_1227 = arith.addi %rem3A_1218, %select_n3A_1217 : i32
    %select_n3A_1228 = arith.select %and3A_1226, %add3A_1227, %rem3A_1218 : i32
    %jit3A_1229 = arith.constant 16 : i32
    %div3A_1230 = arith.divsi %select_n3A_1228, %jit3A_1229 : i32
    %sign3A_1231 = arith.constant 0 : i32
    %sign3A_1232 = arith.cmpi sgt, %select_n3A_1228, %sign3A_1231 : i32
    %sign3A_1233 = arith.extui %sign3A_1232 : i1 to i32
    %sign3A_1234 = arith.constant 0 : i32
    %sign3A_1235 = arith.cmpi slt, %select_n3A_1228, %sign3A_1234 : i32
    %sign3A_1236 = arith.extui %sign3A_1235 : i1 to i32
    %sign3A_1237 = arith.subi %sign3A_1233, %sign3A_1236 : i32
    %sign3A_1238 = arith.constant 0 : i32
    %sign3A_1239 = arith.cmpi sgt, %jit3A_1229, %sign3A_1238 : i32
    %sign3A_1240 = arith.extui %sign3A_1239 : i1 to i32
    %sign3A_1241 = arith.constant 0 : i32
    %sign3A_1242 = arith.cmpi slt, %jit3A_1229, %sign3A_1241 : i32
    %sign3A_1243 = arith.extui %sign3A_1242 : i1 to i32
    %sign3A_1244 = arith.subi %sign3A_1240, %sign3A_1243 : i32
    %ne3A_1245 = arith.cmpi ne, %sign3A_1237, %sign3A_1244 : i32
    %rem3A_1246 = arith.remsi %select_n3A_1228, %jit3A_1229 : i32
    %ne3A_1247 = arith.constant 0 : i32
    %ne3A_1248 = arith.cmpi ne, %rem3A_1246, %ne3A_1247 : i32
    %and3A_1249 = arith.andi %ne3A_1245, %ne3A_1248 : i1
    %sub3A_1250 = arith.constant 1 : i32
    %sub3A_1251 = arith.subi %div3A_1230, %sub3A_1250 : i32
    %select_n3A_1252 = arith.select %and3A_1249, %sub3A_1251, %div3A_1230 : i32
    %mul3A_1253 = arith.constant 2048 : i32
    %mul3A_1254 = arith.muli %select_n3A_1212, %mul3A_1253 : i32
    %jit3A_1255 = arith.constant 16 : i32
    %eq3A_1256 = arith.constant 0 : i32
    %eq3A_1257 = arith.cmpi eq, %jit3A_1255, %eq3A_1256 : i32
    %jit3A_1258 = arith.constant 1 : i32
    %select_n3A_1259 = arith.select %eq3A_1257, %jit3A_1258, %jit3A_1255 : i32
    %rem3A_1260 = arith.remsi %select_n3A_1228, %select_n3A_1259 : i32
    %ne3A_1261 = arith.constant 0 : i32
    %ne3A_1262 = arith.cmpi ne, %rem3A_1260, %ne3A_1261 : i32
    %lt3A_1263 = arith.constant 0 : i32
    %lt3A_1264 = arith.cmpi slt, %rem3A_1260, %lt3A_1263 : i32
    %lt3A_1265 = arith.constant 0 : i32
    %lt3A_1266 = arith.cmpi slt, %select_n3A_1259, %lt3A_1265 : i32
    %ne3A_1267 = arith.xori %lt3A_1264, %lt3A_1266 : i1
    %and3A_1268 = arith.andi %ne3A_1267, %ne3A_1262 : i1
    %add3A_1269 = arith.addi %rem3A_1260, %select_n3A_1259 : i32
    %select_n3A_1270 = arith.select %and3A_1268, %add3A_1269, %rem3A_1260 : i32
    %mul3A_1271 = arith.constant 128 : i32
    %mul3A_1272 = arith.muli %select_n3A_1270, %mul3A_1271 : i32
    %add3A_1273 = arith.addi %mul3A_1254, %mul3A_1272 : i32
    %mul3A_1274 = arith.constant 32 : i32
    %mul3A_1275 = arith.muli %select_n3A_1252, %mul3A_1274 : i32
    %dma_wait3A_1276 = arith.constant 2 : i32
    %dma_wait3A_1277 = arith.constant 0 : i32
    %dma_wait3A_1278 = arith.constant 0 : i32
    %dma_wait3A_1279 = tpu.memref_slice %arg6[%dma_wait3A_1276, %dma_wait3A_1277, %dma_wait3A_1278] : memref<4x128x32xf32, #tpu.memory_space<vmem>> -> memref<1x128x32xf32, #tpu.memory_space<vmem>>
    %dma_wait3A_1280 = tpu.memref_squeeze %dma_wait3A_1279 : memref<1x128x32xf32, #tpu.memory_space<vmem>> -> memref<128x32xf32, #tpu.memory_space<vmem>>
    %dma_wait3A_1281 = tpu.memref_slice %arg4[%add3A_1273, %mul3A_1275] : memref<204800x128xf32, #tpu.memory_space<hbm>> -> memref<128x32xf32, #tpu.memory_space<hbm>>
    %dma_wait3A_1282 = tpu.memref_slice %arg4[%add3A_1273, %mul3A_1275] : memref<204800x128xf32, #tpu.memory_space<hbm>> -> memref<128x32xf32, #tpu.memory_space<hbm>>
    %dma_wait3A_1283 = arith.constant 0 : i32
    %dma_wait3A_1284 = arith.constant 0 : i32
    %dma_wait3A_1285 = tpu.memref_slice %arg6[%dma_wait3A_1276, %dma_wait3A_1283, %dma_wait3A_1284] : memref<4x128x32xf32, #tpu.memory_space<vmem>> -> memref<1x128x32xf32, #tpu.memory_space<vmem>>
    %dma_wait3A_1286 = tpu.memref_squeeze %dma_wait3A_1285 : memref<1x128x32xf32, #tpu.memory_space<vmem>> -> memref<128x32xf32, #tpu.memory_space<vmem>>
    tpu.wait_dma2 semaphore(%arg9 : memref<!tpu.dma_semaphore, #tpu.memory_space<semaphore_mem>>) src(%dma_wait3A_1286 : memref<128x32xf32, #tpu.memory_space<vmem>>) dst(%dma_wait3A_1282 : memref<128x32xf32, #tpu.memory_space<hbm>>)
    %add3A_1287 = arith.constant 195 : i32
    %add3A_1288 = arith.addi %mul3A_2, %add3A_1287 : i32
    %jit3A_1289 = arith.constant 64 : i32
    %div3A_1290 = arith.divsi %add3A_1288, %jit3A_1289 : i32
    %sign3A_1291 = arith.constant 0 : i32
    %sign3A_1292 = arith.cmpi sgt, %add3A_1288, %sign3A_1291 : i32
    %sign3A_1293 = arith.extui %sign3A_1292 : i1 to i32
    %sign3A_1294 = arith.constant 0 : i32
    %sign3A_1295 = arith.cmpi slt, %add3A_1288, %sign3A_1294 : i32
    %sign3A_1296 = arith.extui %sign3A_1295 : i1 to i32
    %sign3A_1297 = arith.subi %sign3A_1293, %sign3A_1296 : i32
    %sign3A_1298 = arith.constant 0 : i32
    %sign3A_1299 = arith.cmpi sgt, %jit3A_1289, %sign3A_1298 : i32
    %sign3A_1300 = arith.extui %sign3A_1299 : i1 to i32
    %sign3A_1301 = arith.constant 0 : i32
    %sign3A_1302 = arith.cmpi slt, %jit3A_1289, %sign3A_1301 : i32
    %sign3A_1303 = arith.extui %sign3A_1302 : i1 to i32
    %sign3A_1304 = arith.subi %sign3A_1300, %sign3A_1303 : i32
    %ne3A_1305 = arith.cmpi ne, %sign3A_1297, %sign3A_1304 : i32
    %rem3A_1306 = arith.remsi %add3A_1288, %jit3A_1289 : i32
    %ne3A_1307 = arith.constant 0 : i32
    %ne3A_1308 = arith.cmpi ne, %rem3A_1306, %ne3A_1307 : i32
    %and3A_1309 = arith.andi %ne3A_1305, %ne3A_1308 : i1
    %sub3A_1310 = arith.constant 1 : i32
    %sub3A_1311 = arith.subi %div3A_1290, %sub3A_1310 : i32
    %select_n3A_1312 = arith.select %and3A_1309, %sub3A_1311, %div3A_1290 : i32
    %jit3A_1313 = arith.constant 64 : i32
    %eq3A_1314 = arith.constant 0 : i32
    %eq3A_1315 = arith.cmpi eq, %jit3A_1313, %eq3A_1314 : i32
    %jit3A_1316 = arith.constant 1 : i32
    %select_n3A_1317 = arith.select %eq3A_1315, %jit3A_1316, %jit3A_1313 : i32
    %rem3A_1318 = arith.remsi %add3A_1288, %select_n3A_1317 : i32
    %ne3A_1319 = arith.constant 0 : i32
    %ne3A_1320 = arith.cmpi ne, %rem3A_1318, %ne3A_1319 : i32
    %lt3A_1321 = arith.constant 0 : i32
    %lt3A_1322 = arith.cmpi slt, %rem3A_1318, %lt3A_1321 : i32
    %lt3A_1323 = arith.constant 0 : i32
    %lt3A_1324 = arith.cmpi slt, %select_n3A_1317, %lt3A_1323 : i32
    %ne3A_1325 = arith.xori %lt3A_1322, %lt3A_1324 : i1
    %and3A_1326 = arith.andi %ne3A_1325, %ne3A_1320 : i1
    %add3A_1327 = arith.addi %rem3A_1318, %select_n3A_1317 : i32
    %select_n3A_1328 = arith.select %and3A_1326, %add3A_1327, %rem3A_1318 : i32
    %jit3A_1329 = arith.constant 16 : i32
    %div3A_1330 = arith.divsi %select_n3A_1328, %jit3A_1329 : i32
    %sign3A_1331 = arith.constant 0 : i32
    %sign3A_1332 = arith.cmpi sgt, %select_n3A_1328, %sign3A_1331 : i32
    %sign3A_1333 = arith.extui %sign3A_1332 : i1 to i32
    %sign3A_1334 = arith.constant 0 : i32
    %sign3A_1335 = arith.cmpi slt, %select_n3A_1328, %sign3A_1334 : i32
    %sign3A_1336 = arith.extui %sign3A_1335 : i1 to i32
    %sign3A_1337 = arith.subi %sign3A_1333, %sign3A_1336 : i32
    %sign3A_1338 = arith.constant 0 : i32
    %sign3A_1339 = arith.cmpi sgt, %jit3A_1329, %sign3A_1338 : i32
    %sign3A_1340 = arith.extui %sign3A_1339 : i1 to i32
    %sign3A_1341 = arith.constant 0 : i32
    %sign3A_1342 = arith.cmpi slt, %jit3A_1329, %sign3A_1341 : i32
    %sign3A_1343 = arith.extui %sign3A_1342 : i1 to i32
    %sign3A_1344 = arith.subi %sign3A_1340, %sign3A_1343 : i32
    %ne3A_1345 = arith.cmpi ne, %sign3A_1337, %sign3A_1344 : i32
    %rem3A_1346 = arith.remsi %select_n3A_1328, %jit3A_1329 : i32
    %ne3A_1347 = arith.constant 0 : i32
    %ne3A_1348 = arith.cmpi ne, %rem3A_1346, %ne3A_1347 : i32
    %and3A_1349 = arith.andi %ne3A_1345, %ne3A_1348 : i1
    %sub3A_1350 = arith.constant 1 : i32
    %sub3A_1351 = arith.subi %div3A_1330, %sub3A_1350 : i32
    %select_n3A_1352 = arith.select %and3A_1349, %sub3A_1351, %div3A_1330 : i32
    %mul3A_1353 = arith.constant 2048 : i32
    %mul3A_1354 = arith.muli %select_n3A_1312, %mul3A_1353 : i32
    %jit3A_1355 = arith.constant 16 : i32
    %eq3A_1356 = arith.constant 0 : i32
    %eq3A_1357 = arith.cmpi eq, %jit3A_1355, %eq3A_1356 : i32
    %jit3A_1358 = arith.constant 1 : i32
    %select_n3A_1359 = arith.select %eq3A_1357, %jit3A_1358, %jit3A_1355 : i32
    %rem3A_1360 = arith.remsi %select_n3A_1328, %select_n3A_1359 : i32
    %ne3A_1361 = arith.constant 0 : i32
    %ne3A_1362 = arith.cmpi ne, %rem3A_1360, %ne3A_1361 : i32
    %lt3A_1363 = arith.constant 0 : i32
    %lt3A_1364 = arith.cmpi slt, %rem3A_1360, %lt3A_1363 : i32
    %lt3A_1365 = arith.constant 0 : i32
    %lt3A_1366 = arith.cmpi slt, %select_n3A_1359, %lt3A_1365 : i32
    %ne3A_1367 = arith.xori %lt3A_1364, %lt3A_1366 : i1
    %and3A_1368 = arith.andi %ne3A_1367, %ne3A_1362 : i1
    %add3A_1369 = arith.addi %rem3A_1360, %select_n3A_1359 : i32
    %select_n3A_1370 = arith.select %and3A_1368, %add3A_1369, %rem3A_1360 : i32
    %mul3A_1371 = arith.constant 128 : i32
    %mul3A_1372 = arith.muli %select_n3A_1370, %mul3A_1371 : i32
    %add3A_1373 = arith.addi %mul3A_1354, %mul3A_1372 : i32
    %mul3A_1374 = arith.constant 32 : i32
    %mul3A_1375 = arith.muli %select_n3A_1352, %mul3A_1374 : i32
    %dma_wait3A_1376 = arith.constant 3 : i32
    %dma_wait3A_1377 = arith.constant 0 : i32
    %dma_wait3A_1378 = arith.constant 0 : i32
    %dma_wait3A_1379 = tpu.memref_slice %arg6[%dma_wait3A_1376, %dma_wait3A_1377, %dma_wait3A_1378] : memref<4x128x32xf32, #tpu.memory_space<vmem>> -> memref<1x128x32xf32, #tpu.memory_space<vmem>>
    %dma_wait3A_1380 = tpu.memref_squeeze %dma_wait3A_1379 : memref<1x128x32xf32, #tpu.memory_space<vmem>> -> memref<128x32xf32, #tpu.memory_space<vmem>>
    %dma_wait3A_1381 = tpu.memref_slice %arg4[%add3A_1373, %mul3A_1375] : memref<204800x128xf32, #tpu.memory_space<hbm>> -> memref<128x32xf32, #tpu.memory_space<hbm>>
    %dma_wait3A_1382 = tpu.memref_slice %arg4[%add3A_1373, %mul3A_1375] : memref<204800x128xf32, #tpu.memory_space<hbm>> -> memref<128x32xf32, #tpu.memory_space<hbm>>
    %dma_wait3A_1383 = arith.constant 0 : i32
    %dma_wait3A_1384 = arith.constant 0 : i32
    %dma_wait3A_1385 = tpu.memref_slice %arg6[%dma_wait3A_1376, %dma_wait3A_1383, %dma_wait3A_1384] : memref<4x128x32xf32, #tpu.memory_space<vmem>> -> memref<1x128x32xf32, #tpu.memory_space<vmem>>
    %dma_wait3A_1386 = tpu.memref_squeeze %dma_wait3A_1385 : memref<1x128x32xf32, #tpu.memory_space<vmem>> -> memref<128x32xf32, #tpu.memory_space<vmem>>
    tpu.wait_dma2 semaphore(%arg9 : memref<!tpu.dma_semaphore, #tpu.memory_space<semaphore_mem>>) src(%dma_wait3A_1386 : memref<128x32xf32, #tpu.memory_space<vmem>>) dst(%dma_wait3A_1382 : memref<128x32xf32, #tpu.memory_space<hbm>>)
    %add3A_1387 = arith.constant 196 : i32
    %add3A_1388 = arith.addi %mul3A_2, %add3A_1387 : i32
    %jit3A_1389 = arith.constant 64 : i32
    %div3A_1390 = arith.divsi %add3A_1388, %jit3A_1389 : i32
    %sign3A_1391 = arith.constant 0 : i32
    %sign3A_1392 = arith.cmpi sgt, %add3A_1388, %sign3A_1391 : i32
    %sign3A_1393 = arith.extui %sign3A_1392 : i1 to i32
    %sign3A_1394 = arith.constant 0 : i32
    %sign3A_1395 = arith.cmpi slt, %add3A_1388, %sign3A_1394 : i32
    %sign3A_1396 = arith.extui %sign3A_1395 : i1 to i32
    %sign3A_1397 = arith.subi %sign3A_1393, %sign3A_1396 : i32
    %sign3A_1398 = arith.constant 0 : i32
    %sign3A_1399 = arith.cmpi sgt, %jit3A_1389, %sign3A_1398 : i32
    %sign3A_1400 = arith.extui %sign3A_1399 : i1 to i32
    %sign3A_1401 = arith.constant 0 : i32
    %sign3A_1402 = arith.cmpi slt, %jit3A_1389, %sign3A_1401 : i32
    %sign3A_1403 = arith.extui %sign3A_1402 : i1 to i32
    %sign3A_1404 = arith.subi %sign3A_1400, %sign3A_1403 : i32
    %ne3A_1405 = arith.cmpi ne, %sign3A_1397, %sign3A_1404 : i32
    %rem3A_1406 = arith.remsi %add3A_1388, %jit3A_1389 : i32
    %ne3A_1407 = arith.constant 0 : i32
    %ne3A_1408 = arith.cmpi ne, %rem3A_1406, %ne3A_1407 : i32
    %and3A_1409 = arith.andi %ne3A_1405, %ne3A_1408 : i1
    %sub3A_1410 = arith.constant 1 : i32
    %sub3A_1411 = arith.subi %div3A_1390, %sub3A_1410 : i32
    %select_n3A_1412 = arith.select %and3A_1409, %sub3A_1411, %div3A_1390 : i32
    %jit3A_1413 = arith.constant 64 : i32
    %eq3A_1414 = arith.constant 0 : i32
    %eq3A_1415 = arith.cmpi eq, %jit3A_1413, %eq3A_1414 : i32
    %jit3A_1416 = arith.constant 1 : i32
    %select_n3A_1417 = arith.select %eq3A_1415, %jit3A_1416, %jit3A_1413 : i32
    %rem3A_1418 = arith.remsi %add3A_1388, %select_n3A_1417 : i32
    %ne3A_1419 = arith.constant 0 : i32
    %ne3A_1420 = arith.cmpi ne, %rem3A_1418, %ne3A_1419 : i32
    %lt3A_1421 = arith.constant 0 : i32
    %lt3A_1422 = arith.cmpi slt, %rem3A_1418, %lt3A_1421 : i32
    %lt3A_1423 = arith.constant 0 : i32
    %lt3A_1424 = arith.cmpi slt, %select_n3A_1417, %lt3A_1423 : i32
    %ne3A_1425 = arith.xori %lt3A_1422, %lt3A_1424 : i1
    %and3A_1426 = arith.andi %ne3A_1425, %ne3A_1420 : i1
    %add3A_1427 = arith.addi %rem3A_1418, %select_n3A_1417 : i32
    %select_n3A_1428 = arith.select %and3A_1426, %add3A_1427, %rem3A_1418 : i32
    %jit3A_1429 = arith.constant 16 : i32
    %div3A_1430 = arith.divsi %select_n3A_1428, %jit3A_1429 : i32
    %sign3A_1431 = arith.constant 0 : i32
    %sign3A_1432 = arith.cmpi sgt, %select_n3A_1428, %sign3A_1431 : i32
    %sign3A_1433 = arith.extui %sign3A_1432 : i1 to i32
    %sign3A_1434 = arith.constant 0 : i32
    %sign3A_1435 = arith.cmpi slt, %select_n3A_1428, %sign3A_1434 : i32
    %sign3A_1436 = arith.extui %sign3A_1435 : i1 to i32
    %sign3A_1437 = arith.subi %sign3A_1433, %sign3A_1436 : i32
    %sign3A_1438 = arith.constant 0 : i32
    %sign3A_1439 = arith.cmpi sgt, %jit3A_1429, %sign3A_1438 : i32
    %sign3A_1440 = arith.extui %sign3A_1439 : i1 to i32
    %sign3A_1441 = arith.constant 0 : i32
    %sign3A_1442 = arith.cmpi slt, %jit3A_1429, %sign3A_1441 : i32
    %sign3A_1443 = arith.extui %sign3A_1442 : i1 to i32
    %sign3A_1444 = arith.subi %sign3A_1440, %sign3A_1443 : i32
    %ne3A_1445 = arith.cmpi ne, %sign3A_1437, %sign3A_1444 : i32
    %rem3A_1446 = arith.remsi %select_n3A_1428, %jit3A_1429 : i32
    %ne3A_1447 = arith.constant 0 : i32
    %ne3A_1448 = arith.cmpi ne, %rem3A_1446, %ne3A_1447 : i32
    %and3A_1449 = arith.andi %ne3A_1445, %ne3A_1448 : i1
    %sub3A_1450 = arith.constant 1 : i32
    %sub3A_1451 = arith.subi %div3A_1430, %sub3A_1450 : i32
    %select_n3A_1452 = arith.select %and3A_1449, %sub3A_1451, %div3A_1430 : i32
    %mul3A_1453 = arith.constant 2048 : i32
    %mul3A_1454 = arith.muli %select_n3A_1412, %mul3A_1453 : i32
    %jit3A_1455 = arith.constant 16 : i32
    %eq3A_1456 = arith.constant 0 : i32
    %eq3A_1457 = arith.cmpi eq, %jit3A_1455, %eq3A_1456 : i32
    %jit3A_1458 = arith.constant 1 : i32
    %select_n3A_1459 = arith.select %eq3A_1457, %jit3A_1458, %jit3A_1455 : i32
    %rem3A_1460 = arith.remsi %select_n3A_1428, %select_n3A_1459 : i32
    %ne3A_1461 = arith.constant 0 : i32
    %ne3A_1462 = arith.cmpi ne, %rem3A_1460, %ne3A_1461 : i32
    %lt3A_1463 = arith.constant 0 : i32
    %lt3A_1464 = arith.cmpi slt, %rem3A_1460, %lt3A_1463 : i32
    %lt3A_1465 = arith.constant 0 : i32
    %lt3A_1466 = arith.cmpi slt, %select_n3A_1459, %lt3A_1465 : i32
    %ne3A_1467 = arith.xori %lt3A_1464, %lt3A_1466 : i1
    %and3A_1468 = arith.andi %ne3A_1467, %ne3A_1462 : i1
    %add3A_1469 = arith.addi %rem3A_1460, %select_n3A_1459 : i32
    %select_n3A_1470 = arith.select %and3A_1468, %add3A_1469, %rem3A_1460 : i32
    %mul3A_1471 = arith.constant 128 : i32
    %mul3A_1472 = arith.muli %select_n3A_1470, %mul3A_1471 : i32
    %add3A_1473 = arith.addi %mul3A_1454, %mul3A_1472 : i32
    %mul3A_1474 = arith.constant 32 : i32
    %mul3A_1475 = arith.muli %select_n3A_1452, %mul3A_1474 : i32
    %dma_wait3A_1476 = arith.constant 0 : i32
    %dma_wait3A_1477 = arith.constant 0 : i32
    %dma_wait3A_1478 = arith.constant 0 : i32
    %dma_wait3A_1479 = tpu.memref_slice %arg7[%dma_wait3A_1476, %dma_wait3A_1477, %dma_wait3A_1478] : memref<4x128x32xf32, #tpu.memory_space<vmem>> -> memref<1x128x32xf32, #tpu.memory_space<vmem>>
    %dma_wait3A_1480 = tpu.memref_squeeze %dma_wait3A_1479 : memref<1x128x32xf32, #tpu.memory_space<vmem>> -> memref<128x32xf32, #tpu.memory_space<vmem>>
    %dma_wait3A_1481 = tpu.memref_slice %arg4[%add3A_1473, %mul3A_1475] : memref<204800x128xf32, #tpu.memory_space<hbm>> -> memref<128x32xf32, #tpu.memory_space<hbm>>
    %dma_wait3A_1482 = tpu.memref_slice %arg4[%add3A_1473, %mul3A_1475] : memref<204800x128xf32, #tpu.memory_space<hbm>> -> memref<128x32xf32, #tpu.memory_space<hbm>>
    %dma_wait3A_1483 = arith.constant 0 : i32
    %dma_wait3A_1484 = arith.constant 0 : i32
    %dma_wait3A_1485 = tpu.memref_slice %arg7[%dma_wait3A_1476, %dma_wait3A_1483, %dma_wait3A_1484] : memref<4x128x32xf32, #tpu.memory_space<vmem>> -> memref<1x128x32xf32, #tpu.memory_space<vmem>>
    %dma_wait3A_1486 = tpu.memref_squeeze %dma_wait3A_1485 : memref<1x128x32xf32, #tpu.memory_space<vmem>> -> memref<128x32xf32, #tpu.memory_space<vmem>>
    tpu.wait_dma2 semaphore(%arg9 : memref<!tpu.dma_semaphore, #tpu.memory_space<semaphore_mem>>) src(%dma_wait3A_1486 : memref<128x32xf32, #tpu.memory_space<vmem>>) dst(%dma_wait3A_1482 : memref<128x32xf32, #tpu.memory_space<hbm>>)
    %add3A_1487 = arith.constant 197 : i32
    %add3A_1488 = arith.addi %mul3A_2, %add3A_1487 : i32
    %jit3A_1489 = arith.constant 64 : i32
    %div3A_1490 = arith.divsi %add3A_1488, %jit3A_1489 : i32
    %sign3A_1491 = arith.constant 0 : i32
    %sign3A_1492 = arith.cmpi sgt, %add3A_1488, %sign3A_1491 : i32
    %sign3A_1493 = arith.extui %sign3A_1492 : i1 to i32
    %sign3A_1494 = arith.constant 0 : i32
    %sign3A_1495 = arith.cmpi slt, %add3A_1488, %sign3A_1494 : i32
    %sign3A_1496 = arith.extui %sign3A_1495 : i1 to i32
    %sign3A_1497 = arith.subi %sign3A_1493, %sign3A_1496 : i32
    %sign3A_1498 = arith.constant 0 : i32
    %sign3A_1499 = arith.cmpi sgt, %jit3A_1489, %sign3A_1498 : i32
    %sign3A_1500 = arith.extui %sign3A_1499 : i1 to i32
    %sign3A_1501 = arith.constant 0 : i32
    %sign3A_1502 = arith.cmpi slt, %jit3A_1489, %sign3A_1501 : i32
    %sign3A_1503 = arith.extui %sign3A_1502 : i1 to i32
    %sign3A_1504 = arith.subi %sign3A_1500, %sign3A_1503 : i32
    %ne3A_1505 = arith.cmpi ne, %sign3A_1497, %sign3A_1504 : i32
    %rem3A_1506 = arith.remsi %add3A_1488, %jit3A_1489 : i32
    %ne3A_1507 = arith.constant 0 : i32
    %ne3A_1508 = arith.cmpi ne, %rem3A_1506, %ne3A_1507 : i32
    %and3A_1509 = arith.andi %ne3A_1505, %ne3A_1508 : i1
    %sub3A_1510 = arith.constant 1 : i32
    %sub3A_1511 = arith.subi %div3A_1490, %sub3A_1510 : i32
    %select_n3A_1512 = arith.select %and3A_1509, %sub3A_1511, %div3A_1490 : i32
    %jit3A_1513 = arith.constant 64 : i32
    %eq3A_1514 = arith.constant 0 : i32
    %eq3A_1515 = arith.cmpi eq, %jit3A_1513, %eq3A_1514 : i32
    %jit3A_1516 = arith.constant 1 : i32
    %select_n3A_1517 = arith.select %eq3A_1515, %jit3A_1516, %jit3A_1513 : i32
    %rem3A_1518 = arith.remsi %add3A_1488, %select_n3A_1517 : i32
    %ne3A_1519 = arith.constant 0 : i32
    %ne3A_1520 = arith.cmpi ne, %rem3A_1518, %ne3A_1519 : i32
    %lt3A_1521 = arith.constant 0 : i32
    %lt3A_1522 = arith.cmpi slt, %rem3A_1518, %lt3A_1521 : i32
    %lt3A_1523 = arith.constant 0 : i32
    %lt3A_1524 = arith.cmpi slt, %select_n3A_1517, %lt3A_1523 : i32
    %ne3A_1525 = arith.xori %lt3A_1522, %lt3A_1524 : i1
    %and3A_1526 = arith.andi %ne3A_1525, %ne3A_1520 : i1
    %add3A_1527 = arith.addi %rem3A_1518, %select_n3A_1517 : i32
    %select_n3A_1528 = arith.select %and3A_1526, %add3A_1527, %rem3A_1518 : i32
    %jit3A_1529 = arith.constant 16 : i32
    %div3A_1530 = arith.divsi %select_n3A_1528, %jit3A_1529 : i32
    %sign3A_1531 = arith.constant 0 : i32
    %sign3A_1532 = arith.cmpi sgt, %select_n3A_1528, %sign3A_1531 : i32
    %sign3A_1533 = arith.extui %sign3A_1532 : i1 to i32
    %sign3A_1534 = arith.constant 0 : i32
    %sign3A_1535 = arith.cmpi slt, %select_n3A_1528, %sign3A_1534 : i32
    %sign3A_1536 = arith.extui %sign3A_1535 : i1 to i32
    %sign3A_1537 = arith.subi %sign3A_1533, %sign3A_1536 : i32
    %sign3A_1538 = arith.constant 0 : i32
    %sign3A_1539 = arith.cmpi sgt, %jit3A_1529, %sign3A_1538 : i32
    %sign3A_1540 = arith.extui %sign3A_1539 : i1 to i32
    %sign3A_1541 = arith.constant 0 : i32
    %sign3A_1542 = arith.cmpi slt, %jit3A_1529, %sign3A_1541 : i32
    %sign3A_1543 = arith.extui %sign3A_1542 : i1 to i32
    %sign3A_1544 = arith.subi %sign3A_1540, %sign3A_1543 : i32
    %ne3A_1545 = arith.cmpi ne, %sign3A_1537, %sign3A_1544 : i32
    %rem3A_1546 = arith.remsi %select_n3A_1528, %jit3A_1529 : i32
    %ne3A_1547 = arith.constant 0 : i32
    %ne3A_1548 = arith.cmpi ne, %rem3A_1546, %ne3A_1547 : i32
    %and3A_1549 = arith.andi %ne3A_1545, %ne3A_1548 : i1
    %sub3A_1550 = arith.constant 1 : i32
    %sub3A_1551 = arith.subi %div3A_1530, %sub3A_1550 : i32
    %select_n3A_1552 = arith.select %and3A_1549, %sub3A_1551, %div3A_1530 : i32
    %mul3A_1553 = arith.constant 2048 : i32
    %mul3A_1554 = arith.muli %select_n3A_1512, %mul3A_1553 : i32
    %jit3A_1555 = arith.constant 16 : i32
    %eq3A_1556 = arith.constant 0 : i32
    %eq3A_1557 = arith.cmpi eq, %jit3A_1555, %eq3A_1556 : i32
    %jit3A_1558 = arith.constant 1 : i32
    %select_n3A_1559 = arith.select %eq3A_1557, %jit3A_1558, %jit3A_1555 : i32
    %rem3A_1560 = arith.remsi %select_n3A_1528, %select_n3A_1559 : i32
    %ne3A_1561 = arith.constant 0 : i32
    %ne3A_1562 = arith.cmpi ne, %rem3A_1560, %ne3A_1561 : i32
    %lt3A_1563 = arith.constant 0 : i32
    %lt3A_1564 = arith.cmpi slt, %rem3A_1560, %lt3A_1563 : i32
    %lt3A_1565 = arith.constant 0 : i32
    %lt3A_1566 = arith.cmpi slt, %select_n3A_1559, %lt3A_1565 : i32
    %ne3A_1567 = arith.xori %lt3A_1564, %lt3A_1566 : i1
    %and3A_1568 = arith.andi %ne3A_1567, %ne3A_1562 : i1
    %add3A_1569 = arith.addi %rem3A_1560, %select_n3A_1559 : i32
    %select_n3A_1570 = arith.select %and3A_1568, %add3A_1569, %rem3A_1560 : i32
    %mul3A_1571 = arith.constant 128 : i32
    %mul3A_1572 = arith.muli %select_n3A_1570, %mul3A_1571 : i32
    %add3A_1573 = arith.addi %mul3A_1554, %mul3A_1572 : i32
    %mul3A_1574 = arith.constant 32 : i32
    %mul3A_1575 = arith.muli %select_n3A_1552, %mul3A_1574 : i32
    %dma_wait3A_1576 = arith.constant 1 : i32
    %dma_wait3A_1577 = arith.constant 0 : i32
    %dma_wait3A_1578 = arith.constant 0 : i32
    %dma_wait3A_1579 = tpu.memref_slice %arg7[%dma_wait3A_1576, %dma_wait3A_1577, %dma_wait3A_1578] : memref<4x128x32xf32, #tpu.memory_space<vmem>> -> memref<1x128x32xf32, #tpu.memory_space<vmem>>
    %dma_wait3A_1580 = tpu.memref_squeeze %dma_wait3A_1579 : memref<1x128x32xf32, #tpu.memory_space<vmem>> -> memref<128x32xf32, #tpu.memory_space<vmem>>
    %dma_wait3A_1581 = tpu.memref_slice %arg4[%add3A_1573, %mul3A_1575] : memref<204800x128xf32, #tpu.memory_space<hbm>> -> memref<128x32xf32, #tpu.memory_space<hbm>>
    %dma_wait3A_1582 = tpu.memref_slice %arg4[%add3A_1573, %mul3A_1575] : memref<204800x128xf32, #tpu.memory_space<hbm>> -> memref<128x32xf32, #tpu.memory_space<hbm>>
    %dma_wait3A_1583 = arith.constant 0 : i32
    %dma_wait3A_1584 = arith.constant 0 : i32
    %dma_wait3A_1585 = tpu.memref_slice %arg7[%dma_wait3A_1576, %dma_wait3A_1583, %dma_wait3A_1584] : memref<4x128x32xf32, #tpu.memory_space<vmem>> -> memref<1x128x32xf32, #tpu.memory_space<vmem>>
    %dma_wait3A_1586 = tpu.memref_squeeze %dma_wait3A_1585 : memref<1x128x32xf32, #tpu.memory_space<vmem>> -> memref<128x32xf32, #tpu.memory_space<vmem>>
    tpu.wait_dma2 semaphore(%arg9 : memref<!tpu.dma_semaphore, #tpu.memory_space<semaphore_mem>>) src(%dma_wait3A_1586 : memref<128x32xf32, #tpu.memory_space<vmem>>) dst(%dma_wait3A_1582 : memref<128x32xf32, #tpu.memory_space<hbm>>)
    %add3A_1587 = arith.constant 198 : i32
    %add3A_1588 = arith.addi %mul3A_2, %add3A_1587 : i32
    %jit3A_1589 = arith.constant 64 : i32
    %div3A_1590 = arith.divsi %add3A_1588, %jit3A_1589 : i32
    %sign3A_1591 = arith.constant 0 : i32
    %sign3A_1592 = arith.cmpi sgt, %add3A_1588, %sign3A_1591 : i32
    %sign3A_1593 = arith.extui %sign3A_1592 : i1 to i32
    %sign3A_1594 = arith.constant 0 : i32
    %sign3A_1595 = arith.cmpi slt, %add3A_1588, %sign3A_1594 : i32
    %sign3A_1596 = arith.extui %sign3A_1595 : i1 to i32
    %sign3A_1597 = arith.subi %sign3A_1593, %sign3A_1596 : i32
    %sign3A_1598 = arith.constant 0 : i32
    %sign3A_1599 = arith.cmpi sgt, %jit3A_1589, %sign3A_1598 : i32
    %sign3A_1600 = arith.extui %sign3A_1599 : i1 to i32
    %sign3A_1601 = arith.constant 0 : i32
    %sign3A_1602 = arith.cmpi slt, %jit3A_1589, %sign3A_1601 : i32
    %sign3A_1603 = arith.extui %sign3A_1602 : i1 to i32
    %sign3A_1604 = arith.subi %sign3A_1600, %sign3A_1603 : i32
    %ne3A_1605 = arith.cmpi ne, %sign3A_1597, %sign3A_1604 : i32
    %rem3A_1606 = arith.remsi %add3A_1588, %jit3A_1589 : i32
    %ne3A_1607 = arith.constant 0 : i32
    %ne3A_1608 = arith.cmpi ne, %rem3A_1606, %ne3A_1607 : i32
    %and3A_1609 = arith.andi %ne3A_1605, %ne3A_1608 : i1
    %sub3A_1610 = arith.constant 1 : i32
    %sub3A_1611 = arith.subi %div3A_1590, %sub3A_1610 : i32
    %select_n3A_1612 = arith.select %and3A_1609, %sub3A_1611, %div3A_1590 : i32
    %jit3A_1613 = arith.constant 64 : i32
    %eq3A_1614 = arith.constant 0 : i32
    %eq3A_1615 = arith.cmpi eq, %jit3A_1613, %eq3A_1614 : i32
    %jit3A_1616 = arith.constant 1 : i32
    %select_n3A_1617 = arith.select %eq3A_1615, %jit3A_1616, %jit3A_1613 : i32
    %rem3A_1618 = arith.remsi %add3A_1588, %select_n3A_1617 : i32
    %ne3A_1619 = arith.constant 0 : i32
    %ne3A_1620 = arith.cmpi ne, %rem3A_1618, %ne3A_1619 : i32
    %lt3A_1621 = arith.constant 0 : i32
    %lt3A_1622 = arith.cmpi slt, %rem3A_1618, %lt3A_1621 : i32
    %lt3A_1623 = arith.constant 0 : i32
    %lt3A_1624 = arith.cmpi slt, %select_n3A_1617, %lt3A_1623 : i32
    %ne3A_1625 = arith.xori %lt3A_1622, %lt3A_1624 : i1
    %and3A_1626 = arith.andi %ne3A_1625, %ne3A_1620 : i1
    %add3A_1627 = arith.addi %rem3A_1618, %select_n3A_1617 : i32
    %select_n3A_1628 = arith.select %and3A_1626, %add3A_1627, %rem3A_1618 : i32
    %jit3A_1629 = arith.constant 16 : i32
    %div3A_1630 = arith.divsi %select_n3A_1628, %jit3A_1629 : i32
    %sign3A_1631 = arith.constant 0 : i32
    %sign3A_1632 = arith.cmpi sgt, %select_n3A_1628, %sign3A_1631 : i32
    %sign3A_1633 = arith.extui %sign3A_1632 : i1 to i32
    %sign3A_1634 = arith.constant 0 : i32
    %sign3A_1635 = arith.cmpi slt, %select_n3A_1628, %sign3A_1634 : i32
    %sign3A_1636 = arith.extui %sign3A_1635 : i1 to i32
    %sign3A_1637 = arith.subi %sign3A_1633, %sign3A_1636 : i32
    %sign3A_1638 = arith.constant 0 : i32
    %sign3A_1639 = arith.cmpi sgt, %jit3A_1629, %sign3A_1638 : i32
    %sign3A_1640 = arith.extui %sign3A_1639 : i1 to i32
    %sign3A_1641 = arith.constant 0 : i32
    %sign3A_1642 = arith.cmpi slt, %jit3A_1629, %sign3A_1641 : i32
    %sign3A_1643 = arith.extui %sign3A_1642 : i1 to i32
    %sign3A_1644 = arith.subi %sign3A_1640, %sign3A_1643 : i32
    %ne3A_1645 = arith.cmpi ne, %sign3A_1637, %sign3A_1644 : i32
    %rem3A_1646 = arith.remsi %select_n3A_1628, %jit3A_1629 : i32
    %ne3A_1647 = arith.constant 0 : i32
    %ne3A_1648 = arith.cmpi ne, %rem3A_1646, %ne3A_1647 : i32
    %and3A_1649 = arith.andi %ne3A_1645, %ne3A_1648 : i1
    %sub3A_1650 = arith.constant 1 : i32
    %sub3A_1651 = arith.subi %div3A_1630, %sub3A_1650 : i32
    %select_n3A_1652 = arith.select %and3A_1649, %sub3A_1651, %div3A_1630 : i32
    %mul3A_1653 = arith.constant 2048 : i32
    %mul3A_1654 = arith.muli %select_n3A_1612, %mul3A_1653 : i32
    %jit3A_1655 = arith.constant 16 : i32
    %eq3A_1656 = arith.constant 0 : i32
    %eq3A_1657 = arith.cmpi eq, %jit3A_1655, %eq3A_1656 : i32
    %jit3A_1658 = arith.constant 1 : i32
    %select_n3A_1659 = arith.select %eq3A_1657, %jit3A_1658, %jit3A_1655 : i32
    %rem3A_1660 = arith.remsi %select_n3A_1628, %select_n3A_1659 : i32
    %ne3A_1661 = arith.constant 0 : i32
    %ne3A_1662 = arith.cmpi ne, %rem3A_1660, %ne3A_1661 : i32
    %lt3A_1663 = arith.constant 0 : i32
    %lt3A_1664 = arith.cmpi slt, %rem3A_1660, %lt3A_1663 : i32
    %lt3A_1665 = arith.constant 0 : i32
    %lt3A_1666 = arith.cmpi slt, %select_n3A_1659, %lt3A_1665 : i32
    %ne3A_1667 = arith.xori %lt3A_1664, %lt3A_1666 : i1
    %and3A_1668 = arith.andi %ne3A_1667, %ne3A_1662 : i1
    %add3A_1669 = arith.addi %rem3A_1660, %select_n3A_1659 : i32
    %select_n3A_1670 = arith.select %and3A_1668, %add3A_1669, %rem3A_1660 : i32
    %mul3A_1671 = arith.constant 128 : i32
    %mul3A_1672 = arith.muli %select_n3A_1670, %mul3A_1671 : i32
    %add3A_1673 = arith.addi %mul3A_1654, %mul3A_1672 : i32
    %mul3A_1674 = arith.constant 32 : i32
    %mul3A_1675 = arith.muli %select_n3A_1652, %mul3A_1674 : i32
    %dma_wait3A_1676 = arith.constant 2 : i32
    %dma_wait3A_1677 = arith.constant 0 : i32
    %dma_wait3A_1678 = arith.constant 0 : i32
    %dma_wait3A_1679 = tpu.memref_slice %arg7[%dma_wait3A_1676, %dma_wait3A_1677, %dma_wait3A_1678] : memref<4x128x32xf32, #tpu.memory_space<vmem>> -> memref<1x128x32xf32, #tpu.memory_space<vmem>>
    %dma_wait3A_1680 = tpu.memref_squeeze %dma_wait3A_1679 : memref<1x128x32xf32, #tpu.memory_space<vmem>> -> memref<128x32xf32, #tpu.memory_space<vmem>>
    %dma_wait3A_1681 = tpu.memref_slice %arg4[%add3A_1673, %mul3A_1675] : memref<204800x128xf32, #tpu.memory_space<hbm>> -> memref<128x32xf32, #tpu.memory_space<hbm>>
    %dma_wait3A_1682 = tpu.memref_slice %arg4[%add3A_1673, %mul3A_1675] : memref<204800x128xf32, #tpu.memory_space<hbm>> -> memref<128x32xf32, #tpu.memory_space<hbm>>
    %dma_wait3A_1683 = arith.constant 0 : i32
    %dma_wait3A_1684 = arith.constant 0 : i32
    %dma_wait3A_1685 = tpu.memref_slice %arg7[%dma_wait3A_1676, %dma_wait3A_1683, %dma_wait3A_1684] : memref<4x128x32xf32, #tpu.memory_space<vmem>> -> memref<1x128x32xf32, #tpu.memory_space<vmem>>
    %dma_wait3A_1686 = tpu.memref_squeeze %dma_wait3A_1685 : memref<1x128x32xf32, #tpu.memory_space<vmem>> -> memref<128x32xf32, #tpu.memory_space<vmem>>
    tpu.wait_dma2 semaphore(%arg9 : memref<!tpu.dma_semaphore, #tpu.memory_space<semaphore_mem>>) src(%dma_wait3A_1686 : memref<128x32xf32, #tpu.memory_space<vmem>>) dst(%dma_wait3A_1682 : memref<128x32xf32, #tpu.memory_space<hbm>>)
    %add3A_1687 = arith.constant 199 : i32
    %add3A_1688 = arith.addi %mul3A_2, %add3A_1687 : i32
    %jit3A_1689 = arith.constant 64 : i32
    %div3A_1690 = arith.divsi %add3A_1688, %jit3A_1689 : i32
    %sign3A_1691 = arith.constant 0 : i32
    %sign3A_1692 = arith.cmpi sgt, %add3A_1688, %sign3A_1691 : i32
    %sign3A_1693 = arith.extui %sign3A_1692 : i1 to i32
    %sign3A_1694 = arith.constant 0 : i32
    %sign3A_1695 = arith.cmpi slt, %add3A_1688, %sign3A_1694 : i32
    %sign3A_1696 = arith.extui %sign3A_1695 : i1 to i32
    %sign3A_1697 = arith.subi %sign3A_1693, %sign3A_1696 : i32
    %sign3A_1698 = arith.constant 0 : i32
    %sign3A_1699 = arith.cmpi sgt, %jit3A_1689, %sign3A_1698 : i32
    %sign3A_1700 = arith.extui %sign3A_1699 : i1 to i32
    %sign3A_1701 = arith.constant 0 : i32
    %sign3A_1702 = arith.cmpi slt, %jit3A_1689, %sign3A_1701 : i32
    %sign3A_1703 = arith.extui %sign3A_1702 : i1 to i32
    %sign3A_1704 = arith.subi %sign3A_1700, %sign3A_1703 : i32
    %ne3A_1705 = arith.cmpi ne, %sign3A_1697, %sign3A_1704 : i32
    %rem3A_1706 = arith.remsi %add3A_1688, %jit3A_1689 : i32
    %ne3A_1707 = arith.constant 0 : i32
    %ne3A_1708 = arith.cmpi ne, %rem3A_1706, %ne3A_1707 : i32
    %and3A_1709 = arith.andi %ne3A_1705, %ne3A_1708 : i1
    %sub3A_1710 = arith.constant 1 : i32
    %sub3A_1711 = arith.subi %div3A_1690, %sub3A_1710 : i32
    %select_n3A_1712 = arith.select %and3A_1709, %sub3A_1711, %div3A_1690 : i32
    %jit3A_1713 = arith.constant 64 : i32
    %eq3A_1714 = arith.constant 0 : i32
    %eq3A_1715 = arith.cmpi eq, %jit3A_1713, %eq3A_1714 : i32
    %jit3A_1716 = arith.constant 1 : i32
    %select_n3A_1717 = arith.select %eq3A_1715, %jit3A_1716, %jit3A_1713 : i32
    %rem3A_1718 = arith.remsi %add3A_1688, %select_n3A_1717 : i32
    %ne3A_1719 = arith.constant 0 : i32
    %ne3A_1720 = arith.cmpi ne, %rem3A_1718, %ne3A_1719 : i32
    %lt3A_1721 = arith.constant 0 : i32
    %lt3A_1722 = arith.cmpi slt, %rem3A_1718, %lt3A_1721 : i32
    %lt3A_1723 = arith.constant 0 : i32
    %lt3A_1724 = arith.cmpi slt, %select_n3A_1717, %lt3A_1723 : i32
    %ne3A_1725 = arith.xori %lt3A_1722, %lt3A_1724 : i1
    %and3A_1726 = arith.andi %ne3A_1725, %ne3A_1720 : i1
    %add3A_1727 = arith.addi %rem3A_1718, %select_n3A_1717 : i32
    %select_n3A_1728 = arith.select %and3A_1726, %add3A_1727, %rem3A_1718 : i32
    %jit3A_1729 = arith.constant 16 : i32
    %div3A_1730 = arith.divsi %select_n3A_1728, %jit3A_1729 : i32
    %sign3A_1731 = arith.constant 0 : i32
    %sign3A_1732 = arith.cmpi sgt, %select_n3A_1728, %sign3A_1731 : i32
    %sign3A_1733 = arith.extui %sign3A_1732 : i1 to i32
    %sign3A_1734 = arith.constant 0 : i32
    %sign3A_1735 = arith.cmpi slt, %select_n3A_1728, %sign3A_1734 : i32
    %sign3A_1736 = arith.extui %sign3A_1735 : i1 to i32
    %sign3A_1737 = arith.subi %sign3A_1733, %sign3A_1736 : i32
    %sign3A_1738 = arith.constant 0 : i32
    %sign3A_1739 = arith.cmpi sgt, %jit3A_1729, %sign3A_1738 : i32
    %sign3A_1740 = arith.extui %sign3A_1739 : i1 to i32
    %sign3A_1741 = arith.constant 0 : i32
    %sign3A_1742 = arith.cmpi slt, %jit3A_1729, %sign3A_1741 : i32
    %sign3A_1743 = arith.extui %sign3A_1742 : i1 to i32
    %sign3A_1744 = arith.subi %sign3A_1740, %sign3A_1743 : i32
    %ne3A_1745 = arith.cmpi ne, %sign3A_1737, %sign3A_1744 : i32
    %rem3A_1746 = arith.remsi %select_n3A_1728, %jit3A_1729 : i32
    %ne3A_1747 = arith.constant 0 : i32
    %ne3A_1748 = arith.cmpi ne, %rem3A_1746, %ne3A_1747 : i32
    %and3A_1749 = arith.andi %ne3A_1745, %ne3A_1748 : i1
    %sub3A_1750 = arith.constant 1 : i32
    %sub3A_1751 = arith.subi %div3A_1730, %sub3A_1750 : i32
    %select_n3A_1752 = arith.select %and3A_1749, %sub3A_1751, %div3A_1730 : i32
    %mul3A_1753 = arith.constant 2048 : i32
    %mul3A_1754 = arith.muli %select_n3A_1712, %mul3A_1753 : i32
    %jit3A_1755 = arith.constant 16 : i32
    %eq3A_1756 = arith.constant 0 : i32
    %eq3A_1757 = arith.cmpi eq, %jit3A_1755, %eq3A_1756 : i32
    %jit3A_1758 = arith.constant 1 : i32
    %select_n3A_1759 = arith.select %eq3A_1757, %jit3A_1758, %jit3A_1755 : i32
    %rem3A_1760 = arith.remsi %select_n3A_1728, %select_n3A_1759 : i32
    %ne3A_1761 = arith.constant 0 : i32
    %ne3A_1762 = arith.cmpi ne, %rem3A_1760, %ne3A_1761 : i32
    %lt3A_1763 = arith.constant 0 : i32
    %lt3A_1764 = arith.cmpi slt, %rem3A_1760, %lt3A_1763 : i32
    %lt3A_1765 = arith.constant 0 : i32
    %lt3A_1766 = arith.cmpi slt, %select_n3A_1759, %lt3A_1765 : i32
    %ne3A_1767 = arith.xori %lt3A_1764, %lt3A_1766 : i1
    %and3A_1768 = arith.andi %ne3A_1767, %ne3A_1762 : i1
    %add3A_1769 = arith.addi %rem3A_1760, %select_n3A_1759 : i32
    %select_n3A_1770 = arith.select %and3A_1768, %add3A_1769, %rem3A_1760 : i32
    %mul3A_1771 = arith.constant 128 : i32
    %mul3A_1772 = arith.muli %select_n3A_1770, %mul3A_1771 : i32
    %add3A_1773 = arith.addi %mul3A_1754, %mul3A_1772 : i32
    %mul3A_1774 = arith.constant 32 : i32
    %mul3A_1775 = arith.muli %select_n3A_1752, %mul3A_1774 : i32
    %dma_wait3A_1776 = arith.constant 3 : i32
    %dma_wait3A_1777 = arith.constant 0 : i32
    %dma_wait3A_1778 = arith.constant 0 : i32
    %dma_wait3A_1779 = tpu.memref_slice %arg7[%dma_wait3A_1776, %dma_wait3A_1777, %dma_wait3A_1778] : memref<4x128x32xf32, #tpu.memory_space<vmem>> -> memref<1x128x32xf32, #tpu.memory_space<vmem>>
    %dma_wait3A_1780 = tpu.memref_squeeze %dma_wait3A_1779 : memref<1x128x32xf32, #tpu.memory_space<vmem>> -> memref<128x32xf32, #tpu.memory_space<vmem>>
    %dma_wait3A_1781 = tpu.memref_slice %arg4[%add3A_1773, %mul3A_1775] : memref<204800x128xf32, #tpu.memory_space<hbm>> -> memref<128x32xf32, #tpu.memory_space<hbm>>
    %dma_wait3A_1782 = tpu.memref_slice %arg4[%add3A_1773, %mul3A_1775] : memref<204800x128xf32, #tpu.memory_space<hbm>> -> memref<128x32xf32, #tpu.memory_space<hbm>>
    %dma_wait3A_1783 = arith.constant 0 : i32
    %dma_wait3A_1784 = arith.constant 0 : i32
    %dma_wait3A_1785 = tpu.memref_slice %arg7[%dma_wait3A_1776, %dma_wait3A_1783, %dma_wait3A_1784] : memref<4x128x32xf32, #tpu.memory_space<vmem>> -> memref<1x128x32xf32, #tpu.memory_space<vmem>>
    %dma_wait3A_1786 = tpu.memref_squeeze %dma_wait3A_1785 : memref<1x128x32xf32, #tpu.memory_space<vmem>> -> memref<128x32xf32, #tpu.memory_space<vmem>>
    tpu.wait_dma2 semaphore(%arg9 : memref<!tpu.dma_semaphore, #tpu.memory_space<semaphore_mem>>) src(%dma_wait3A_1786 : memref<128x32xf32, #tpu.memory_space<vmem>>) dst(%dma_wait3A_1782 : memref<128x32xf32, #tpu.memory_space<hbm>>)
    return
  }
}

module attributes {stable_mosaic.version = 14 : i64} {
  func.func @body(%arg0: i32, %arg1: memref<32x16384xf32, #tpu.memory_space<vmem>>, %arg2: memref<4096x128xf32, #tpu.memory_space<vmem>>) attributes {dimension_semantics = [#tpu.dimension_semantics<arbitrary>], iteration_bounds = array<i64: 62>, scalar_prefetch = 0 : i64, scratch_operands = 0 : i64, tpu.core_type = #tpu.core_type<tc>, window_params = [{transform_indices = @transform_0, window_bounds = array<i64: 32, 16384>}, {transform_indices = @transform_1, window_bounds = array<i64: 4096, 128>}]} {
    %get3A = arith.constant 0 : index
    %get3A_0 = arith.constant 0 : index
    %get3A_1 = vector.load %arg1[%get3A, %get3A_0] : memref<32x16384xf32, #tpu.memory_space<vmem>>, vector<32x16384xf32>
    %transpose3A = tpu.transpose %get3A_1, [1, 0] : vector<32x16384xf32> -> vector<16384x32xf32>
    %slice3A = vector.extract_strided_slice %transpose3A {offsets = [0, 0], sizes = [4096, 32], strides = [1, 1]} : vector<16384x32xf32> to vector<4096x32xf32>
    %swap3A = arith.constant 0 : index
    %swap3A_2 = arith.constant 0 : index
    %swap3A_3 = vector.load %arg2[%swap3A, %swap3A_2] : memref<4096x128xf32, #tpu.memory_space<vmem>>, vector<4096x32xf32>
    tpu.vector_store %arg2[%swap3A, %swap3A_2], %slice3A {strides = array<i32>} : memref<4096x128xf32, #tpu.memory_space<vmem>>, vector<4096x32xf32>,
    %slice3A_4 = vector.extract_strided_slice %transpose3A {offsets = [4096, 0], sizes = [4096, 32], strides = [1, 1]} : vector<16384x32xf32> to vector<4096x32xf32>
    %swap3A_5 = arith.constant 0 : index
    %swap3A_6 = arith.constant 32 : index
    %swap3A_7 = vector.load %arg2[%swap3A_5, %swap3A_6] : memref<4096x128xf32, #tpu.memory_space<vmem>>, vector<4096x32xf32>
    tpu.vector_store %arg2[%swap3A_5, %swap3A_6], %slice3A_4 {strides = array<i32>} : memref<4096x128xf32, #tpu.memory_space<vmem>>, vector<4096x32xf32>,
    %slice3A_8 = vector.extract_strided_slice %transpose3A {offsets = [8192, 0], sizes = [4096, 32], strides = [1, 1]} : vector<16384x32xf32> to vector<4096x32xf32>
    %swap3A_9 = arith.constant 0 : index
    %swap3A_10 = arith.constant 64 : index
    %swap3A_11 = vector.load %arg2[%swap3A_9, %swap3A_10] : memref<4096x128xf32, #tpu.memory_space<vmem>>, vector<4096x32xf32>
    tpu.vector_store %arg2[%swap3A_9, %swap3A_10], %slice3A_8 {strides = array<i32>} : memref<4096x128xf32, #tpu.memory_space<vmem>>, vector<4096x32xf32>,
    %slice3A_12 = vector.extract_strided_slice %transpose3A {offsets = [12288, 0], sizes = [4096, 32], strides = [1, 1]} : vector<16384x32xf32> to vector<4096x32xf32>
    %swap3A_13 = arith.constant 0 : index
    %swap3A_14 = arith.constant 96 : index
    %swap3A_15 = vector.load %arg2[%swap3A_13, %swap3A_14] : memref<4096x128xf32, #tpu.memory_space<vmem>>, vector<4096x32xf32>
    tpu.vector_store %arg2[%swap3A_13, %swap3A_14], %slice3A_12 {strides = array<i32>} : memref<4096x128xf32, #tpu.memory_space<vmem>>, vector<4096x32xf32>,
    return
  }
  func.func @transform_0(%arg0: i32) -> (i32, i32) {
    %c0_i32 = arith.constant 0 : i32
    %c0_i32_0 = arith.constant 0 : i32
    return %c0_i32, %arg0 : i32, i32
  }
  func.func @transform_1(%arg0: i32) -> (i32, i32) {
    %c0_i32 = arith.constant 0 : i32
    %c0_i32_0 = arith.constant 0 : i32
    return %arg0, %c0_i32 : i32, i32
  }
}

module attributes {stable_mosaic.version = 14 : i64} {
  func.func @body(%arg0: i32, %arg1: i32, %arg2: memref<2048x128xf32, #tpu.memory_space<vmem>>, %arg3: memref<1x32x8192xf32, #tpu.memory_space<vmem>>) attributes {dimension_semantics = [#tpu.dimension_semantics<arbitrary>, #tpu.dimension_semantics<arbitrary>], iteration_bounds = array<i64: 50, 2>, scalar_prefetch = 0 : i64, scratch_operands = 0 : i64, tpu.core_type = #tpu.core_type<tc>, window_params = [{transform_indices = @transform_0, window_bounds = array<i64: 2048, 128>}, {transform_indices = @transform_1, window_bounds = array<i64: 1, 32, 8192>}]} {
    %get3A = arith.constant 0 : index
    %get3A_0 = arith.constant 0 : index
    %get3A_1 = vector.load %arg2[%get3A, %get3A_0] : memref<2048x128xf32, #tpu.memory_space<vmem>>, vector<2048x128xf32>
    %slice3A = vector.extract_strided_slice %get3A_1 {offsets = [0, 0], sizes = [2048, 32], strides = [1, 1]} : vector<2048x128xf32> to vector<2048x32xf32>
    %transpose3A = tpu.transpose %slice3A, [1, 0] : vector<2048x32xf32> -> vector<32x2048xf32>
    %swap3A = arith.constant 0 : index
    %swap3A_2 = arith.constant 0 : index
    %swap3A_3 = arith.constant 0 : index
    %swap3A_4 = vector.load %arg3[%swap3A, %swap3A_2, %swap3A_3] : memref<1x32x8192xf32, #tpu.memory_space<vmem>>, vector<1x32x2048xf32>
    %swap3A_5 = vector.shape_cast %swap3A_4 : vector<1x32x2048xf32> to vector<32x2048xf32>
    %swap3A_6 = vector.shape_cast %transpose3A : vector<32x2048xf32> to vector<1x32x2048xf32>
    tpu.vector_store %arg3[%swap3A, %swap3A_2, %swap3A_3], %swap3A_6 {strides = array<i32>} : memref<1x32x8192xf32, #tpu.memory_space<vmem>>, vector<1x32x2048xf32>,
    %slice3A_7 = vector.extract_strided_slice %get3A_1 {offsets = [0, 32], sizes = [2048, 32], strides = [1, 1]} : vector<2048x128xf32> to vector<2048x32xf32>
    %transpose3A_8 = tpu.transpose %slice3A_7, [1, 0] : vector<2048x32xf32> -> vector<32x2048xf32>
    %swap3A_9 = arith.constant 0 : index
    %swap3A_10 = arith.constant 0 : index
    %swap3A_11 = arith.constant 2048 : index
    %swap3A_12 = vector.load %arg3[%swap3A_9, %swap3A_10, %swap3A_11] : memref<1x32x8192xf32, #tpu.memory_space<vmem>>, vector<1x32x2048xf32>
    %swap3A_13 = vector.shape_cast %swap3A_12 : vector<1x32x2048xf32> to vector<32x2048xf32>
    %swap3A_14 = vector.shape_cast %transpose3A_8 : vector<32x2048xf32> to vector<1x32x2048xf32>
    tpu.vector_store %arg3[%swap3A_9, %swap3A_10, %swap3A_11], %swap3A_14 {strides = array<i32>} : memref<1x32x8192xf32, #tpu.memory_space<vmem>>, vector<1x32x2048xf32>,
    %slice3A_15 = vector.extract_strided_slice %get3A_1 {offsets = [0, 64], sizes = [2048, 32], strides = [1, 1]} : vector<2048x128xf32> to vector<2048x32xf32>
    %transpose3A_16 = tpu.transpose %slice3A_15, [1, 0] : vector<2048x32xf32> -> vector<32x2048xf32>
    %swap3A_17 = arith.constant 0 : index
    %swap3A_18 = arith.constant 0 : index
    %swap3A_19 = arith.constant 4096 : index
    %swap3A_20 = vector.load %arg3[%swap3A_17, %swap3A_18, %swap3A_19] : memref<1x32x8192xf32, #tpu.memory_space<vmem>>, vector<1x32x2048xf32>
    %swap3A_21 = vector.shape_cast %swap3A_20 : vector<1x32x2048xf32> to vector<32x2048xf32>
    %swap3A_22 = vector.shape_cast %transpose3A_16 : vector<32x2048xf32> to vector<1x32x2048xf32>
    tpu.vector_store %arg3[%swap3A_17, %swap3A_18, %swap3A_19], %swap3A_22 {strides = array<i32>} : memref<1x32x8192xf32, #tpu.memory_space<vmem>>, vector<1x32x2048xf32>,
    %slice3A_23 = vector.extract_strided_slice %get3A_1 {offsets = [0, 96], sizes = [2048, 32], strides = [1, 1]} : vector<2048x128xf32> to vector<2048x32xf32>
    %transpose3A_24 = tpu.transpose %slice3A_23, [1, 0] : vector<2048x32xf32> -> vector<32x2048xf32>
    %swap3A_25 = arith.constant 0 : index
    %swap3A_26 = arith.constant 0 : index
    %swap3A_27 = arith.constant 6144 : index
    %swap3A_28 = vector.load %arg3[%swap3A_25, %swap3A_26, %swap3A_27] : memref<1x32x8192xf32, #tpu.memory_space<vmem>>, vector<1x32x2048xf32>
    %swap3A_29 = vector.shape_cast %swap3A_28 : vector<1x32x2048xf32> to vector<32x2048xf32>
    %swap3A_30 = vector.shape_cast %transpose3A_24 : vector<32x2048xf32> to vector<1x32x2048xf32>
    tpu.vector_store %arg3[%swap3A_25, %swap3A_26, %swap3A_27], %swap3A_30 {strides = array<i32>} : memref<1x32x8192xf32, #tpu.memory_space<vmem>>, vector<1x32x2048xf32>,
    return
  }
  func.func @transform_0(%arg0: i32, %arg1: i32) -> (i32, i32) {
    %mul3A = arith.constant 2 : i32
    %mul3A_0 = arith.muli %arg0, %mul3A : i32
    %add3A = arith.addi %mul3A_0, %arg1 : i32
    %c0_i32 = arith.constant 0 : i32
    %c0_i32_1 = arith.constant 0 : i32
    return %add3A, %c0_i32 : i32, i32
  }
  func.func @transform_1(%arg0: i32, %arg1: i32) -> (i32, i32, i32) {
    %c0_i32 = arith.constant 0 : i32
    %c0_i32_0 = arith.constant 0 : i32
    return %arg0, %c0_i32, %arg1 : i32, i32, i32
  }
}

</mosaic_0001>

<sc_bundles>
// kernel: kernel.5.cloned.1.call-start
scs
__scs_entry_jumppad:
0x0: {  	(pc) =	sbr.rel $0x88, $3  }
0x1: {  	(tag) =	ssettag $0x0;
	lr =	simm.s32 $0x1  }
0x2: {  	[smem:$0x3F9F] =	sst lr;
	_ =	strace $0xD0000000  }
0x3: {  	_ = 	snop  }
0x4: {  	_ = 	snop  }
0x5: {  	_ = 	snop  }
0x6: {  	_ = 	snop  }
0x7: {  	_ = 	snop  }
__scs_overlays_trampoline_lowered:
0x8: {  	[smem:$0x3FAE] =	sst s0  }
0x9: {  	[smem:$0x3FAF] =	sst s1  }
0xa: {  	[smem:$0x3FB0] =	sst s2  }
0xb: {  	[smem:$0x3FB1] =	sst s3  }
0xc: {  	[smem:$0x3FB2] =	sst s4  }
0xd: {  	[smem:$0x3FB3] =	sst s5  }
0xe: {  	[smem:$0x3FB4] =	sst s6  }
0xf: {  	[smem:$0x3FB5] =	sst s7  }
0x10: {  	[smem:$0x3FB6] =	sst s8  }
0x11: {  	[smem:$0x3FB7] =	sst s9;
	s0 =	simm.s32 @!p0 $0x0  }
0x12: {  	s1 =	sld [smem:$0x3F9D];
	s0 =	simm.s32 @p0 $0x1  }
0x13: {  	[smem:$0x3FB8] =	sst s0;
	s0 =	simm.s32 @!p1 $0x0  }
0x14: {  	s2 =	sld [smem:$0x3F9C];
	s0 =	simm.s32 @p1 $0x1  }
0x15: {  	[smem:$0x3FB9] =	sst s0;
	s0 =	simm.s32 @!p2 $0x0  }
0x16: {  	s3 =	sld [smem:$0x3FDB];
	s0 =	simm.s32 @p2 $0x1  }
0x17: {  	s4 =	simm.s32 $0x1BF5;
	[smem:$0x3FBB] =	sst s0  }
0x18: {  	s0 =	sld [smem:$0x3F9E];
	_ =	swait.ge [sflag:s4], $0x0  }
0x19: {  	s7 =	sld [smem:$0x3F9F]  }
0x1a: {  	s8 =	sadd.s32 $0xFFFFE003, lr  }
0x1b: {  	s9 =	sadd.s32 $0xFFFFFEF7, lr;
	s5 =	simm.s32 $0xFFFFFFFF;
	p2 =	slt.u32 s8, $0xFFFFF086  }
0x1c: {  	p1 =	slt.u32 s9, $0xF7A;
	s5 =	simm.s32 @!p2 $0x0  }
0x1d: {  	s5 =	simm.s32 @p1 $0x1;
	p0 =	seq.s32 s7, s2  }
0x1e: {  	s7 =	smul.u32 @!p0 $0xF7A, s2;
	p2 =	seq.s32 @!p0 s5, $0x0  }
0x1f: {  	s9 =	smul.u32 $0xF7A, s1;
	s8 =	simm.s32 @!p0 $0x1BF5;
	p2 =	por !p2, p0  }
0x20: {  	[sflag:s8] =	ssyncset.s32 @!p0 $0xFFFFF086;
	s6 =	sadd.s32 @!p0 s3, s7;
	s7 =	simm.s32 @!p0 $0x108  }
0x21: {  	s3 =	sadd.s32 s3, s9;
	s6 =	sadd.s32 @!p0 $0x88, s6;
	s7 =	simm.s32 @p2 $0x1082  }
0x22: {  	[simem:s7], [sflag:s8] =	dma.local @!p0 [hbm:s6], $0xF7A  }
0x23: {  	s9 =	sor.u32 $0xD0000000, s2;
	s6 =	simm.s32 $0x108;
	_ =	swait.ge @!p0 [sflag:s8], $0x0  }
0x24: {  	s3 =	sadd.s32 $0x88, s3;
	s6 =	simm.s32 @!p1 $0x1082;
	[sflag:s4] =	ssyncset.s32 $0xFFFFF086  }
0x25: {  	[simem:s6], [sflag:s4] =	dma.local [hbm:s3], $0xF7A  }
0x26: {  	[smem:$0x3F9F] =	sst s1;
	(tag) =	ssettag s2;
	_ =	strace s9  }
0x27: {  	s1 =	sld [smem:$0x3FAF]  }
0x28: {  	s2 =	sld [smem:$0x3FB0]  }
0x29: {  	s4 =	sld [smem:$0x3FB2]  }
0x2a: {  	p0 =	seq.s32 s5, $0x0;
	s5 =	sld [smem:$0x3FB3]  }
0x2b: {  	s6 =	sld [smem:$0x3FB4]  }
0x2c: {  	s7 =	sld [smem:$0x3FB5]  }
0x2d: {  	s3 =	simm.s32 $0x108;
	s8 =	sld [smem:$0x3FB6]  }
0x2e: {  	s3 =	simm.s32 @!p0 $0x1082;
	s9 =	sld [smem:$0x3FB7]  }
0x2f: {  	lr =	sadd.s32 s0, s3;
	s0 =	sld [smem:$0x3FAE]  }
0x30: {  	s3 =	sld [smem:$0x3FB1]  }
0x31: {  	[smem:$0x3FBA] =	sst s10  }
0x32: {  	s10 =	sld [smem:$0x3FB8];
	_ =	sdelay $0x3  }
0x33: {  	p0 =	seq.s32 s10, $0x1;
	s10 =	sld [smem:$0x3FBA];
	_ =	sdelay $0x3  }
0x34: {  	[smem:$0x3FBA] =	sst s10  }
0x35: {  	s10 =	sld [smem:$0x3FB9];
	_ =	sdelay $0x3  }
0x36: {  	p1 =	seq.s32 s10, $0x1;
	s10 =	sld [smem:$0x3FBA];
	_ =	sdelay $0x3  }
0x37: {  	[smem:$0x3FBA] =	sst s10  }
0x38: {  	s10 =	sld [smem:$0x3FBB]  }
0x39: {  	_ = 	snop;
	(pc) =	sbr.ind lr, $3  }
0x3a: {  	_ = 	snop  }
0x3b: {  	_ = 	snop  }
0x3c: {  	p2 =	seq.s32 s10, $0x1;
	s10 =	sld [smem:$0x3FBA]  }
0x3d: {  	_ =	shalt  }
0x3e: {  	_ =	shalt  }
0x3f: {  	_ =	shalt  }
0x40: {  	_ =	shalt  }
0x41: {  	_ =	shalt  }
0x42: {  	_ =	shalt  }
0x43: {  	_ =	shalt  }
0x44: {  	_ =	shalt  }
0x45: {  	_ =	shalt  }
0x46: {  	_ =	shalt  }
0x47: {  	_ =	shalt  }
0x48: {  	_ =	shalt  }
0x49: {  	_ =	shalt  }
0x4a: {  	_ =	shalt  }
0x4b: {  	_ =	shalt  }
0x4c: {  	_ =	shalt  }
0x4d: {  	_ =	shalt  }
0x4e: {  	_ =	shalt  }
0x4f: {  	_ =	shalt  }
0x50: {  	_ =	shalt  }
0x51: {  	_ =	shalt  }
0x52: {  	_ =	shalt  }
0x53: {  	_ =	shalt  }
0x54: {  	_ =	shalt  }
0x55: {  	_ =	shalt  }
0x56: {  	_ =	shalt  }
0x57: {  	_ =	shalt  }
0x58: {  	_ =	shalt  }
0x59: {  	_ =	shalt  }
0x5a: {  	_ =	shalt  }
0x5b: {  	_ =	shalt  }
0x5c: {  	_ =	shalt  }
0x5d: {  	_ =	shalt  }
0x5e: {  	_ =	shalt  }
0x5f: {  	_ =	shalt  }
0x60: {  	_ =	shalt  }
0x61: {  	_ =	shalt  }
0x62: {  	_ =	shalt  }
0x63: {  	_ =	shalt  }
0x64: {  	_ =	shalt  }
0x65: {  	_ =	shalt  }
0x66: {  	_ =	shalt  }
0x67: {  	_ =	shalt  }
0x68: {  	_ =	shalt  }
0x69: {  	_ =	shalt  }
0x6a: {  	_ =	shalt  }
0x6b: {  	_ =	shalt  }
0x6c: {  	_ =	shalt  }
0x6d: {  	_ =	shalt  }
0x6e: {  	_ =	shalt  }
0x6f: {  	_ =	shalt  }
0x70: {  	_ =	shalt  }
0x71: {  	_ =	shalt  }
0x72: {  	_ =	shalt  }
0x73: {  	_ =	shalt  }
0x74: {  	_ =	shalt  }
0x75: {  	_ =	shalt  }
0x76: {  	_ =	shalt  }
0x77: {  	_ =	shalt  }
0x78: {  	_ =	shalt  }
0x79: {  	_ =	shalt  }
0x7a: {  	_ =	shalt  }
0x7b: {  	_ =	shalt  }
0x7c: {  	_ =	shalt  }
0x7d: {  	_ =	shalt  }
0x7e: {  	_ =	shalt  }
0x7f: {  	_ =	shalt  }
0x80: {  	_ =	shalt  }
0x81: {  	_ =	shalt  }
0x82: {  	_ =	shalt  }
0x83: {  	_ =	shalt  }
0x84: {  	_ =	shalt  }
0x85: {  	_ =	shalt  }
0x86: {  	_ =	shalt  }
0x87: {  	_ =	shalt  }
.Lfunc_end0:
.L_simem_size_0:
called_computation_lowered:
.L_overlay_start_0:
0x88: {  	s2 =	sld [smem:$0x3FD9]  }
0x89: {  	s3 =	sld [smem:$0x3FFE];
	_ =	sdelay $0x1  }
0x8a: {  	s1 =	srdreg.scid  }
0x8b: {  	s0 =	sand.u32 $0x1, s1  }
0x8c: {  	s17 =	sshll.u32 s0, $0xA;
	s2 =	sadd.s32 s3, s2  }
0x8d: {  	s2 =	sadd.s32 s2, s17  }
0x8e: {  	[smem:$0x3FC6] =	sst s2  }
0x8f: {  	_ = 	snop  }
0x90: {  	s2 =	sld [smem:$0x3FD0];
	(tm) =	ssettm $0x1  }
0x91: {  	s18 =	sld [smem:$0x3FFB];
	_ =	sdelay $0x3  }
0x92: {  	_ =	strace s18  }
0x93: {  	s3 =	sld [smem:$0x3FFC];
	_ =	sdelay $0x3  }
0x94: {  	_ =	strace s3  }
0x95: {  	s3 =	sld [smem:$0x3FFD];
	_ =	sdelay $0x3  }
0x96: {  	_ =	strace s3  }
0x97: {  	_ =	strace $0x8FFFFFFF  }
0x98: {  	s19 =	sld [smem:$0x3FDB];
	_ =	sdelay $0x1  }
0x99: {  	s4 =	simm.s32 $_scs_section_size  }
0x9a: {  	s5 =	simm.s32 $_size__tile_overlayer_lowered;
	s6 =	simm.s32 $_tile_overlayer_lowered  }
0x9b: {  	s22 =	simm.s32 $0x1BFF;
	s21 =	sshll.u32 s6, $0x1;
	s3 =	sadd.s32 s4, s19  }
0x9c: {  	s7 =	simm.s32 $0x0;
	s20 =	sshll.u32 s5, $0x1;
	s5 =	sadd.s32 s21, s3  }
0x9d: {  	[timem:s7], [sflag:s22] =	dma.local [hbm:s5], s20  }
0x9e: {  	_ =	swait.ge [sflag:s22], s20  }
0x9f: {  	s4 =	ssub.s32 $0x0, s20;
	[sflag:s22] =	ssyncset.done $0x0  }
0xa0: {  	[sflag:s22] =	ssyncadd.s32 s4;
	_ =	sdelay $0x1  }
0xa1: {  	s23 =	simm.s32 $0x1B8B  }
0xa2: {  	_ =	swait.ge [sflag:s23], $0x1  }
0xa3: {  	[sflag:s23] =	ssyncset.done $0x0  }
0xa4: {  	s25 =	simm.s32 $0x1B8E;
	s24 =	sld [smem:$0x3FFE];
	[sflag:s23] =	ssyncadd.s32 $0xFFFFFFFF  }
0xa5: {  	s26 =	simm.s32 $execute0_lowered;
	[smem:$0x3FD2] =	sst s25  }
0xa6: {  	s5 =	sshll.u32 s26, $0x1;
	_ =	strace $0x80000046;
	[dreg:$0x1] =	wrdreg $0xFFFFFFFF  }
0xa7: {  	s28 =	simm.s32 $_size_execute0_lowered;
	s3 =	sadd.s32 s3, s5;
	[dreg:$0x0] =	wrdreg $0x0  }
0xa8: {  	s5 =	sshll.u32 s28, $0x1;
	[dreg:$0x2] =	wrdreg s3  }
0xa9: {  	[dreg:$0x3] =	wrdreg s5  }
0xaa: {  	[dreg:$0x4] =	wrdreg $0xC0  }
0xab: {  	_ =	task [dreg:s7], $0x5FFFF  }
0xac: {  	[dreg:$0x1] =	wrdreg $0xFFFFFFFF  }
0xad: {  	[dreg:$0x0] =	wrdreg $0x60  }
0xae: {  	[dreg:$0x2] =	wrdreg s24  }
0xaf: {  	[dreg:$0x3] =	wrdreg s2  }
0xb0: {  	[dreg:$0x4] =	wrdreg $0x9  }
0xb1: {  	_ =	task.clear_ibuf [dreg:s7], $0x5FFFF;
	_ =	strace $0x90000046  }
0xb2: {  	s29 =	simm.s32 $0x9;
	_ =	strace $0x80000048  }
0xb3: {  	_ =	swait.ge [sflag:s29], $0x1  }
0xb4: {  	[sflag:s29] =	ssyncadd.s32 $0xFFFFFFFF  }
0xb5: {  	_ =	strace $0x90000048  }
0xb6: {  	_ =	sfence  }
0xb7: {  	s30 =	sld [smem:$0x0];
	_ =	sdelay $0x2  }
0xb8: {  	s31 =	sshll.u32 s1, $0xD;
	s1 =	sshrl.u32 s1, $0x2  }
0xb9: {  	s3 =	sand.u32 $0x4000, s31;
	s1 =	sadd.s32 s1, s30  }
0xba: {  	s0 =	sor.u32 s3, s0;
	s1 =	sshll.u32 s1, $0x11  }
0xbb: {  	s0 =	sor.u32 s1, s0  }
0xbc: {  	s0 =	sadd.s32 $0x8F2B, s0  }
0xbd: {  	[sflag:s0] =	ssyncadd.remote.s32 $0x1  }
0xbe: {  	_ =	sfence.sel $0xFFFF  }
0xbf: {  	[dreg:$0x0] =	wrdreg $0xFFFFFFFF;
	(pc) =	sbr.abs _section_cstart, $3  }
0xc0: {  	[dreg:$0x1] =	wrdreg $0xFFFFFFFF  }
0xc1: {  	_ =	task.clear_ibuf [dreg:s7], $0x2FFFF;
	_ =	strace $0x9FFFFFFF  }
0xc2: {  	(tm) =	ssettm $0x7FFFFFFF  }
0xc3: {  	_ =	shalt  }
tec
execute0_lowered:
.L_overlay_start_1:
0x0: {  	(tag) =	ssettag $0x1  }
0x1: {  	s1 =	rddreg [dreg:$0x0];
	s2 =	srdreg.scid  }
0x2: {  	s13 =	stileid.u32;
	s5 =	rddreg [dreg:$0x1]  }
0x3: {  	s4 =	simm.s32 $0x0;
	s28 =	simm.s32 $0x1;
	s29 =	simm.s32 $0x20  }
0x4: {  	s31 =	simm.s32 $0x7400;
	s0 =	sand.u32 $0x1, s2;
	s3 =	sshll.u32 s13, $0x1  }
0x5: {  	[smem:$0x7FF] =	sst s4;
	s4 =	sadd.s32 $0x3E0400, s1;
	s2 =	sshll.u32 s2, $0x11  }
0x6: {  	s11 =	sshll.u32 s13, $0x5;
	s6 =	sor.u32 s0, s3;
	_ =	strace $0x80000047  }
0x7: {  	s3 =	sadd.s32 $0x400, s1;
	s15 =	ssub.s32 $0x2, s0;
	s7 =	smul.u32 $0xC8, s6  }
0x8: {  	s2 =	sor.u32 s2, s11;
	s8 =	smul.u32 $0xC8000, s6;
	s12 =	sshrl.u32 s15, $0x1  }
0x9: {  	s2 =	sand.u32 $0x20060, s2;
	s6 =	smul.u32 $0xC80, s6;
	s1 =	ssub.s32 s15, s12  }
0xa: {  	s15 =	smul.u32 $0x190000, s13;
	s9 =	sshll.u32 s7, $0xE;
	s10 =	sshll.u32 s7, $0x1  }
0xb: {  	s8 =	sand.u32 $0x1FC0000, s8;
	s5 =	sadd.s32 s5, s6;
	s20 =	sadd.s32 $0xC4, s7  }
0xc: {  	s23 =	sadd.s32 $0xC5, s7;
	s30 =	sadd.s32 $0xC6, s7;
	s14 =	sadd.s32 $0xC7, s7  }
0xd: {  	s1 =	smax.u32 s1, $0x1;
	s9 =	sor.u32 s9, s10;
	s2 =	sor.u32 s8, s2  }
0xe: {  	[dreg:$0x3] =	wrdreg s5;
	s21 =	sshll.u32 s20, $0xC;
	s22 =	sshll.u32 s20, $0xE  }
0xf: {  	s5 =	sshll.u32 s20, $0x1;
	s24 =	sshll.u32 s23, $0xC;
	s25 =	sshll.u32 s23, $0xE  }
0x10: {  	s10 =	sshll.u32 s30, $0xE;
	s7 =	sshll.u32 s14, $0xC;
	[dreg:$0xc] =	wrdreg s1  }
0x11: {  	s9 =	sand.u32 $0x20060, s9;
	s2 =	sshrl.u32 s2, $0x3;
	s6 =	sand.u32 $0x30000, s22  }
0x12: {  	s5 =	sand.u32 $0x60, s5;
	s12 =	sand.u32 $0x38000, s10;
	s7 =	sand.u32 $0x3FC0000, s7  }
0x13: {  	s22 =	smul.u32 $0x190, s0;
	s9 =	sor.u32 s8, s9;
	s2 =	sadd.s32 s2, s4  }
0x14: {  	s8 =	sand.u32 $0x34000, s25;
	s16 =	sshrl.u32 s9, $0x3;
	s18 =	sadd.s32 $0x800, s2  }
0x15: {  	s19 =	sadd.s32 $0x1000, s2;
	s2 =	sadd.s32 $0x1800, s2;
	[dreg:$0x5] =	wrdreg s18  }
0x16: {  	s9 =	sshll.u32 s30, $0xC;
	s17 =	sadd.s32 s4, s16;
	[dreg:$0x6] =	wrdreg s19  }
0x17: {  	[dreg:$0x7] =	wrdreg s2;
	s2 =	sand.u32 $0x3FC0000, s21;
	s18 =	smul.u32 $0x190, s13  }
0x18: {  	s11 =	sand.u32 $0x3FC0000, s9;
	s16 =	sshll.u32 s14, $0xE;
	s19 =	smul.u32 $0xC8, s0  }
0x19: {  	s21 =	smul.u32 $0x320, s13;
	[dreg:$0x4] =	wrdreg s17;
	s2 =	sor.u32 s6, s2  }
0x1a: {  	s6 =	sshll.u32 s23, $0x1;
	s17 =	smul.u32 $0xC8000, s0;
	s9 =	sand.u32 $0x3C000, s16  }
0x1b: {  	s0 =	smul.u32 $0x320000, s0;
	s2 =	sor.u32 s5, s2;
	s5 =	sand.u32 $0x3FC0000, s24  }
0x1c: {  	s6 =	sand.u32 $0x60, s6;
	s7 =	sor.u32 s9, s7;
	s24 =	smul.u32 $0x640000, s13  }
0x1d: {  	s25 =	sadd.s32 s19, s18;
	s2 =	sshrl.u32 s2, $0x3;
	s5 =	sor.u32 s8, s5  }
0x1e: {  	s1 =	sadd.s32 $0x8, s25;
	s25 =	simm.s32 $0x9400;
	s2 =	sadd.s32 s4, s2  }
0x1f: {  	s26 =	sor.u32 s6, s5;
	s5 =	sshll.u32 s30, $0x1;
	s6 =	sshll.u32 s14, $0x1  }
0x20: {  	[dreg:$0xe] =	wrdreg s1;
	s30 =	sadd.s32 s22, s21;
	s0 =	sadd.s32 s0, s24  }
0x21: {  	s1 =	simm.s32 $0xD400;
	[dreg:$0x8] =	wrdreg s2;
	s2 =	sshrl.u32 s26, $0x3  }
0x22: {  	s5 =	sand.u32 $0x60, s5;
	s6 =	sand.u32 $0x60, s6;
	[dreg:$0xf] =	wrdreg s30  }
0x23: {  	s26 =	sadd.s32 s17, s15;
	[dreg:$0x10] =	wrdreg s0;
	s2 =	sadd.s32 s4, s2  }
0x24: {  	s20 =	sor.u32 s6, s7;
	[dreg:$0x9] =	wrdreg s2;
	s2 =	sor.u32 s12, s11  }
0x25: {  	s0 =	simm.s32 $0x0;
	s2 =	sor.u32 s5, s2;
	s5 =	sshrl.u32 s20, $0x3  }
0x26: {  	[dreg:$0xd] =	wrdreg s26;
	s2 =	sshrl.u32 s2, $0x3;
	s23 =	sadd.s32 s4, s5  }
0x27: {  	s26 =	simm.s32 $0x6400;
	s2 =	sadd.s32 s4, s2;
	[dreg:$0xb] =	wrdreg s23  }
0x28: {  	s20 =	simm.s32 $0x80;
	s23 =	simm.s32 $0x2;
	[dreg:$0xa] =	wrdreg s2  }
.LBB2_1:
0x29: {  	[dreg:$0x11] =	wrdreg s0  }
0x2a: {  	s2 =	simm.s32 $0x0;
	s5 =	rddreg [dreg:$0x3];
	s0 =	simm.s32 $0x3  }
0x2b: {  	[tilespmem:s2], [sflag:$0x3] =	stream.linear.gather [hbm4b:s5+s2], $0x6400, $0x38;
	[tilespmem:$0xE400] =	vst v63  }
0x2c: {  	_ =	swait.ge [sflag:s0], $0x6400  }
0x2d: {  	[sflag:s0] =	ssyncset.done $0x0  }
0x2e: {  	s12 =	simm.s32 $0x6400;
	[sflag:s0] =	ssyncadd.s32 $0xFFFF9C00  }
0x2f: {  	[tilespmem:s12], [sflag:$0x1] =	stream.indirect.gather [hbm4b:s3+s20], $0x20, s2, s20, $0xb8;
	[tilespmem:$0xE400] =	vst v63  }
0x30: {  	s14 =	simm.s32 $0x7400  }
0x31: {  	[tilespmem:s14], [sflag:$0x1] =	stream.indirect.gather [hbm4b:s3+s20], $0x20, s20, s20, $0xb8;
	[tilespmem:$0xE400] =	vst v63  }
0x32: {  	s5 =	simm.s32 $0x100;
	s0 =	simm.s32 $0x8400  }
0x33: {  	[tilespmem:s0], [sflag:$0x1] =	stream.indirect.gather [hbm4b:s3+s20], $0x20, s5, s20, $0xb8;
	[tilespmem:$0xE400] =	vst v63  }
0x34: {  	s6 =	simm.s32 $0x180;
	s19 =	simm.s32 $0x9400  }
0x35: {  	[tilespmem:s19], [sflag:$0x1] =	stream.indirect.gather [hbm4b:s3+s20], $0x20, s6, s20, $0xb8;
	[tilespmem:$0xE400] =	vst v63  }
0x36: {  	_ =	swait.ge [sflag:s28], $0x1000  }
0x37: {  	[sflag:s28] =	ssyncset.done $0x0  }
0x38: {  	[sflag:s28] =	ssyncadd.s32 $0xFFFFF000  }
0x39: {  	_ =	swait.ge [sflag:s28], $0x1000  }
0x3a: {  	[sflag:s28] =	ssyncset.done $0x0  }
0x3b: {  	[sflag:s28] =	ssyncadd.s32 $0xFFFFF000  }
0x3c: {  	_ =	swait.ge [sflag:s28], $0x1000  }
0x3d: {  	[sflag:s28] =	ssyncset.done $0x0  }
0x3e: {  	[sflag:s28] =	ssyncadd.s32 $0xFFFFF000  }
0x3f: {  	_ =	swait.ge [sflag:s28], $0x1000  }
0x40: {  	[sflag:s28] =	ssyncset.done $0x0;
	s7 =	rddreg [dreg:$0x4]  }
0x41: {  	s8 =	rddreg [dreg:$0x5];
	[sflag:s28] =	ssyncadd.s32 $0xFFFFF000  }
0x42: {  	[hbm4b:s7+s29] =	stream.strided.scatter [tilespmem:s12], [sflag:$0x2], $0x1000, s20, s29, $0x38;
	[tilespmem:$0xE400] =	vst v63  }
0x43: {  	s9 =	rddreg [dreg:$0x6]  }
0x44: {  	[hbm4b:s8+s29] =	stream.strided.scatter [tilespmem:s14], [sflag:$0x2], $0x1000, s20, s29, $0x38;
	[tilespmem:$0xE400] =	vst v63  }
0x45: {  	s11 =	simm.s32 $0x200;
	s13 =	simm.s32 $0x280;
	s10 =	rddreg [dreg:$0x7]  }
0x46: {  	[hbm4b:s9+s29] =	stream.strided.scatter [tilespmem:s0], [sflag:$0x2], $0x1000, s20, s29, $0x38;
	[tilespmem:$0xE400] =	vst v63  }
0x47: {  	s15 =	simm.s32 $0x300;
	s16 =	simm.s32 $0x380;
	s21 =	rddreg [dreg:$0x10]  }
0x48: {  	[hbm4b:s10+s29] =	stream.strided.scatter [tilespmem:s19], [sflag:$0x2], $0x1000, s20, s29, $0x38;
	[tilespmem:$0xE400] =	vst v63  }
0x49: {  	s18 =	rddreg [dreg:$0xf];
	s22 =	sadd.s32 $0x14000, s21;
	s9 =	simm.s32 $0xA400  }
0x4a: {  	[tilespmem:s9], [sflag:$0x1] =	stream.indirect.gather [hbm4b:s3+s20], $0x20, s11, s20, $0xb8;
	[tilespmem:$0xE400] =	vst v63  }
0x4b: {  	s6 =	sadd.s32 $0xA, s18;
	s5 =	sand.u32 $0x34000, s22;
	s10 =	simm.s32 $0xB400  }
0x4c: {  	[tilespmem:s10], [sflag:$0x1] =	stream.indirect.gather [hbm4b:s3+s20], $0x20, s13, s20, $0xb8;
	[tilespmem:$0xE400] =	vst v63  }
0x4d: {  	s24 =	sand.u32 $0x60, s6;
	s8 =	sadd.s32 $0x10000, s21;
	s11 =	simm.s32 $0xC400  }
0x4e: {  	[tilespmem:s11], [sflag:$0x1] =	stream.indirect.gather [hbm4b:s3+s20], $0x20, s15, s20, $0xb8;
	[tilespmem:$0xE400] =	vst v63  }
0x4f: {  	s22 =	sadd.s32 $0x1C000, s21;
	s8 =	sand.u32 $0x30000, s8;
	s15 =	rddreg [dreg:$0xd]  }
0x50: {  	s13 =	sadd.s32 $0x18000, s21;
	s17 =	sadd.s32 $0x5000, s15;
	s7 =	sadd.s32 $0x4000, s15  }
0x51: {  	[tilespmem:s1], [sflag:$0x1] =	stream.indirect.gather [hbm4b:s3+s20], $0x20, s16, s20, $0xb8;
	[tilespmem:$0xE400] =	vst v63  }
0x52: {  	s2 =	sand.u32 $0x7FFC0000, s17;
	s7 =	sand.u32 $0x7FFC0000, s7;
	_ =	swait.ge [sflag:s28], $0x1000  }
0x53: {  	s16 =	sadd.s32 $0xC, s18;
	s2 =	sor.u32 s5, s2;
	[sflag:s28] =	ssyncset.done $0x0  }
0x54: {  	s30 =	sor.u32 s8, s7;
	s7 =	sadd.s32 $0x8, s18;
	[sflag:s28] =	ssyncadd.s32 $0xFFFFF000  }
0x55: {  	s8 =	sadd.s32 $0x6000, s15;
	s17 =	sand.u32 $0x60, s16;
	_ =	swait.ge [sflag:s28], $0x1000  }
0x56: {  	s2 =	sor.u32 s24, s2;
	s5 =	sand.u32 $0x60, s7;
	[sflag:s28] =	ssyncset.done $0x0  }
0x57: {  	s6 =	sand.u32 $0x7FFC0000, s8;
	s7 =	sand.u32 $0x38000, s13;
	[sflag:s28] =	ssyncadd.s32 $0xFFFFF000  }
0x58: {  	s24 =	sadd.s32 $0x7000, s15;
	s2 =	sshrl.u32 s2, $0x3;
	_ =	swait.ge [sflag:s28], $0x1000  }
0x59: {  	s5 =	sor.u32 s5, s30;
	s6 =	sor.u32 s7, s6;
	[sflag:s28] =	ssyncset.done $0x0  }
0x5a: {  	s7 =	sand.u32 $0x3C000, s22;
	s8 =	sand.u32 $0x7FFC0000, s24;
	[sflag:s28] =	ssyncadd.s32 $0xFFFFF000  }
0x5b: {  	s30 =	sadd.s32 $0xE, s18;
	s5 =	sshrl.u32 s5, $0x3;
	_ =	swait.ge [sflag:s28], $0x1000  }
0x5c: {  	s6 =	sor.u32 s17, s6;
	s7 =	sor.u32 s7, s8;
	[sflag:s28] =	ssyncset.done $0x0  }
0x5d: {  	s8 =	sand.u32 $0x60, s30;
	s5 =	sadd.s32 s4, s5;
	[sflag:s28] =	ssyncadd.s32 $0xFFFFF000  }
0x5e: {  	[hbm4b:s5+s29] =	stream.strided.scatter [tilespmem:s9], [sflag:$0x2], $0x1000, s20, s29, $0x38;
	[tilespmem:$0xE400] =	vst v63  }
0x5f: {  	s2 =	sadd.s32 s4, s2;
	s13 =	sshrl.u32 s6, $0x3;
	s16 =	sor.u32 s8, s7  }
0x60: {  	[hbm4b:s2+s29] =	stream.strided.scatter [tilespmem:s10], [sflag:$0x2], $0x1000, s20, s29, $0x38;
	[tilespmem:$0xE400] =	vst v63  }
0x61: {  	s17 =	sadd.s32 s4, s13;
	s22 =	sshrl.u32 s16, $0x3  }
0x62: {  	[hbm4b:s17+s29] =	stream.strided.scatter [tilespmem:s11], [sflag:$0x2], $0x1000, s20, s29, $0x38;
	[tilespmem:$0xE400] =	vst v63  }
0x63: {  	s24 =	sadd.s32 s4, s22  }
0x64: {  	[hbm4b:s24+s29] =	stream.strided.scatter [tilespmem:s1], [sflag:$0x2], $0x1000, s20, s29, $0x38;
	[tilespmem:$0xE400] =	vst v63  }
0x65: {  	_ =	swait.ge [sflag:s23], $0x1000  }
0x66: {  	[sflag:s23] =	ssyncset.done $0x0  }
0x67: {  	[sflag:s23] =	ssyncadd.s32 $0xFFFFF000  }
0x68: {  	_ =	swait.ge [sflag:s23], $0x1000  }
0x69: {  	[sflag:s23] =	ssyncset.done $0x0  }
0x6a: {  	[sflag:s23] =	ssyncadd.s32 $0xFFFFF000  }
0x6b: {  	s30 =	simm.s32 $0x500;
	s6 =	simm.s32 $0x0;
	_ =	swait.ge [sflag:s23], $0x1000  }
0x6c: {  	s7 =	sadd.s32 $0x12, s18;
	s13 =	simm.s32 $0x400;
	[sflag:s23] =	ssyncset.done $0x0  }
0x6d: {  	s7 =	sand.u32 $0x60, s7;
	s22 =	sadd.s32 $0x28000, s21;
	[sflag:s23] =	ssyncadd.s32 $0xFFFFF000  }
0x6e: {  	s9 =	sadd.s32 $0xA000, s15;
	s5 =	sadd.s32 $0x8000, s15;
	_ =	swait.ge [sflag:s23], $0x1000  }
0x6f: {  	s2 =	simm.s32 $0x1000;
	[sflag:s23] =	ssyncset.done $0x0;
	s17 =	rddreg [dreg:$0xe]  }
0x70: {  	s24 =	sand.u32 $0x7FFC0000, s5;
	s10 =	sshll.u32 s17, $0x1;
	[sflag:s23] =	ssyncadd.s32 $0xFFFFF000  }
0x71: {  	[tilespmem:s12], [sflag:$0x1] =	stream.indirect.gather [hbm4b:s3+s20], $0x20, s13, s20, $0xb8;
	[tilespmem:$0xE400] =	vst v63  }
0x72: {  	s16 =	sshll.u32 s17, $0xE;
	s12 =	sadd.s32 $0x14, s18;
	s13 =	simm.s32 $0x480  }
0x73: {  	s11 =	sand.u32 $0x20000, s16;
	s16 =	sadd.s32 $0x24000, s21;
	s10 =	sand.u32 $0x60, s10  }
0x74: {  	[tilespmem:s14], [sflag:$0x1] =	stream.indirect.gather [hbm4b:s3+s20], $0x20, s13, s20, $0xb8;
	[tilespmem:$0xE400] =	vst v63  }
0x75: {  	s12 =	sand.u32 $0x60, s12;
	s16 =	sand.u32 $0x24000, s16;
	s11 =	sor.u32 s24, s11  }
0x76: {  	[tilespmem:s0], [sflag:$0x1] =	stream.indirect.gather [hbm4b:s3+s20], $0x20, s30, s20, $0xb8;
	[tilespmem:$0xE400] =	vst v63  }
0x77: {  	s24 =	sadd.s32 $0xB000, s15;
	s13 =	sand.u32 $0x28000, s22;
	s0 =	simm.s32 $0x580  }
0x78: {  	[tilespmem:s19], [sflag:$0x1] =	stream.indirect.gather [hbm4b:s3+s20], $0x20, s0, s20, $0xb8;
	[tilespmem:$0xE400] =	vst v63  }
0x79: {  	s22 =	sor.u32 s10, s11;
	s30 =	sadd.s32 $0x9000, s15;
	_ =	swait.ge [sflag:s28], $0x1000  }
0x7a: {  	s11 =	sand.u32 $0x7FFC0000, s24;
	s8 =	sand.u32 $0x7FFC0000, s30;
	[sflag:s28] =	ssyncset.done $0x0  }
0x7b: {  	s30 =	sadd.s32 $0x2C000, s21;
	s8 =	sor.u32 s16, s8;
	[sflag:s28] =	ssyncadd.s32 $0xFFFFF000  }
0x7c: {  	s19 =	sand.u32 $0x7FFC0000, s9;
	s9 =	sadd.s32 $0x10, s18;
	_ =	swait.ge [sflag:s28], $0x1000  }
0x7d: {  	s10 =	sand.u32 $0x2C000, s30;
	s14 =	sor.u32 s7, s8;
	[sflag:s28] =	ssyncset.done $0x0  }
0x7e: {  	s7 =	sor.u32 s13, s19;
	s8 =	sshrl.u32 s22, $0x3;
	[sflag:s28] =	ssyncadd.s32 $0xFFFFF000  }
0x7f: {  	s7 =	sor.u32 s12, s7;
	s16 =	sadd.s32 s4, s8;
	_ =	swait.ge [sflag:s28], $0x1000  }
0x80: {  	s8 =	sadd.s32 $0x20000, s21;
	s12 =	sadd.s32 $0x16, s18;
	[sflag:s28] =	ssyncset.done $0x0  }
0x81: {  	s19 =	sshrl.u32 s7, $0x3;
	s7 =	sadd.s32 $0x8, s17;
	[sflag:s28] =	ssyncadd.s32 $0xFFFFF000  }
.LBB2_2:
0x82: {  	_ =	swait.ge [sflag:s28], $0x1000  }
0x83: {  	s30 =	sor.u32 s10, s11;
	s12 =	sand.u32 $0x60, s12;
	s13 =	smov.u32 s2  }
0x84: {  	s11 =	smov.u32 s5;
	s10 =	smov.u32 s8;
	p0 =	sne.s32 s2, $0x17000  }
0x85: {  	s14 =	sshrl.u32 s14, $0x3;
	[sflag:s28] =	ssyncset.done $0x0;
	s12 =	sor.u32 s12, s30  }
0x86: {  	s2 =	sadd.s32 $0x1000, s2;
	[sflag:s28] =	ssyncadd.s32 $0xFFFFF000;
	s12 =	sshrl.u32 s12, $0x3  }
0x87: {  	[hbm4b:s16+s29] =	stream.strided.scatter [tilespmem:s26], [sflag:$0x2], $0x1000, s20, s29, $0x38;
	[tilespmem:$0xE400] =	vst v63  }
0x88: {  	s0 =	simm.s32 $0x8400;
	s14 =	sadd.s32 s4, s14;
	s16 =	sadd.s32 s4, s19  }
0x89: {  	[hbm4b:s14+s29] =	stream.strided.scatter [tilespmem:s31], [sflag:$0x2], $0x1000, s20, s29, $0x38;
	[tilespmem:$0xE400] =	vst v63  }
0x8a: {  	s30 =	sadd.s32 $0xA, s9;
	s19 =	sadd.s32 $0x14000, s8;
	s14 =	sadd.s32 $0x5000, s5  }
0x8b: {  	[hbm4b:s16+s29] =	stream.strided.scatter [tilespmem:s0], [sflag:$0x2], $0x1000, s20, s29, $0x38;
	[tilespmem:$0xE400] =	vst v63  }
0x8c: {  	s15 =	sadd.s32 $0x10000, s8;
	s12 =	sadd.s32 s4, s12;
	s16 =	sadd.s32 $0x4000, s5  }
0x8d: {  	[hbm4b:s12+s29] =	stream.strided.scatter [tilespmem:s25], [sflag:$0x2], $0x1000, s20, s29, $0x38;
	[tilespmem:$0xE400] =	vst v63  }
0x8e: {  	s14 =	sand.u32 $0x7FFC0000, s14;
	s12 =	sand.u32 $0x7FFC0000, s16;
	_ =	swait.ge [sflag:s23], $0x1000  }
0x8f: {  	s15 =	sand.u32 $0x30000, s15;
	s16 =	sand.u32 $0x34000, s19;
	[sflag:s23] =	ssyncset.done $0x0  }
0x90: {  	s14 =	sor.u32 s16, s14;
	s16 =	sand.u32 $0x60, s30;
	[sflag:s23] =	ssyncadd.s32 $0xFFFFF000  }
0x91: {  	s15 =	sor.u32 s15, s12;
	s12 =	sor.u32 s16, s14;
	_ =	swait.ge [sflag:s23], $0x1000  }
0x92: {  	s14 =	sshrl.u32 s12, $0x3;
	s12 =	smov.u32 s9;
	[sflag:s23] =	ssyncset.done $0x0  }
0x93: {  	s16 =	sadd.s32 $0x700, s6;
	[sflag:s23] =	ssyncadd.s32 $0xFFFFF000  }
0x94: {  	s19 =	sadd.s32 $0x600, s6;
	s30 =	sadd.s32 $0x680, s6;
	_ =	swait.ge [sflag:s23], $0x1000  }
0x95: {  	[sflag:s23] =	ssyncset.done $0x0  }
0x96: {  	[sflag:s23] =	ssyncadd.s32 $0xFFFFF000  }
0x97: {  	_ =	swait.ge [sflag:s23], $0x1000  }
0x98: {  	[sflag:s23] =	ssyncset.done $0x0  }
0x99: {  	s17 =	simm.s32 $0xA400;
	[sflag:s23] =	ssyncadd.s32 $0xFFFFF000  }
0x9a: {  	[tilespmem:s17], [sflag:$0x1] =	stream.indirect.gather [hbm4b:s3+s20], $0x20, s19, s20, $0xb8;
	[tilespmem:$0xE400] =	vst v63  }
0x9b: {  	s18 =	simm.s32 $0xB400  }
0x9c: {  	[tilespmem:s18], [sflag:$0x1] =	stream.indirect.gather [hbm4b:s3+s20], $0x20, s30, s20, $0xb8;
	[tilespmem:$0xE400] =	vst v63  }
0x9d: {  	s21 =	simm.s32 $0xC400  }
0x9e: {  	[tilespmem:s21], [sflag:$0x1] =	stream.indirect.gather [hbm4b:s3+s20], $0x20, s16, s20, $0xb8;
	[tilespmem:$0xE400] =	vst v63  }
0x9f: {  	s6 =	sadd.s32 $0x780, s6;
	s16 =	sadd.s32 $0x8, s9  }
0xa0: {  	[tilespmem:s1], [sflag:$0x1] =	stream.indirect.gather [hbm4b:s3+s20], $0x20, s6, s20, $0xb8;
	[tilespmem:$0xE400] =	vst v63  }
0xa1: {  	s6 =	sand.u32 $0x60, s16;
	_ =	swait.ge [sflag:s28], $0x1000  }
0xa2: {  	s6 =	sor.u32 s6, s15;
	[sflag:s28] =	ssyncset.done $0x0  }
0xa3: {  	s15 =	sadd.s32 $0x18000, s8;
	s6 =	sshrl.u32 s6, $0x3;
	[sflag:s28] =	ssyncadd.s32 $0xFFFFF000  }
0xa4: {  	s16 =	sadd.s32 $0x6000, s5;
	_ =	swait.ge [sflag:s28], $0x1000  }
0xa5: {  	s16 =	sand.u32 $0x7FFC0000, s16;
	s15 =	sand.u32 $0x38000, s15;
	[sflag:s28] =	ssyncset.done $0x0  }
0xa6: {  	s15 =	sor.u32 s15, s16;
	s16 =	sadd.s32 $0xC, s9;
	[sflag:s28] =	ssyncadd.s32 $0xFFFFF000  }
0xa7: {  	s16 =	sand.u32 $0x60, s16;
	_ =	swait.ge [sflag:s28], $0x1000  }
0xa8: {  	s15 =	sor.u32 s16, s15;
	s16 =	sadd.s32 $0x1C000, s8;
	[sflag:s28] =	ssyncset.done $0x0  }
0xa9: {  	s19 =	sadd.s32 $0x7000, s5;
	s15 =	sshrl.u32 s15, $0x3;
	[sflag:s28] =	ssyncadd.s32 $0xFFFFF000  }
0xaa: {  	s16 =	sand.u32 $0x3C000, s16  }
0xab: {  	s19 =	sand.u32 $0x7FFC0000, s19;
	_ =	swait.ge [sflag:s28], $0x1000  }
0xac: {  	s16 =	sor.u32 s16, s19;
	s19 =	sadd.s32 $0xE, s9;
	[sflag:s28] =	ssyncset.done $0x0  }
0xad: {  	s6 =	sadd.s32 s4, s6;
	s19 =	sand.u32 $0x60, s19;
	[sflag:s28] =	ssyncadd.s32 $0xFFFFF000  }
0xae: {  	[hbm4b:s6+s29] =	stream.strided.scatter [tilespmem:s17], [sflag:$0x2], $0x1000, s20, s29, $0x38;
	[tilespmem:$0xE400] =	vst v63  }
0xaf: {  	s6 =	sadd.s32 s4, s14;
	s14 =	sor.u32 s19, s16  }
0xb0: {  	[hbm4b:s6+s29] =	stream.strided.scatter [tilespmem:s18], [sflag:$0x2], $0x1000, s20, s29, $0x38;
	[tilespmem:$0xE400] =	vst v63  }
0xb1: {  	s22 =	sadd.s32 $0x24000, s8;
	s14 =	sshrl.u32 s14, $0x3;
	s6 =	sadd.s32 s4, s15  }
0xb2: {  	[hbm4b:s6+s29] =	stream.strided.scatter [tilespmem:s21], [sflag:$0x2], $0x1000, s20, s29, $0x38;
	[tilespmem:$0xE400] =	vst v63  }
0xb3: {  	s14 =	sadd.s32 s4, s14;
	s6 =	sshra.s32 s13, $0x2;
	s13 =	sadd.s32 $0x12, s9  }
0xb4: {  	[hbm4b:s14+s29] =	stream.strided.scatter [tilespmem:s1], [sflag:$0x2], $0x1000, s20, s29, $0x38;
	[tilespmem:$0xE400] =	vst v63  }
0xb5: {  	s16 =	sadd.s32 $0xA000, s5;
	s15 =	sadd.s32 $0x500, s6;
	_ =	swait.ge [sflag:s23], $0x1000  }
0xb6: {  	s5 =	sadd.s32 $0x8000, s5;
	s14 =	sshll.u32 s7, $0x1;
	[sflag:s23] =	ssyncset.done $0x0  }
0xb7: {  	s30 =	sadd.s32 $0x14, s9;
	s19 =	sshll.u32 s7, $0xE;
	[sflag:s23] =	ssyncadd.s32 $0xFFFFF000  }
0xb8: {  	s17 =	sadd.s32 $0x28000, s8;
	s19 =	sand.u32 $0x20000, s19;
	_ =	swait.ge [sflag:s23], $0x1000  }
0xb9: {  	s18 =	sand.u32 $0x7FFC0000, s5;
	s21 =	sadd.s32 $0x9000, s11;
	[sflag:s23] =	ssyncset.done $0x0  }
0xba: {  	s22 =	sand.u32 $0x24000, s22;
	s30 =	sand.u32 $0x60, s30;
	[sflag:s23] =	ssyncadd.s32 $0xFFFFF000  }
0xbb: {  	s17 =	sand.u32 $0x28000, s17;
	s24 =	sadd.s32 $0x400, s6;
	_ =	swait.ge [sflag:s23], $0x1000  }
0xbc: {  	s16 =	sand.u32 $0x7FFC0000, s16;
	s21 =	sand.u32 $0x7FFC0000, s21;
	[sflag:s23] =	ssyncset.done $0x0  }
0xbd: {  	s18 =	sor.u32 s18, s19;
	s19 =	sand.u32 $0x60, s14;
	[sflag:s23] =	ssyncadd.s32 $0xFFFFF000  }
0xbe: {  	s13 =	sand.u32 $0x60, s13;
	s14 =	sor.u32 s22, s21;
	_ =	swait.ge [sflag:s23], $0x1000  }
0xbf: {  	s16 =	sor.u32 s17, s16;
	s14 =	sor.u32 s13, s14;
	[sflag:s23] =	ssyncset.done $0x0  }
0xc0: {  	s21 =	simm.s32 $0x6400;
	s13 =	sor.u32 s19, s18;
	[sflag:s23] =	ssyncadd.s32 $0xFFFFF000  }
0xc1: {  	[tilespmem:s26], [sflag:$0x1] =	stream.indirect.gather [hbm4b:s3+s20], $0x20, s24, s20, $0xb8;
	[tilespmem:$0xE400] =	vst v63  }
0xc2: {  	s17 =	simm.s32 $0x7400;
	s16 =	sor.u32 s30, s16;
	s18 =	sadd.s32 $0x480, s6  }
0xc3: {  	[tilespmem:s31], [sflag:$0x1] =	stream.indirect.gather [hbm4b:s3+s20], $0x20, s18, s20, $0xb8;
	[tilespmem:$0xE400] =	vst v63  }
0xc4: {  	s19 =	sshrl.u32 s16, $0x3;
	s18 =	simm.s32 $0x8400  }
0xc5: {  	[tilespmem:s0], [sflag:$0x1] =	stream.indirect.gather [hbm4b:s3+s20], $0x20, s15, s20, $0xb8;
	[tilespmem:$0xE400] =	vst v63  }
0xc6: {  	s13 =	sshrl.u32 s13, $0x3;
	s15 =	sadd.s32 $0x580, s6;
	s0 =	simm.s32 $0x9400  }
0xc7: {  	[tilespmem:s25], [sflag:$0x1] =	stream.indirect.gather [hbm4b:s3+s20], $0x20, s15, s20, $0xb8;
	[tilespmem:$0xE400] =	vst v63  }
0xc8: {  	s16 =	sadd.s32 s4, s13;
	_ =	swait.ge [sflag:s28], $0x1000  }
0xc9: {  	[sflag:s28] =	ssyncset.done $0x0  }
0xca: {  	[sflag:s28] =	ssyncadd.s32 $0xFFFFF000  }
0xcb: {  	_ =	swait.ge [sflag:s28], $0x1000  }
.Ltmp0:
0xcc: {  	[sflag:s28] =	ssyncset.done $0x0;
	(pc) =	sbr.rel @p0 .LBB2_2-.Ltmp0, $4  }
0xcd: {  	s8 =	sadd.s32 $0x20000, s8;
	s7 =	sadd.s32 $0x8, s7;
	[sflag:s28] =	ssyncadd.s32 $0xFFFFF000  }
0xce: {  	s11 =	sadd.s32 $0xB000, s11;
	s9 =	sadd.s32 $0x10, s9;
	_ =	swait.ge [sflag:s28], $0x1000  }
0xcf: {  	s10 =	sadd.s32 $0x2C000, s10;
	s11 =	sand.u32 $0x7FFC0000, s11;
	[sflag:s28] =	ssyncset.done $0x0  }
0xd0: {  	s10 =	sand.u32 $0x2C000, s10;
	s12 =	sadd.s32 $0x16, s12;
	[sflag:s28] =	ssyncadd.s32 $0xFFFFF000  }
0xd1: {  	_ =	swait.ge [sflag:s28], $0x1000  }
0xd2: {  	[sflag:s28] =	ssyncset.done $0x0  }
0xd3: {  	s2 =	sshrl.u32 s14, $0x3;
	[sflag:s28] =	ssyncadd.s32 $0xFFFFF000  }
0xd4: {  	[hbm4b:s16+s29] =	stream.strided.scatter [tilespmem:s21], [sflag:$0x2], $0x1000, s20, s29, $0x38;
	[tilespmem:$0xE400] =	vst v63  }
0xd5: {  	s10 =	sor.u32 s10, s11;
	s5 =	sand.u32 $0x60, s12;
	s2 =	sadd.s32 s4, s2  }
0xd6: {  	[hbm4b:s2+s29] =	stream.strided.scatter [tilespmem:s17], [sflag:$0x2], $0x1000, s20, s29, $0x38;
	[tilespmem:$0xE400] =	vst v63  }
0xd7: {  	s2 =	sor.u32 s5, s10  }
0xd8: {  	s11 =	sadd.s32 s4, s19;
	s2 =	sshrl.u32 s2, $0x3  }
0xd9: {  	[hbm4b:s11+s29] =	stream.strided.scatter [tilespmem:s18], [sflag:$0x2], $0x1000, s20, s29, $0x38;
	[tilespmem:$0xE400] =	vst v63  }
0xda: {  	s2 =	sadd.s32 s4, s2  }
0xdb: {  	[hbm4b:s2+s29] =	stream.strided.scatter [tilespmem:s0], [sflag:$0x2], $0x1000, s20, s29, $0x38;
	[tilespmem:$0xE400] =	vst v63  }
0xdc: {  	_ =	swait.ge [sflag:s23], $0x1000  }
0xdd: {  	[sflag:s23] =	ssyncset.done $0x0  }
0xde: {  	[sflag:s23] =	ssyncadd.s32 $0xFFFFF000  }
0xdf: {  	_ =	swait.ge [sflag:s23], $0x1000  }
0xe0: {  	[sflag:s23] =	ssyncset.done $0x0  }
0xe1: {  	[sflag:s23] =	ssyncadd.s32 $0xFFFFF000  }
0xe2: {  	_ =	swait.ge [sflag:s23], $0x1000  }
0xe3: {  	[sflag:s23] =	ssyncset.done $0x0  }
0xe4: {  	[sflag:s23] =	ssyncadd.s32 $0xFFFFF000  }
0xe5: {  	_ =	swait.ge [sflag:s23], $0x1000  }
0xe6: {  	[sflag:s23] =	ssyncset.done $0x0  }
0xe7: {  	s12 =	sadd.s32 $0x600, s6;
	s13 =	simm.s32 $0xA400;
	[sflag:s23] =	ssyncadd.s32 $0xFFFFF000  }
0xe8: {  	[tilespmem:s13], [sflag:$0x1] =	stream.indirect.gather [hbm4b:s3+s20], $0x20, s12, s20, $0xb8;
	[tilespmem:$0xE400] =	vst v63  }
0xe9: {  	s14 =	sadd.s32 $0x680, s6;
	s15 =	simm.s32 $0xB400  }
0xea: {  	[tilespmem:s15], [sflag:$0x1] =	stream.indirect.gather [hbm4b:s3+s20], $0x20, s14, s20, $0xb8;
	[tilespmem:$0xE400] =	vst v63  }
0xeb: {  	s7 =	simm.s32 $0xC400;
	s16 =	sadd.s32 $0x700, s6  }
0xec: {  	[tilespmem:s7], [sflag:$0x1] =	stream.indirect.gather [hbm4b:s3+s20], $0x20, s16, s20, $0xb8;
	[tilespmem:$0xE400] =	vst v63  }
0xed: {  	s17 =	sadd.s32 $0x780, s6  }
0xee: {  	[tilespmem:s1], [sflag:$0x1] =	stream.indirect.gather [hbm4b:s3+s20], $0x20, s17, s20, $0xb8;
	[tilespmem:$0xE400] =	vst v63  }
0xef: {  	_ =	swait.ge [sflag:s28], $0x1000  }
0xf0: {  	[sflag:s28] =	ssyncset.done $0x0  }
0xf1: {  	[sflag:s28] =	ssyncadd.s32 $0xFFFFF000  }
0xf2: {  	_ =	swait.ge [sflag:s28], $0x1000  }
0xf3: {  	[sflag:s28] =	ssyncset.done $0x0  }
0xf4: {  	[sflag:s28] =	ssyncadd.s32 $0xFFFFF000  }
0xf5: {  	_ =	swait.ge [sflag:s28], $0x1000  }
0xf6: {  	[sflag:s28] =	ssyncset.done $0x0  }
0xf7: {  	[sflag:s28] =	ssyncadd.s32 $0xFFFFF000  }
0xf8: {  	_ =	swait.ge [sflag:s28], $0x1000  }
0xf9: {  	[sflag:s28] =	ssyncset.done $0x0  }
0xfa: {  	s18 =	rddreg [dreg:$0x8];
	[sflag:s28] =	ssyncadd.s32 $0xFFFFF000  }
0xfb: {  	[hbm4b:s18+s29] =	stream.strided.scatter [tilespmem:s13], [sflag:$0x2], $0x1000, s20, s29, $0x38;
	[tilespmem:$0xE400] =	vst v63  }
0xfc: {  	s19 =	rddreg [dreg:$0x9]  }
0xfd: {  	[hbm4b:s19+s29] =	stream.strided.scatter [tilespmem:s15], [sflag:$0x2], $0x1000, s20, s29, $0x38;
	[tilespmem:$0xE400] =	vst v63  }
0xfe: {  	s21 =	rddreg [dreg:$0xa]  }
0xff: {  	[hbm4b:s21+s29] =	stream.strided.scatter [tilespmem:s7], [sflag:$0x2], $0x1000, s20, s29, $0x38;
	[tilespmem:$0xE400] =	vst v63  }
0x100: {  	s22 =	rddreg [dreg:$0xb]  }
0x101: {  	[hbm4b:s22+s29] =	stream.strided.scatter [tilespmem:s1], [sflag:$0x2], $0x1000, s20, s29, $0x38;
	[tilespmem:$0xE400] =	vst v63  }
0x102: {  	_ =	swait.ge [sflag:s23], $0x1000  }
0x103: {  	[sflag:s23] =	ssyncset.done $0x0  }
0x104: {  	[sflag:s23] =	ssyncadd.s32 $0xFFFFF000  }
0x105: {  	_ =	swait.ge [sflag:s23], $0x1000  }
0x106: {  	[sflag:s23] =	ssyncset.done $0x0  }
0x107: {  	[sflag:s23] =	ssyncadd.s32 $0xFFFFF000  }
0x108: {  	_ =	swait.ge [sflag:s23], $0x1000  }
0x109: {  	[sflag:s23] =	ssyncset.done $0x0  }
0x10a: {  	[sflag:s23] =	ssyncadd.s32 $0xFFFFF000  }
0x10b: {  	_ =	swait.ge [sflag:s23], $0x1000  }
0x10c: {  	[sflag:s23] =	ssyncset.done $0x0  }
0x10d: {  	[sflag:s23] =	ssyncadd.s32 $0xFFFFF000  }
0x10e: {  	_ =	swait.ge [sflag:s23], $0x1000  }
0x10f: {  	[sflag:s23] =	ssyncset.done $0x0  }
0x110: {  	[sflag:s23] =	ssyncadd.s32 $0xFFFFF000  }
0x111: {  	_ =	swait.ge [sflag:s23], $0x1000  }
0x112: {  	[sflag:s23] =	ssyncset.done $0x0  }
0x113: {  	[sflag:s23] =	ssyncadd.s32 $0xFFFFF000  }
0x114: {  	_ =	swait.ge [sflag:s23], $0x1000  }
0x115: {  	[sflag:s23] =	ssyncset.done $0x0  }
0x116: {  	[sflag:s23] =	ssyncadd.s32 $0xFFFFF000  }
0x117: {  	_ =	swait.ge [sflag:s23], $0x1000  }
0x118: {  	s24 =	rddreg [dreg:$0x11]  }
0x119: {  	s30 =	rddreg [dreg:$0xc];
	s0 =	sadd.s32 $0x1, s24  }
0x11a: {  	p0 =	sne.s32 s0, s30  }
.Ltmp1:
0x11b: {  	_ = 	snop;
	(pc) =	sbr.rel @p0 .LBB2_1-.Ltmp1, $3  }
0x11c: {  	_ =	sdelay $0x1  }
0x11d: {  	[sflag:s23] =	ssyncset.done $0x0  }
0x11e: {  	[sflag:s23] =	ssyncadd.s32 $0xFFFFF000  }
0x11f: {  	_ =	sfence.sel $0x180000  }
0x120: {  	[bflag:$0x0] =	sbarrier.arrive $0xFFFF  }
0x121: {  	_ =	strace $0x90000047  }
0x122: {  	s0 =	stileid.u32;
	[bflag:$0x2] =	sbarrier.arrive $0xFFFF  }
0x123: {  	p0 =	sne.s32 s0, $0x0;
	s0 =	rddreg [dreg:$0x2]  }
0x124: {  	s0 =	sadd.s32 @!p0 $0x100000, s0  }
0x125: {  	[sflag:s0] =	ssyncadd.tile.s32 @!p0 $0x1;
	_ =	shalt  }
.Lfunc_end2:
_tile_overlayer_lowered:
.L_overlay_start_2:
0x126: {  	(tag) =	ssettag $0x2  }
0x127: {  	s0 =	rddreg [dreg:$0x0];
	s2 =	stileid.u32  }
0x128: {  	s1 =	rddreg [dreg:$0x1];
	p0 =	sne.s32 s2, $0x0  }
0x129: {  	s3 =	rddreg [dreg:$0x2];
	[bflag:$0x3] =	sbarrier.arrive $0xFFFF;
	s2 =	simm.s32 @!p0 $0x1C03  }
0x12a: {  	[timem:s3], [sflag:s2] =	dma.local @!p0 [hbm:s0], s1  }
0x12b: {  	s0 =	simm.s32 @!p0 $0x3  }
0x12c: {  	_ =	swait.ge @!p0 [sflag:s0], s1  }
0x12d: {  	s1 =	ssub.s32 @!p0 $0x0, s1;
	[sflag:s0] =	ssyncset.done @!p0 $0x0  }
0x12e: {  	[sflag:s0] =	ssyncadd.s32 @!p0 s1  }
0x12f: {  	[bflag:$0x3] =	sbarrier.arrive $0xFFFF  }
0x130: {  	_ =	shalt  }

</sc_bundles>
